<compile_context>
chip_gen: v7x
topology: tpu7x:2x2x1
jax: 0.10.2.dev20260603
libtpu: 0.0.44.dev20260713+nightly
codegen_flags: <defaults>
</compile_context>

<pallas_src>
import functools

import jax
import jax.numpy as jnp
from jax import lax
from jax.experimental import pallas as pl
from jax.experimental.pallas import tpu as pltpu
from jax.experimental.pallas import tpu_sc as plsc

NC, NS, L = 2, 16, 16
NW = NC * NS
B, T = 16384, 200
OUT_D = 15
BW = B // NW
HB = 256
TR = 8
NT = T // TR

MB, DB, SB, TB = 0, 48, 69, 369
TAB_PAD = 416

_mesh = plsc.VectorSubcoreMesh(core_axis_name="c", subcore_axis_name="s")

_IDX_BUF = pltpu.VMEM((TR, HB), jnp.int32)
_OUT_BUF = pltpu.VMEM((OUT_D, TR, HB), jnp.float32)


@functools.partial(
    pl.kernel,
    out_type=jax.ShapeDtypeStruct((OUT_D, T, B), jnp.float32),
    mesh=_mesh,
    compiler_params=pltpu.CompilerParams(needs_layout_passes=False),
    scratch_types=[
        pltpu.VMEM((TAB_PAD,), jnp.float32),
        _IDX_BUF, _IDX_BUF, _IDX_BUF, _IDX_BUF,
        _IDX_BUF, _IDX_BUF, _IDX_BUF, _IDX_BUF,
        _OUT_BUF, _OUT_BUF,
        pltpu.SemaphoreType.DMA, pltpu.SemaphoreType.DMA,
        pltpu.SemaphoreType.DMA, pltpu.SemaphoreType.DMA,
    ],
)
def _emb_lookup(mi, di, si, ti, tab, out_hbm, tab_v,
                mi_a, di_a, si_a, ti_a, mi_b, di_b, si_b, ti_b,
                out_a, out_b, isem_a, isem_b, osem_a, osem_b):
    wid = lax.axis_index("s") * NC + lax.axis_index("c")
    b0 = wid * BW
    pltpu.sync_copy(tab, tab_v)
    lanes = lax.iota(jnp.int32, L)
    tm_v = [plsc.load_gather(tab_v, [lanes * 4 + (MB + j)]) for j in range(4)]
    td_v = [plsc.load_gather(tab_v, [lanes * 3 + (DB + j)]) for j in range(3)]
    tt_v = [plsc.load_gather(tab_v, [lanes * 2 + (TB + j)]) for j in range(2)]

    def vperm(tbl, idx):
        return jax.lax.gather(
            tbl, idx[:, None],
            jax.lax.GatherDimensionNumbers(
                offset_dims=(), collapsed_slice_dims=(0,),
                start_index_map=(0,)),
            slice_sizes=(1,),
            mode=jax.lax.GatherScatterMode.PROMISE_IN_BOUNDS)

    bufs = ((mi_a, di_a, si_a, ti_a, out_a, isem_a, osem_a),
            (mi_b, di_b, si_b, ti_b, out_b, isem_b, osem_b))

    def in_slices(tt, h):
        r0 = tt * TR
        bh = b0 + h * HB
        return [src.at[pl.ds(r0, TR), pl.ds(bh, HB)]
                for src in (mi, di, si, ti)]

    def start_in(tt, h):
        bm, bd, bs, bt, _, isem, _ = bufs[h]
        for src, dst in zip(in_slices(tt, h), (bm, bd, bs, bt)):
            pltpu.async_copy(src, dst, isem)

    def wait_in(tt, h):
        bm, bd, bs, bt, _, isem, _ = bufs[h]
        for src, dst in zip(in_slices(tt, h), (bm, bd, bs, bt)):
            pltpu.make_async_copy(src, dst, isem).wait()

    def out_slice(tt, h):
        return out_hbm.at[:, pl.ds(tt * TR, TR), pl.ds(b0 + h * HB, HB)]

    def start_out(tt, h):
        ov, osem = bufs[h][4], bufs[h][6]
        pltpu.async_copy(ov, out_slice(tt, h), osem)

    def wait_out(tt, h):
        ov, osem = bufs[h][4], bufs[h][6]
        pltpu.make_async_copy(ov, out_slice(tt, h), osem).wait()

    def compute(h):
        bm, bd, bs, bt, ov = bufs[h][:5]

        @plsc.parallel_loop(0, HB, step=L, unroll=1)
        def group(g):
            for r in range(TR):
                m = bm[r, pl.ds(g, L)]
                d = bd[r, pl.ds(g, L)]
                s = bs[r, pl.ds(g, L)]
                t = bt[r, pl.ds(g, L)]
                vals = [vperm(tm_v[j], m) for j in range(4)]
                vals += [vperm(td_v[j], d) for j in range(3)]
                vals += [plsc.load_gather(tab_v, [s * 6 + (SB + j)])
                         for j in range(6)]
                vals += [vperm(tt_v[j], t) for j in range(2)]
                for f, v in enumerate(vals):
                    ov[f, r, pl.ds(g, L)] = v

    start_in(0, 0)

    def t_step(tt, carry):
        start_in(tt, 1)
        wait_in(tt, 0)

        @pl.when(tt > 0)
        def _():
            wait_out(tt, 0)

        compute(0)
        start_out(tt, 0)

        @pl.when(tt + 1 < NT)
        def _():
            start_in(tt + 1, 0)

        wait_in(tt, 1)

        @pl.when(tt > 0)
        def _():
            wait_out(tt, 1)

        compute(1)
        start_out(tt, 1)
        return carry

    lax.fori_loop(0, NT, t_step, 0, unroll=False)
    wait_out(NT - 1, 0)
    wait_out(NT - 1, 1)


def kernel(month_idx, day_idx, sp_idx, dtype_idx, emb_month, emb_day, emb_sp,
           emb_dtype):
    mi = month_idx.astype(jnp.int32).T
    di = day_idx.astype(jnp.int32).T
    si = sp_idx.astype(jnp.int32).T
    ti = dtype_idx.astype(jnp.int32).T
    tab = jnp.concatenate([
        emb_month.reshape(-1),
        emb_day.reshape(-1),
        emb_sp.reshape(-1),
        emb_dtype.reshape(-1),
        jnp.zeros((TAB_PAD - 373,), jnp.float32),
    ])
    out = _emb_lookup(mi, di, si, ti, tab)
    return out.transpose(2, 1, 0)

# --- scband reference (transcript-rebuilt; emitter-appended) ---
"""Pipeline reference for scband-time-feature-embedding-75496935129221 (READ-ONLY COPY).

The authoritative reference and input builder live on the scoring server;
editing this copy changes nothing except your own understanding.
"""

import jax, jax.numpy as jnp
import numpy as np

def setup_inputs(seed: int = 0) -> dict:
    key = jax.random.key(seed)
    k1, k2, k3, k4, k5, k6, k7, k8 = jax.random.split(key, 8)
    month_idx = jax.random.randint(k1, (16384, 200), 0, 12, dtype=jnp.int64 if jax.config.jax_enable_x64 else jnp.int32)
    day_idx = jax.random.randint(k2, (16384, 200), 0, 7, dtype=jnp.int32)
    sp_idx = jax.random.randint(k3, (16384, 200), 0, 50, dtype=jnp.int32)
    dtype_idx = jax.random.randint(k4, (16384, 200), 0, 2, dtype=jnp.int32)
    emb_month = jax.random.normal(k5, (12, 4), dtype=jnp.float32)
    emb_day = jax.random.normal(k6, (7, 3), dtype=jnp.float32)
    emb_sp = jax.random.normal(k7, (50, 6), dtype=jnp.float32)
    emb_dtype = jax.random.normal(k8, (2, 2), dtype=jnp.float32)
    return {
        "month_idx": month_idx,
        "day_idx": day_idx,
        "sp_idx": sp_idx,
        "dtype_idx": dtype_idx,
        "emb_month": emb_month,
        "emb_day": emb_day,
        "emb_sp": emb_sp,
        "emb_dtype": emb_dtype,
    }

def reference(month_idx, day_idx, sp_idx, dtype_idx, emb_month, emb_day, emb_sp, emb_dtype):
    e1 = jnp.take(emb_month, month_idx, axis=0)
    e2 = jnp.take(emb_day, day_idx, axis=0)
    e3 = jnp.take(emb_sp, sp_idx, axis=0)
    e4 = jnp.take(emb_dtype, dtype_idx, axis=0)
    return jnp.concatenate([e1, e2, e3, e4], axis=-1)

if __name__ == "__main__":
    import jax
    _d = setup_inputs()
    print(jax.jit(kernel)(*tuple(_d.values())))

</pallas_src>

<mosaic_0001>
#map = affine_map<(d0, d1) -> (0, 0)>
#map1 = affine_map<(d0, d1) -> (0)>
#map2 = affine_map<(d0, d1) -> (0, 0, 0)>
module attributes {stable_mosaic.version = 14 : i64} {
  func.func @_emb_lookup(%arg0: i32, %arg1: i32, %arg2: memref<200x16384xi32, #tpu.memory_space<hbm>>, %arg3: memref<200x16384xi32, #tpu.memory_space<hbm>>, %arg4: memref<200x16384xi32, #tpu.memory_space<hbm>>, %arg5: memref<200x16384xi32, #tpu.memory_space<hbm>>, %arg6: memref<416xf32, #tpu.memory_space<hbm>>, %arg7: memref<15x200x16384xf32, #tpu.memory_space<hbm>>, %arg8: memref<416xf32, #tpu.memory_space<vmem>>, %arg9: memref<8x256xi32, #tpu.memory_space<vmem>>, %arg10: memref<8x256xi32, #tpu.memory_space<vmem>>, %arg11: memref<8x256xi32, #tpu.memory_space<vmem>>, %arg12: memref<8x256xi32, #tpu.memory_space<vmem>>, %arg13: memref<8x256xi32, #tpu.memory_space<vmem>>, %arg14: memref<8x256xi32, #tpu.memory_space<vmem>>, %arg15: memref<8x256xi32, #tpu.memory_space<vmem>>, %arg16: memref<8x256xi32, #tpu.memory_space<vmem>>, %arg17: memref<15x8x256xf32, #tpu.memory_space<vmem>>, %arg18: memref<15x8x256xf32, #tpu.memory_space<vmem>>, %arg19: memref<!tpu.dma_semaphore, #tpu.memory_space<semaphore_mem>>, %arg20: memref<!tpu.dma_semaphore, #tpu.memory_space<semaphore_mem>>, %arg21: memref<!tpu.dma_semaphore, #tpu.memory_space<semaphore_mem>>, %arg22: memref<!tpu.dma_semaphore, #tpu.memory_space<semaphore_mem>>) attributes {dimension_semantics = [#tpu.dimension_semantics<core_parallel>, #tpu.dimension_semantics<subcore_parallel>], iteration_bounds = array<i64: 2, 16>, scalar_prefetch = 0 : i64, scratch_operands = 15 : i64, tpu.core_type = #tpu.core_type<sc_vector_subcore>, window_params = [{transform_indices = #map}, {transform_indices = #map}, {transform_indices = #map}, {transform_indices = #map}, {transform_indices = #map1}, {transform_indices = #map2}]} {
    %mul3A = arith.constant 2 : i32
    %mul3A_0 = arith.muli %arg1, %mul3A : i32
    %add3A = arith.addi %mul3A_0, %arg0 : i32
    %mul3A_1 = arith.constant 512 : i32
    %mul3A_2 = arith.muli %add3A, %mul3A_1 : i32
    "tpu.region"() ({
      %run_scoped3A = tpu.sem_alloc : memref<!tpu.dma_semaphore, #tpu.memory_space<semaphore_mem>>
      tpu.enqueue_dma source(%arg6 : memref<416xf32, #tpu.memory_space<hbm>>) target(%arg8 : memref<416xf32, #tpu.memory_space<vmem>>) target_semaphore(%run_scoped3A : memref<!tpu.dma_semaphore, #tpu.memory_space<semaphore_mem>>)
      tpu.wait_dma2 semaphore(%run_scoped3A : memref<!tpu.dma_semaphore, #tpu.memory_space<semaphore_mem>>) src(%arg6 : memref<416xf32, #tpu.memory_space<hbm>>) dst(%arg8 : memref<416xf32, #tpu.memory_space<vmem>>)
      tpu.yield
    }) : () -> ()
    %iota3A = tpu.iota {dimensions = array<i32: 0>} : vector<16xi32>
    %mul3A_3 = arith.constant 4 : i32
    %mul3A_4 = vector.broadcast %mul3A_3 : i32 to vector<16xi32>
    %mul3A_5 = arith.muli %iota3A, %mul3A_4 : vector<16xi32>
    %add3A_6 = arith.constant 0 : i32
    %add3A_7 = vector.broadcast %add3A_6 : i32 to vector<16xi32>
    %add3A_8 = arith.addi %mul3A_5, %add3A_7 : vector<16xi32>
    %gather3A = tpu.vector_load_idx %arg8[%add3A_8] : memref<416xf32, #tpu.memory_space<vmem>>[vector<16xi32>], vector<16xf32>,
    %mul3A_9 = arith.constant 4 : i32
    %mul3A_10 = vector.broadcast %mul3A_9 : i32 to vector<16xi32>
    %mul3A_11 = arith.muli %iota3A, %mul3A_10 : vector<16xi32>
    %add3A_12 = arith.constant 1 : i32
    %add3A_13 = vector.broadcast %add3A_12 : i32 to vector<16xi32>
    %add3A_14 = arith.addi %mul3A_11, %add3A_13 : vector<16xi32>
    %gather3A_15 = tpu.vector_load_idx %arg8[%add3A_14] : memref<416xf32, #tpu.memory_space<vmem>>[vector<16xi32>], vector<16xf32>,
    %mul3A_16 = arith.constant 4 : i32
    %mul3A_17 = vector.broadcast %mul3A_16 : i32 to vector<16xi32>
    %mul3A_18 = arith.muli %iota3A, %mul3A_17 : vector<16xi32>
    %add3A_19 = arith.constant 2 : i32
    %add3A_20 = vector.broadcast %add3A_19 : i32 to vector<16xi32>
    %add3A_21 = arith.addi %mul3A_18, %add3A_20 : vector<16xi32>
    %gather3A_22 = tpu.vector_load_idx %arg8[%add3A_21] : memref<416xf32, #tpu.memory_space<vmem>>[vector<16xi32>], vector<16xf32>,
    %mul3A_23 = arith.constant 4 : i32
    %mul3A_24 = vector.broadcast %mul3A_23 : i32 to vector<16xi32>
    %mul3A_25 = arith.muli %iota3A, %mul3A_24 : vector<16xi32>
    %add3A_26 = arith.constant 3 : i32
    %add3A_27 = vector.broadcast %add3A_26 : i32 to vector<16xi32>
    %add3A_28 = arith.addi %mul3A_25, %add3A_27 : vector<16xi32>
    %gather3A_29 = tpu.vector_load_idx %arg8[%add3A_28] : memref<416xf32, #tpu.memory_space<vmem>>[vector<16xi32>], vector<16xf32>,
    %mul3A_30 = arith.constant 3 : i32
    %mul3A_31 = vector.broadcast %mul3A_30 : i32 to vector<16xi32>
    %mul3A_32 = arith.muli %iota3A, %mul3A_31 : vector<16xi32>
    %add3A_33 = arith.constant 48 : i32
    %add3A_34 = vector.broadcast %add3A_33 : i32 to vector<16xi32>
    %add3A_35 = arith.addi %mul3A_32, %add3A_34 : vector<16xi32>
    %gather3A_36 = tpu.vector_load_idx %arg8[%add3A_35] : memref<416xf32, #tpu.memory_space<vmem>>[vector<16xi32>], vector<16xf32>,
    %mul3A_37 = arith.constant 3 : i32
    %mul3A_38 = vector.broadcast %mul3A_37 : i32 to vector<16xi32>
    %mul3A_39 = arith.muli %iota3A, %mul3A_38 : vector<16xi32>
    %add3A_40 = arith.constant 49 : i32
    %add3A_41 = vector.broadcast %add3A_40 : i32 to vector<16xi32>
    %add3A_42 = arith.addi %mul3A_39, %add3A_41 : vector<16xi32>
    %gather3A_43 = tpu.vector_load_idx %arg8[%add3A_42] : memref<416xf32, #tpu.memory_space<vmem>>[vector<16xi32>], vector<16xf32>,
    %mul3A_44 = arith.constant 3 : i32
    %mul3A_45 = vector.broadcast %mul3A_44 : i32 to vector<16xi32>
    %mul3A_46 = arith.muli %iota3A, %mul3A_45 : vector<16xi32>
    %add3A_47 = arith.constant 50 : i32
    %add3A_48 = vector.broadcast %add3A_47 : i32 to vector<16xi32>
    %add3A_49 = arith.addi %mul3A_46, %add3A_48 : vector<16xi32>
    %gather3A_50 = tpu.vector_load_idx %arg8[%add3A_49] : memref<416xf32, #tpu.memory_space<vmem>>[vector<16xi32>], vector<16xf32>,
    %mul3A_51 = arith.constant 2 : i32
    %mul3A_52 = vector.broadcast %mul3A_51 : i32 to vector<16xi32>
    %mul3A_53 = arith.muli %iota3A, %mul3A_52 : vector<16xi32>
    %add3A_54 = arith.constant 369 : i32
    %add3A_55 = vector.broadcast %add3A_54 : i32 to vector<16xi32>
    %add3A_56 = arith.addi %mul3A_53, %add3A_55 : vector<16xi32>
    %gather3A_57 = tpu.vector_load_idx %arg8[%add3A_56] : memref<416xf32, #tpu.memory_space<vmem>>[vector<16xi32>], vector<16xf32>,
    %mul3A_58 = arith.constant 2 : i32
    %mul3A_59 = vector.broadcast %mul3A_58 : i32 to vector<16xi32>
    %mul3A_60 = arith.muli %iota3A, %mul3A_59 : vector<16xi32>
    %add3A_61 = arith.constant 370 : i32
    %add3A_62 = vector.broadcast %add3A_61 : i32 to vector<16xi32>
    %add3A_63 = arith.addi %mul3A_60, %add3A_62 : vector<16xi32>
    %gather3A_64 = tpu.vector_load_idx %arg8[%add3A_63] : memref<416xf32, #tpu.memory_space<vmem>>[vector<16xi32>], vector<16xf32>,
    %add3A_65 = arith.constant 0 : i32
    %add3A_66 = arith.addi %mul3A_2, %add3A_65 : i32
    %dma_start3A = arith.constant 0 : i32
    %dma_start3A_67 = tpu.memref_slice %arg2[%dma_start3A, %add3A_66] : memref<200x16384xi32, #tpu.memory_space<hbm>> -> memref<8x256xi32, #tpu.memory_space<hbm>>
    %dma_start3A_68 = arith.constant 0 : i32
    %dma_start3A_69 = tpu.memref_slice %arg2[%dma_start3A_68, %add3A_66] : memref<200x16384xi32, #tpu.memory_space<hbm>> -> memref<8x256xi32, #tpu.memory_space<hbm>>
    tpu.enqueue_dma source(%dma_start3A_69 : memref<8x256xi32, #tpu.memory_space<hbm>>) target(%arg9 : memref<8x256xi32, #tpu.memory_space<vmem>>) target_semaphore(%arg19 : memref<!tpu.dma_semaphore, #tpu.memory_space<semaphore_mem>>)
    %dma_start3A_70 = arith.constant 0 : i32
    %dma_start3A_71 = tpu.memref_slice %arg3[%dma_start3A_70, %add3A_66] : memref<200x16384xi32, #tpu.memory_space<hbm>> -> memref<8x256xi32, #tpu.memory_space<hbm>>
    %dma_start3A_72 = arith.constant 0 : i32
    %dma_start3A_73 = tpu.memref_slice %arg3[%dma_start3A_72, %add3A_66] : memref<200x16384xi32, #tpu.memory_space<hbm>> -> memref<8x256xi32, #tpu.memory_space<hbm>>
    tpu.enqueue_dma source(%dma_start3A_73 : memref<8x256xi32, #tpu.memory_space<hbm>>) target(%arg10 : memref<8x256xi32, #tpu.memory_space<vmem>>) target_semaphore(%arg19 : memref<!tpu.dma_semaphore, #tpu.memory_space<semaphore_mem>>)
    %dma_start3A_74 = arith.constant 0 : i32
    %dma_start3A_75 = tpu.memref_slice %arg4[%dma_start3A_74, %add3A_66] : memref<200x16384xi32, #tpu.memory_space<hbm>> -> memref<8x256xi32, #tpu.memory_space<hbm>>
    %dma_start3A_76 = arith.constant 0 : i32
    %dma_start3A_77 = tpu.memref_slice %arg4[%dma_start3A_76, %add3A_66] : memref<200x16384xi32, #tpu.memory_space<hbm>> -> memref<8x256xi32, #tpu.memory_space<hbm>>
    tpu.enqueue_dma source(%dma_start3A_77 : memref<8x256xi32, #tpu.memory_space<hbm>>) target(%arg11 : memref<8x256xi32, #tpu.memory_space<vmem>>) target_semaphore(%arg19 : memref<!tpu.dma_semaphore, #tpu.memory_space<semaphore_mem>>)
    %dma_start3A_78 = arith.constant 0 : i32
    %dma_start3A_79 = tpu.memref_slice %arg5[%dma_start3A_78, %add3A_66] : memref<200x16384xi32, #tpu.memory_space<hbm>> -> memref<8x256xi32, #tpu.memory_space<hbm>>
    %dma_start3A_80 = arith.constant 0 : i32
    %dma_start3A_81 = tpu.memref_slice %arg5[%dma_start3A_80, %add3A_66] : memref<200x16384xi32, #tpu.memory_space<hbm>> -> memref<8x256xi32, #tpu.memory_space<hbm>>
    tpu.enqueue_dma source(%dma_start3A_81 : memref<8x256xi32, #tpu.memory_space<hbm>>) target(%arg12 : memref<8x256xi32, #tpu.memory_space<vmem>>) target_semaphore(%arg19 : memref<!tpu.dma_semaphore, #tpu.memory_space<semaphore_mem>>)
    %scan3A = arith.constant 0 : i32
    %scan3A_82 = arith.constant 0 : i32
    %scan3A_83 = arith.constant 25 : i32
    %scan3A_84 = arith.addi %scan3A_82, %scan3A_83 : i32
    %scan3A_85 = arith.constant 1 : i32
    scf.for %scan3A_102 = %scan3A_82 to %scan3A_84 step %scan3A_85  : i32 {
      %mul3A_103 = arith.constant 8 : i32
      %mul3A_104 = arith.muli %scan3A_102, %mul3A_103 : i32
      %add3A_105 = arith.constant 256 : i32
      %add3A_106 = arith.addi %mul3A_2, %add3A_105 : i32
      %dma_start3A_107 = tpu.memref_slice %arg2[%mul3A_104, %add3A_106] : memref<200x16384xi32, #tpu.memory_space<hbm>> -> memref<8x256xi32, #tpu.memory_space<hbm>>
      %dma_start3A_108 = tpu.memref_slice %arg2[%mul3A_104, %add3A_106] : memref<200x16384xi32, #tpu.memory_space<hbm>> -> memref<8x256xi32, #tpu.memory_space<hbm>>
      tpu.enqueue_dma source(%dma_start3A_108 : memref<8x256xi32, #tpu.memory_space<hbm>>) target(%arg13 : memref<8x256xi32, #tpu.memory_space<vmem>>) target_semaphore(%arg20 : memref<!tpu.dma_semaphore, #tpu.memory_space<semaphore_mem>>)
      %dma_start3A_109 = tpu.memref_slice %arg3[%mul3A_104, %add3A_106] : memref<200x16384xi32, #tpu.memory_space<hbm>> -> memref<8x256xi32, #tpu.memory_space<hbm>>
      %dma_start3A_110 = tpu.memref_slice %arg3[%mul3A_104, %add3A_106] : memref<200x16384xi32, #tpu.memory_space<hbm>> -> memref<8x256xi32, #tpu.memory_space<hbm>>
      tpu.enqueue_dma source(%dma_start3A_110 : memref<8x256xi32, #tpu.memory_space<hbm>>) target(%arg14 : memref<8x256xi32, #tpu.memory_space<vmem>>) target_semaphore(%arg20 : memref<!tpu.dma_semaphore, #tpu.memory_space<semaphore_mem>>)
      %dma_start3A_111 = tpu.memref_slice %arg4[%mul3A_104, %add3A_106] : memref<200x16384xi32, #tpu.memory_space<hbm>> -> memref<8x256xi32, #tpu.memory_space<hbm>>
      %dma_start3A_112 = tpu.memref_slice %arg4[%mul3A_104, %add3A_106] : memref<200x16384xi32, #tpu.memory_space<hbm>> -> memref<8x256xi32, #tpu.memory_space<hbm>>
      tpu.enqueue_dma source(%dma_start3A_112 : memref<8x256xi32, #tpu.memory_space<hbm>>) target(%arg15 : memref<8x256xi32, #tpu.memory_space<vmem>>) target_semaphore(%arg20 : memref<!tpu.dma_semaphore, #tpu.memory_space<semaphore_mem>>)
      %dma_start3A_113 = tpu.memref_slice %arg5[%mul3A_104, %add3A_106] : memref<200x16384xi32, #tpu.memory_space<hbm>> -> memref<8x256xi32, #tpu.memory_space<hbm>>
      %dma_start3A_114 = tpu.memref_slice %arg5[%mul3A_104, %add3A_106] : memref<200x16384xi32, #tpu.memory_space<hbm>> -> memref<8x256xi32, #tpu.memory_space<hbm>>
      tpu.enqueue_dma source(%dma_start3A_114 : memref<8x256xi32, #tpu.memory_space<hbm>>) target(%arg16 : memref<8x256xi32, #tpu.memory_space<vmem>>) target_semaphore(%arg20 : memref<!tpu.dma_semaphore, #tpu.memory_space<semaphore_mem>>)
      %mul3A_115 = arith.constant 8 : i32
      %mul3A_116 = arith.muli %scan3A_102, %mul3A_115 : i32
      %add3A_117 = arith.constant 0 : i32
      %add3A_118 = arith.addi %mul3A_2, %add3A_117 : i32
      %dma_wait3A_119 = tpu.memref_slice %arg2[%mul3A_116, %add3A_118] : memref<200x16384xi32, #tpu.memory_space<hbm>> -> memref<8x256xi32, #tpu.memory_space<hbm>>
      %dma_wait3A_120 = tpu.memref_slice %arg2[%mul3A_116, %add3A_118] : memref<200x16384xi32, #tpu.memory_space<hbm>> -> memref<8x256xi32, #tpu.memory_space<hbm>>
      tpu.wait_dma2 semaphore(%arg19 : memref<!tpu.dma_semaphore, #tpu.memory_space<semaphore_mem>>) src(%dma_wait3A_120 : memref<8x256xi32, #tpu.memory_space<hbm>>) dst(%arg9 : memref<8x256xi32, #tpu.memory_space<vmem>>)
      %dma_wait3A_121 = tpu.memref_slice %arg3[%mul3A_116, %add3A_118] : memref<200x16384xi32, #tpu.memory_space<hbm>> -> memref<8x256xi32, #tpu.memory_space<hbm>>
      %dma_wait3A_122 = tpu.memref_slice %arg3[%mul3A_116, %add3A_118] : memref<200x16384xi32, #tpu.memory_space<hbm>> -> memref<8x256xi32, #tpu.memory_space<hbm>>
      tpu.wait_dma2 semaphore(%arg19 : memref<!tpu.dma_semaphore, #tpu.memory_space<semaphore_mem>>) src(%dma_wait3A_122 : memref<8x256xi32, #tpu.memory_space<hbm>>) dst(%arg10 : memref<8x256xi32, #tpu.memory_space<vmem>>)
      %dma_wait3A_123 = tpu.memref_slice %arg4[%mul3A_116, %add3A_118] : memref<200x16384xi32, #tpu.memory_space<hbm>> -> memref<8x256xi32, #tpu.memory_space<hbm>>
      %dma_wait3A_124 = tpu.memref_slice %arg4[%mul3A_116, %add3A_118] : memref<200x16384xi32, #tpu.memory_space<hbm>> -> memref<8x256xi32, #tpu.memory_space<hbm>>
      tpu.wait_dma2 semaphore(%arg19 : memref<!tpu.dma_semaphore, #tpu.memory_space<semaphore_mem>>) src(%dma_wait3A_124 : memref<8x256xi32, #tpu.memory_space<hbm>>) dst(%arg11 : memref<8x256xi32, #tpu.memory_space<vmem>>)
      %dma_wait3A_125 = tpu.memref_slice %arg5[%mul3A_116, %add3A_118] : memref<200x16384xi32, #tpu.memory_space<hbm>> -> memref<8x256xi32, #tpu.memory_space<hbm>>
      %dma_wait3A_126 = tpu.memref_slice %arg5[%mul3A_116, %add3A_118] : memref<200x16384xi32, #tpu.memory_space<hbm>> -> memref<8x256xi32, #tpu.memory_space<hbm>>
      tpu.wait_dma2 semaphore(%arg19 : memref<!tpu.dma_semaphore, #tpu.memory_space<semaphore_mem>>) src(%dma_wait3A_126 : memref<8x256xi32, #tpu.memory_space<hbm>>) dst(%arg12 : memref<8x256xi32, #tpu.memory_space<vmem>>)
      %gt3A = arith.constant 0 : i32
      %gt3A_127 = arith.cmpi sgt, %scan3A_102, %gt3A : i32
      %convert_element_type3A = arith.extui %gt3A_127 : i1 to i32
      %cond3A = arith.constant 0 : i32
      %cond3A_128 = arith.cmpi ne, %convert_element_type3A, %cond3A : i32
      scf.if %cond3A_128 {
        %mul3A_173 = arith.constant 8 : i32
        %mul3A_174 = arith.muli %scan3A_102, %mul3A_173 : i32
        %add3A_175 = arith.constant 0 : i32
        %add3A_176 = arith.addi %mul3A_2, %add3A_175 : i32
        %dma_wait3A_177 = arith.constant 0 : i32
        %dma_wait3A_178 = tpu.memref_slice %arg7[%dma_wait3A_177, %mul3A_174, %add3A_176] : memref<15x200x16384xf32, #tpu.memory_space<hbm>> -> memref<15x8x256xf32, #tpu.memory_space<hbm>>
        %dma_wait3A_179 = arith.constant 0 : i32
        %dma_wait3A_180 = tpu.memref_slice %arg7[%dma_wait3A_179, %mul3A_174, %add3A_176] : memref<15x200x16384xf32, #tpu.memory_space<hbm>> -> memref<15x8x256xf32, #tpu.memory_space<hbm>>
        tpu.wait_dma2 semaphore(%arg21 : memref<!tpu.dma_semaphore, #tpu.memory_space<semaphore_mem>>) src(%arg17 : memref<15x8x256xf32, #tpu.memory_space<vmem>>) dst(%dma_wait3A_180 : memref<15x8x256xf32, #tpu.memory_space<hbm>>)
      } else {
      }
      %parallel_loop3A = arith.constant 0 : i32
      %parallel_loop3A_129 = arith.constant 256 : i32
      %parallel_loop3A_130 = arith.constant 16 : i32
      scf.for %parallel_loop3A_173 = %parallel_loop3A to %parallel_loop3A_129 step %parallel_loop3A_130  : i32 {
        %parallel_loop3A_174 = arith.constant 0 : i32
        %parallel_loop3A_175 = arith.index_cast %parallel_loop3A_174 : i32 to index
        %parallel_loop3A_176 = arith.index_cast %parallel_loop3A_173 : i32 to index
        %parallel_loop3A_177 = tpu.vector_load %arg9[%parallel_loop3A_175, %parallel_loop3A_176] {strides = array<i32>} : memref<8x256xi32, #tpu.memory_space<vmem>>, vector<16xi32>,
        %parallel_loop3A_178 = arith.constant 0 : i32
        %parallel_loop3A_179 = arith.index_cast %parallel_loop3A_178 : i32 to index
        %parallel_loop3A_180 = arith.index_cast %parallel_loop3A_173 : i32 to index
        %parallel_loop3A_181 = tpu.vector_load %arg10[%parallel_loop3A_179, %parallel_loop3A_180] {strides = array<i32>} : memref<8x256xi32, #tpu.memory_space<vmem>>, vector<16xi32>,
        %parallel_loop3A_182 = arith.constant 0 : i32
        %parallel_loop3A_183 = arith.index_cast %parallel_loop3A_182 : i32 to index
        %parallel_loop3A_184 = arith.index_cast %parallel_loop3A_173 : i32 to index
        %parallel_loop3A_185 = tpu.vector_load %arg11[%parallel_loop3A_183, %parallel_loop3A_184] {strides = array<i32>} : memref<8x256xi32, #tpu.memory_space<vmem>>, vector<16xi32>,
        %parallel_loop3A_186 = arith.constant 0 : i32
        %parallel_loop3A_187 = arith.index_cast %parallel_loop3A_186 : i32 to index
        %parallel_loop3A_188 = arith.index_cast %parallel_loop3A_173 : i32 to index
        %parallel_loop3A_189 = tpu.vector_load %arg12[%parallel_loop3A_187, %parallel_loop3A_188] {strides = array<i32>} : memref<8x256xi32, #tpu.memory_space<vmem>>, vector<16xi32>,
        %parallel_loop3A_190 = vector.shape_cast %parallel_loop3A_177 : vector<16xi32> to vector<16x1xi32>
        %parallel_loop3A_191 = vector.shape_cast %parallel_loop3A_190 : vector<16x1xi32> to vector<16xi32>
        %parallel_loop3A_192 = tpu.dynamic_gather %gather3A[%parallel_loop3A_191] in [0] : vector<16xf32>, vector<16xi32> -> vector<16xf32>
        %parallel_loop3A_193 = vector.shape_cast %parallel_loop3A_177 : vector<16xi32> to vector<16x1xi32>
        %parallel_loop3A_194 = vector.shape_cast %parallel_loop3A_193 : vector<16x1xi32> to vector<16xi32>
        %parallel_loop3A_195 = tpu.dynamic_gather %gather3A_15[%parallel_loop3A_194] in [0] : vector<16xf32>, vector<16xi32> -> vector<16xf32>
        %parallel_loop3A_196 = vector.shape_cast %parallel_loop3A_177 : vector<16xi32> to vector<16x1xi32>
        %parallel_loop3A_197 = vector.shape_cast %parallel_loop3A_196 : vector<16x1xi32> to vector<16xi32>
        %parallel_loop3A_198 = tpu.dynamic_gather %gather3A_22[%parallel_loop3A_197] in [0] : vector<16xf32>, vector<16xi32> -> vector<16xf32>
        %parallel_loop3A_199 = vector.shape_cast %parallel_loop3A_177 : vector<16xi32> to vector<16x1xi32>
        %parallel_loop3A_200 = vector.shape_cast %parallel_loop3A_199 : vector<16x1xi32> to vector<16xi32>
        %parallel_loop3A_201 = tpu.dynamic_gather %gather3A_29[%parallel_loop3A_200] in [0] : vector<16xf32>, vector<16xi32> -> vector<16xf32>
        %parallel_loop3A_202 = vector.shape_cast %parallel_loop3A_181 : vector<16xi32> to vector<16x1xi32>
        %parallel_loop3A_203 = vector.shape_cast %parallel_loop3A_202 : vector<16x1xi32> to vector<16xi32>
        %parallel_loop3A_204 = tpu.dynamic_gather %gather3A_36[%parallel_loop3A_203] in [0] : vector<16xf32>, vector<16xi32> -> vector<16xf32>
        %parallel_loop3A_205 = vector.shape_cast %parallel_loop3A_181 : vector<16xi32> to vector<16x1xi32>
        %parallel_loop3A_206 = vector.shape_cast %parallel_loop3A_205 : vector<16x1xi32> to vector<16xi32>
        %parallel_loop3A_207 = tpu.dynamic_gather %gather3A_43[%parallel_loop3A_206] in [0] : vector<16xf32>, vector<16xi32> -> vector<16xf32>
        %parallel_loop3A_208 = vector.shape_cast %parallel_loop3A_181 : vector<16xi32> to vector<16x1xi32>
        %parallel_loop3A_209 = vector.shape_cast %parallel_loop3A_208 : vector<16x1xi32> to vector<16xi32>
        %parallel_loop3A_210 = tpu.dynamic_gather %gather3A_50[%parallel_loop3A_209] in [0] : vector<16xf32>, vector<16xi32> -> vector<16xf32>
        %parallel_loop3A_211 = arith.constant 6 : i32
        %parallel_loop3A_212 = vector.broadcast %parallel_loop3A_211 : i32 to vector<16xi32>
        %parallel_loop3A_213 = arith.muli %parallel_loop3A_185, %parallel_loop3A_212 : vector<16xi32>
        %parallel_loop3A_214 = arith.constant 69 : i32
        %parallel_loop3A_215 = vector.broadcast %parallel_loop3A_214 : i32 to vector<16xi32>
        %parallel_loop3A_216 = arith.addi %parallel_loop3A_213, %parallel_loop3A_215 : vector<16xi32>
        %parallel_loop3A_217 = tpu.vector_load_idx %arg8[%parallel_loop3A_216] : memref<416xf32, #tpu.memory_space<vmem>>[vector<16xi32>], vector<16xf32>,
        %parallel_loop3A_218 = arith.constant 6 : i32
        %parallel_loop3A_219 = vector.broadcast %parallel_loop3A_218 : i32 to vector<16xi32>
        %parallel_loop3A_220 = arith.muli %parallel_loop3A_185, %parallel_loop3A_219 : vector<16xi32>
        %parallel_loop3A_221 = arith.constant 70 : i32
        %parallel_loop3A_222 = vector.broadcast %parallel_loop3A_221 : i32 to vector<16xi32>
        %parallel_loop3A_223 = arith.addi %parallel_loop3A_220, %parallel_loop3A_222 : vector<16xi32>
        %parallel_loop3A_224 = tpu.vector_load_idx %arg8[%parallel_loop3A_223] : memref<416xf32, #tpu.memory_space<vmem>>[vector<16xi32>], vector<16xf32>,
        %parallel_loop3A_225 = arith.constant 6 : i32
        %parallel_loop3A_226 = vector.broadcast %parallel_loop3A_225 : i32 to vector<16xi32>
        %parallel_loop3A_227 = arith.muli %parallel_loop3A_185, %parallel_loop3A_226 : vector<16xi32>
        %parallel_loop3A_228 = arith.constant 71 : i32
        %parallel_loop3A_229 = vector.broadcast %parallel_loop3A_228 : i32 to vector<16xi32>
        %parallel_loop3A_230 = arith.addi %parallel_loop3A_227, %parallel_loop3A_229 : vector<16xi32>
        %parallel_loop3A_231 = tpu.vector_load_idx %arg8[%parallel_loop3A_230] : memref<416xf32, #tpu.memory_space<vmem>>[vector<16xi32>], vector<16xf32>,
        %parallel_loop3A_232 = arith.constant 6 : i32
        %parallel_loop3A_233 = vector.broadcast %parallel_loop3A_232 : i32 to vector<16xi32>
        %parallel_loop3A_234 = arith.muli %parallel_loop3A_185, %parallel_loop3A_233 : vector<16xi32>
        %parallel_loop3A_235 = arith.constant 72 : i32
        %parallel_loop3A_236 = vector.broadcast %parallel_loop3A_235 : i32 to vector<16xi32>
        %parallel_loop3A_237 = arith.addi %parallel_loop3A_234, %parallel_loop3A_236 : vector<16xi32>
        %parallel_loop3A_238 = tpu.vector_load_idx %arg8[%parallel_loop3A_237] : memref<416xf32, #tpu.memory_space<vmem>>[vector<16xi32>], vector<16xf32>,
        %parallel_loop3A_239 = arith.constant 6 : i32
        %parallel_loop3A_240 = vector.broadcast %parallel_loop3A_239 : i32 to vector<16xi32>
        %parallel_loop3A_241 = arith.muli %parallel_loop3A_185, %parallel_loop3A_240 : vector<16xi32>
        %parallel_loop3A_242 = arith.constant 73 : i32
        %parallel_loop3A_243 = vector.broadcast %parallel_loop3A_242 : i32 to vector<16xi32>
        %parallel_loop3A_244 = arith.addi %parallel_loop3A_241, %parallel_loop3A_243 : vector<16xi32>
        %parallel_loop3A_245 = tpu.vector_load_idx %arg8[%parallel_loop3A_244] : memref<416xf32, #tpu.memory_space<vmem>>[vector<16xi32>], vector<16xf32>,
        %parallel_loop3A_246 = arith.constant 6 : i32
        %parallel_loop3A_247 = vector.broadcast %parallel_loop3A_246 : i32 to vector<16xi32>
        %parallel_loop3A_248 = arith.muli %parallel_loop3A_185, %parallel_loop3A_247 : vector<16xi32>
        %parallel_loop3A_249 = arith.constant 74 : i32
        %parallel_loop3A_250 = vector.broadcast %parallel_loop3A_249 : i32 to vector<16xi32>
        %parallel_loop3A_251 = arith.addi %parallel_loop3A_248, %parallel_loop3A_250 : vector<16xi32>
        %parallel_loop3A_252 = tpu.vector_load_idx %arg8[%parallel_loop3A_251] : memref<416xf32, #tpu.memory_space<vmem>>[vector<16xi32>], vector<16xf32>,
        %parallel_loop3A_253 = vector.shape_cast %parallel_loop3A_189 : vector<16xi32> to vector<16x1xi32>
        %parallel_loop3A_254 = vector.shape_cast %parallel_loop3A_253 : vector<16x1xi32> to vector<16xi32>
        %parallel_loop3A_255 = tpu.dynamic_gather %gather3A_57[%parallel_loop3A_254] in [0] : vector<16xf32>, vector<16xi32> -> vector<16xf32>
        %parallel_loop3A_256 = vector.shape_cast %parallel_loop3A_189 : vector<16xi32> to vector<16x1xi32>
        %parallel_loop3A_257 = vector.shape_cast %parallel_loop3A_256 : vector<16x1xi32> to vector<16xi32>
        %parallel_loop3A_258 = tpu.dynamic_gather %gather3A_64[%parallel_loop3A_257] in [0] : vector<16xf32>, vector<16xi32> -> vector<16xf32>
        %parallel_loop3A_259 = arith.constant 0 : i32
        %parallel_loop3A_260 = arith.constant 0 : i32
        %parallel_loop3A_261 = arith.index_cast %parallel_loop3A_259 : i32 to index
        %parallel_loop3A_262 = arith.index_cast %parallel_loop3A_260 : i32 to index
        %parallel_loop3A_263 = arith.index_cast %parallel_loop3A_173 : i32 to index
        %parallel_loop3A_264 = tpu.vector_load %arg17[%parallel_loop3A_261, %parallel_loop3A_262, %parallel_loop3A_263] {strides = array<i32>} : memref<15x8x256xf32, #tpu.memory_space<vmem>>, vector<16xf32>,
        tpu.vector_store %arg17[%parallel_loop3A_261, %parallel_loop3A_262, %parallel_loop3A_263], %parallel_loop3A_192 {strides = array<i32>} : memref<15x8x256xf32, #tpu.memory_space<vmem>>, vector<16xf32>,
        %parallel_loop3A_265 = arith.constant 1 : i32
        %parallel_loop3A_266 = arith.constant 0 : i32
        %parallel_loop3A_267 = arith.index_cast %parallel_loop3A_265 : i32 to index
        %parallel_loop3A_268 = arith.index_cast %parallel_loop3A_266 : i32 to index
        %parallel_loop3A_269 = arith.index_cast %parallel_loop3A_173 : i32 to index
        %parallel_loop3A_270 = tpu.vector_load %arg17[%parallel_loop3A_267, %parallel_loop3A_268, %parallel_loop3A_269] {strides = array<i32>} : memref<15x8x256xf32, #tpu.memory_space<vmem>>, vector<16xf32>,
        tpu.vector_store %arg17[%parallel_loop3A_267, %parallel_loop3A_268, %parallel_loop3A_269], %parallel_loop3A_195 {strides = array<i32>} : memref<15x8x256xf32, #tpu.memory_space<vmem>>, vector<16xf32>,
        %parallel_loop3A_271 = arith.constant 2 : i32
        %parallel_loop3A_272 = arith.constant 0 : i32
        %parallel_loop3A_273 = arith.index_cast %parallel_loop3A_271 : i32 to index
        %parallel_loop3A_274 = arith.index_cast %parallel_loop3A_272 : i32 to index
        %parallel_loop3A_275 = arith.index_cast %parallel_loop3A_173 : i32 to index
        %parallel_loop3A_276 = tpu.vector_load %arg17[%parallel_loop3A_273, %parallel_loop3A_274, %parallel_loop3A_275] {strides = array<i32>} : memref<15x8x256xf32, #tpu.memory_space<vmem>>, vector<16xf32>,
        tpu.vector_store %arg17[%parallel_loop3A_273, %parallel_loop3A_274, %parallel_loop3A_275], %parallel_loop3A_198 {strides = array<i32>} : memref<15x8x256xf32, #tpu.memory_space<vmem>>, vector<16xf32>,
        %parallel_loop3A_277 = arith.constant 3 : i32
        %parallel_loop3A_278 = arith.constant 0 : i32
        %parallel_loop3A_279 = arith.index_cast %parallel_loop3A_277 : i32 to index
        %parallel_loop3A_280 = arith.index_cast %parallel_loop3A_278 : i32 to index
        %parallel_loop3A_281 = arith.index_cast %parallel_loop3A_173 : i32 to index
        %parallel_loop3A_282 = tpu.vector_load %arg17[%parallel_loop3A_279, %parallel_loop3A_280, %parallel_loop3A_281] {strides = array<i32>} : memref<15x8x256xf32, #tpu.memory_space<vmem>>, vector<16xf32>,
        tpu.vector_store %arg17[%parallel_loop3A_279, %parallel_loop3A_280, %parallel_loop3A_281], %parallel_loop3A_201 {strides = array<i32>} : memref<15x8x256xf32, #tpu.memory_space<vmem>>, vector<16xf32>,
        %parallel_loop3A_283 = arith.constant 4 : i32
        %parallel_loop3A_284 = arith.constant 0 : i32
        %parallel_loop3A_285 = arith.index_cast %parallel_loop3A_283 : i32 to index
        %parallel_loop3A_286 = arith.index_cast %parallel_loop3A_284 : i32 to index
        %parallel_loop3A_287 = arith.index_cast %parallel_loop3A_173 : i32 to index
        %parallel_loop3A_288 = tpu.vector_load %arg17[%parallel_loop3A_285, %parallel_loop3A_286, %parallel_loop3A_287] {strides = array<i32>} : memref<15x8x256xf32, #tpu.memory_space<vmem>>, vector<16xf32>,
        tpu.vector_store %arg17[%parallel_loop3A_285, %parallel_loop3A_286, %parallel_loop3A_287], %parallel_loop3A_204 {strides = array<i32>} : memref<15x8x256xf32, #tpu.memory_space<vmem>>, vector<16xf32>,
        %parallel_loop3A_289 = arith.constant 5 : i32
        %parallel_loop3A_290 = arith.constant 0 : i32
        %parallel_loop3A_291 = arith.index_cast %parallel_loop3A_289 : i32 to index
        %parallel_loop3A_292 = arith.index_cast %parallel_loop3A_290 : i32 to index
        %parallel_loop3A_293 = arith.index_cast %parallel_loop3A_173 : i32 to index
        %parallel_loop3A_294 = tpu.vector_load %arg17[%parallel_loop3A_291, %parallel_loop3A_292, %parallel_loop3A_293] {strides = array<i32>} : memref<15x8x256xf32, #tpu.memory_space<vmem>>, vector<16xf32>,
        tpu.vector_store %arg17[%parallel_loop3A_291, %parallel_loop3A_292, %parallel_loop3A_293], %parallel_loop3A_207 {strides = array<i32>} : memref<15x8x256xf32, #tpu.memory_space<vmem>>, vector<16xf32>,
        %parallel_loop3A_295 = arith.constant 6 : i32
        %parallel_loop3A_296 = arith.constant 0 : i32
        %parallel_loop3A_297 = arith.index_cast %parallel_loop3A_295 : i32 to index
        %parallel_loop3A_298 = arith.index_cast %parallel_loop3A_296 : i32 to index
        %parallel_loop3A_299 = arith.index_cast %parallel_loop3A_173 : i32 to index
        %parallel_loop3A_300 = tpu.vector_load %arg17[%parallel_loop3A_297, %parallel_loop3A_298, %parallel_loop3A_299] {strides = array<i32>} : memref<15x8x256xf32, #tpu.memory_space<vmem>>, vector<16xf32>,
        tpu.vector_store %arg17[%parallel_loop3A_297, %parallel_loop3A_298, %parallel_loop3A_299], %parallel_loop3A_210 {strides = array<i32>} : memref<15x8x256xf32, #tpu.memory_space<vmem>>, vector<16xf32>,
        %parallel_loop3A_301 = arith.constant 7 : i32
        %parallel_loop3A_302 = arith.constant 0 : i32
        %parallel_loop3A_303 = arith.index_cast %parallel_loop3A_301 : i32 to index
        %parallel_loop3A_304 = arith.index_cast %parallel_loop3A_302 : i32 to index
        %parallel_loop3A_305 = arith.index_cast %parallel_loop3A_173 : i32 to index
        %parallel_loop3A_306 = tpu.vector_load %arg17[%parallel_loop3A_303, %parallel_loop3A_304, %parallel_loop3A_305] {strides = array<i32>} : memref<15x8x256xf32, #tpu.memory_space<vmem>>, vector<16xf32>,
        tpu.vector_store %arg17[%parallel_loop3A_303, %parallel_loop3A_304, %parallel_loop3A_305], %parallel_loop3A_217 {strides = array<i32>} : memref<15x8x256xf32, #tpu.memory_space<vmem>>, vector<16xf32>,
        %parallel_loop3A_307 = arith.constant 8 : i32
        %parallel_loop3A_308 = arith.constant 0 : i32
        %parallel_loop3A_309 = arith.index_cast %parallel_loop3A_307 : i32 to index
        %parallel_loop3A_310 = arith.index_cast %parallel_loop3A_308 : i32 to index
        %parallel_loop3A_311 = arith.index_cast %parallel_loop3A_173 : i32 to index
        %parallel_loop3A_312 = tpu.vector_load %arg17[%parallel_loop3A_309, %parallel_loop3A_310, %parallel_loop3A_311] {strides = array<i32>} : memref<15x8x256xf32, #tpu.memory_space<vmem>>, vector<16xf32>,
        tpu.vector_store %arg17[%parallel_loop3A_309, %parallel_loop3A_310, %parallel_loop3A_311], %parallel_loop3A_224 {strides = array<i32>} : memref<15x8x256xf32, #tpu.memory_space<vmem>>, vector<16xf32>,
        %parallel_loop3A_313 = arith.constant 9 : i32
        %parallel_loop3A_314 = arith.constant 0 : i32
        %parallel_loop3A_315 = arith.index_cast %parallel_loop3A_313 : i32 to index
        %parallel_loop3A_316 = arith.index_cast %parallel_loop3A_314 : i32 to index
        %parallel_loop3A_317 = arith.index_cast %parallel_loop3A_173 : i32 to index
        %parallel_loop3A_318 = tpu.vector_load %arg17[%parallel_loop3A_315, %parallel_loop3A_316, %parallel_loop3A_317] {strides = array<i32>} : memref<15x8x256xf32, #tpu.memory_space<vmem>>, vector<16xf32>,
        tpu.vector_store %arg17[%parallel_loop3A_315, %parallel_loop3A_316, %parallel_loop3A_317], %parallel_loop3A_231 {strides = array<i32>} : memref<15x8x256xf32, #tpu.memory_space<vmem>>, vector<16xf32>,
        %parallel_loop3A_319 = arith.constant 10 : i32
        %parallel_loop3A_320 = arith.constant 0 : i32
        %parallel_loop3A_321 = arith.index_cast %parallel_loop3A_319 : i32 to index
        %parallel_loop3A_322 = arith.index_cast %parallel_loop3A_320 : i32 to index
        %parallel_loop3A_323 = arith.index_cast %parallel_loop3A_173 : i32 to index
        %parallel_loop3A_324 = tpu.vector_load %arg17[%parallel_loop3A_321, %parallel_loop3A_322, %parallel_loop3A_323] {strides = array<i32>} : memref<15x8x256xf32, #tpu.memory_space<vmem>>, vector<16xf32>,
        tpu.vector_store %arg17[%parallel_loop3A_321, %parallel_loop3A_322, %parallel_loop3A_323], %parallel_loop3A_238 {strides = array<i32>} : memref<15x8x256xf32, #tpu.memory_space<vmem>>, vector<16xf32>,
        %parallel_loop3A_325 = arith.constant 11 : i32
        %parallel_loop3A_326 = arith.constant 0 : i32
        %parallel_loop3A_327 = arith.index_cast %parallel_loop3A_325 : i32 to index
        %parallel_loop3A_328 = arith.index_cast %parallel_loop3A_326 : i32 to index
        %parallel_loop3A_329 = arith.index_cast %parallel_loop3A_173 : i32 to index
        %parallel_loop3A_330 = tpu.vector_load %arg17[%parallel_loop3A_327, %parallel_loop3A_328, %parallel_loop3A_329] {strides = array<i32>} : memref<15x8x256xf32, #tpu.memory_space<vmem>>, vector<16xf32>,
        tpu.vector_store %arg17[%parallel_loop3A_327, %parallel_loop3A_328, %parallel_loop3A_329], %parallel_loop3A_245 {strides = array<i32>} : memref<15x8x256xf32, #tpu.memory_space<vmem>>, vector<16xf32>,
        %parallel_loop3A_331 = arith.constant 12 : i32
        %parallel_loop3A_332 = arith.constant 0 : i32
        %parallel_loop3A_333 = arith.index_cast %parallel_loop3A_331 : i32 to index
        %parallel_loop3A_334 = arith.index_cast %parallel_loop3A_332 : i32 to index
        %parallel_loop3A_335 = arith.index_cast %parallel_loop3A_173 : i32 to index
        %parallel_loop3A_336 = tpu.vector_load %arg17[%parallel_loop3A_333, %parallel_loop3A_334, %parallel_loop3A_335] {strides = array<i32>} : memref<15x8x256xf32, #tpu.memory_space<vmem>>, vector<16xf32>,
        tpu.vector_store %arg17[%parallel_loop3A_333, %parallel_loop3A_334, %parallel_loop3A_335], %parallel_loop3A_252 {strides = array<i32>} : memref<15x8x256xf32, #tpu.memory_space<vmem>>, vector<16xf32>,
        %parallel_loop3A_337 = arith.constant 13 : i32
        %parallel_loop3A_338 = arith.constant 0 : i32
        %parallel_loop3A_339 = arith.index_cast %parallel_loop3A_337 : i32 to index
        %parallel_loop3A_340 = arith.index_cast %parallel_loop3A_338 : i32 to index
        %parallel_loop3A_341 = arith.index_cast %parallel_loop3A_173 : i32 to index
        %parallel_loop3A_342 = tpu.vector_load %arg17[%parallel_loop3A_339, %parallel_loop3A_340, %parallel_loop3A_341] {strides = array<i32>} : memref<15x8x256xf32, #tpu.memory_space<vmem>>, vector<16xf32>,
        tpu.vector_store %arg17[%parallel_loop3A_339, %parallel_loop3A_340, %parallel_loop3A_341], %parallel_loop3A_255 {strides = array<i32>} : memref<15x8x256xf32, #tpu.memory_space<vmem>>, vector<16xf32>,
        %parallel_loop3A_343 = arith.constant 14 : i32
        %parallel_loop3A_344 = arith.constant 0 : i32
        %parallel_loop3A_345 = arith.index_cast %parallel_loop3A_343 : i32 to index
        %parallel_loop3A_346 = arith.index_cast %parallel_loop3A_344 : i32 to index
        %parallel_loop3A_347 = arith.index_cast %parallel_loop3A_173 : i32 to index
        %parallel_loop3A_348 = tpu.vector_load %arg17[%parallel_loop3A_345, %parallel_loop3A_346, %parallel_loop3A_347] {strides = array<i32>} : memref<15x8x256xf32, #tpu.memory_space<vmem>>, vector<16xf32>,
        tpu.vector_store %arg17[%parallel_loop3A_345, %parallel_loop3A_346, %parallel_loop3A_347], %parallel_loop3A_258 {strides = array<i32>} : memref<15x8x256xf32, #tpu.memory_space<vmem>>, vector<16xf32>,
        %parallel_loop3A_349 = arith.constant 1 : i32
        %parallel_loop3A_350 = arith.index_cast %parallel_loop3A_349 : i32 to index
        %parallel_loop3A_351 = arith.index_cast %parallel_loop3A_173 : i32 to index
        %parallel_loop3A_352 = tpu.vector_load %arg9[%parallel_loop3A_350, %parallel_loop3A_351] {strides = array<i32>} : memref<8x256xi32, #tpu.memory_space<vmem>>, vector<16xi32>,
        %parallel_loop3A_353 = arith.constant 1 : i32
        %parallel_loop3A_354 = arith.index_cast %parallel_loop3A_353 : i32 to index
        %parallel_loop3A_355 = arith.index_cast %parallel_loop3A_173 : i32 to index
        %parallel_loop3A_356 = tpu.vector_load %arg10[%parallel_loop3A_354, %parallel_loop3A_355] {strides = array<i32>} : memref<8x256xi32, #tpu.memory_space<vmem>>, vector<16xi32>,
        %parallel_loop3A_357 = arith.constant 1 : i32
        %parallel_loop3A_358 = arith.index_cast %parallel_loop3A_357 : i32 to index
        %parallel_loop3A_359 = arith.index_cast %parallel_loop3A_173 : i32 to index
        %parallel_loop3A_360 = tpu.vector_load %arg11[%parallel_loop3A_358, %parallel_loop3A_359] {strides = array<i32>} : memref<8x256xi32, #tpu.memory_space<vmem>>, vector<16xi32>,
        %parallel_loop3A_361 = arith.constant 1 : i32
        %parallel_loop3A_362 = arith.index_cast %parallel_loop3A_361 : i32 to index
        %parallel_loop3A_363 = arith.index_cast %parallel_loop3A_173 : i32 to index
        %parallel_loop3A_364 = tpu.vector_load %arg12[%parallel_loop3A_362, %parallel_loop3A_363] {strides = array<i32>} : memref<8x256xi32, #tpu.memory_space<vmem>>, vector<16xi32>,
        %parallel_loop3A_365 = vector.shape_cast %parallel_loop3A_352 : vector<16xi32> to vector<16x1xi32>
        %parallel_loop3A_366 = vector.shape_cast %parallel_loop3A_365 : vector<16x1xi32> to vector<16xi32>
        %parallel_loop3A_367 = tpu.dynamic_gather %gather3A[%parallel_loop3A_366] in [0] : vector<16xf32>, vector<16xi32> -> vector<16xf32>
        %parallel_loop3A_368 = vector.shape_cast %parallel_loop3A_352 : vector<16xi32> to vector<16x1xi32>
        %parallel_loop3A_369 = vector.shape_cast %parallel_loop3A_368 : vector<16x1xi32> to vector<16xi32>
        %parallel_loop3A_370 = tpu.dynamic_gather %gather3A_15[%parallel_loop3A_369] in [0] : vector<16xf32>, vector<16xi32> -> vector<16xf32>
        %parallel_loop3A_371 = vector.shape_cast %parallel_loop3A_352 : vector<16xi32> to vector<16x1xi32>
        %parallel_loop3A_372 = vector.shape_cast %parallel_loop3A_371 : vector<16x1xi32> to vector<16xi32>
        %parallel_loop3A_373 = tpu.dynamic_gather %gather3A_22[%parallel_loop3A_372] in [0] : vector<16xf32>, vector<16xi32> -> vector<16xf32>
        %parallel_loop3A_374 = vector.shape_cast %parallel_loop3A_352 : vector<16xi32> to vector<16x1xi32>
        %parallel_loop3A_375 = vector.shape_cast %parallel_loop3A_374 : vector<16x1xi32> to vector<16xi32>
        %parallel_loop3A_376 = tpu.dynamic_gather %gather3A_29[%parallel_loop3A_375] in [0] : vector<16xf32>, vector<16xi32> -> vector<16xf32>
        %parallel_loop3A_377 = vector.shape_cast %parallel_loop3A_356 : vector<16xi32> to vector<16x1xi32>
        %parallel_loop3A_378 = vector.shape_cast %parallel_loop3A_377 : vector<16x1xi32> to vector<16xi32>
        %parallel_loop3A_379 = tpu.dynamic_gather %gather3A_36[%parallel_loop3A_378] in [0] : vector<16xf32>, vector<16xi32> -> vector<16xf32>
        %parallel_loop3A_380 = vector.shape_cast %parallel_loop3A_356 : vector<16xi32> to vector<16x1xi32>
        %parallel_loop3A_381 = vector.shape_cast %parallel_loop3A_380 : vector<16x1xi32> to vector<16xi32>
        %parallel_loop3A_382 = tpu.dynamic_gather %gather3A_43[%parallel_loop3A_381] in [0] : vector<16xf32>, vector<16xi32> -> vector<16xf32>
        %parallel_loop3A_383 = vector.shape_cast %parallel_loop3A_356 : vector<16xi32> to vector<16x1xi32>
        %parallel_loop3A_384 = vector.shape_cast %parallel_loop3A_383 : vector<16x1xi32> to vector<16xi32>
        %parallel_loop3A_385 = tpu.dynamic_gather %gather3A_50[%parallel_loop3A_384] in [0] : vector<16xf32>, vector<16xi32> -> vector<16xf32>
        %parallel_loop3A_386 = arith.constant 6 : i32
        %parallel_loop3A_387 = vector.broadcast %parallel_loop3A_386 : i32 to vector<16xi32>
        %parallel_loop3A_388 = arith.muli %parallel_loop3A_360, %parallel_loop3A_387 : vector<16xi32>
        %parallel_loop3A_389 = arith.constant 69 : i32
        %parallel_loop3A_390 = vector.broadcast %parallel_loop3A_389 : i32 to vector<16xi32>
        %parallel_loop3A_391 = arith.addi %parallel_loop3A_388, %parallel_loop3A_390 : vector<16xi32>
        %parallel_loop3A_392 = tpu.vector_load_idx %arg8[%parallel_loop3A_391] : memref<416xf32, #tpu.memory_space<vmem>>[vector<16xi32>], vector<16xf32>,
        %parallel_loop3A_393 = arith.constant 6 : i32
        %parallel_loop3A_394 = vector.broadcast %parallel_loop3A_393 : i32 to vector<16xi32>
        %parallel_loop3A_395 = arith.muli %parallel_loop3A_360, %parallel_loop3A_394 : vector<16xi32>
        %parallel_loop3A_396 = arith.constant 70 : i32
        %parallel_loop3A_397 = vector.broadcast %parallel_loop3A_396 : i32 to vector<16xi32>
        %parallel_loop3A_398 = arith.addi %parallel_loop3A_395, %parallel_loop3A_397 : vector<16xi32>
        %parallel_loop3A_399 = tpu.vector_load_idx %arg8[%parallel_loop3A_398] : memref<416xf32, #tpu.memory_space<vmem>>[vector<16xi32>], vector<16xf32>,
        %parallel_loop3A_400 = arith.constant 6 : i32
        %parallel_loop3A_401 = vector.broadcast %parallel_loop3A_400 : i32 to vector<16xi32>
        %parallel_loop3A_402 = arith.muli %parallel_loop3A_360, %parallel_loop3A_401 : vector<16xi32>
        %parallel_loop3A_403 = arith.constant 71 : i32
        %parallel_loop3A_404 = vector.broadcast %parallel_loop3A_403 : i32 to vector<16xi32>
        %parallel_loop3A_405 = arith.addi %parallel_loop3A_402, %parallel_loop3A_404 : vector<16xi32>
        %parallel_loop3A_406 = tpu.vector_load_idx %arg8[%parallel_loop3A_405] : memref<416xf32, #tpu.memory_space<vmem>>[vector<16xi32>], vector<16xf32>,
        %parallel_loop3A_407 = arith.constant 6 : i32
        %parallel_loop3A_408 = vector.broadcast %parallel_loop3A_407 : i32 to vector<16xi32>
        %parallel_loop3A_409 = arith.muli %parallel_loop3A_360, %parallel_loop3A_408 : vector<16xi32>
        %parallel_loop3A_410 = arith.constant 72 : i32
        %parallel_loop3A_411 = vector.broadcast %parallel_loop3A_410 : i32 to vector<16xi32>
        %parallel_loop3A_412 = arith.addi %parallel_loop3A_409, %parallel_loop3A_411 : vector<16xi32>
        %parallel_loop3A_413 = tpu.vector_load_idx %arg8[%parallel_loop3A_412] : memref<416xf32, #tpu.memory_space<vmem>>[vector<16xi32>], vector<16xf32>,
        %parallel_loop3A_414 = arith.constant 6 : i32
        %parallel_loop3A_415 = vector.broadcast %parallel_loop3A_414 : i32 to vector<16xi32>
        %parallel_loop3A_416 = arith.muli %parallel_loop3A_360, %parallel_loop3A_415 : vector<16xi32>
        %parallel_loop3A_417 = arith.constant 73 : i32
        %parallel_loop3A_418 = vector.broadcast %parallel_loop3A_417 : i32 to vector<16xi32>
        %parallel_loop3A_419 = arith.addi %parallel_loop3A_416, %parallel_loop3A_418 : vector<16xi32>
        %parallel_loop3A_420 = tpu.vector_load_idx %arg8[%parallel_loop3A_419] : memref<416xf32, #tpu.memory_space<vmem>>[vector<16xi32>], vector<16xf32>,
        %parallel_loop3A_421 = arith.constant 6 : i32
        %parallel_loop3A_422 = vector.broadcast %parallel_loop3A_421 : i32 to vector<16xi32>
        %parallel_loop3A_423 = arith.muli %parallel_loop3A_360, %parallel_loop3A_422 : vector<16xi32>
        %parallel_loop3A_424 = arith.constant 74 : i32
        %parallel_loop3A_425 = vector.broadcast %parallel_loop3A_424 : i32 to vector<16xi32>
        %parallel_loop3A_426 = arith.addi %parallel_loop3A_423, %parallel_loop3A_425 : vector<16xi32>
        %parallel_loop3A_427 = tpu.vector_load_idx %arg8[%parallel_loop3A_426] : memref<416xf32, #tpu.memory_space<vmem>>[vector<16xi32>], vector<16xf32>,
        %parallel_loop3A_428 = vector.shape_cast %parallel_loop3A_364 : vector<16xi32> to vector<16x1xi32>
        %parallel_loop3A_429 = vector.shape_cast %parallel_loop3A_428 : vector<16x1xi32> to vector<16xi32>
        %parallel_loop3A_430 = tpu.dynamic_gather %gather3A_57[%parallel_loop3A_429] in [0] : vector<16xf32>, vector<16xi32> -> vector<16xf32>
        %parallel_loop3A_431 = vector.shape_cast %parallel_loop3A_364 : vector<16xi32> to vector<16x1xi32>
        %parallel_loop3A_432 = vector.shape_cast %parallel_loop3A_431 : vector<16x1xi32> to vector<16xi32>
        %parallel_loop3A_433 = tpu.dynamic_gather %gather3A_64[%parallel_loop3A_432] in [0] : vector<16xf32>, vector<16xi32> -> vector<16xf32>
        %parallel_loop3A_434 = arith.constant 0 : i32
        %parallel_loop3A_435 = arith.constant 1 : i32
        %parallel_loop3A_436 = arith.index_cast %parallel_loop3A_434 : i32 to index
        %parallel_loop3A_437 = arith.index_cast %parallel_loop3A_435 : i32 to index
        %parallel_loop3A_438 = arith.index_cast %parallel_loop3A_173 : i32 to index
        %parallel_loop3A_439 = tpu.vector_load %arg17[%parallel_loop3A_436, %parallel_loop3A_437, %parallel_loop3A_438] {strides = array<i32>} : memref<15x8x256xf32, #tpu.memory_space<vmem>>, vector<16xf32>,
        tpu.vector_store %arg17[%parallel_loop3A_436, %parallel_loop3A_437, %parallel_loop3A_438], %parallel_loop3A_367 {strides = array<i32>} : memref<15x8x256xf32, #tpu.memory_space<vmem>>, vector<16xf32>,
        %parallel_loop3A_440 = arith.constant 1 : i32
        %parallel_loop3A_441 = arith.constant 1 : i32
        %parallel_loop3A_442 = arith.index_cast %parallel_loop3A_440 : i32 to index
        %parallel_loop3A_443 = arith.index_cast %parallel_loop3A_441 : i32 to index
        %parallel_loop3A_444 = arith.index_cast %parallel_loop3A_173 : i32 to index
        %parallel_loop3A_445 = tpu.vector_load %arg17[%parallel_loop3A_442, %parallel_loop3A_443, %parallel_loop3A_444] {strides = array<i32>} : memref<15x8x256xf32, #tpu.memory_space<vmem>>, vector<16xf32>,
        tpu.vector_store %arg17[%parallel_loop3A_442, %parallel_loop3A_443, %parallel_loop3A_444], %parallel_loop3A_370 {strides = array<i32>} : memref<15x8x256xf32, #tpu.memory_space<vmem>>, vector<16xf32>,
        %parallel_loop3A_446 = arith.constant 2 : i32
        %parallel_loop3A_447 = arith.constant 1 : i32
        %parallel_loop3A_448 = arith.index_cast %parallel_loop3A_446 : i32 to index
        %parallel_loop3A_449 = arith.index_cast %parallel_loop3A_447 : i32 to index
        %parallel_loop3A_450 = arith.index_cast %parallel_loop3A_173 : i32 to index
        %parallel_loop3A_451 = tpu.vector_load %arg17[%parallel_loop3A_448, %parallel_loop3A_449, %parallel_loop3A_450] {strides = array<i32>} : memref<15x8x256xf32, #tpu.memory_space<vmem>>, vector<16xf32>,
        tpu.vector_store %arg17[%parallel_loop3A_448, %parallel_loop3A_449, %parallel_loop3A_450], %parallel_loop3A_373 {strides = array<i32>} : memref<15x8x256xf32, #tpu.memory_space<vmem>>, vector<16xf32>,
        %parallel_loop3A_452 = arith.constant 3 : i32
        %parallel_loop3A_453 = arith.constant 1 : i32
        %parallel_loop3A_454 = arith.index_cast %parallel_loop3A_452 : i32 to index
        %parallel_loop3A_455 = arith.index_cast %parallel_loop3A_453 : i32 to index
        %parallel_loop3A_456 = arith.index_cast %parallel_loop3A_173 : i32 to index
        %parallel_loop3A_457 = tpu.vector_load %arg17[%parallel_loop3A_454, %parallel_loop3A_455, %parallel_loop3A_456] {strides = array<i32>} : memref<15x8x256xf32, #tpu.memory_space<vmem>>, vector<16xf32>,
        tpu.vector_store %arg17[%parallel_loop3A_454, %parallel_loop3A_455, %parallel_loop3A_456], %parallel_loop3A_376 {strides = array<i32>} : memref<15x8x256xf32, #tpu.memory_space<vmem>>, vector<16xf32>,
        %parallel_loop3A_458 = arith.constant 4 : i32
        %parallel_loop3A_459 = arith.constant 1 : i32
        %parallel_loop3A_460 = arith.index_cast %parallel_loop3A_458 : i32 to index
        %parallel_loop3A_461 = arith.index_cast %parallel_loop3A_459 : i32 to index
        %parallel_loop3A_462 = arith.index_cast %parallel_loop3A_173 : i32 to index
        %parallel_loop3A_463 = tpu.vector_load %arg17[%parallel_loop3A_460, %parallel_loop3A_461, %parallel_loop3A_462] {strides = array<i32>} : memref<15x8x256xf32, #tpu.memory_space<vmem>>, vector<16xf32>,
        tpu.vector_store %arg17[%parallel_loop3A_460, %parallel_loop3A_461, %parallel_loop3A_462], %parallel_loop3A_379 {strides = array<i32>} : memref<15x8x256xf32, #tpu.memory_space<vmem>>, vector<16xf32>,
        %parallel_loop3A_464 = arith.constant 5 : i32
        %parallel_loop3A_465 = arith.constant 1 : i32
        %parallel_loop3A_466 = arith.index_cast %parallel_loop3A_464 : i32 to index
        %parallel_loop3A_467 = arith.index_cast %parallel_loop3A_465 : i32 to index
        %parallel_loop3A_468 = arith.index_cast %parallel_loop3A_173 : i32 to index
        %parallel_loop3A_469 = tpu.vector_load %arg17[%parallel_loop3A_466, %parallel_loop3A_467, %parallel_loop3A_468] {strides = array<i32>} : memref<15x8x256xf32, #tpu.memory_space<vmem>>, vector<16xf32>,
        tpu.vector_store %arg17[%parallel_loop3A_466, %parallel_loop3A_467, %parallel_loop3A_468], %parallel_loop3A_382 {strides = array<i32>} : memref<15x8x256xf32, #tpu.memory_space<vmem>>, vector<16xf32>,
        %parallel_loop3A_470 = arith.constant 6 : i32
        %parallel_loop3A_471 = arith.constant 1 : i32
        %parallel_loop3A_472 = arith.index_cast %parallel_loop3A_470 : i32 to index
        %parallel_loop3A_473 = arith.index_cast %parallel_loop3A_471 : i32 to index
        %parallel_loop3A_474 = arith.index_cast %parallel_loop3A_173 : i32 to index
        %parallel_loop3A_475 = tpu.vector_load %arg17[%parallel_loop3A_472, %parallel_loop3A_473, %parallel_loop3A_474] {strides = array<i32>} : memref<15x8x256xf32, #tpu.memory_space<vmem>>, vector<16xf32>,
        tpu.vector_store %arg17[%parallel_loop3A_472, %parallel_loop3A_473, %parallel_loop3A_474], %parallel_loop3A_385 {strides = array<i32>} : memref<15x8x256xf32, #tpu.memory_space<vmem>>, vector<16xf32>,
        %parallel_loop3A_476 = arith.constant 7 : i32
        %parallel_loop3A_477 = arith.constant 1 : i32
        %parallel_loop3A_478 = arith.index_cast %parallel_loop3A_476 : i32 to index
        %parallel_loop3A_479 = arith.index_cast %parallel_loop3A_477 : i32 to index
        %parallel_loop3A_480 = arith.index_cast %parallel_loop3A_173 : i32 to index
        %parallel_loop3A_481 = tpu.vector_load %arg17[%parallel_loop3A_478, %parallel_loop3A_479, %parallel_loop3A_480] {strides = array<i32>} : memref<15x8x256xf32, #tpu.memory_space<vmem>>, vector<16xf32>,
        tpu.vector_store %arg17[%parallel_loop3A_478, %parallel_loop3A_479, %parallel_loop3A_480], %parallel_loop3A_392 {strides = array<i32>} : memref<15x8x256xf32, #tpu.memory_space<vmem>>, vector<16xf32>,
        %parallel_loop3A_482 = arith.constant 8 : i32
        %parallel_loop3A_483 = arith.constant 1 : i32
        %parallel_loop3A_484 = arith.index_cast %parallel_loop3A_482 : i32 to index
        %parallel_loop3A_485 = arith.index_cast %parallel_loop3A_483 : i32 to index
        %parallel_loop3A_486 = arith.index_cast %parallel_loop3A_173 : i32 to index
        %parallel_loop3A_487 = tpu.vector_load %arg17[%parallel_loop3A_484, %parallel_loop3A_485, %parallel_loop3A_486] {strides = array<i32>} : memref<15x8x256xf32, #tpu.memory_space<vmem>>, vector<16xf32>,
        tpu.vector_store %arg17[%parallel_loop3A_484, %parallel_loop3A_485, %parallel_loop3A_486], %parallel_loop3A_399 {strides = array<i32>} : memref<15x8x256xf32, #tpu.memory_space<vmem>>, vector<16xf32>,
        %parallel_loop3A_488 = arith.constant 9 : i32
        %parallel_loop3A_489 = arith.constant 1 : i32
        %parallel_loop3A_490 = arith.index_cast %parallel_loop3A_488 : i32 to index
        %parallel_loop3A_491 = arith.index_cast %parallel_loop3A_489 : i32 to index
        %parallel_loop3A_492 = arith.index_cast %parallel_loop3A_173 : i32 to index
        %parallel_loop3A_493 = tpu.vector_load %arg17[%parallel_loop3A_490, %parallel_loop3A_491, %parallel_loop3A_492] {strides = array<i32>} : memref<15x8x256xf32, #tpu.memory_space<vmem>>, vector<16xf32>,
        tpu.vector_store %arg17[%parallel_loop3A_490, %parallel_loop3A_491, %parallel_loop3A_492], %parallel_loop3A_406 {strides = array<i32>} : memref<15x8x256xf32, #tpu.memory_space<vmem>>, vector<16xf32>,
        %parallel_loop3A_494 = arith.constant 10 : i32
        %parallel_loop3A_495 = arith.constant 1 : i32
        %parallel_loop3A_496 = arith.index_cast %parallel_loop3A_494 : i32 to index
        %parallel_loop3A_497 = arith.index_cast %parallel_loop3A_495 : i32 to index
        %parallel_loop3A_498 = arith.index_cast %parallel_loop3A_173 : i32 to index
        %parallel_loop3A_499 = tpu.vector_load %arg17[%parallel_loop3A_496, %parallel_loop3A_497, %parallel_loop3A_498] {strides = array<i32>} : memref<15x8x256xf32, #tpu.memory_space<vmem>>, vector<16xf32>,
        tpu.vector_store %arg17[%parallel_loop3A_496, %parallel_loop3A_497, %parallel_loop3A_498], %parallel_loop3A_413 {strides = array<i32>} : memref<15x8x256xf32, #tpu.memory_space<vmem>>, vector<16xf32>,
        %parallel_loop3A_500 = arith.constant 11 : i32
        %parallel_loop3A_501 = arith.constant 1 : i32
        %parallel_loop3A_502 = arith.index_cast %parallel_loop3A_500 : i32 to index
        %parallel_loop3A_503 = arith.index_cast %parallel_loop3A_501 : i32 to index
        %parallel_loop3A_504 = arith.index_cast %parallel_loop3A_173 : i32 to index
        %parallel_loop3A_505 = tpu.vector_load %arg17[%parallel_loop3A_502, %parallel_loop3A_503, %parallel_loop3A_504] {strides = array<i32>} : memref<15x8x256xf32, #tpu.memory_space<vmem>>, vector<16xf32>,
        tpu.vector_store %arg17[%parallel_loop3A_502, %parallel_loop3A_503, %parallel_loop3A_504], %parallel_loop3A_420 {strides = array<i32>} : memref<15x8x256xf32, #tpu.memory_space<vmem>>, vector<16xf32>,
        %parallel_loop3A_506 = arith.constant 12 : i32
        %parallel_loop3A_507 = arith.constant 1 : i32
        %parallel_loop3A_508 = arith.index_cast %parallel_loop3A_506 : i32 to index
        %parallel_loop3A_509 = arith.index_cast %parallel_loop3A_507 : i32 to index
        %parallel_loop3A_510 = arith.index_cast %parallel_loop3A_173 : i32 to index
        %parallel_loop3A_511 = tpu.vector_load %arg17[%parallel_loop3A_508, %parallel_loop3A_509, %parallel_loop3A_510] {strides = array<i32>} : memref<15x8x256xf32, #tpu.memory_space<vmem>>, vector<16xf32>,
        tpu.vector_store %arg17[%parallel_loop3A_508, %parallel_loop3A_509, %parallel_loop3A_510], %parallel_loop3A_427 {strides = array<i32>} : memref<15x8x256xf32, #tpu.memory_space<vmem>>, vector<16xf32>,
        %parallel_loop3A_512 = arith.constant 13 : i32
        %parallel_loop3A_513 = arith.constant 1 : i32
        %parallel_loop3A_514 = arith.index_cast %parallel_loop3A_512 : i32 to index
        %parallel_loop3A_515 = arith.index_cast %parallel_loop3A_513 : i32 to index
        %parallel_loop3A_516 = arith.index_cast %parallel_loop3A_173 : i32 to index
        %parallel_loop3A_517 = tpu.vector_load %arg17[%parallel_loop3A_514, %parallel_loop3A_515, %parallel_loop3A_516] {strides = array<i32>} : memref<15x8x256xf32, #tpu.memory_space<vmem>>, vector<16xf32>,
        tpu.vector_store %arg17[%parallel_loop3A_514, %parallel_loop3A_515, %parallel_loop3A_516], %parallel_loop3A_430 {strides = array<i32>} : memref<15x8x256xf32, #tpu.memory_space<vmem>>, vector<16xf32>,
        %parallel_loop3A_518 = arith.constant 14 : i32
        %parallel_loop3A_519 = arith.constant 1 : i32
        %parallel_loop3A_520 = arith.index_cast %parallel_loop3A_518 : i32 to index
        %parallel_loop3A_521 = arith.index_cast %parallel_loop3A_519 : i32 to index
        %parallel_loop3A_522 = arith.index_cast %parallel_loop3A_173 : i32 to index
        %parallel_loop3A_523 = tpu.vector_load %arg17[%parallel_loop3A_520, %parallel_loop3A_521, %parallel_loop3A_522] {strides = array<i32>} : memref<15x8x256xf32, #tpu.memory_space<vmem>>, vector<16xf32>,
        tpu.vector_store %arg17[%parallel_loop3A_520, %parallel_loop3A_521, %parallel_loop3A_522], %parallel_loop3A_433 {strides = array<i32>} : memref<15x8x256xf32, #tpu.memory_space<vmem>>, vector<16xf32>,
        %parallel_loop3A_524 = arith.constant 2 : i32
        %parallel_loop3A_525 = arith.index_cast %parallel_loop3A_524 : i32 to index
        %parallel_loop3A_526 = arith.index_cast %parallel_loop3A_173 : i32 to index
        %parallel_loop3A_527 = tpu.vector_load %arg9[%parallel_loop3A_525, %parallel_loop3A_526] {strides = array<i32>} : memref<8x256xi32, #tpu.memory_space<vmem>>, vector<16xi32>,
        %parallel_loop3A_528 = arith.constant 2 : i32
        %parallel_loop3A_529 = arith.index_cast %parallel_loop3A_528 : i32 to index
        %parallel_loop3A_530 = arith.index_cast %parallel_loop3A_173 : i32 to index
        %parallel_loop3A_531 = tpu.vector_load %arg10[%parallel_loop3A_529, %parallel_loop3A_530] {strides = array<i32>} : memref<8x256xi32, #tpu.memory_space<vmem>>, vector<16xi32>,
        %parallel_loop3A_532 = arith.constant 2 : i32
        %parallel_loop3A_533 = arith.index_cast %parallel_loop3A_532 : i32 to index
        %parallel_loop3A_534 = arith.index_cast %parallel_loop3A_173 : i32 to index
        %parallel_loop3A_535 = tpu.vector_load %arg11[%parallel_loop3A_533, %parallel_loop3A_534] {strides = array<i32>} : memref<8x256xi32, #tpu.memory_space<vmem>>, vector<16xi32>,
        %parallel_loop3A_536 = arith.constant 2 : i32
        %parallel_loop3A_537 = arith.index_cast %parallel_loop3A_536 : i32 to index
        %parallel_loop3A_538 = arith.index_cast %parallel_loop3A_173 : i32 to index
        %parallel_loop3A_539 = tpu.vector_load %arg12[%parallel_loop3A_537, %parallel_loop3A_538] {strides = array<i32>} : memref<8x256xi32, #tpu.memory_space<vmem>>, vector<16xi32>,
        %parallel_loop3A_540 = vector.shape_cast %parallel_loop3A_527 : vector<16xi32> to vector<16x1xi32>
        %parallel_loop3A_541 = vector.shape_cast %parallel_loop3A_540 : vector<16x1xi32> to vector<16xi32>
        %parallel_loop3A_542 = tpu.dynamic_gather %gather3A[%parallel_loop3A_541] in [0] : vector<16xf32>, vector<16xi32> -> vector<16xf32>
        %parallel_loop3A_543 = vector.shape_cast %parallel_loop3A_527 : vector<16xi32> to vector<16x1xi32>
        %parallel_loop3A_544 = vector.shape_cast %parallel_loop3A_543 : vector<16x1xi32> to vector<16xi32>
        %parallel_loop3A_545 = tpu.dynamic_gather %gather3A_15[%parallel_loop3A_544] in [0] : vector<16xf32>, vector<16xi32> -> vector<16xf32>
        %parallel_loop3A_546 = vector.shape_cast %parallel_loop3A_527 : vector<16xi32> to vector<16x1xi32>
        %parallel_loop3A_547 = vector.shape_cast %parallel_loop3A_546 : vector<16x1xi32> to vector<16xi32>
        %parallel_loop3A_548 = tpu.dynamic_gather %gather3A_22[%parallel_loop3A_547] in [0] : vector<16xf32>, vector<16xi32> -> vector<16xf32>
        %parallel_loop3A_549 = vector.shape_cast %parallel_loop3A_527 : vector<16xi32> to vector<16x1xi32>
        %parallel_loop3A_550 = vector.shape_cast %parallel_loop3A_549 : vector<16x1xi32> to vector<16xi32>
        %parallel_loop3A_551 = tpu.dynamic_gather %gather3A_29[%parallel_loop3A_550] in [0] : vector<16xf32>, vector<16xi32> -> vector<16xf32>
        %parallel_loop3A_552 = vector.shape_cast %parallel_loop3A_531 : vector<16xi32> to vector<16x1xi32>
        %parallel_loop3A_553 = vector.shape_cast %parallel_loop3A_552 : vector<16x1xi32> to vector<16xi32>
        %parallel_loop3A_554 = tpu.dynamic_gather %gather3A_36[%parallel_loop3A_553] in [0] : vector<16xf32>, vector<16xi32> -> vector<16xf32>
        %parallel_loop3A_555 = vector.shape_cast %parallel_loop3A_531 : vector<16xi32> to vector<16x1xi32>
        %parallel_loop3A_556 = vector.shape_cast %parallel_loop3A_555 : vector<16x1xi32> to vector<16xi32>
        %parallel_loop3A_557 = tpu.dynamic_gather %gather3A_43[%parallel_loop3A_556] in [0] : vector<16xf32>, vector<16xi32> -> vector<16xf32>
        %parallel_loop3A_558 = vector.shape_cast %parallel_loop3A_531 : vector<16xi32> to vector<16x1xi32>
        %parallel_loop3A_559 = vector.shape_cast %parallel_loop3A_558 : vector<16x1xi32> to vector<16xi32>
        %parallel_loop3A_560 = tpu.dynamic_gather %gather3A_50[%parallel_loop3A_559] in [0] : vector<16xf32>, vector<16xi32> -> vector<16xf32>
        %parallel_loop3A_561 = arith.constant 6 : i32
        %parallel_loop3A_562 = vector.broadcast %parallel_loop3A_561 : i32 to vector<16xi32>
        %parallel_loop3A_563 = arith.muli %parallel_loop3A_535, %parallel_loop3A_562 : vector<16xi32>
        %parallel_loop3A_564 = arith.constant 69 : i32
        %parallel_loop3A_565 = vector.broadcast %parallel_loop3A_564 : i32 to vector<16xi32>
        %parallel_loop3A_566 = arith.addi %parallel_loop3A_563, %parallel_loop3A_565 : vector<16xi32>
        %parallel_loop3A_567 = tpu.vector_load_idx %arg8[%parallel_loop3A_566] : memref<416xf32, #tpu.memory_space<vmem>>[vector<16xi32>], vector<16xf32>,
        %parallel_loop3A_568 = arith.constant 6 : i32
        %parallel_loop3A_569 = vector.broadcast %parallel_loop3A_568 : i32 to vector<16xi32>
        %parallel_loop3A_570 = arith.muli %parallel_loop3A_535, %parallel_loop3A_569 : vector<16xi32>
        %parallel_loop3A_571 = arith.constant 70 : i32
        %parallel_loop3A_572 = vector.broadcast %parallel_loop3A_571 : i32 to vector<16xi32>
        %parallel_loop3A_573 = arith.addi %parallel_loop3A_570, %parallel_loop3A_572 : vector<16xi32>
        %parallel_loop3A_574 = tpu.vector_load_idx %arg8[%parallel_loop3A_573] : memref<416xf32, #tpu.memory_space<vmem>>[vector<16xi32>], vector<16xf32>,
        %parallel_loop3A_575 = arith.constant 6 : i32
        %parallel_loop3A_576 = vector.broadcast %parallel_loop3A_575 : i32 to vector<16xi32>
        %parallel_loop3A_577 = arith.muli %parallel_loop3A_535, %parallel_loop3A_576 : vector<16xi32>
        %parallel_loop3A_578 = arith.constant 71 : i32
        %parallel_loop3A_579 = vector.broadcast %parallel_loop3A_578 : i32 to vector<16xi32>
        %parallel_loop3A_580 = arith.addi %parallel_loop3A_577, %parallel_loop3A_579 : vector<16xi32>
        %parallel_loop3A_581 = tpu.vector_load_idx %arg8[%parallel_loop3A_580] : memref<416xf32, #tpu.memory_space<vmem>>[vector<16xi32>], vector<16xf32>,
        %parallel_loop3A_582 = arith.constant 6 : i32
        %parallel_loop3A_583 = vector.broadcast %parallel_loop3A_582 : i32 to vector<16xi32>
        %parallel_loop3A_584 = arith.muli %parallel_loop3A_535, %parallel_loop3A_583 : vector<16xi32>
        %parallel_loop3A_585 = arith.constant 72 : i32
        %parallel_loop3A_586 = vector.broadcast %parallel_loop3A_585 : i32 to vector<16xi32>
        %parallel_loop3A_587 = arith.addi %parallel_loop3A_584, %parallel_loop3A_586 : vector<16xi32>
        %parallel_loop3A_588 = tpu.vector_load_idx %arg8[%parallel_loop3A_587] : memref<416xf32, #tpu.memory_space<vmem>>[vector<16xi32>], vector<16xf32>,
        %parallel_loop3A_589 = arith.constant 6 : i32
        %parallel_loop3A_590 = vector.broadcast %parallel_loop3A_589 : i32 to vector<16xi32>
        %parallel_loop3A_591 = arith.muli %parallel_loop3A_535, %parallel_loop3A_590 : vector<16xi32>
        %parallel_loop3A_592 = arith.constant 73 : i32
        %parallel_loop3A_593 = vector.broadcast %parallel_loop3A_592 : i32 to vector<16xi32>
        %parallel_loop3A_594 = arith.addi %parallel_loop3A_591, %parallel_loop3A_593 : vector<16xi32>
        %parallel_loop3A_595 = tpu.vector_load_idx %arg8[%parallel_loop3A_594] : memref<416xf32, #tpu.memory_space<vmem>>[vector<16xi32>], vector<16xf32>,
        %parallel_loop3A_596 = arith.constant 6 : i32
        %parallel_loop3A_597 = vector.broadcast %parallel_loop3A_596 : i32 to vector<16xi32>
        %parallel_loop3A_598 = arith.muli %parallel_loop3A_535, %parallel_loop3A_597 : vector<16xi32>
        %parallel_loop3A_599 = arith.constant 74 : i32
        %parallel_loop3A_600 = vector.broadcast %parallel_loop3A_599 : i32 to vector<16xi32>
        %parallel_loop3A_601 = arith.addi %parallel_loop3A_598, %parallel_loop3A_600 : vector<16xi32>
        %parallel_loop3A_602 = tpu.vector_load_idx %arg8[%parallel_loop3A_601] : memref<416xf32, #tpu.memory_space<vmem>>[vector<16xi32>], vector<16xf32>,
        %parallel_loop3A_603 = vector.shape_cast %parallel_loop3A_539 : vector<16xi32> to vector<16x1xi32>
        %parallel_loop3A_604 = vector.shape_cast %parallel_loop3A_603 : vector<16x1xi32> to vector<16xi32>
        %parallel_loop3A_605 = tpu.dynamic_gather %gather3A_57[%parallel_loop3A_604] in [0] : vector<16xf32>, vector<16xi32> -> vector<16xf32>
        %parallel_loop3A_606 = vector.shape_cast %parallel_loop3A_539 : vector<16xi32> to vector<16x1xi32>
        %parallel_loop3A_607 = vector.shape_cast %parallel_loop3A_606 : vector<16x1xi32> to vector<16xi32>
        %parallel_loop3A_608 = tpu.dynamic_gather %gather3A_64[%parallel_loop3A_607] in [0] : vector<16xf32>, vector<16xi32> -> vector<16xf32>
        %parallel_loop3A_609 = arith.constant 0 : i32
        %parallel_loop3A_610 = arith.constant 2 : i32
        %parallel_loop3A_611 = arith.index_cast %parallel_loop3A_609 : i32 to index
        %parallel_loop3A_612 = arith.index_cast %parallel_loop3A_610 : i32 to index
        %parallel_loop3A_613 = arith.index_cast %parallel_loop3A_173 : i32 to index
        %parallel_loop3A_614 = tpu.vector_load %arg17[%parallel_loop3A_611, %parallel_loop3A_612, %parallel_loop3A_613] {strides = array<i32>} : memref<15x8x256xf32, #tpu.memory_space<vmem>>, vector<16xf32>,
        tpu.vector_store %arg17[%parallel_loop3A_611, %parallel_loop3A_612, %parallel_loop3A_613], %parallel_loop3A_542 {strides = array<i32>} : memref<15x8x256xf32, #tpu.memory_space<vmem>>, vector<16xf32>,
        %parallel_loop3A_615 = arith.constant 1 : i32
        %parallel_loop3A_616 = arith.constant 2 : i32
        %parallel_loop3A_617 = arith.index_cast %parallel_loop3A_615 : i32 to index
        %parallel_loop3A_618 = arith.index_cast %parallel_loop3A_616 : i32 to index
        %parallel_loop3A_619 = arith.index_cast %parallel_loop3A_173 : i32 to index
        %parallel_loop3A_620 = tpu.vector_load %arg17[%parallel_loop3A_617, %parallel_loop3A_618, %parallel_loop3A_619] {strides = array<i32>} : memref<15x8x256xf32, #tpu.memory_space<vmem>>, vector<16xf32>,
        tpu.vector_store %arg17[%parallel_loop3A_617, %parallel_loop3A_618, %parallel_loop3A_619], %parallel_loop3A_545 {strides = array<i32>} : memref<15x8x256xf32, #tpu.memory_space<vmem>>, vector<16xf32>,
        %parallel_loop3A_621 = arith.constant 2 : i32
        %parallel_loop3A_622 = arith.constant 2 : i32
        %parallel_loop3A_623 = arith.index_cast %parallel_loop3A_621 : i32 to index
        %parallel_loop3A_624 = arith.index_cast %parallel_loop3A_622 : i32 to index
        %parallel_loop3A_625 = arith.index_cast %parallel_loop3A_173 : i32 to index
        %parallel_loop3A_626 = tpu.vector_load %arg17[%parallel_loop3A_623, %parallel_loop3A_624, %parallel_loop3A_625] {strides = array<i32>} : memref<15x8x256xf32, #tpu.memory_space<vmem>>, vector<16xf32>,
        tpu.vector_store %arg17[%parallel_loop3A_623, %parallel_loop3A_624, %parallel_loop3A_625], %parallel_loop3A_548 {strides = array<i32>} : memref<15x8x256xf32, #tpu.memory_space<vmem>>, vector<16xf32>,
        %parallel_loop3A_627 = arith.constant 3 : i32
        %parallel_loop3A_628 = arith.constant 2 : i32
        %parallel_loop3A_629 = arith.index_cast %parallel_loop3A_627 : i32 to index
        %parallel_loop3A_630 = arith.index_cast %parallel_loop3A_628 : i32 to index
        %parallel_loop3A_631 = arith.index_cast %parallel_loop3A_173 : i32 to index
        %parallel_loop3A_632 = tpu.vector_load %arg17[%parallel_loop3A_629, %parallel_loop3A_630, %parallel_loop3A_631] {strides = array<i32>} : memref<15x8x256xf32, #tpu.memory_space<vmem>>, vector<16xf32>,
        tpu.vector_store %arg17[%parallel_loop3A_629, %parallel_loop3A_630, %parallel_loop3A_631], %parallel_loop3A_551 {strides = array<i32>} : memref<15x8x256xf32, #tpu.memory_space<vmem>>, vector<16xf32>,
        %parallel_loop3A_633 = arith.constant 4 : i32
        %parallel_loop3A_634 = arith.constant 2 : i32
        %parallel_loop3A_635 = arith.index_cast %parallel_loop3A_633 : i32 to index
        %parallel_loop3A_636 = arith.index_cast %parallel_loop3A_634 : i32 to index
        %parallel_loop3A_637 = arith.index_cast %parallel_loop3A_173 : i32 to index
        %parallel_loop3A_638 = tpu.vector_load %arg17[%parallel_loop3A_635, %parallel_loop3A_636, %parallel_loop3A_637] {strides = array<i32>} : memref<15x8x256xf32, #tpu.memory_space<vmem>>, vector<16xf32>,
        tpu.vector_store %arg17[%parallel_loop3A_635, %parallel_loop3A_636, %parallel_loop3A_637], %parallel_loop3A_554 {strides = array<i32>} : memref<15x8x256xf32, #tpu.memory_space<vmem>>, vector<16xf32>,
        %parallel_loop3A_639 = arith.constant 5 : i32
        %parallel_loop3A_640 = arith.constant 2 : i32
        %parallel_loop3A_641 = arith.index_cast %parallel_loop3A_639 : i32 to index
        %parallel_loop3A_642 = arith.index_cast %parallel_loop3A_640 : i32 to index
        %parallel_loop3A_643 = arith.index_cast %parallel_loop3A_173 : i32 to index
        %parallel_loop3A_644 = tpu.vector_load %arg17[%parallel_loop3A_641, %parallel_loop3A_642, %parallel_loop3A_643] {strides = array<i32>} : memref<15x8x256xf32, #tpu.memory_space<vmem>>, vector<16xf32>,
        tpu.vector_store %arg17[%parallel_loop3A_641, %parallel_loop3A_642, %parallel_loop3A_643], %parallel_loop3A_557 {strides = array<i32>} : memref<15x8x256xf32, #tpu.memory_space<vmem>>, vector<16xf32>,
        %parallel_loop3A_645 = arith.constant 6 : i32
        %parallel_loop3A_646 = arith.constant 2 : i32
        %parallel_loop3A_647 = arith.index_cast %parallel_loop3A_645 : i32 to index
        %parallel_loop3A_648 = arith.index_cast %parallel_loop3A_646 : i32 to index
        %parallel_loop3A_649 = arith.index_cast %parallel_loop3A_173 : i32 to index
        %parallel_loop3A_650 = tpu.vector_load %arg17[%parallel_loop3A_647, %parallel_loop3A_648, %parallel_loop3A_649] {strides = array<i32>} : memref<15x8x256xf32, #tpu.memory_space<vmem>>, vector<16xf32>,
        tpu.vector_store %arg17[%parallel_loop3A_647, %parallel_loop3A_648, %parallel_loop3A_649], %parallel_loop3A_560 {strides = array<i32>} : memref<15x8x256xf32, #tpu.memory_space<vmem>>, vector<16xf32>,
        %parallel_loop3A_651 = arith.constant 7 : i32
        %parallel_loop3A_652 = arith.constant 2 : i32
        %parallel_loop3A_653 = arith.index_cast %parallel_loop3A_651 : i32 to index
        %parallel_loop3A_654 = arith.index_cast %parallel_loop3A_652 : i32 to index
        %parallel_loop3A_655 = arith.index_cast %parallel_loop3A_173 : i32 to index
        %parallel_loop3A_656 = tpu.vector_load %arg17[%parallel_loop3A_653, %parallel_loop3A_654, %parallel_loop3A_655] {strides = array<i32>} : memref<15x8x256xf32, #tpu.memory_space<vmem>>, vector<16xf32>,
        tpu.vector_store %arg17[%parallel_loop3A_653, %parallel_loop3A_654, %parallel_loop3A_655], %parallel_loop3A_567 {strides = array<i32>} : memref<15x8x256xf32, #tpu.memory_space<vmem>>, vector<16xf32>,
        %parallel_loop3A_657 = arith.constant 8 : i32
        %parallel_loop3A_658 = arith.constant 2 : i32
        %parallel_loop3A_659 = arith.index_cast %parallel_loop3A_657 : i32 to index
        %parallel_loop3A_660 = arith.index_cast %parallel_loop3A_658 : i32 to index
        %parallel_loop3A_661 = arith.index_cast %parallel_loop3A_173 : i32 to index
        %parallel_loop3A_662 = tpu.vector_load %arg17[%parallel_loop3A_659, %parallel_loop3A_660, %parallel_loop3A_661] {strides = array<i32>} : memref<15x8x256xf32, #tpu.memory_space<vmem>>, vector<16xf32>,
        tpu.vector_store %arg17[%parallel_loop3A_659, %parallel_loop3A_660, %parallel_loop3A_661], %parallel_loop3A_574 {strides = array<i32>} : memref<15x8x256xf32, #tpu.memory_space<vmem>>, vector<16xf32>,
        %parallel_loop3A_663 = arith.constant 9 : i32
        %parallel_loop3A_664 = arith.constant 2 : i32
        %parallel_loop3A_665 = arith.index_cast %parallel_loop3A_663 : i32 to index
        %parallel_loop3A_666 = arith.index_cast %parallel_loop3A_664 : i32 to index
        %parallel_loop3A_667 = arith.index_cast %parallel_loop3A_173 : i32 to index
        %parallel_loop3A_668 = tpu.vector_load %arg17[%parallel_loop3A_665, %parallel_loop3A_666, %parallel_loop3A_667] {strides = array<i32>} : memref<15x8x256xf32, #tpu.memory_space<vmem>>, vector<16xf32>,
        tpu.vector_store %arg17[%parallel_loop3A_665, %parallel_loop3A_666, %parallel_loop3A_667], %parallel_loop3A_581 {strides = array<i32>} : memref<15x8x256xf32, #tpu.memory_space<vmem>>, vector<16xf32>,
        %parallel_loop3A_669 = arith.constant 10 : i32
        %parallel_loop3A_670 = arith.constant 2 : i32
        %parallel_loop3A_671 = arith.index_cast %parallel_loop3A_669 : i32 to index
        %parallel_loop3A_672 = arith.index_cast %parallel_loop3A_670 : i32 to index
        %parallel_loop3A_673 = arith.index_cast %parallel_loop3A_173 : i32 to index
        %parallel_loop3A_674 = tpu.vector_load %arg17[%parallel_loop3A_671, %parallel_loop3A_672, %parallel_loop3A_673] {strides = array<i32>} : memref<15x8x256xf32, #tpu.memory_space<vmem>>, vector<16xf32>,
        tpu.vector_store %arg17[%parallel_loop3A_671, %parallel_loop3A_672, %parallel_loop3A_673], %parallel_loop3A_588 {strides = array<i32>} : memref<15x8x256xf32, #tpu.memory_space<vmem>>, vector<16xf32>,
        %parallel_loop3A_675 = arith.constant 11 : i32
        %parallel_loop3A_676 = arith.constant 2 : i32
        %parallel_loop3A_677 = arith.index_cast %parallel_loop3A_675 : i32 to index
        %parallel_loop3A_678 = arith.index_cast %parallel_loop3A_676 : i32 to index
        %parallel_loop3A_679 = arith.index_cast %parallel_loop3A_173 : i32 to index
        %parallel_loop3A_680 = tpu.vector_load %arg17[%parallel_loop3A_677, %parallel_loop3A_678, %parallel_loop3A_679] {strides = array<i32>} : memref<15x8x256xf32, #tpu.memory_space<vmem>>, vector<16xf32>,
        tpu.vector_store %arg17[%parallel_loop3A_677, %parallel_loop3A_678, %parallel_loop3A_679], %parallel_loop3A_595 {strides = array<i32>} : memref<15x8x256xf32, #tpu.memory_space<vmem>>, vector<16xf32>,
        %parallel_loop3A_681 = arith.constant 12 : i32
        %parallel_loop3A_682 = arith.constant 2 : i32
        %parallel_loop3A_683 = arith.index_cast %parallel_loop3A_681 : i32 to index
        %parallel_loop3A_684 = arith.index_cast %parallel_loop3A_682 : i32 to index
        %parallel_loop3A_685 = arith.index_cast %parallel_loop3A_173 : i32 to index
        %parallel_loop3A_686 = tpu.vector_load %arg17[%parallel_loop3A_683, %parallel_loop3A_684, %parallel_loop3A_685] {strides = array<i32>} : memref<15x8x256xf32, #tpu.memory_space<vmem>>, vector<16xf32>,
        tpu.vector_store %arg17[%parallel_loop3A_683, %parallel_loop3A_684, %parallel_loop3A_685], %parallel_loop3A_602 {strides = array<i32>} : memref<15x8x256xf32, #tpu.memory_space<vmem>>, vector<16xf32>,
        %parallel_loop3A_687 = arith.constant 13 : i32
        %parallel_loop3A_688 = arith.constant 2 : i32
        %parallel_loop3A_689 = arith.index_cast %parallel_loop3A_687 : i32 to index
        %parallel_loop3A_690 = arith.index_cast %parallel_loop3A_688 : i32 to index
        %parallel_loop3A_691 = arith.index_cast %parallel_loop3A_173 : i32 to index
        %parallel_loop3A_692 = tpu.vector_load %arg17[%parallel_loop3A_689, %parallel_loop3A_690, %parallel_loop3A_691] {strides = array<i32>} : memref<15x8x256xf32, #tpu.memory_space<vmem>>, vector<16xf32>,
        tpu.vector_store %arg17[%parallel_loop3A_689, %parallel_loop3A_690, %parallel_loop3A_691], %parallel_loop3A_605 {strides = array<i32>} : memref<15x8x256xf32, #tpu.memory_space<vmem>>, vector<16xf32>,
        %parallel_loop3A_693 = arith.constant 14 : i32
        %parallel_loop3A_694 = arith.constant 2 : i32
        %parallel_loop3A_695 = arith.index_cast %parallel_loop3A_693 : i32 to index
        %parallel_loop3A_696 = arith.index_cast %parallel_loop3A_694 : i32 to index
        %parallel_loop3A_697 = arith.index_cast %parallel_loop3A_173 : i32 to index
        %parallel_loop3A_698 = tpu.vector_load %arg17[%parallel_loop3A_695, %parallel_loop3A_696, %parallel_loop3A_697] {strides = array<i32>} : memref<15x8x256xf32, #tpu.memory_space<vmem>>, vector<16xf32>,
        tpu.vector_store %arg17[%parallel_loop3A_695, %parallel_loop3A_696, %parallel_loop3A_697], %parallel_loop3A_608 {strides = array<i32>} : memref<15x8x256xf32, #tpu.memory_space<vmem>>, vector<16xf32>,
        %parallel_loop3A_699 = arith.constant 3 : i32
        %parallel_loop3A_700 = arith.index_cast %parallel_loop3A_699 : i32 to index
        %parallel_loop3A_701 = arith.index_cast %parallel_loop3A_173 : i32 to index
        %parallel_loop3A_702 = tpu.vector_load %arg9[%parallel_loop3A_700, %parallel_loop3A_701] {strides = array<i32>} : memref<8x256xi32, #tpu.memory_space<vmem>>, vector<16xi32>,
        %parallel_loop3A_703 = arith.constant 3 : i32
        %parallel_loop3A_704 = arith.index_cast %parallel_loop3A_703 : i32 to index
        %parallel_loop3A_705 = arith.index_cast %parallel_loop3A_173 : i32 to index
        %parallel_loop3A_706 = tpu.vector_load %arg10[%parallel_loop3A_704, %parallel_loop3A_705] {strides = array<i32>} : memref<8x256xi32, #tpu.memory_space<vmem>>, vector<16xi32>,
        %parallel_loop3A_707 = arith.constant 3 : i32
        %parallel_loop3A_708 = arith.index_cast %parallel_loop3A_707 : i32 to index
        %parallel_loop3A_709 = arith.index_cast %parallel_loop3A_173 : i32 to index
        %parallel_loop3A_710 = tpu.vector_load %arg11[%parallel_loop3A_708, %parallel_loop3A_709] {strides = array<i32>} : memref<8x256xi32, #tpu.memory_space<vmem>>, vector<16xi32>,
        %parallel_loop3A_711 = arith.constant 3 : i32
        %parallel_loop3A_712 = arith.index_cast %parallel_loop3A_711 : i32 to index
        %parallel_loop3A_713 = arith.index_cast %parallel_loop3A_173 : i32 to index
        %parallel_loop3A_714 = tpu.vector_load %arg12[%parallel_loop3A_712, %parallel_loop3A_713] {strides = array<i32>} : memref<8x256xi32, #tpu.memory_space<vmem>>, vector<16xi32>,
        %parallel_loop3A_715 = vector.shape_cast %parallel_loop3A_702 : vector<16xi32> to vector<16x1xi32>
        %parallel_loop3A_716 = vector.shape_cast %parallel_loop3A_715 : vector<16x1xi32> to vector<16xi32>
        %parallel_loop3A_717 = tpu.dynamic_gather %gather3A[%parallel_loop3A_716] in [0] : vector<16xf32>, vector<16xi32> -> vector<16xf32>
        %parallel_loop3A_718 = vector.shape_cast %parallel_loop3A_702 : vector<16xi32> to vector<16x1xi32>
        %parallel_loop3A_719 = vector.shape_cast %parallel_loop3A_718 : vector<16x1xi32> to vector<16xi32>
        %parallel_loop3A_720 = tpu.dynamic_gather %gather3A_15[%parallel_loop3A_719] in [0] : vector<16xf32>, vector<16xi32> -> vector<16xf32>
        %parallel_loop3A_721 = vector.shape_cast %parallel_loop3A_702 : vector<16xi32> to vector<16x1xi32>
        %parallel_loop3A_722 = vector.shape_cast %parallel_loop3A_721 : vector<16x1xi32> to vector<16xi32>
        %parallel_loop3A_723 = tpu.dynamic_gather %gather3A_22[%parallel_loop3A_722] in [0] : vector<16xf32>, vector<16xi32> -> vector<16xf32>
        %parallel_loop3A_724 = vector.shape_cast %parallel_loop3A_702 : vector<16xi32> to vector<16x1xi32>
        %parallel_loop3A_725 = vector.shape_cast %parallel_loop3A_724 : vector<16x1xi32> to vector<16xi32>
        %parallel_loop3A_726 = tpu.dynamic_gather %gather3A_29[%parallel_loop3A_725] in [0] : vector<16xf32>, vector<16xi32> -> vector<16xf32>
        %parallel_loop3A_727 = vector.shape_cast %parallel_loop3A_706 : vector<16xi32> to vector<16x1xi32>
        %parallel_loop3A_728 = vector.shape_cast %parallel_loop3A_727 : vector<16x1xi32> to vector<16xi32>
        %parallel_loop3A_729 = tpu.dynamic_gather %gather3A_36[%parallel_loop3A_728] in [0] : vector<16xf32>, vector<16xi32> -> vector<16xf32>
        %parallel_loop3A_730 = vector.shape_cast %parallel_loop3A_706 : vector<16xi32> to vector<16x1xi32>
        %parallel_loop3A_731 = vector.shape_cast %parallel_loop3A_730 : vector<16x1xi32> to vector<16xi32>
        %parallel_loop3A_732 = tpu.dynamic_gather %gather3A_43[%parallel_loop3A_731] in [0] : vector<16xf32>, vector<16xi32> -> vector<16xf32>
        %parallel_loop3A_733 = vector.shape_cast %parallel_loop3A_706 : vector<16xi32> to vector<16x1xi32>
        %parallel_loop3A_734 = vector.shape_cast %parallel_loop3A_733 : vector<16x1xi32> to vector<16xi32>
        %parallel_loop3A_735 = tpu.dynamic_gather %gather3A_50[%parallel_loop3A_734] in [0] : vector<16xf32>, vector<16xi32> -> vector<16xf32>
        %parallel_loop3A_736 = arith.constant 6 : i32
        %parallel_loop3A_737 = vector.broadcast %parallel_loop3A_736 : i32 to vector<16xi32>
        %parallel_loop3A_738 = arith.muli %parallel_loop3A_710, %parallel_loop3A_737 : vector<16xi32>
        %parallel_loop3A_739 = arith.constant 69 : i32
        %parallel_loop3A_740 = vector.broadcast %parallel_loop3A_739 : i32 to vector<16xi32>
        %parallel_loop3A_741 = arith.addi %parallel_loop3A_738, %parallel_loop3A_740 : vector<16xi32>
        %parallel_loop3A_742 = tpu.vector_load_idx %arg8[%parallel_loop3A_741] : memref<416xf32, #tpu.memory_space<vmem>>[vector<16xi32>], vector<16xf32>,
        %parallel_loop3A_743 = arith.constant 6 : i32
        %parallel_loop3A_744 = vector.broadcast %parallel_loop3A_743 : i32 to vector<16xi32>
        %parallel_loop3A_745 = arith.muli %parallel_loop3A_710, %parallel_loop3A_744 : vector<16xi32>
        %parallel_loop3A_746 = arith.constant 70 : i32
        %parallel_loop3A_747 = vector.broadcast %parallel_loop3A_746 : i32 to vector<16xi32>
        %parallel_loop3A_748 = arith.addi %parallel_loop3A_745, %parallel_loop3A_747 : vector<16xi32>
        %parallel_loop3A_749 = tpu.vector_load_idx %arg8[%parallel_loop3A_748] : memref<416xf32, #tpu.memory_space<vmem>>[vector<16xi32>], vector<16xf32>,
        %parallel_loop3A_750 = arith.constant 6 : i32
        %parallel_loop3A_751 = vector.broadcast %parallel_loop3A_750 : i32 to vector<16xi32>
        %parallel_loop3A_752 = arith.muli %parallel_loop3A_710, %parallel_loop3A_751 : vector<16xi32>
        %parallel_loop3A_753 = arith.constant 71 : i32
        %parallel_loop3A_754 = vector.broadcast %parallel_loop3A_753 : i32 to vector<16xi32>
        %parallel_loop3A_755 = arith.addi %parallel_loop3A_752, %parallel_loop3A_754 : vector<16xi32>
        %parallel_loop3A_756 = tpu.vector_load_idx %arg8[%parallel_loop3A_755] : memref<416xf32, #tpu.memory_space<vmem>>[vector<16xi32>], vector<16xf32>,
        %parallel_loop3A_757 = arith.constant 6 : i32
        %parallel_loop3A_758 = vector.broadcast %parallel_loop3A_757 : i32 to vector<16xi32>
        %parallel_loop3A_759 = arith.muli %parallel_loop3A_710, %parallel_loop3A_758 : vector<16xi32>
        %parallel_loop3A_760 = arith.constant 72 : i32
        %parallel_loop3A_761 = vector.broadcast %parallel_loop3A_760 : i32 to vector<16xi32>
        %parallel_loop3A_762 = arith.addi %parallel_loop3A_759, %parallel_loop3A_761 : vector<16xi32>
        %parallel_loop3A_763 = tpu.vector_load_idx %arg8[%parallel_loop3A_762] : memref<416xf32, #tpu.memory_space<vmem>>[vector<16xi32>], vector<16xf32>,
        %parallel_loop3A_764 = arith.constant 6 : i32
        %parallel_loop3A_765 = vector.broadcast %parallel_loop3A_764 : i32 to vector<16xi32>
        %parallel_loop3A_766 = arith.muli %parallel_loop3A_710, %parallel_loop3A_765 : vector<16xi32>
        %parallel_loop3A_767 = arith.constant 73 : i32
        %parallel_loop3A_768 = vector.broadcast %parallel_loop3A_767 : i32 to vector<16xi32>
        %parallel_loop3A_769 = arith.addi %parallel_loop3A_766, %parallel_loop3A_768 : vector<16xi32>
        %parallel_loop3A_770 = tpu.vector_load_idx %arg8[%parallel_loop3A_769] : memref<416xf32, #tpu.memory_space<vmem>>[vector<16xi32>], vector<16xf32>,
        %parallel_loop3A_771 = arith.constant 6 : i32
        %parallel_loop3A_772 = vector.broadcast %parallel_loop3A_771 : i32 to vector<16xi32>
        %parallel_loop3A_773 = arith.muli %parallel_loop3A_710, %parallel_loop3A_772 : vector<16xi32>
        %parallel_loop3A_774 = arith.constant 74 : i32
        %parallel_loop3A_775 = vector.broadcast %parallel_loop3A_774 : i32 to vector<16xi32>
        %parallel_loop3A_776 = arith.addi %parallel_loop3A_773, %parallel_loop3A_775 : vector<16xi32>
        %parallel_loop3A_777 = tpu.vector_load_idx %arg8[%parallel_loop3A_776] : memref<416xf32, #tpu.memory_space<vmem>>[vector<16xi32>], vector<16xf32>,
        %parallel_loop3A_778 = vector.shape_cast %parallel_loop3A_714 : vector<16xi32> to vector<16x1xi32>
        %parallel_loop3A_779 = vector.shape_cast %parallel_loop3A_778 : vector<16x1xi32> to vector<16xi32>
        %parallel_loop3A_780 = tpu.dynamic_gather %gather3A_57[%parallel_loop3A_779] in [0] : vector<16xf32>, vector<16xi32> -> vector<16xf32>
        %parallel_loop3A_781 = vector.shape_cast %parallel_loop3A_714 : vector<16xi32> to vector<16x1xi32>
        %parallel_loop3A_782 = vector.shape_cast %parallel_loop3A_781 : vector<16x1xi32> to vector<16xi32>
        %parallel_loop3A_783 = tpu.dynamic_gather %gather3A_64[%parallel_loop3A_782] in [0] : vector<16xf32>, vector<16xi32> -> vector<16xf32>
        %parallel_loop3A_784 = arith.constant 0 : i32
        %parallel_loop3A_785 = arith.constant 3 : i32
        %parallel_loop3A_786 = arith.index_cast %parallel_loop3A_784 : i32 to index
        %parallel_loop3A_787 = arith.index_cast %parallel_loop3A_785 : i32 to index
        %parallel_loop3A_788 = arith.index_cast %parallel_loop3A_173 : i32 to index
        %parallel_loop3A_789 = tpu.vector_load %arg17[%parallel_loop3A_786, %parallel_loop3A_787, %parallel_loop3A_788] {strides = array<i32>} : memref<15x8x256xf32, #tpu.memory_space<vmem>>, vector<16xf32>,
        tpu.vector_store %arg17[%parallel_loop3A_786, %parallel_loop3A_787, %parallel_loop3A_788], %parallel_loop3A_717 {strides = array<i32>} : memref<15x8x256xf32, #tpu.memory_space<vmem>>, vector<16xf32>,
        %parallel_loop3A_790 = arith.constant 1 : i32
        %parallel_loop3A_791 = arith.constant 3 : i32
        %parallel_loop3A_792 = arith.index_cast %parallel_loop3A_790 : i32 to index
        %parallel_loop3A_793 = arith.index_cast %parallel_loop3A_791 : i32 to index
        %parallel_loop3A_794 = arith.index_cast %parallel_loop3A_173 : i32 to index
        %parallel_loop3A_795 = tpu.vector_load %arg17[%parallel_loop3A_792, %parallel_loop3A_793, %parallel_loop3A_794] {strides = array<i32>} : memref<15x8x256xf32, #tpu.memory_space<vmem>>, vector<16xf32>,
        tpu.vector_store %arg17[%parallel_loop3A_792, %parallel_loop3A_793, %parallel_loop3A_794], %parallel_loop3A_720 {strides = array<i32>} : memref<15x8x256xf32, #tpu.memory_space<vmem>>, vector<16xf32>,
        %parallel_loop3A_796 = arith.constant 2 : i32
        %parallel_loop3A_797 = arith.constant 3 : i32
        %parallel_loop3A_798 = arith.index_cast %parallel_loop3A_796 : i32 to index
        %parallel_loop3A_799 = arith.index_cast %parallel_loop3A_797 : i32 to index
        %parallel_loop3A_800 = arith.index_cast %parallel_loop3A_173 : i32 to index
        %parallel_loop3A_801 = tpu.vector_load %arg17[%parallel_loop3A_798, %parallel_loop3A_799, %parallel_loop3A_800] {strides = array<i32>} : memref<15x8x256xf32, #tpu.memory_space<vmem>>, vector<16xf32>,
        tpu.vector_store %arg17[%parallel_loop3A_798, %parallel_loop3A_799, %parallel_loop3A_800], %parallel_loop3A_723 {strides = array<i32>} : memref<15x8x256xf32, #tpu.memory_space<vmem>>, vector<16xf32>,
        %parallel_loop3A_802 = arith.constant 3 : i32
        %parallel_loop3A_803 = arith.constant 3 : i32
        %parallel_loop3A_804 = arith.index_cast %parallel_loop3A_802 : i32 to index
        %parallel_loop3A_805 = arith.index_cast %parallel_loop3A_803 : i32 to index
        %parallel_loop3A_806 = arith.index_cast %parallel_loop3A_173 : i32 to index
        %parallel_loop3A_807 = tpu.vector_load %arg17[%parallel_loop3A_804, %parallel_loop3A_805, %parallel_loop3A_806] {strides = array<i32>} : memref<15x8x256xf32, #tpu.memory_space<vmem>>, vector<16xf32>,
        tpu.vector_store %arg17[%parallel_loop3A_804, %parallel_loop3A_805, %parallel_loop3A_806], %parallel_loop3A_726 {strides = array<i32>} : memref<15x8x256xf32, #tpu.memory_space<vmem>>, vector<16xf32>,
        %parallel_loop3A_808 = arith.constant 4 : i32
        %parallel_loop3A_809 = arith.constant 3 : i32
        %parallel_loop3A_810 = arith.index_cast %parallel_loop3A_808 : i32 to index
        %parallel_loop3A_811 = arith.index_cast %parallel_loop3A_809 : i32 to index
        %parallel_loop3A_812 = arith.index_cast %parallel_loop3A_173 : i32 to index
        %parallel_loop3A_813 = tpu.vector_load %arg17[%parallel_loop3A_810, %parallel_loop3A_811, %parallel_loop3A_812] {strides = array<i32>} : memref<15x8x256xf32, #tpu.memory_space<vmem>>, vector<16xf32>,
        tpu.vector_store %arg17[%parallel_loop3A_810, %parallel_loop3A_811, %parallel_loop3A_812], %parallel_loop3A_729 {strides = array<i32>} : memref<15x8x256xf32, #tpu.memory_space<vmem>>, vector<16xf32>,
        %parallel_loop3A_814 = arith.constant 5 : i32
        %parallel_loop3A_815 = arith.constant 3 : i32
        %parallel_loop3A_816 = arith.index_cast %parallel_loop3A_814 : i32 to index
        %parallel_loop3A_817 = arith.index_cast %parallel_loop3A_815 : i32 to index
        %parallel_loop3A_818 = arith.index_cast %parallel_loop3A_173 : i32 to index
        %parallel_loop3A_819 = tpu.vector_load %arg17[%parallel_loop3A_816, %parallel_loop3A_817, %parallel_loop3A_818] {strides = array<i32>} : memref<15x8x256xf32, #tpu.memory_space<vmem>>, vector<16xf32>,
        tpu.vector_store %arg17[%parallel_loop3A_816, %parallel_loop3A_817, %parallel_loop3A_818], %parallel_loop3A_732 {strides = array<i32>} : memref<15x8x256xf32, #tpu.memory_space<vmem>>, vector<16xf32>,
        %parallel_loop3A_820 = arith.constant 6 : i32
        %parallel_loop3A_821 = arith.constant 3 : i32
        %parallel_loop3A_822 = arith.index_cast %parallel_loop3A_820 : i32 to index
        %parallel_loop3A_823 = arith.index_cast %parallel_loop3A_821 : i32 to index
        %parallel_loop3A_824 = arith.index_cast %parallel_loop3A_173 : i32 to index
        %parallel_loop3A_825 = tpu.vector_load %arg17[%parallel_loop3A_822, %parallel_loop3A_823, %parallel_loop3A_824] {strides = array<i32>} : memref<15x8x256xf32, #tpu.memory_space<vmem>>, vector<16xf32>,
        tpu.vector_store %arg17[%parallel_loop3A_822, %parallel_loop3A_823, %parallel_loop3A_824], %parallel_loop3A_735 {strides = array<i32>} : memref<15x8x256xf32, #tpu.memory_space<vmem>>, vector<16xf32>,
        %parallel_loop3A_826 = arith.constant 7 : i32
        %parallel_loop3A_827 = arith.constant 3 : i32
        %parallel_loop3A_828 = arith.index_cast %parallel_loop3A_826 : i32 to index
        %parallel_loop3A_829 = arith.index_cast %parallel_loop3A_827 : i32 to index
        %parallel_loop3A_830 = arith.index_cast %parallel_loop3A_173 : i32 to index
        %parallel_loop3A_831 = tpu.vector_load %arg17[%parallel_loop3A_828, %parallel_loop3A_829, %parallel_loop3A_830] {strides = array<i32>} : memref<15x8x256xf32, #tpu.memory_space<vmem>>, vector<16xf32>,
        tpu.vector_store %arg17[%parallel_loop3A_828, %parallel_loop3A_829, %parallel_loop3A_830], %parallel_loop3A_742 {strides = array<i32>} : memref<15x8x256xf32, #tpu.memory_space<vmem>>, vector<16xf32>,
        %parallel_loop3A_832 = arith.constant 8 : i32
        %parallel_loop3A_833 = arith.constant 3 : i32
        %parallel_loop3A_834 = arith.index_cast %parallel_loop3A_832 : i32 to index
        %parallel_loop3A_835 = arith.index_cast %parallel_loop3A_833 : i32 to index
        %parallel_loop3A_836 = arith.index_cast %parallel_loop3A_173 : i32 to index
        %parallel_loop3A_837 = tpu.vector_load %arg17[%parallel_loop3A_834, %parallel_loop3A_835, %parallel_loop3A_836] {strides = array<i32>} : memref<15x8x256xf32, #tpu.memory_space<vmem>>, vector<16xf32>,
        tpu.vector_store %arg17[%parallel_loop3A_834, %parallel_loop3A_835, %parallel_loop3A_836], %parallel_loop3A_749 {strides = array<i32>} : memref<15x8x256xf32, #tpu.memory_space<vmem>>, vector<16xf32>,
        %parallel_loop3A_838 = arith.constant 9 : i32
        %parallel_loop3A_839 = arith.constant 3 : i32
        %parallel_loop3A_840 = arith.index_cast %parallel_loop3A_838 : i32 to index
        %parallel_loop3A_841 = arith.index_cast %parallel_loop3A_839 : i32 to index
        %parallel_loop3A_842 = arith.index_cast %parallel_loop3A_173 : i32 to index
        %parallel_loop3A_843 = tpu.vector_load %arg17[%parallel_loop3A_840, %parallel_loop3A_841, %parallel_loop3A_842] {strides = array<i32>} : memref<15x8x256xf32, #tpu.memory_space<vmem>>, vector<16xf32>,
        tpu.vector_store %arg17[%parallel_loop3A_840, %parallel_loop3A_841, %parallel_loop3A_842], %parallel_loop3A_756 {strides = array<i32>} : memref<15x8x256xf32, #tpu.memory_space<vmem>>, vector<16xf32>,
        %parallel_loop3A_844 = arith.constant 10 : i32
        %parallel_loop3A_845 = arith.constant 3 : i32
        %parallel_loop3A_846 = arith.index_cast %parallel_loop3A_844 : i32 to index
        %parallel_loop3A_847 = arith.index_cast %parallel_loop3A_845 : i32 to index
        %parallel_loop3A_848 = arith.index_cast %parallel_loop3A_173 : i32 to index
        %parallel_loop3A_849 = tpu.vector_load %arg17[%parallel_loop3A_846, %parallel_loop3A_847, %parallel_loop3A_848] {strides = array<i32>} : memref<15x8x256xf32, #tpu.memory_space<vmem>>, vector<16xf32>,
        tpu.vector_store %arg17[%parallel_loop3A_846, %parallel_loop3A_847, %parallel_loop3A_848], %parallel_loop3A_763 {strides = array<i32>} : memref<15x8x256xf32, #tpu.memory_space<vmem>>, vector<16xf32>,
        %parallel_loop3A_850 = arith.constant 11 : i32
        %parallel_loop3A_851 = arith.constant 3 : i32
        %parallel_loop3A_852 = arith.index_cast %parallel_loop3A_850 : i32 to index
        %parallel_loop3A_853 = arith.index_cast %parallel_loop3A_851 : i32 to index
        %parallel_loop3A_854 = arith.index_cast %parallel_loop3A_173 : i32 to index
        %parallel_loop3A_855 = tpu.vector_load %arg17[%parallel_loop3A_852, %parallel_loop3A_853, %parallel_loop3A_854] {strides = array<i32>} : memref<15x8x256xf32, #tpu.memory_space<vmem>>, vector<16xf32>,
        tpu.vector_store %arg17[%parallel_loop3A_852, %parallel_loop3A_853, %parallel_loop3A_854], %parallel_loop3A_770 {strides = array<i32>} : memref<15x8x256xf32, #tpu.memory_space<vmem>>, vector<16xf32>,
        %parallel_loop3A_856 = arith.constant 12 : i32
        %parallel_loop3A_857 = arith.constant 3 : i32
        %parallel_loop3A_858 = arith.index_cast %parallel_loop3A_856 : i32 to index
        %parallel_loop3A_859 = arith.index_cast %parallel_loop3A_857 : i32 to index
        %parallel_loop3A_860 = arith.index_cast %parallel_loop3A_173 : i32 to index
        %parallel_loop3A_861 = tpu.vector_load %arg17[%parallel_loop3A_858, %parallel_loop3A_859, %parallel_loop3A_860] {strides = array<i32>} : memref<15x8x256xf32, #tpu.memory_space<vmem>>, vector<16xf32>,
        tpu.vector_store %arg17[%parallel_loop3A_858, %parallel_loop3A_859, %parallel_loop3A_860], %parallel_loop3A_777 {strides = array<i32>} : memref<15x8x256xf32, #tpu.memory_space<vmem>>, vector<16xf32>,
        %parallel_loop3A_862 = arith.constant 13 : i32
        %parallel_loop3A_863 = arith.constant 3 : i32
        %parallel_loop3A_864 = arith.index_cast %parallel_loop3A_862 : i32 to index
        %parallel_loop3A_865 = arith.index_cast %parallel_loop3A_863 : i32 to index
        %parallel_loop3A_866 = arith.index_cast %parallel_loop3A_173 : i32 to index
        %parallel_loop3A_867 = tpu.vector_load %arg17[%parallel_loop3A_864, %parallel_loop3A_865, %parallel_loop3A_866] {strides = array<i32>} : memref<15x8x256xf32, #tpu.memory_space<vmem>>, vector<16xf32>,
        tpu.vector_store %arg17[%parallel_loop3A_864, %parallel_loop3A_865, %parallel_loop3A_866], %parallel_loop3A_780 {strides = array<i32>} : memref<15x8x256xf32, #tpu.memory_space<vmem>>, vector<16xf32>,
        %parallel_loop3A_868 = arith.constant 14 : i32
        %parallel_loop3A_869 = arith.constant 3 : i32
        %parallel_loop3A_870 = arith.index_cast %parallel_loop3A_868 : i32 to index
        %parallel_loop3A_871 = arith.index_cast %parallel_loop3A_869 : i32 to index
        %parallel_loop3A_872 = arith.index_cast %parallel_loop3A_173 : i32 to index
        %parallel_loop3A_873 = tpu.vector_load %arg17[%parallel_loop3A_870, %parallel_loop3A_871, %parallel_loop3A_872] {strides = array<i32>} : memref<15x8x256xf32, #tpu.memory_space<vmem>>, vector<16xf32>,
        tpu.vector_store %arg17[%parallel_loop3A_870, %parallel_loop3A_871, %parallel_loop3A_872], %parallel_loop3A_783 {strides = array<i32>} : memref<15x8x256xf32, #tpu.memory_space<vmem>>, vector<16xf32>,
        %parallel_loop3A_874 = arith.constant 4 : i32
        %parallel_loop3A_875 = arith.index_cast %parallel_loop3A_874 : i32 to index
        %parallel_loop3A_876 = arith.index_cast %parallel_loop3A_173 : i32 to index
        %parallel_loop3A_877 = tpu.vector_load %arg9[%parallel_loop3A_875, %parallel_loop3A_876] {strides = array<i32>} : memref<8x256xi32, #tpu.memory_space<vmem>>, vector<16xi32>,
        %parallel_loop3A_878 = arith.constant 4 : i32
        %parallel_loop3A_879 = arith.index_cast %parallel_loop3A_878 : i32 to index
        %parallel_loop3A_880 = arith.index_cast %parallel_loop3A_173 : i32 to index
        %parallel_loop3A_881 = tpu.vector_load %arg10[%parallel_loop3A_879, %parallel_loop3A_880] {strides = array<i32>} : memref<8x256xi32, #tpu.memory_space<vmem>>, vector<16xi32>,
        %parallel_loop3A_882 = arith.constant 4 : i32
        %parallel_loop3A_883 = arith.index_cast %parallel_loop3A_882 : i32 to index
        %parallel_loop3A_884 = arith.index_cast %parallel_loop3A_173 : i32 to index
        %parallel_loop3A_885 = tpu.vector_load %arg11[%parallel_loop3A_883, %parallel_loop3A_884] {strides = array<i32>} : memref<8x256xi32, #tpu.memory_space<vmem>>, vector<16xi32>,
        %parallel_loop3A_886 = arith.constant 4 : i32
        %parallel_loop3A_887 = arith.index_cast %parallel_loop3A_886 : i32 to index
        %parallel_loop3A_888 = arith.index_cast %parallel_loop3A_173 : i32 to index
        %parallel_loop3A_889 = tpu.vector_load %arg12[%parallel_loop3A_887, %parallel_loop3A_888] {strides = array<i32>} : memref<8x256xi32, #tpu.memory_space<vmem>>, vector<16xi32>,
        %parallel_loop3A_890 = vector.shape_cast %parallel_loop3A_877 : vector<16xi32> to vector<16x1xi32>
        %parallel_loop3A_891 = vector.shape_cast %parallel_loop3A_890 : vector<16x1xi32> to vector<16xi32>
        %parallel_loop3A_892 = tpu.dynamic_gather %gather3A[%parallel_loop3A_891] in [0] : vector<16xf32>, vector<16xi32> -> vector<16xf32>
        %parallel_loop3A_893 = vector.shape_cast %parallel_loop3A_877 : vector<16xi32> to vector<16x1xi32>
        %parallel_loop3A_894 = vector.shape_cast %parallel_loop3A_893 : vector<16x1xi32> to vector<16xi32>
        %parallel_loop3A_895 = tpu.dynamic_gather %gather3A_15[%parallel_loop3A_894] in [0] : vector<16xf32>, vector<16xi32> -> vector<16xf32>
        %parallel_loop3A_896 = vector.shape_cast %parallel_loop3A_877 : vector<16xi32> to vector<16x1xi32>
        %parallel_loop3A_897 = vector.shape_cast %parallel_loop3A_896 : vector<16x1xi32> to vector<16xi32>
        %parallel_loop3A_898 = tpu.dynamic_gather %gather3A_22[%parallel_loop3A_897] in [0] : vector<16xf32>, vector<16xi32> -> vector<16xf32>
        %parallel_loop3A_899 = vector.shape_cast %parallel_loop3A_877 : vector<16xi32> to vector<16x1xi32>
        %parallel_loop3A_900 = vector.shape_cast %parallel_loop3A_899 : vector<16x1xi32> to vector<16xi32>
        %parallel_loop3A_901 = tpu.dynamic_gather %gather3A_29[%parallel_loop3A_900] in [0] : vector<16xf32>, vector<16xi32> -> vector<16xf32>
        %parallel_loop3A_902 = vector.shape_cast %parallel_loop3A_881 : vector<16xi32> to vector<16x1xi32>
        %parallel_loop3A_903 = vector.shape_cast %parallel_loop3A_902 : vector<16x1xi32> to vector<16xi32>
        %parallel_loop3A_904 = tpu.dynamic_gather %gather3A_36[%parallel_loop3A_903] in [0] : vector<16xf32>, vector<16xi32> -> vector<16xf32>
        %parallel_loop3A_905 = vector.shape_cast %parallel_loop3A_881 : vector<16xi32> to vector<16x1xi32>
        %parallel_loop3A_906 = vector.shape_cast %parallel_loop3A_905 : vector<16x1xi32> to vector<16xi32>
        %parallel_loop3A_907 = tpu.dynamic_gather %gather3A_43[%parallel_loop3A_906] in [0] : vector<16xf32>, vector<16xi32> -> vector<16xf32>
        %parallel_loop3A_908 = vector.shape_cast %parallel_loop3A_881 : vector<16xi32> to vector<16x1xi32>
        %parallel_loop3A_909 = vector.shape_cast %parallel_loop3A_908 : vector<16x1xi32> to vector<16xi32>
        %parallel_loop3A_910 = tpu.dynamic_gather %gather3A_50[%parallel_loop3A_909] in [0] : vector<16xf32>, vector<16xi32> -> vector<16xf32>
        %parallel_loop3A_911 = arith.constant 6 : i32
        %parallel_loop3A_912 = vector.broadcast %parallel_loop3A_911 : i32 to vector<16xi32>
        %parallel_loop3A_913 = arith.muli %parallel_loop3A_885, %parallel_loop3A_912 : vector<16xi32>
        %parallel_loop3A_914 = arith.constant 69 : i32
        %parallel_loop3A_915 = vector.broadcast %parallel_loop3A_914 : i32 to vector<16xi32>
        %parallel_loop3A_916 = arith.addi %parallel_loop3A_913, %parallel_loop3A_915 : vector<16xi32>
        %parallel_loop3A_917 = tpu.vector_load_idx %arg8[%parallel_loop3A_916] : memref<416xf32, #tpu.memory_space<vmem>>[vector<16xi32>], vector<16xf32>,
        %parallel_loop3A_918 = arith.constant 6 : i32
        %parallel_loop3A_919 = vector.broadcast %parallel_loop3A_918 : i32 to vector<16xi32>
        %parallel_loop3A_920 = arith.muli %parallel_loop3A_885, %parallel_loop3A_919 : vector<16xi32>
        %parallel_loop3A_921 = arith.constant 70 : i32
        %parallel_loop3A_922 = vector.broadcast %parallel_loop3A_921 : i32 to vector<16xi32>
        %parallel_loop3A_923 = arith.addi %parallel_loop3A_920, %parallel_loop3A_922 : vector<16xi32>
        %parallel_loop3A_924 = tpu.vector_load_idx %arg8[%parallel_loop3A_923] : memref<416xf32, #tpu.memory_space<vmem>>[vector<16xi32>], vector<16xf32>,
        %parallel_loop3A_925 = arith.constant 6 : i32
        %parallel_loop3A_926 = vector.broadcast %parallel_loop3A_925 : i32 to vector<16xi32>
        %parallel_loop3A_927 = arith.muli %parallel_loop3A_885, %parallel_loop3A_926 : vector<16xi32>
        %parallel_loop3A_928 = arith.constant 71 : i32
        %parallel_loop3A_929 = vector.broadcast %parallel_loop3A_928 : i32 to vector<16xi32>
        %parallel_loop3A_930 = arith.addi %parallel_loop3A_927, %parallel_loop3A_929 : vector<16xi32>
        %parallel_loop3A_931 = tpu.vector_load_idx %arg8[%parallel_loop3A_930] : memref<416xf32, #tpu.memory_space<vmem>>[vector<16xi32>], vector<16xf32>,
        %parallel_loop3A_932 = arith.constant 6 : i32
        %parallel_loop3A_933 = vector.broadcast %parallel_loop3A_932 : i32 to vector<16xi32>
        %parallel_loop3A_934 = arith.muli %parallel_loop3A_885, %parallel_loop3A_933 : vector<16xi32>
        %parallel_loop3A_935 = arith.constant 72 : i32
        %parallel_loop3A_936 = vector.broadcast %parallel_loop3A_935 : i32 to vector<16xi32>
        %parallel_loop3A_937 = arith.addi %parallel_loop3A_934, %parallel_loop3A_936 : vector<16xi32>
        %parallel_loop3A_938 = tpu.vector_load_idx %arg8[%parallel_loop3A_937] : memref<416xf32, #tpu.memory_space<vmem>>[vector<16xi32>], vector<16xf32>,
        %parallel_loop3A_939 = arith.constant 6 : i32
        %parallel_loop3A_940 = vector.broadcast %parallel_loop3A_939 : i32 to vector<16xi32>
        %parallel_loop3A_941 = arith.muli %parallel_loop3A_885, %parallel_loop3A_940 : vector<16xi32>
        %parallel_loop3A_942 = arith.constant 73 : i32
        %parallel_loop3A_943 = vector.broadcast %parallel_loop3A_942 : i32 to vector<16xi32>
        %parallel_loop3A_944 = arith.addi %parallel_loop3A_941, %parallel_loop3A_943 : vector<16xi32>
        %parallel_loop3A_945 = tpu.vector_load_idx %arg8[%parallel_loop3A_944] : memref<416xf32, #tpu.memory_space<vmem>>[vector<16xi32>], vector<16xf32>,
        %parallel_loop3A_946 = arith.constant 6 : i32
        %parallel_loop3A_947 = vector.broadcast %parallel_loop3A_946 : i32 to vector<16xi32>
        %parallel_loop3A_948 = arith.muli %parallel_loop3A_885, %parallel_loop3A_947 : vector<16xi32>
        %parallel_loop3A_949 = arith.constant 74 : i32
        %parallel_loop3A_950 = vector.broadcast %parallel_loop3A_949 : i32 to vector<16xi32>
        %parallel_loop3A_951 = arith.addi %parallel_loop3A_948, %parallel_loop3A_950 : vector<16xi32>
        %parallel_loop3A_952 = tpu.vector_load_idx %arg8[%parallel_loop3A_951] : memref<416xf32, #tpu.memory_space<vmem>>[vector<16xi32>], vector<16xf32>,
        %parallel_loop3A_953 = vector.shape_cast %parallel_loop3A_889 : vector<16xi32> to vector<16x1xi32>
        %parallel_loop3A_954 = vector.shape_cast %parallel_loop3A_953 : vector<16x1xi32> to vector<16xi32>
        %parallel_loop3A_955 = tpu.dynamic_gather %gather3A_57[%parallel_loop3A_954] in [0] : vector<16xf32>, vector<16xi32> -> vector<16xf32>
        %parallel_loop3A_956 = vector.shape_cast %parallel_loop3A_889 : vector<16xi32> to vector<16x1xi32>
        %parallel_loop3A_957 = vector.shape_cast %parallel_loop3A_956 : vector<16x1xi32> to vector<16xi32>
        %parallel_loop3A_958 = tpu.dynamic_gather %gather3A_64[%parallel_loop3A_957] in [0] : vector<16xf32>, vector<16xi32> -> vector<16xf32>
        %parallel_loop3A_959 = arith.constant 0 : i32
        %parallel_loop3A_960 = arith.constant 4 : i32
        %parallel_loop3A_961 = arith.index_cast %parallel_loop3A_959 : i32 to index
        %parallel_loop3A_962 = arith.index_cast %parallel_loop3A_960 : i32 to index
        %parallel_loop3A_963 = arith.index_cast %parallel_loop3A_173 : i32 to index
        %parallel_loop3A_964 = tpu.vector_load %arg17[%parallel_loop3A_961, %parallel_loop3A_962, %parallel_loop3A_963] {strides = array<i32>} : memref<15x8x256xf32, #tpu.memory_space<vmem>>, vector<16xf32>,
        tpu.vector_store %arg17[%parallel_loop3A_961, %parallel_loop3A_962, %parallel_loop3A_963], %parallel_loop3A_892 {strides = array<i32>} : memref<15x8x256xf32, #tpu.memory_space<vmem>>, vector<16xf32>,
        %parallel_loop3A_965 = arith.constant 1 : i32
        %parallel_loop3A_966 = arith.constant 4 : i32
        %parallel_loop3A_967 = arith.index_cast %parallel_loop3A_965 : i32 to index
        %parallel_loop3A_968 = arith.index_cast %parallel_loop3A_966 : i32 to index
        %parallel_loop3A_969 = arith.index_cast %parallel_loop3A_173 : i32 to index
        %parallel_loop3A_970 = tpu.vector_load %arg17[%parallel_loop3A_967, %parallel_loop3A_968, %parallel_loop3A_969] {strides = array<i32>} : memref<15x8x256xf32, #tpu.memory_space<vmem>>, vector<16xf32>,
        tpu.vector_store %arg17[%parallel_loop3A_967, %parallel_loop3A_968, %parallel_loop3A_969], %parallel_loop3A_895 {strides = array<i32>} : memref<15x8x256xf32, #tpu.memory_space<vmem>>, vector<16xf32>,
        %parallel_loop3A_971 = arith.constant 2 : i32
        %parallel_loop3A_972 = arith.constant 4 : i32
        %parallel_loop3A_973 = arith.index_cast %parallel_loop3A_971 : i32 to index
        %parallel_loop3A_974 = arith.index_cast %parallel_loop3A_972 : i32 to index
        %parallel_loop3A_975 = arith.index_cast %parallel_loop3A_173 : i32 to index
        %parallel_loop3A_976 = tpu.vector_load %arg17[%parallel_loop3A_973, %parallel_loop3A_974, %parallel_loop3A_975] {strides = array<i32>} : memref<15x8x256xf32, #tpu.memory_space<vmem>>, vector<16xf32>,
        tpu.vector_store %arg17[%parallel_loop3A_973, %parallel_loop3A_974, %parallel_loop3A_975], %parallel_loop3A_898 {strides = array<i32>} : memref<15x8x256xf32, #tpu.memory_space<vmem>>, vector<16xf32>,
        %parallel_loop3A_977 = arith.constant 3 : i32
        %parallel_loop3A_978 = arith.constant 4 : i32
        %parallel_loop3A_979 = arith.index_cast %parallel_loop3A_977 : i32 to index
        %parallel_loop3A_980 = arith.index_cast %parallel_loop3A_978 : i32 to index
        %parallel_loop3A_981 = arith.index_cast %parallel_loop3A_173 : i32 to index
        %parallel_loop3A_982 = tpu.vector_load %arg17[%parallel_loop3A_979, %parallel_loop3A_980, %parallel_loop3A_981] {strides = array<i32>} : memref<15x8x256xf32, #tpu.memory_space<vmem>>, vector<16xf32>,
        tpu.vector_store %arg17[%parallel_loop3A_979, %parallel_loop3A_980, %parallel_loop3A_981], %parallel_loop3A_901 {strides = array<i32>} : memref<15x8x256xf32, #tpu.memory_space<vmem>>, vector<16xf32>,
        %parallel_loop3A_983 = arith.constant 4 : i32
        %parallel_loop3A_984 = arith.constant 4 : i32
        %parallel_loop3A_985 = arith.index_cast %parallel_loop3A_983 : i32 to index
        %parallel_loop3A_986 = arith.index_cast %parallel_loop3A_984 : i32 to index
        %parallel_loop3A_987 = arith.index_cast %parallel_loop3A_173 : i32 to index
        %parallel_loop3A_988 = tpu.vector_load %arg17[%parallel_loop3A_985, %parallel_loop3A_986, %parallel_loop3A_987] {strides = array<i32>} : memref<15x8x256xf32, #tpu.memory_space<vmem>>, vector<16xf32>,
        tpu.vector_store %arg17[%parallel_loop3A_985, %parallel_loop3A_986, %parallel_loop3A_987], %parallel_loop3A_904 {strides = array<i32>} : memref<15x8x256xf32, #tpu.memory_space<vmem>>, vector<16xf32>,
        %parallel_loop3A_989 = arith.constant 5 : i32
        %parallel_loop3A_990 = arith.constant 4 : i32
        %parallel_loop3A_991 = arith.index_cast %parallel_loop3A_989 : i32 to index
        %parallel_loop3A_992 = arith.index_cast %parallel_loop3A_990 : i32 to index
        %parallel_loop3A_993 = arith.index_cast %parallel_loop3A_173 : i32 to index
        %parallel_loop3A_994 = tpu.vector_load %arg17[%parallel_loop3A_991, %parallel_loop3A_992, %parallel_loop3A_993] {strides = array<i32>} : memref<15x8x256xf32, #tpu.memory_space<vmem>>, vector<16xf32>,
        tpu.vector_store %arg17[%parallel_loop3A_991, %parallel_loop3A_992, %parallel_loop3A_993], %parallel_loop3A_907 {strides = array<i32>} : memref<15x8x256xf32, #tpu.memory_space<vmem>>, vector<16xf32>,
        %parallel_loop3A_995 = arith.constant 6 : i32
        %parallel_loop3A_996 = arith.constant 4 : i32
        %parallel_loop3A_997 = arith.index_cast %parallel_loop3A_995 : i32 to index
        %parallel_loop3A_998 = arith.index_cast %parallel_loop3A_996 : i32 to index
        %parallel_loop3A_999 = arith.index_cast %parallel_loop3A_173 : i32 to index
        %parallel_loop3A_1000 = tpu.vector_load %arg17[%parallel_loop3A_997, %parallel_loop3A_998, %parallel_loop3A_999] {strides = array<i32>} : memref<15x8x256xf32, #tpu.memory_space<vmem>>, vector<16xf32>,
        tpu.vector_store %arg17[%parallel_loop3A_997, %parallel_loop3A_998, %parallel_loop3A_999], %parallel_loop3A_910 {strides = array<i32>} : memref<15x8x256xf32, #tpu.memory_space<vmem>>, vector<16xf32>,
        %parallel_loop3A_1001 = arith.constant 7 : i32
        %parallel_loop3A_1002 = arith.constant 4 : i32
        %parallel_loop3A_1003 = arith.index_cast %parallel_loop3A_1001 : i32 to index
        %parallel_loop3A_1004 = arith.index_cast %parallel_loop3A_1002 : i32 to index
        %parallel_loop3A_1005 = arith.index_cast %parallel_loop3A_173 : i32 to index
        %parallel_loop3A_1006 = tpu.vector_load %arg17[%parallel_loop3A_1003, %parallel_loop3A_1004, %parallel_loop3A_1005] {strides = array<i32>} : memref<15x8x256xf32, #tpu.memory_space<vmem>>, vector<16xf32>,
        tpu.vector_store %arg17[%parallel_loop3A_1003, %parallel_loop3A_1004, %parallel_loop3A_1005], %parallel_loop3A_917 {strides = array<i32>} : memref<15x8x256xf32, #tpu.memory_space<vmem>>, vector<16xf32>,
        %parallel_loop3A_1007 = arith.constant 8 : i32
        %parallel_loop3A_1008 = arith.constant 4 : i32
        %parallel_loop3A_1009 = arith.index_cast %parallel_loop3A_1007 : i32 to index
        %parallel_loop3A_1010 = arith.index_cast %parallel_loop3A_1008 : i32 to index
        %parallel_loop3A_1011 = arith.index_cast %parallel_loop3A_173 : i32 to index
        %parallel_loop3A_1012 = tpu.vector_load %arg17[%parallel_loop3A_1009, %parallel_loop3A_1010, %parallel_loop3A_1011] {strides = array<i32>} : memref<15x8x256xf32, #tpu.memory_space<vmem>>, vector<16xf32>,
        tpu.vector_store %arg17[%parallel_loop3A_1009, %parallel_loop3A_1010, %parallel_loop3A_1011], %parallel_loop3A_924 {strides = array<i32>} : memref<15x8x256xf32, #tpu.memory_space<vmem>>, vector<16xf32>,
        %parallel_loop3A_1013 = arith.constant 9 : i32
        %parallel_loop3A_1014 = arith.constant 4 : i32
        %parallel_loop3A_1015 = arith.index_cast %parallel_loop3A_1013 : i32 to index
        %parallel_loop3A_1016 = arith.index_cast %parallel_loop3A_1014 : i32 to index
        %parallel_loop3A_1017 = arith.index_cast %parallel_loop3A_173 : i32 to index
        %parallel_loop3A_1018 = tpu.vector_load %arg17[%parallel_loop3A_1015, %parallel_loop3A_1016, %parallel_loop3A_1017] {strides = array<i32>} : memref<15x8x256xf32, #tpu.memory_space<vmem>>, vector<16xf32>,
        tpu.vector_store %arg17[%parallel_loop3A_1015, %parallel_loop3A_1016, %parallel_loop3A_1017], %parallel_loop3A_931 {strides = array<i32>} : memref<15x8x256xf32, #tpu.memory_space<vmem>>, vector<16xf32>,
        %parallel_loop3A_1019 = arith.constant 10 : i32
        %parallel_loop3A_1020 = arith.constant 4 : i32
        %parallel_loop3A_1021 = arith.index_cast %parallel_loop3A_1019 : i32 to index
        %parallel_loop3A_1022 = arith.index_cast %parallel_loop3A_1020 : i32 to index
        %parallel_loop3A_1023 = arith.index_cast %parallel_loop3A_173 : i32 to index
        %parallel_loop3A_1024 = tpu.vector_load %arg17[%parallel_loop3A_1021, %parallel_loop3A_1022, %parallel_loop3A_1023] {strides = array<i32>} : memref<15x8x256xf32, #tpu.memory_space<vmem>>, vector<16xf32>,
        tpu.vector_store %arg17[%parallel_loop3A_1021, %parallel_loop3A_1022, %parallel_loop3A_1023], %parallel_loop3A_938 {strides = array<i32>} : memref<15x8x256xf32, #tpu.memory_space<vmem>>, vector<16xf32>,
        %parallel_loop3A_1025 = arith.constant 11 : i32
        %parallel_loop3A_1026 = arith.constant 4 : i32
        %parallel_loop3A_1027 = arith.index_cast %parallel_loop3A_1025 : i32 to index
        %parallel_loop3A_1028 = arith.index_cast %parallel_loop3A_1026 : i32 to index
        %parallel_loop3A_1029 = arith.index_cast %parallel_loop3A_173 : i32 to index
        %parallel_loop3A_1030 = tpu.vector_load %arg17[%parallel_loop3A_1027, %parallel_loop3A_1028, %parallel_loop3A_1029] {strides = array<i32>} : memref<15x8x256xf32, #tpu.memory_space<vmem>>, vector<16xf32>,
        tpu.vector_store %arg17[%parallel_loop3A_1027, %parallel_loop3A_1028, %parallel_loop3A_1029], %parallel_loop3A_945 {strides = array<i32>} : memref<15x8x256xf32, #tpu.memory_space<vmem>>, vector<16xf32>,
        %parallel_loop3A_1031 = arith.constant 12 : i32
        %parallel_loop3A_1032 = arith.constant 4 : i32
        %parallel_loop3A_1033 = arith.index_cast %parallel_loop3A_1031 : i32 to index
        %parallel_loop3A_1034 = arith.index_cast %parallel_loop3A_1032 : i32 to index
        %parallel_loop3A_1035 = arith.index_cast %parallel_loop3A_173 : i32 to index
        %parallel_loop3A_1036 = tpu.vector_load %arg17[%parallel_loop3A_1033, %parallel_loop3A_1034, %parallel_loop3A_1035] {strides = array<i32>} : memref<15x8x256xf32, #tpu.memory_space<vmem>>, vector<16xf32>,
        tpu.vector_store %arg17[%parallel_loop3A_1033, %parallel_loop3A_1034, %parallel_loop3A_1035], %parallel_loop3A_952 {strides = array<i32>} : memref<15x8x256xf32, #tpu.memory_space<vmem>>, vector<16xf32>,
        %parallel_loop3A_1037 = arith.constant 13 : i32
        %parallel_loop3A_1038 = arith.constant 4 : i32
        %parallel_loop3A_1039 = arith.index_cast %parallel_loop3A_1037 : i32 to index
        %parallel_loop3A_1040 = arith.index_cast %parallel_loop3A_1038 : i32 to index
        %parallel_loop3A_1041 = arith.index_cast %parallel_loop3A_173 : i32 to index
        %parallel_loop3A_1042 = tpu.vector_load %arg17[%parallel_loop3A_1039, %parallel_loop3A_1040, %parallel_loop3A_1041] {strides = array<i32>} : memref<15x8x256xf32, #tpu.memory_space<vmem>>, vector<16xf32>,
        tpu.vector_store %arg17[%parallel_loop3A_1039, %parallel_loop3A_1040, %parallel_loop3A_1041], %parallel_loop3A_955 {strides = array<i32>} : memref<15x8x256xf32, #tpu.memory_space<vmem>>, vector<16xf32>,
        %parallel_loop3A_1043 = arith.constant 14 : i32
        %parallel_loop3A_1044 = arith.constant 4 : i32
        %parallel_loop3A_1045 = arith.index_cast %parallel_loop3A_1043 : i32 to index
        %parallel_loop3A_1046 = arith.index_cast %parallel_loop3A_1044 : i32 to index
        %parallel_loop3A_1047 = arith.index_cast %parallel_loop3A_173 : i32 to index
        %parallel_loop3A_1048 = tpu.vector_load %arg17[%parallel_loop3A_1045, %parallel_loop3A_1046, %parallel_loop3A_1047] {strides = array<i32>} : memref<15x8x256xf32, #tpu.memory_space<vmem>>, vector<16xf32>,
        tpu.vector_store %arg17[%parallel_loop3A_1045, %parallel_loop3A_1046, %parallel_loop3A_1047], %parallel_loop3A_958 {strides = array<i32>} : memref<15x8x256xf32, #tpu.memory_space<vmem>>, vector<16xf32>,
        %parallel_loop3A_1049 = arith.constant 5 : i32
        %parallel_loop3A_1050 = arith.index_cast %parallel_loop3A_1049 : i32 to index
        %parallel_loop3A_1051 = arith.index_cast %parallel_loop3A_173 : i32 to index
        %parallel_loop3A_1052 = tpu.vector_load %arg9[%parallel_loop3A_1050, %parallel_loop3A_1051] {strides = array<i32>} : memref<8x256xi32, #tpu.memory_space<vmem>>, vector<16xi32>,
        %parallel_loop3A_1053 = arith.constant 5 : i32
        %parallel_loop3A_1054 = arith.index_cast %parallel_loop3A_1053 : i32 to index
        %parallel_loop3A_1055 = arith.index_cast %parallel_loop3A_173 : i32 to index
        %parallel_loop3A_1056 = tpu.vector_load %arg10[%parallel_loop3A_1054, %parallel_loop3A_1055] {strides = array<i32>} : memref<8x256xi32, #tpu.memory_space<vmem>>, vector<16xi32>,
        %parallel_loop3A_1057 = arith.constant 5 : i32
        %parallel_loop3A_1058 = arith.index_cast %parallel_loop3A_1057 : i32 to index
        %parallel_loop3A_1059 = arith.index_cast %parallel_loop3A_173 : i32 to index
        %parallel_loop3A_1060 = tpu.vector_load %arg11[%parallel_loop3A_1058, %parallel_loop3A_1059] {strides = array<i32>} : memref<8x256xi32, #tpu.memory_space<vmem>>, vector<16xi32>,
        %parallel_loop3A_1061 = arith.constant 5 : i32
        %parallel_loop3A_1062 = arith.index_cast %parallel_loop3A_1061 : i32 to index
        %parallel_loop3A_1063 = arith.index_cast %parallel_loop3A_173 : i32 to index
        %parallel_loop3A_1064 = tpu.vector_load %arg12[%parallel_loop3A_1062, %parallel_loop3A_1063] {strides = array<i32>} : memref<8x256xi32, #tpu.memory_space<vmem>>, vector<16xi32>,
        %parallel_loop3A_1065 = vector.shape_cast %parallel_loop3A_1052 : vector<16xi32> to vector<16x1xi32>
        %parallel_loop3A_1066 = vector.shape_cast %parallel_loop3A_1065 : vector<16x1xi32> to vector<16xi32>
        %parallel_loop3A_1067 = tpu.dynamic_gather %gather3A[%parallel_loop3A_1066] in [0] : vector<16xf32>, vector<16xi32> -> vector<16xf32>
        %parallel_loop3A_1068 = vector.shape_cast %parallel_loop3A_1052 : vector<16xi32> to vector<16x1xi32>
        %parallel_loop3A_1069 = vector.shape_cast %parallel_loop3A_1068 : vector<16x1xi32> to vector<16xi32>
        %parallel_loop3A_1070 = tpu.dynamic_gather %gather3A_15[%parallel_loop3A_1069] in [0] : vector<16xf32>, vector<16xi32> -> vector<16xf32>
        %parallel_loop3A_1071 = vector.shape_cast %parallel_loop3A_1052 : vector<16xi32> to vector<16x1xi32>
        %parallel_loop3A_1072 = vector.shape_cast %parallel_loop3A_1071 : vector<16x1xi32> to vector<16xi32>
        %parallel_loop3A_1073 = tpu.dynamic_gather %gather3A_22[%parallel_loop3A_1072] in [0] : vector<16xf32>, vector<16xi32> -> vector<16xf32>
        %parallel_loop3A_1074 = vector.shape_cast %parallel_loop3A_1052 : vector<16xi32> to vector<16x1xi32>
        %parallel_loop3A_1075 = vector.shape_cast %parallel_loop3A_1074 : vector<16x1xi32> to vector<16xi32>
        %parallel_loop3A_1076 = tpu.dynamic_gather %gather3A_29[%parallel_loop3A_1075] in [0] : vector<16xf32>, vector<16xi32> -> vector<16xf32>
        %parallel_loop3A_1077 = vector.shape_cast %parallel_loop3A_1056 : vector<16xi32> to vector<16x1xi32>
        %parallel_loop3A_1078 = vector.shape_cast %parallel_loop3A_1077 : vector<16x1xi32> to vector<16xi32>
        %parallel_loop3A_1079 = tpu.dynamic_gather %gather3A_36[%parallel_loop3A_1078] in [0] : vector<16xf32>, vector<16xi32> -> vector<16xf32>
        %parallel_loop3A_1080 = vector.shape_cast %parallel_loop3A_1056 : vector<16xi32> to vector<16x1xi32>
        %parallel_loop3A_1081 = vector.shape_cast %parallel_loop3A_1080 : vector<16x1xi32> to vector<16xi32>
        %parallel_loop3A_1082 = tpu.dynamic_gather %gather3A_43[%parallel_loop3A_1081] in [0] : vector<16xf32>, vector<16xi32> -> vector<16xf32>
        %parallel_loop3A_1083 = vector.shape_cast %parallel_loop3A_1056 : vector<16xi32> to vector<16x1xi32>
        %parallel_loop3A_1084 = vector.shape_cast %parallel_loop3A_1083 : vector<16x1xi32> to vector<16xi32>
        %parallel_loop3A_1085 = tpu.dynamic_gather %gather3A_50[%parallel_loop3A_1084] in [0] : vector<16xf32>, vector<16xi32> -> vector<16xf32>
        %parallel_loop3A_1086 = arith.constant 6 : i32
        %parallel_loop3A_1087 = vector.broadcast %parallel_loop3A_1086 : i32 to vector<16xi32>
        %parallel_loop3A_1088 = arith.muli %parallel_loop3A_1060, %parallel_loop3A_1087 : vector<16xi32>
        %parallel_loop3A_1089 = arith.constant 69 : i32
        %parallel_loop3A_1090 = vector.broadcast %parallel_loop3A_1089 : i32 to vector<16xi32>
        %parallel_loop3A_1091 = arith.addi %parallel_loop3A_1088, %parallel_loop3A_1090 : vector<16xi32>
        %parallel_loop3A_1092 = tpu.vector_load_idx %arg8[%parallel_loop3A_1091] : memref<416xf32, #tpu.memory_space<vmem>>[vector<16xi32>], vector<16xf32>,
        %parallel_loop3A_1093 = arith.constant 6 : i32
        %parallel_loop3A_1094 = vector.broadcast %parallel_loop3A_1093 : i32 to vector<16xi32>
        %parallel_loop3A_1095 = arith.muli %parallel_loop3A_1060, %parallel_loop3A_1094 : vector<16xi32>
        %parallel_loop3A_1096 = arith.constant 70 : i32
        %parallel_loop3A_1097 = vector.broadcast %parallel_loop3A_1096 : i32 to vector<16xi32>
        %parallel_loop3A_1098 = arith.addi %parallel_loop3A_1095, %parallel_loop3A_1097 : vector<16xi32>
        %parallel_loop3A_1099 = tpu.vector_load_idx %arg8[%parallel_loop3A_1098] : memref<416xf32, #tpu.memory_space<vmem>>[vector<16xi32>], vector<16xf32>,
        %parallel_loop3A_1100 = arith.constant 6 : i32
        %parallel_loop3A_1101 = vector.broadcast %parallel_loop3A_1100 : i32 to vector<16xi32>
        %parallel_loop3A_1102 = arith.muli %parallel_loop3A_1060, %parallel_loop3A_1101 : vector<16xi32>
        %parallel_loop3A_1103 = arith.constant 71 : i32
        %parallel_loop3A_1104 = vector.broadcast %parallel_loop3A_1103 : i32 to vector<16xi32>
        %parallel_loop3A_1105 = arith.addi %parallel_loop3A_1102, %parallel_loop3A_1104 : vector<16xi32>
        %parallel_loop3A_1106 = tpu.vector_load_idx %arg8[%parallel_loop3A_1105] : memref<416xf32, #tpu.memory_space<vmem>>[vector<16xi32>], vector<16xf32>,
        %parallel_loop3A_1107 = arith.constant 6 : i32
        %parallel_loop3A_1108 = vector.broadcast %parallel_loop3A_1107 : i32 to vector<16xi32>
        %parallel_loop3A_1109 = arith.muli %parallel_loop3A_1060, %parallel_loop3A_1108 : vector<16xi32>
        %parallel_loop3A_1110 = arith.constant 72 : i32
        %parallel_loop3A_1111 = vector.broadcast %parallel_loop3A_1110 : i32 to vector<16xi32>
        %parallel_loop3A_1112 = arith.addi %parallel_loop3A_1109, %parallel_loop3A_1111 : vector<16xi32>
        %parallel_loop3A_1113 = tpu.vector_load_idx %arg8[%parallel_loop3A_1112] : memref<416xf32, #tpu.memory_space<vmem>>[vector<16xi32>], vector<16xf32>,
        %parallel_loop3A_1114 = arith.constant 6 : i32
        %parallel_loop3A_1115 = vector.broadcast %parallel_loop3A_1114 : i32 to vector<16xi32>
        %parallel_loop3A_1116 = arith.muli %parallel_loop3A_1060, %parallel_loop3A_1115 : vector<16xi32>
        %parallel_loop3A_1117 = arith.constant 73 : i32
        %parallel_loop3A_1118 = vector.broadcast %parallel_loop3A_1117 : i32 to vector<16xi32>
        %parallel_loop3A_1119 = arith.addi %parallel_loop3A_1116, %parallel_loop3A_1118 : vector<16xi32>
        %parallel_loop3A_1120 = tpu.vector_load_idx %arg8[%parallel_loop3A_1119] : memref<416xf32, #tpu.memory_space<vmem>>[vector<16xi32>], vector<16xf32>,
        %parallel_loop3A_1121 = arith.constant 6 : i32
        %parallel_loop3A_1122 = vector.broadcast %parallel_loop3A_1121 : i32 to vector<16xi32>
        %parallel_loop3A_1123 = arith.muli %parallel_loop3A_1060, %parallel_loop3A_1122 : vector<16xi32>
        %parallel_loop3A_1124 = arith.constant 74 : i32
        %parallel_loop3A_1125 = vector.broadcast %parallel_loop3A_1124 : i32 to vector<16xi32>
        %parallel_loop3A_1126 = arith.addi %parallel_loop3A_1123, %parallel_loop3A_1125 : vector<16xi32>
        %parallel_loop3A_1127 = tpu.vector_load_idx %arg8[%parallel_loop3A_1126] : memref<416xf32, #tpu.memory_space<vmem>>[vector<16xi32>], vector<16xf32>,
        %parallel_loop3A_1128 = vector.shape_cast %parallel_loop3A_1064 : vector<16xi32> to vector<16x1xi32>
        %parallel_loop3A_1129 = vector.shape_cast %parallel_loop3A_1128 : vector<16x1xi32> to vector<16xi32>
        %parallel_loop3A_1130 = tpu.dynamic_gather %gather3A_57[%parallel_loop3A_1129] in [0] : vector<16xf32>, vector<16xi32> -> vector<16xf32>
        %parallel_loop3A_1131 = vector.shape_cast %parallel_loop3A_1064 : vector<16xi32> to vector<16x1xi32>
        %parallel_loop3A_1132 = vector.shape_cast %parallel_loop3A_1131 : vector<16x1xi32> to vector<16xi32>
        %parallel_loop3A_1133 = tpu.dynamic_gather %gather3A_64[%parallel_loop3A_1132] in [0] : vector<16xf32>, vector<16xi32> -> vector<16xf32>
        %parallel_loop3A_1134 = arith.constant 0 : i32
        %parallel_loop3A_1135 = arith.constant 5 : i32
        %parallel_loop3A_1136 = arith.index_cast %parallel_loop3A_1134 : i32 to index
        %parallel_loop3A_1137 = arith.index_cast %parallel_loop3A_1135 : i32 to index
        %parallel_loop3A_1138 = arith.index_cast %parallel_loop3A_173 : i32 to index
        %parallel_loop3A_1139 = tpu.vector_load %arg17[%parallel_loop3A_1136, %parallel_loop3A_1137, %parallel_loop3A_1138] {strides = array<i32>} : memref<15x8x256xf32, #tpu.memory_space<vmem>>, vector<16xf32>,
        tpu.vector_store %arg17[%parallel_loop3A_1136, %parallel_loop3A_1137, %parallel_loop3A_1138], %parallel_loop3A_1067 {strides = array<i32>} : memref<15x8x256xf32, #tpu.memory_space<vmem>>, vector<16xf32>,
        %parallel_loop3A_1140 = arith.constant 1 : i32
        %parallel_loop3A_1141 = arith.constant 5 : i32
        %parallel_loop3A_1142 = arith.index_cast %parallel_loop3A_1140 : i32 to index
        %parallel_loop3A_1143 = arith.index_cast %parallel_loop3A_1141 : i32 to index
        %parallel_loop3A_1144 = arith.index_cast %parallel_loop3A_173 : i32 to index
        %parallel_loop3A_1145 = tpu.vector_load %arg17[%parallel_loop3A_1142, %parallel_loop3A_1143, %parallel_loop3A_1144] {strides = array<i32>} : memref<15x8x256xf32, #tpu.memory_space<vmem>>, vector<16xf32>,
        tpu.vector_store %arg17[%parallel_loop3A_1142, %parallel_loop3A_1143, %parallel_loop3A_1144], %parallel_loop3A_1070 {strides = array<i32>} : memref<15x8x256xf32, #tpu.memory_space<vmem>>, vector<16xf32>,
        %parallel_loop3A_1146 = arith.constant 2 : i32
        %parallel_loop3A_1147 = arith.constant 5 : i32
        %parallel_loop3A_1148 = arith.index_cast %parallel_loop3A_1146 : i32 to index
        %parallel_loop3A_1149 = arith.index_cast %parallel_loop3A_1147 : i32 to index
        %parallel_loop3A_1150 = arith.index_cast %parallel_loop3A_173 : i32 to index
        %parallel_loop3A_1151 = tpu.vector_load %arg17[%parallel_loop3A_1148, %parallel_loop3A_1149, %parallel_loop3A_1150] {strides = array<i32>} : memref<15x8x256xf32, #tpu.memory_space<vmem>>, vector<16xf32>,
        tpu.vector_store %arg17[%parallel_loop3A_1148, %parallel_loop3A_1149, %parallel_loop3A_1150], %parallel_loop3A_1073 {strides = array<i32>} : memref<15x8x256xf32, #tpu.memory_space<vmem>>, vector<16xf32>,
        %parallel_loop3A_1152 = arith.constant 3 : i32
        %parallel_loop3A_1153 = arith.constant 5 : i32
        %parallel_loop3A_1154 = arith.index_cast %parallel_loop3A_1152 : i32 to index
        %parallel_loop3A_1155 = arith.index_cast %parallel_loop3A_1153 : i32 to index
        %parallel_loop3A_1156 = arith.index_cast %parallel_loop3A_173 : i32 to index
        %parallel_loop3A_1157 = tpu.vector_load %arg17[%parallel_loop3A_1154, %parallel_loop3A_1155, %parallel_loop3A_1156] {strides = array<i32>} : memref<15x8x256xf32, #tpu.memory_space<vmem>>, vector<16xf32>,
        tpu.vector_store %arg17[%parallel_loop3A_1154, %parallel_loop3A_1155, %parallel_loop3A_1156], %parallel_loop3A_1076 {strides = array<i32>} : memref<15x8x256xf32, #tpu.memory_space<vmem>>, vector<16xf32>,
        %parallel_loop3A_1158 = arith.constant 4 : i32
        %parallel_loop3A_1159 = arith.constant 5 : i32
        %parallel_loop3A_1160 = arith.index_cast %parallel_loop3A_1158 : i32 to index
        %parallel_loop3A_1161 = arith.index_cast %parallel_loop3A_1159 : i32 to index
        %parallel_loop3A_1162 = arith.index_cast %parallel_loop3A_173 : i32 to index
        %parallel_loop3A_1163 = tpu.vector_load %arg17[%parallel_loop3A_1160, %parallel_loop3A_1161, %parallel_loop3A_1162] {strides = array<i32>} : memref<15x8x256xf32, #tpu.memory_space<vmem>>, vector<16xf32>,
        tpu.vector_store %arg17[%parallel_loop3A_1160, %parallel_loop3A_1161, %parallel_loop3A_1162], %parallel_loop3A_1079 {strides = array<i32>} : memref<15x8x256xf32, #tpu.memory_space<vmem>>, vector<16xf32>,
        %parallel_loop3A_1164 = arith.constant 5 : i32
        %parallel_loop3A_1165 = arith.constant 5 : i32
        %parallel_loop3A_1166 = arith.index_cast %parallel_loop3A_1164 : i32 to index
        %parallel_loop3A_1167 = arith.index_cast %parallel_loop3A_1165 : i32 to index
        %parallel_loop3A_1168 = arith.index_cast %parallel_loop3A_173 : i32 to index
        %parallel_loop3A_1169 = tpu.vector_load %arg17[%parallel_loop3A_1166, %parallel_loop3A_1167, %parallel_loop3A_1168] {strides = array<i32>} : memref<15x8x256xf32, #tpu.memory_space<vmem>>, vector<16xf32>,
        tpu.vector_store %arg17[%parallel_loop3A_1166, %parallel_loop3A_1167, %parallel_loop3A_1168], %parallel_loop3A_1082 {strides = array<i32>} : memref<15x8x256xf32, #tpu.memory_space<vmem>>, vector<16xf32>,
        %parallel_loop3A_1170 = arith.constant 6 : i32
        %parallel_loop3A_1171 = arith.constant 5 : i32
        %parallel_loop3A_1172 = arith.index_cast %parallel_loop3A_1170 : i32 to index
        %parallel_loop3A_1173 = arith.index_cast %parallel_loop3A_1171 : i32 to index
        %parallel_loop3A_1174 = arith.index_cast %parallel_loop3A_173 : i32 to index
        %parallel_loop3A_1175 = tpu.vector_load %arg17[%parallel_loop3A_1172, %parallel_loop3A_1173, %parallel_loop3A_1174] {strides = array<i32>} : memref<15x8x256xf32, #tpu.memory_space<vmem>>, vector<16xf32>,
        tpu.vector_store %arg17[%parallel_loop3A_1172, %parallel_loop3A_1173, %parallel_loop3A_1174], %parallel_loop3A_1085 {strides = array<i32>} : memref<15x8x256xf32, #tpu.memory_space<vmem>>, vector<16xf32>,
        %parallel_loop3A_1176 = arith.constant 7 : i32
        %parallel_loop3A_1177 = arith.constant 5 : i32
        %parallel_loop3A_1178 = arith.index_cast %parallel_loop3A_1176 : i32 to index
        %parallel_loop3A_1179 = arith.index_cast %parallel_loop3A_1177 : i32 to index
        %parallel_loop3A_1180 = arith.index_cast %parallel_loop3A_173 : i32 to index
        %parallel_loop3A_1181 = tpu.vector_load %arg17[%parallel_loop3A_1178, %parallel_loop3A_1179, %parallel_loop3A_1180] {strides = array<i32>} : memref<15x8x256xf32, #tpu.memory_space<vmem>>, vector<16xf32>,
        tpu.vector_store %arg17[%parallel_loop3A_1178, %parallel_loop3A_1179, %parallel_loop3A_1180], %parallel_loop3A_1092 {strides = array<i32>} : memref<15x8x256xf32, #tpu.memory_space<vmem>>, vector<16xf32>,
        %parallel_loop3A_1182 = arith.constant 8 : i32
        %parallel_loop3A_1183 = arith.constant 5 : i32
        %parallel_loop3A_1184 = arith.index_cast %parallel_loop3A_1182 : i32 to index
        %parallel_loop3A_1185 = arith.index_cast %parallel_loop3A_1183 : i32 to index
        %parallel_loop3A_1186 = arith.index_cast %parallel_loop3A_173 : i32 to index
        %parallel_loop3A_1187 = tpu.vector_load %arg17[%parallel_loop3A_1184, %parallel_loop3A_1185, %parallel_loop3A_1186] {strides = array<i32>} : memref<15x8x256xf32, #tpu.memory_space<vmem>>, vector<16xf32>,
        tpu.vector_store %arg17[%parallel_loop3A_1184, %parallel_loop3A_1185, %parallel_loop3A_1186], %parallel_loop3A_1099 {strides = array<i32>} : memref<15x8x256xf32, #tpu.memory_space<vmem>>, vector<16xf32>,
        %parallel_loop3A_1188 = arith.constant 9 : i32
        %parallel_loop3A_1189 = arith.constant 5 : i32
        %parallel_loop3A_1190 = arith.index_cast %parallel_loop3A_1188 : i32 to index
        %parallel_loop3A_1191 = arith.index_cast %parallel_loop3A_1189 : i32 to index
        %parallel_loop3A_1192 = arith.index_cast %parallel_loop3A_173 : i32 to index
        %parallel_loop3A_1193 = tpu.vector_load %arg17[%parallel_loop3A_1190, %parallel_loop3A_1191, %parallel_loop3A_1192] {strides = array<i32>} : memref<15x8x256xf32, #tpu.memory_space<vmem>>, vector<16xf32>,
        tpu.vector_store %arg17[%parallel_loop3A_1190, %parallel_loop3A_1191, %parallel_loop3A_1192], %parallel_loop3A_1106 {strides = array<i32>} : memref<15x8x256xf32, #tpu.memory_space<vmem>>, vector<16xf32>,
        %parallel_loop3A_1194 = arith.constant 10 : i32
        %parallel_loop3A_1195 = arith.constant 5 : i32
        %parallel_loop3A_1196 = arith.index_cast %parallel_loop3A_1194 : i32 to index
        %parallel_loop3A_1197 = arith.index_cast %parallel_loop3A_1195 : i32 to index
        %parallel_loop3A_1198 = arith.index_cast %parallel_loop3A_173 : i32 to index
        %parallel_loop3A_1199 = tpu.vector_load %arg17[%parallel_loop3A_1196, %parallel_loop3A_1197, %parallel_loop3A_1198] {strides = array<i32>} : memref<15x8x256xf32, #tpu.memory_space<vmem>>, vector<16xf32>,
        tpu.vector_store %arg17[%parallel_loop3A_1196, %parallel_loop3A_1197, %parallel_loop3A_1198], %parallel_loop3A_1113 {strides = array<i32>} : memref<15x8x256xf32, #tpu.memory_space<vmem>>, vector<16xf32>,
        %parallel_loop3A_1200 = arith.constant 11 : i32
        %parallel_loop3A_1201 = arith.constant 5 : i32
        %parallel_loop3A_1202 = arith.index_cast %parallel_loop3A_1200 : i32 to index
        %parallel_loop3A_1203 = arith.index_cast %parallel_loop3A_1201 : i32 to index
        %parallel_loop3A_1204 = arith.index_cast %parallel_loop3A_173 : i32 to index
        %parallel_loop3A_1205 = tpu.vector_load %arg17[%parallel_loop3A_1202, %parallel_loop3A_1203, %parallel_loop3A_1204] {strides = array<i32>} : memref<15x8x256xf32, #tpu.memory_space<vmem>>, vector<16xf32>,
        tpu.vector_store %arg17[%parallel_loop3A_1202, %parallel_loop3A_1203, %parallel_loop3A_1204], %parallel_loop3A_1120 {strides = array<i32>} : memref<15x8x256xf32, #tpu.memory_space<vmem>>, vector<16xf32>,
        %parallel_loop3A_1206 = arith.constant 12 : i32
        %parallel_loop3A_1207 = arith.constant 5 : i32
        %parallel_loop3A_1208 = arith.index_cast %parallel_loop3A_1206 : i32 to index
        %parallel_loop3A_1209 = arith.index_cast %parallel_loop3A_1207 : i32 to index
        %parallel_loop3A_1210 = arith.index_cast %parallel_loop3A_173 : i32 to index
        %parallel_loop3A_1211 = tpu.vector_load %arg17[%parallel_loop3A_1208, %parallel_loop3A_1209, %parallel_loop3A_1210] {strides = array<i32>} : memref<15x8x256xf32, #tpu.memory_space<vmem>>, vector<16xf32>,
        tpu.vector_store %arg17[%parallel_loop3A_1208, %parallel_loop3A_1209, %parallel_loop3A_1210], %parallel_loop3A_1127 {strides = array<i32>} : memref<15x8x256xf32, #tpu.memory_space<vmem>>, vector<16xf32>,
        %parallel_loop3A_1212 = arith.constant 13 : i32
        %parallel_loop3A_1213 = arith.constant 5 : i32
        %parallel_loop3A_1214 = arith.index_cast %parallel_loop3A_1212 : i32 to index
        %parallel_loop3A_1215 = arith.index_cast %parallel_loop3A_1213 : i32 to index
        %parallel_loop3A_1216 = arith.index_cast %parallel_loop3A_173 : i32 to index
        %parallel_loop3A_1217 = tpu.vector_load %arg17[%parallel_loop3A_1214, %parallel_loop3A_1215, %parallel_loop3A_1216] {strides = array<i32>} : memref<15x8x256xf32, #tpu.memory_space<vmem>>, vector<16xf32>,
        tpu.vector_store %arg17[%parallel_loop3A_1214, %parallel_loop3A_1215, %parallel_loop3A_1216], %parallel_loop3A_1130 {strides = array<i32>} : memref<15x8x256xf32, #tpu.memory_space<vmem>>, vector<16xf32>,
        %parallel_loop3A_1218 = arith.constant 14 : i32
        %parallel_loop3A_1219 = arith.constant 5 : i32
        %parallel_loop3A_1220 = arith.index_cast %parallel_loop3A_1218 : i32 to index
        %parallel_loop3A_1221 = arith.index_cast %parallel_loop3A_1219 : i32 to index
        %parallel_loop3A_1222 = arith.index_cast %parallel_loop3A_173 : i32 to index
        %parallel_loop3A_1223 = tpu.vector_load %arg17[%parallel_loop3A_1220, %parallel_loop3A_1221, %parallel_loop3A_1222] {strides = array<i32>} : memref<15x8x256xf32, #tpu.memory_space<vmem>>, vector<16xf32>,
        tpu.vector_store %arg17[%parallel_loop3A_1220, %parallel_loop3A_1221, %parallel_loop3A_1222], %parallel_loop3A_1133 {strides = array<i32>} : memref<15x8x256xf32, #tpu.memory_space<vmem>>, vector<16xf32>,
        %parallel_loop3A_1224 = arith.constant 6 : i32
        %parallel_loop3A_1225 = arith.index_cast %parallel_loop3A_1224 : i32 to index
        %parallel_loop3A_1226 = arith.index_cast %parallel_loop3A_173 : i32 to index
        %parallel_loop3A_1227 = tpu.vector_load %arg9[%parallel_loop3A_1225, %parallel_loop3A_1226] {strides = array<i32>} : memref<8x256xi32, #tpu.memory_space<vmem>>, vector<16xi32>,
        %parallel_loop3A_1228 = arith.constant 6 : i32
        %parallel_loop3A_1229 = arith.index_cast %parallel_loop3A_1228 : i32 to index
        %parallel_loop3A_1230 = arith.index_cast %parallel_loop3A_173 : i32 to index
        %parallel_loop3A_1231 = tpu.vector_load %arg10[%parallel_loop3A_1229, %parallel_loop3A_1230] {strides = array<i32>} : memref<8x256xi32, #tpu.memory_space<vmem>>, vector<16xi32>,
        %parallel_loop3A_1232 = arith.constant 6 : i32
        %parallel_loop3A_1233 = arith.index_cast %parallel_loop3A_1232 : i32 to index
        %parallel_loop3A_1234 = arith.index_cast %parallel_loop3A_173 : i32 to index
        %parallel_loop3A_1235 = tpu.vector_load %arg11[%parallel_loop3A_1233, %parallel_loop3A_1234] {strides = array<i32>} : memref<8x256xi32, #tpu.memory_space<vmem>>, vector<16xi32>,
        %parallel_loop3A_1236 = arith.constant 6 : i32
        %parallel_loop3A_1237 = arith.index_cast %parallel_loop3A_1236 : i32 to index
        %parallel_loop3A_1238 = arith.index_cast %parallel_loop3A_173 : i32 to index
        %parallel_loop3A_1239 = tpu.vector_load %arg12[%parallel_loop3A_1237, %parallel_loop3A_1238] {strides = array<i32>} : memref<8x256xi32, #tpu.memory_space<vmem>>, vector<16xi32>,
        %parallel_loop3A_1240 = vector.shape_cast %parallel_loop3A_1227 : vector<16xi32> to vector<16x1xi32>
        %parallel_loop3A_1241 = vector.shape_cast %parallel_loop3A_1240 : vector<16x1xi32> to vector<16xi32>
        %parallel_loop3A_1242 = tpu.dynamic_gather %gather3A[%parallel_loop3A_1241] in [0] : vector<16xf32>, vector<16xi32> -> vector<16xf32>
        %parallel_loop3A_1243 = vector.shape_cast %parallel_loop3A_1227 : vector<16xi32> to vector<16x1xi32>
        %parallel_loop3A_1244 = vector.shape_cast %parallel_loop3A_1243 : vector<16x1xi32> to vector<16xi32>
        %parallel_loop3A_1245 = tpu.dynamic_gather %gather3A_15[%parallel_loop3A_1244] in [0] : vector<16xf32>, vector<16xi32> -> vector<16xf32>
        %parallel_loop3A_1246 = vector.shape_cast %parallel_loop3A_1227 : vector<16xi32> to vector<16x1xi32>
        %parallel_loop3A_1247 = vector.shape_cast %parallel_loop3A_1246 : vector<16x1xi32> to vector<16xi32>
        %parallel_loop3A_1248 = tpu.dynamic_gather %gather3A_22[%parallel_loop3A_1247] in [0] : vector<16xf32>, vector<16xi32> -> vector<16xf32>
        %parallel_loop3A_1249 = vector.shape_cast %parallel_loop3A_1227 : vector<16xi32> to vector<16x1xi32>
        %parallel_loop3A_1250 = vector.shape_cast %parallel_loop3A_1249 : vector<16x1xi32> to vector<16xi32>
        %parallel_loop3A_1251 = tpu.dynamic_gather %gather3A_29[%parallel_loop3A_1250] in [0] : vector<16xf32>, vector<16xi32> -> vector<16xf32>
        %parallel_loop3A_1252 = vector.shape_cast %parallel_loop3A_1231 : vector<16xi32> to vector<16x1xi32>
        %parallel_loop3A_1253 = vector.shape_cast %parallel_loop3A_1252 : vector<16x1xi32> to vector<16xi32>
        %parallel_loop3A_1254 = tpu.dynamic_gather %gather3A_36[%parallel_loop3A_1253] in [0] : vector<16xf32>, vector<16xi32> -> vector<16xf32>
        %parallel_loop3A_1255 = vector.shape_cast %parallel_loop3A_1231 : vector<16xi32> to vector<16x1xi32>
        %parallel_loop3A_1256 = vector.shape_cast %parallel_loop3A_1255 : vector<16x1xi32> to vector<16xi32>
        %parallel_loop3A_1257 = tpu.dynamic_gather %gather3A_43[%parallel_loop3A_1256] in [0] : vector<16xf32>, vector<16xi32> -> vector<16xf32>
        %parallel_loop3A_1258 = vector.shape_cast %parallel_loop3A_1231 : vector<16xi32> to vector<16x1xi32>
        %parallel_loop3A_1259 = vector.shape_cast %parallel_loop3A_1258 : vector<16x1xi32> to vector<16xi32>
        %parallel_loop3A_1260 = tpu.dynamic_gather %gather3A_50[%parallel_loop3A_1259] in [0] : vector<16xf32>, vector<16xi32> -> vector<16xf32>
        %parallel_loop3A_1261 = arith.constant 6 : i32
        %parallel_loop3A_1262 = vector.broadcast %parallel_loop3A_1261 : i32 to vector<16xi32>
        %parallel_loop3A_1263 = arith.muli %parallel_loop3A_1235, %parallel_loop3A_1262 : vector<16xi32>
        %parallel_loop3A_1264 = arith.constant 69 : i32
        %parallel_loop3A_1265 = vector.broadcast %parallel_loop3A_1264 : i32 to vector<16xi32>
        %parallel_loop3A_1266 = arith.addi %parallel_loop3A_1263, %parallel_loop3A_1265 : vector<16xi32>
        %parallel_loop3A_1267 = tpu.vector_load_idx %arg8[%parallel_loop3A_1266] : memref<416xf32, #tpu.memory_space<vmem>>[vector<16xi32>], vector<16xf32>,
        %parallel_loop3A_1268 = arith.constant 6 : i32
        %parallel_loop3A_1269 = vector.broadcast %parallel_loop3A_1268 : i32 to vector<16xi32>
        %parallel_loop3A_1270 = arith.muli %parallel_loop3A_1235, %parallel_loop3A_1269 : vector<16xi32>
        %parallel_loop3A_1271 = arith.constant 70 : i32
        %parallel_loop3A_1272 = vector.broadcast %parallel_loop3A_1271 : i32 to vector<16xi32>
        %parallel_loop3A_1273 = arith.addi %parallel_loop3A_1270, %parallel_loop3A_1272 : vector<16xi32>
        %parallel_loop3A_1274 = tpu.vector_load_idx %arg8[%parallel_loop3A_1273] : memref<416xf32, #tpu.memory_space<vmem>>[vector<16xi32>], vector<16xf32>,
        %parallel_loop3A_1275 = arith.constant 6 : i32
        %parallel_loop3A_1276 = vector.broadcast %parallel_loop3A_1275 : i32 to vector<16xi32>
        %parallel_loop3A_1277 = arith.muli %parallel_loop3A_1235, %parallel_loop3A_1276 : vector<16xi32>
        %parallel_loop3A_1278 = arith.constant 71 : i32
        %parallel_loop3A_1279 = vector.broadcast %parallel_loop3A_1278 : i32 to vector<16xi32>
        %parallel_loop3A_1280 = arith.addi %parallel_loop3A_1277, %parallel_loop3A_1279 : vector<16xi32>
        %parallel_loop3A_1281 = tpu.vector_load_idx %arg8[%parallel_loop3A_1280] : memref<416xf32, #tpu.memory_space<vmem>>[vector<16xi32>], vector<16xf32>,
        %parallel_loop3A_1282 = arith.constant 6 : i32
        %parallel_loop3A_1283 = vector.broadcast %parallel_loop3A_1282 : i32 to vector<16xi32>
        %parallel_loop3A_1284 = arith.muli %parallel_loop3A_1235, %parallel_loop3A_1283 : vector<16xi32>
        %parallel_loop3A_1285 = arith.constant 72 : i32
        %parallel_loop3A_1286 = vector.broadcast %parallel_loop3A_1285 : i32 to vector<16xi32>
        %parallel_loop3A_1287 = arith.addi %parallel_loop3A_1284, %parallel_loop3A_1286 : vector<16xi32>
        %parallel_loop3A_1288 = tpu.vector_load_idx %arg8[%parallel_loop3A_1287] : memref<416xf32, #tpu.memory_space<vmem>>[vector<16xi32>], vector<16xf32>,
        %parallel_loop3A_1289 = arith.constant 6 : i32
        %parallel_loop3A_1290 = vector.broadcast %parallel_loop3A_1289 : i32 to vector<16xi32>
        %parallel_loop3A_1291 = arith.muli %parallel_loop3A_1235, %parallel_loop3A_1290 : vector<16xi32>
        %parallel_loop3A_1292 = arith.constant 73 : i32
        %parallel_loop3A_1293 = vector.broadcast %parallel_loop3A_1292 : i32 to vector<16xi32>
        %parallel_loop3A_1294 = arith.addi %parallel_loop3A_1291, %parallel_loop3A_1293 : vector<16xi32>
        %parallel_loop3A_1295 = tpu.vector_load_idx %arg8[%parallel_loop3A_1294] : memref<416xf32, #tpu.memory_space<vmem>>[vector<16xi32>], vector<16xf32>,
        %parallel_loop3A_1296 = arith.constant 6 : i32
        %parallel_loop3A_1297 = vector.broadcast %parallel_loop3A_1296 : i32 to vector<16xi32>
        %parallel_loop3A_1298 = arith.muli %parallel_loop3A_1235, %parallel_loop3A_1297 : vector<16xi32>
        %parallel_loop3A_1299 = arith.constant 74 : i32
        %parallel_loop3A_1300 = vector.broadcast %parallel_loop3A_1299 : i32 to vector<16xi32>
        %parallel_loop3A_1301 = arith.addi %parallel_loop3A_1298, %parallel_loop3A_1300 : vector<16xi32>
        %parallel_loop3A_1302 = tpu.vector_load_idx %arg8[%parallel_loop3A_1301] : memref<416xf32, #tpu.memory_space<vmem>>[vector<16xi32>], vector<16xf32>,
        %parallel_loop3A_1303 = vector.shape_cast %parallel_loop3A_1239 : vector<16xi32> to vector<16x1xi32>
        %parallel_loop3A_1304 = vector.shape_cast %parallel_loop3A_1303 : vector<16x1xi32> to vector<16xi32>
        %parallel_loop3A_1305 = tpu.dynamic_gather %gather3A_57[%parallel_loop3A_1304] in [0] : vector<16xf32>, vector<16xi32> -> vector<16xf32>
        %parallel_loop3A_1306 = vector.shape_cast %parallel_loop3A_1239 : vector<16xi32> to vector<16x1xi32>
        %parallel_loop3A_1307 = vector.shape_cast %parallel_loop3A_1306 : vector<16x1xi32> to vector<16xi32>
        %parallel_loop3A_1308 = tpu.dynamic_gather %gather3A_64[%parallel_loop3A_1307] in [0] : vector<16xf32>, vector<16xi32> -> vector<16xf32>
        %parallel_loop3A_1309 = arith.constant 0 : i32
        %parallel_loop3A_1310 = arith.constant 6 : i32
        %parallel_loop3A_1311 = arith.index_cast %parallel_loop3A_1309 : i32 to index
        %parallel_loop3A_1312 = arith.index_cast %parallel_loop3A_1310 : i32 to index
        %parallel_loop3A_1313 = arith.index_cast %parallel_loop3A_173 : i32 to index
        %parallel_loop3A_1314 = tpu.vector_load %arg17[%parallel_loop3A_1311, %parallel_loop3A_1312, %parallel_loop3A_1313] {strides = array<i32>} : memref<15x8x256xf32, #tpu.memory_space<vmem>>, vector<16xf32>,
        tpu.vector_store %arg17[%parallel_loop3A_1311, %parallel_loop3A_1312, %parallel_loop3A_1313], %parallel_loop3A_1242 {strides = array<i32>} : memref<15x8x256xf32, #tpu.memory_space<vmem>>, vector<16xf32>,
        %parallel_loop3A_1315 = arith.constant 1 : i32
        %parallel_loop3A_1316 = arith.constant 6 : i32
        %parallel_loop3A_1317 = arith.index_cast %parallel_loop3A_1315 : i32 to index
        %parallel_loop3A_1318 = arith.index_cast %parallel_loop3A_1316 : i32 to index
        %parallel_loop3A_1319 = arith.index_cast %parallel_loop3A_173 : i32 to index
        %parallel_loop3A_1320 = tpu.vector_load %arg17[%parallel_loop3A_1317, %parallel_loop3A_1318, %parallel_loop3A_1319] {strides = array<i32>} : memref<15x8x256xf32, #tpu.memory_space<vmem>>, vector<16xf32>,
        tpu.vector_store %arg17[%parallel_loop3A_1317, %parallel_loop3A_1318, %parallel_loop3A_1319], %parallel_loop3A_1245 {strides = array<i32>} : memref<15x8x256xf32, #tpu.memory_space<vmem>>, vector<16xf32>,
        %parallel_loop3A_1321 = arith.constant 2 : i32
        %parallel_loop3A_1322 = arith.constant 6 : i32
        %parallel_loop3A_1323 = arith.index_cast %parallel_loop3A_1321 : i32 to index
        %parallel_loop3A_1324 = arith.index_cast %parallel_loop3A_1322 : i32 to index
        %parallel_loop3A_1325 = arith.index_cast %parallel_loop3A_173 : i32 to index
        %parallel_loop3A_1326 = tpu.vector_load %arg17[%parallel_loop3A_1323, %parallel_loop3A_1324, %parallel_loop3A_1325] {strides = array<i32>} : memref<15x8x256xf32, #tpu.memory_space<vmem>>, vector<16xf32>,
        tpu.vector_store %arg17[%parallel_loop3A_1323, %parallel_loop3A_1324, %parallel_loop3A_1325], %parallel_loop3A_1248 {strides = array<i32>} : memref<15x8x256xf32, #tpu.memory_space<vmem>>, vector<16xf32>,
        %parallel_loop3A_1327 = arith.constant 3 : i32
        %parallel_loop3A_1328 = arith.constant 6 : i32
        %parallel_loop3A_1329 = arith.index_cast %parallel_loop3A_1327 : i32 to index
        %parallel_loop3A_1330 = arith.index_cast %parallel_loop3A_1328 : i32 to index
        %parallel_loop3A_1331 = arith.index_cast %parallel_loop3A_173 : i32 to index
        %parallel_loop3A_1332 = tpu.vector_load %arg17[%parallel_loop3A_1329, %parallel_loop3A_1330, %parallel_loop3A_1331] {strides = array<i32>} : memref<15x8x256xf32, #tpu.memory_space<vmem>>, vector<16xf32>,
        tpu.vector_store %arg17[%parallel_loop3A_1329, %parallel_loop3A_1330, %parallel_loop3A_1331], %parallel_loop3A_1251 {strides = array<i32>} : memref<15x8x256xf32, #tpu.memory_space<vmem>>, vector<16xf32>,
        %parallel_loop3A_1333 = arith.constant 4 : i32
        %parallel_loop3A_1334 = arith.constant 6 : i32
        %parallel_loop3A_1335 = arith.index_cast %parallel_loop3A_1333 : i32 to index
        %parallel_loop3A_1336 = arith.index_cast %parallel_loop3A_1334 : i32 to index
        %parallel_loop3A_1337 = arith.index_cast %parallel_loop3A_173 : i32 to index
        %parallel_loop3A_1338 = tpu.vector_load %arg17[%parallel_loop3A_1335, %parallel_loop3A_1336, %parallel_loop3A_1337] {strides = array<i32>} : memref<15x8x256xf32, #tpu.memory_space<vmem>>, vector<16xf32>,
        tpu.vector_store %arg17[%parallel_loop3A_1335, %parallel_loop3A_1336, %parallel_loop3A_1337], %parallel_loop3A_1254 {strides = array<i32>} : memref<15x8x256xf32, #tpu.memory_space<vmem>>, vector<16xf32>,
        %parallel_loop3A_1339 = arith.constant 5 : i32
        %parallel_loop3A_1340 = arith.constant 6 : i32
        %parallel_loop3A_1341 = arith.index_cast %parallel_loop3A_1339 : i32 to index
        %parallel_loop3A_1342 = arith.index_cast %parallel_loop3A_1340 : i32 to index
        %parallel_loop3A_1343 = arith.index_cast %parallel_loop3A_173 : i32 to index
        %parallel_loop3A_1344 = tpu.vector_load %arg17[%parallel_loop3A_1341, %parallel_loop3A_1342, %parallel_loop3A_1343] {strides = array<i32>} : memref<15x8x256xf32, #tpu.memory_space<vmem>>, vector<16xf32>,
        tpu.vector_store %arg17[%parallel_loop3A_1341, %parallel_loop3A_1342, %parallel_loop3A_1343], %parallel_loop3A_1257 {strides = array<i32>} : memref<15x8x256xf32, #tpu.memory_space<vmem>>, vector<16xf32>,
        %parallel_loop3A_1345 = arith.constant 6 : i32
        %parallel_loop3A_1346 = arith.constant 6 : i32
        %parallel_loop3A_1347 = arith.index_cast %parallel_loop3A_1345 : i32 to index
        %parallel_loop3A_1348 = arith.index_cast %parallel_loop3A_1346 : i32 to index
        %parallel_loop3A_1349 = arith.index_cast %parallel_loop3A_173 : i32 to index
        %parallel_loop3A_1350 = tpu.vector_load %arg17[%parallel_loop3A_1347, %parallel_loop3A_1348, %parallel_loop3A_1349] {strides = array<i32>} : memref<15x8x256xf32, #tpu.memory_space<vmem>>, vector<16xf32>,
        tpu.vector_store %arg17[%parallel_loop3A_1347, %parallel_loop3A_1348, %parallel_loop3A_1349], %parallel_loop3A_1260 {strides = array<i32>} : memref<15x8x256xf32, #tpu.memory_space<vmem>>, vector<16xf32>,
        %parallel_loop3A_1351 = arith.constant 7 : i32
        %parallel_loop3A_1352 = arith.constant 6 : i32
        %parallel_loop3A_1353 = arith.index_cast %parallel_loop3A_1351 : i32 to index
        %parallel_loop3A_1354 = arith.index_cast %parallel_loop3A_1352 : i32 to index
        %parallel_loop3A_1355 = arith.index_cast %parallel_loop3A_173 : i32 to index
        %parallel_loop3A_1356 = tpu.vector_load %arg17[%parallel_loop3A_1353, %parallel_loop3A_1354, %parallel_loop3A_1355] {strides = array<i32>} : memref<15x8x256xf32, #tpu.memory_space<vmem>>, vector<16xf32>,
        tpu.vector_store %arg17[%parallel_loop3A_1353, %parallel_loop3A_1354, %parallel_loop3A_1355], %parallel_loop3A_1267 {strides = array<i32>} : memref<15x8x256xf32, #tpu.memory_space<vmem>>, vector<16xf32>,
        %parallel_loop3A_1357 = arith.constant 8 : i32
        %parallel_loop3A_1358 = arith.constant 6 : i32
        %parallel_loop3A_1359 = arith.index_cast %parallel_loop3A_1357 : i32 to index
        %parallel_loop3A_1360 = arith.index_cast %parallel_loop3A_1358 : i32 to index
        %parallel_loop3A_1361 = arith.index_cast %parallel_loop3A_173 : i32 to index
        %parallel_loop3A_1362 = tpu.vector_load %arg17[%parallel_loop3A_1359, %parallel_loop3A_1360, %parallel_loop3A_1361] {strides = array<i32>} : memref<15x8x256xf32, #tpu.memory_space<vmem>>, vector<16xf32>,
        tpu.vector_store %arg17[%parallel_loop3A_1359, %parallel_loop3A_1360, %parallel_loop3A_1361], %parallel_loop3A_1274 {strides = array<i32>} : memref<15x8x256xf32, #tpu.memory_space<vmem>>, vector<16xf32>,
        %parallel_loop3A_1363 = arith.constant 9 : i32
        %parallel_loop3A_1364 = arith.constant 6 : i32
        %parallel_loop3A_1365 = arith.index_cast %parallel_loop3A_1363 : i32 to index
        %parallel_loop3A_1366 = arith.index_cast %parallel_loop3A_1364 : i32 to index
        %parallel_loop3A_1367 = arith.index_cast %parallel_loop3A_173 : i32 to index
        %parallel_loop3A_1368 = tpu.vector_load %arg17[%parallel_loop3A_1365, %parallel_loop3A_1366, %parallel_loop3A_1367] {strides = array<i32>} : memref<15x8x256xf32, #tpu.memory_space<vmem>>, vector<16xf32>,
        tpu.vector_store %arg17[%parallel_loop3A_1365, %parallel_loop3A_1366, %parallel_loop3A_1367], %parallel_loop3A_1281 {strides = array<i32>} : memref<15x8x256xf32, #tpu.memory_space<vmem>>, vector<16xf32>,
        %parallel_loop3A_1369 = arith.constant 10 : i32
        %parallel_loop3A_1370 = arith.constant 6 : i32
        %parallel_loop3A_1371 = arith.index_cast %parallel_loop3A_1369 : i32 to index
        %parallel_loop3A_1372 = arith.index_cast %parallel_loop3A_1370 : i32 to index
        %parallel_loop3A_1373 = arith.index_cast %parallel_loop3A_173 : i32 to index
        %parallel_loop3A_1374 = tpu.vector_load %arg17[%parallel_loop3A_1371, %parallel_loop3A_1372, %parallel_loop3A_1373] {strides = array<i32>} : memref<15x8x256xf32, #tpu.memory_space<vmem>>, vector<16xf32>,
        tpu.vector_store %arg17[%parallel_loop3A_1371, %parallel_loop3A_1372, %parallel_loop3A_1373], %parallel_loop3A_1288 {strides = array<i32>} : memref<15x8x256xf32, #tpu.memory_space<vmem>>, vector<16xf32>,
        %parallel_loop3A_1375 = arith.constant 11 : i32
        %parallel_loop3A_1376 = arith.constant 6 : i32
        %parallel_loop3A_1377 = arith.index_cast %parallel_loop3A_1375 : i32 to index
        %parallel_loop3A_1378 = arith.index_cast %parallel_loop3A_1376 : i32 to index
        %parallel_loop3A_1379 = arith.index_cast %parallel_loop3A_173 : i32 to index
        %parallel_loop3A_1380 = tpu.vector_load %arg17[%parallel_loop3A_1377, %parallel_loop3A_1378, %parallel_loop3A_1379] {strides = array<i32>} : memref<15x8x256xf32, #tpu.memory_space<vmem>>, vector<16xf32>,
        tpu.vector_store %arg17[%parallel_loop3A_1377, %parallel_loop3A_1378, %parallel_loop3A_1379], %parallel_loop3A_1295 {strides = array<i32>} : memref<15x8x256xf32, #tpu.memory_space<vmem>>, vector<16xf32>,
        %parallel_loop3A_1381 = arith.constant 12 : i32
        %parallel_loop3A_1382 = arith.constant 6 : i32
        %parallel_loop3A_1383 = arith.index_cast %parallel_loop3A_1381 : i32 to index
        %parallel_loop3A_1384 = arith.index_cast %parallel_loop3A_1382 : i32 to index
        %parallel_loop3A_1385 = arith.index_cast %parallel_loop3A_173 : i32 to index
        %parallel_loop3A_1386 = tpu.vector_load %arg17[%parallel_loop3A_1383, %parallel_loop3A_1384, %parallel_loop3A_1385] {strides = array<i32>} : memref<15x8x256xf32, #tpu.memory_space<vmem>>, vector<16xf32>,
        tpu.vector_store %arg17[%parallel_loop3A_1383, %parallel_loop3A_1384, %parallel_loop3A_1385], %parallel_loop3A_1302 {strides = array<i32>} : memref<15x8x256xf32, #tpu.memory_space<vmem>>, vector<16xf32>,
        %parallel_loop3A_1387 = arith.constant 13 : i32
        %parallel_loop3A_1388 = arith.constant 6 : i32
        %parallel_loop3A_1389 = arith.index_cast %parallel_loop3A_1387 : i32 to index
        %parallel_loop3A_1390 = arith.index_cast %parallel_loop3A_1388 : i32 to index
        %parallel_loop3A_1391 = arith.index_cast %parallel_loop3A_173 : i32 to index
        %parallel_loop3A_1392 = tpu.vector_load %arg17[%parallel_loop3A_1389, %parallel_loop3A_1390, %parallel_loop3A_1391] {strides = array<i32>} : memref<15x8x256xf32, #tpu.memory_space<vmem>>, vector<16xf32>,
        tpu.vector_store %arg17[%parallel_loop3A_1389, %parallel_loop3A_1390, %parallel_loop3A_1391], %parallel_loop3A_1305 {strides = array<i32>} : memref<15x8x256xf32, #tpu.memory_space<vmem>>, vector<16xf32>,
        %parallel_loop3A_1393 = arith.constant 14 : i32
        %parallel_loop3A_1394 = arith.constant 6 : i32
        %parallel_loop3A_1395 = arith.index_cast %parallel_loop3A_1393 : i32 to index
        %parallel_loop3A_1396 = arith.index_cast %parallel_loop3A_1394 : i32 to index
        %parallel_loop3A_1397 = arith.index_cast %parallel_loop3A_173 : i32 to index
        %parallel_loop3A_1398 = tpu.vector_load %arg17[%parallel_loop3A_1395, %parallel_loop3A_1396, %parallel_loop3A_1397] {strides = array<i32>} : memref<15x8x256xf32, #tpu.memory_space<vmem>>, vector<16xf32>,
        tpu.vector_store %arg17[%parallel_loop3A_1395, %parallel_loop3A_1396, %parallel_loop3A_1397], %parallel_loop3A_1308 {strides = array<i32>} : memref<15x8x256xf32, #tpu.memory_space<vmem>>, vector<16xf32>,
        %parallel_loop3A_1399 = arith.constant 7 : i32
        %parallel_loop3A_1400 = arith.index_cast %parallel_loop3A_1399 : i32 to index
        %parallel_loop3A_1401 = arith.index_cast %parallel_loop3A_173 : i32 to index
        %parallel_loop3A_1402 = tpu.vector_load %arg9[%parallel_loop3A_1400, %parallel_loop3A_1401] {strides = array<i32>} : memref<8x256xi32, #tpu.memory_space<vmem>>, vector<16xi32>,
        %parallel_loop3A_1403 = arith.constant 7 : i32
        %parallel_loop3A_1404 = arith.index_cast %parallel_loop3A_1403 : i32 to index
        %parallel_loop3A_1405 = arith.index_cast %parallel_loop3A_173 : i32 to index
        %parallel_loop3A_1406 = tpu.vector_load %arg10[%parallel_loop3A_1404, %parallel_loop3A_1405] {strides = array<i32>} : memref<8x256xi32, #tpu.memory_space<vmem>>, vector<16xi32>,
        %parallel_loop3A_1407 = arith.constant 7 : i32
        %parallel_loop3A_1408 = arith.index_cast %parallel_loop3A_1407 : i32 to index
        %parallel_loop3A_1409 = arith.index_cast %parallel_loop3A_173 : i32 to index
        %parallel_loop3A_1410 = tpu.vector_load %arg11[%parallel_loop3A_1408, %parallel_loop3A_1409] {strides = array<i32>} : memref<8x256xi32, #tpu.memory_space<vmem>>, vector<16xi32>,
        %parallel_loop3A_1411 = arith.constant 7 : i32
        %parallel_loop3A_1412 = arith.index_cast %parallel_loop3A_1411 : i32 to index
        %parallel_loop3A_1413 = arith.index_cast %parallel_loop3A_173 : i32 to index
        %parallel_loop3A_1414 = tpu.vector_load %arg12[%parallel_loop3A_1412, %parallel_loop3A_1413] {strides = array<i32>} : memref<8x256xi32, #tpu.memory_space<vmem>>, vector<16xi32>,
        %parallel_loop3A_1415 = vector.shape_cast %parallel_loop3A_1402 : vector<16xi32> to vector<16x1xi32>
        %parallel_loop3A_1416 = vector.shape_cast %parallel_loop3A_1415 : vector<16x1xi32> to vector<16xi32>
        %parallel_loop3A_1417 = tpu.dynamic_gather %gather3A[%parallel_loop3A_1416] in [0] : vector<16xf32>, vector<16xi32> -> vector<16xf32>
        %parallel_loop3A_1418 = vector.shape_cast %parallel_loop3A_1402 : vector<16xi32> to vector<16x1xi32>
        %parallel_loop3A_1419 = vector.shape_cast %parallel_loop3A_1418 : vector<16x1xi32> to vector<16xi32>
        %parallel_loop3A_1420 = tpu.dynamic_gather %gather3A_15[%parallel_loop3A_1419] in [0] : vector<16xf32>, vector<16xi32> -> vector<16xf32>
        %parallel_loop3A_1421 = vector.shape_cast %parallel_loop3A_1402 : vector<16xi32> to vector<16x1xi32>
        %parallel_loop3A_1422 = vector.shape_cast %parallel_loop3A_1421 : vector<16x1xi32> to vector<16xi32>
        %parallel_loop3A_1423 = tpu.dynamic_gather %gather3A_22[%parallel_loop3A_1422] in [0] : vector<16xf32>, vector<16xi32> -> vector<16xf32>
        %parallel_loop3A_1424 = vector.shape_cast %parallel_loop3A_1402 : vector<16xi32> to vector<16x1xi32>
        %parallel_loop3A_1425 = vector.shape_cast %parallel_loop3A_1424 : vector<16x1xi32> to vector<16xi32>
        %parallel_loop3A_1426 = tpu.dynamic_gather %gather3A_29[%parallel_loop3A_1425] in [0] : vector<16xf32>, vector<16xi32> -> vector<16xf32>
        %parallel_loop3A_1427 = vector.shape_cast %parallel_loop3A_1406 : vector<16xi32> to vector<16x1xi32>
        %parallel_loop3A_1428 = vector.shape_cast %parallel_loop3A_1427 : vector<16x1xi32> to vector<16xi32>
        %parallel_loop3A_1429 = tpu.dynamic_gather %gather3A_36[%parallel_loop3A_1428] in [0] : vector<16xf32>, vector<16xi32> -> vector<16xf32>
        %parallel_loop3A_1430 = vector.shape_cast %parallel_loop3A_1406 : vector<16xi32> to vector<16x1xi32>
        %parallel_loop3A_1431 = vector.shape_cast %parallel_loop3A_1430 : vector<16x1xi32> to vector<16xi32>
        %parallel_loop3A_1432 = tpu.dynamic_gather %gather3A_43[%parallel_loop3A_1431] in [0] : vector<16xf32>, vector<16xi32> -> vector<16xf32>
        %parallel_loop3A_1433 = vector.shape_cast %parallel_loop3A_1406 : vector<16xi32> to vector<16x1xi32>
        %parallel_loop3A_1434 = vector.shape_cast %parallel_loop3A_1433 : vector<16x1xi32> to vector<16xi32>
        %parallel_loop3A_1435 = tpu.dynamic_gather %gather3A_50[%parallel_loop3A_1434] in [0] : vector<16xf32>, vector<16xi32> -> vector<16xf32>
        %parallel_loop3A_1436 = arith.constant 6 : i32
        %parallel_loop3A_1437 = vector.broadcast %parallel_loop3A_1436 : i32 to vector<16xi32>
        %parallel_loop3A_1438 = arith.muli %parallel_loop3A_1410, %parallel_loop3A_1437 : vector<16xi32>
        %parallel_loop3A_1439 = arith.constant 69 : i32
        %parallel_loop3A_1440 = vector.broadcast %parallel_loop3A_1439 : i32 to vector<16xi32>
        %parallel_loop3A_1441 = arith.addi %parallel_loop3A_1438, %parallel_loop3A_1440 : vector<16xi32>
        %parallel_loop3A_1442 = tpu.vector_load_idx %arg8[%parallel_loop3A_1441] : memref<416xf32, #tpu.memory_space<vmem>>[vector<16xi32>], vector<16xf32>,
        %parallel_loop3A_1443 = arith.constant 6 : i32
        %parallel_loop3A_1444 = vector.broadcast %parallel_loop3A_1443 : i32 to vector<16xi32>
        %parallel_loop3A_1445 = arith.muli %parallel_loop3A_1410, %parallel_loop3A_1444 : vector<16xi32>
        %parallel_loop3A_1446 = arith.constant 70 : i32
        %parallel_loop3A_1447 = vector.broadcast %parallel_loop3A_1446 : i32 to vector<16xi32>
        %parallel_loop3A_1448 = arith.addi %parallel_loop3A_1445, %parallel_loop3A_1447 : vector<16xi32>
        %parallel_loop3A_1449 = tpu.vector_load_idx %arg8[%parallel_loop3A_1448] : memref<416xf32, #tpu.memory_space<vmem>>[vector<16xi32>], vector<16xf32>,
        %parallel_loop3A_1450 = arith.constant 6 : i32
        %parallel_loop3A_1451 = vector.broadcast %parallel_loop3A_1450 : i32 to vector<16xi32>
        %parallel_loop3A_1452 = arith.muli %parallel_loop3A_1410, %parallel_loop3A_1451 : vector<16xi32>
        %parallel_loop3A_1453 = arith.constant 71 : i32
        %parallel_loop3A_1454 = vector.broadcast %parallel_loop3A_1453 : i32 to vector<16xi32>
        %parallel_loop3A_1455 = arith.addi %parallel_loop3A_1452, %parallel_loop3A_1454 : vector<16xi32>
        %parallel_loop3A_1456 = tpu.vector_load_idx %arg8[%parallel_loop3A_1455] : memref<416xf32, #tpu.memory_space<vmem>>[vector<16xi32>], vector<16xf32>,
        %parallel_loop3A_1457 = arith.constant 6 : i32
        %parallel_loop3A_1458 = vector.broadcast %parallel_loop3A_1457 : i32 to vector<16xi32>
        %parallel_loop3A_1459 = arith.muli %parallel_loop3A_1410, %parallel_loop3A_1458 : vector<16xi32>
        %parallel_loop3A_1460 = arith.constant 72 : i32
        %parallel_loop3A_1461 = vector.broadcast %parallel_loop3A_1460 : i32 to vector<16xi32>
        %parallel_loop3A_1462 = arith.addi %parallel_loop3A_1459, %parallel_loop3A_1461 : vector<16xi32>
        %parallel_loop3A_1463 = tpu.vector_load_idx %arg8[%parallel_loop3A_1462] : memref<416xf32, #tpu.memory_space<vmem>>[vector<16xi32>], vector<16xf32>,
        %parallel_loop3A_1464 = arith.constant 6 : i32
        %parallel_loop3A_1465 = vector.broadcast %parallel_loop3A_1464 : i32 to vector<16xi32>
        %parallel_loop3A_1466 = arith.muli %parallel_loop3A_1410, %parallel_loop3A_1465 : vector<16xi32>
        %parallel_loop3A_1467 = arith.constant 73 : i32
        %parallel_loop3A_1468 = vector.broadcast %parallel_loop3A_1467 : i32 to vector<16xi32>
        %parallel_loop3A_1469 = arith.addi %parallel_loop3A_1466, %parallel_loop3A_1468 : vector<16xi32>
        %parallel_loop3A_1470 = tpu.vector_load_idx %arg8[%parallel_loop3A_1469] : memref<416xf32, #tpu.memory_space<vmem>>[vector<16xi32>], vector<16xf32>,
        %parallel_loop3A_1471 = arith.constant 6 : i32
        %parallel_loop3A_1472 = vector.broadcast %parallel_loop3A_1471 : i32 to vector<16xi32>
        %parallel_loop3A_1473 = arith.muli %parallel_loop3A_1410, %parallel_loop3A_1472 : vector<16xi32>
        %parallel_loop3A_1474 = arith.constant 74 : i32
        %parallel_loop3A_1475 = vector.broadcast %parallel_loop3A_1474 : i32 to vector<16xi32>
        %parallel_loop3A_1476 = arith.addi %parallel_loop3A_1473, %parallel_loop3A_1475 : vector<16xi32>
        %parallel_loop3A_1477 = tpu.vector_load_idx %arg8[%parallel_loop3A_1476] : memref<416xf32, #tpu.memory_space<vmem>>[vector<16xi32>], vector<16xf32>,
        %parallel_loop3A_1478 = vector.shape_cast %parallel_loop3A_1414 : vector<16xi32> to vector<16x1xi32>
        %parallel_loop3A_1479 = vector.shape_cast %parallel_loop3A_1478 : vector<16x1xi32> to vector<16xi32>
        %parallel_loop3A_1480 = tpu.dynamic_gather %gather3A_57[%parallel_loop3A_1479] in [0] : vector<16xf32>, vector<16xi32> -> vector<16xf32>
        %parallel_loop3A_1481 = vector.shape_cast %parallel_loop3A_1414 : vector<16xi32> to vector<16x1xi32>
        %parallel_loop3A_1482 = vector.shape_cast %parallel_loop3A_1481 : vector<16x1xi32> to vector<16xi32>
        %parallel_loop3A_1483 = tpu.dynamic_gather %gather3A_64[%parallel_loop3A_1482] in [0] : vector<16xf32>, vector<16xi32> -> vector<16xf32>
        %parallel_loop3A_1484 = arith.constant 0 : i32
        %parallel_loop3A_1485 = arith.constant 7 : i32
        %parallel_loop3A_1486 = arith.index_cast %parallel_loop3A_1484 : i32 to index
        %parallel_loop3A_1487 = arith.index_cast %parallel_loop3A_1485 : i32 to index
        %parallel_loop3A_1488 = arith.index_cast %parallel_loop3A_173 : i32 to index
        %parallel_loop3A_1489 = tpu.vector_load %arg17[%parallel_loop3A_1486, %parallel_loop3A_1487, %parallel_loop3A_1488] {strides = array<i32>} : memref<15x8x256xf32, #tpu.memory_space<vmem>>, vector<16xf32>,
        tpu.vector_store %arg17[%parallel_loop3A_1486, %parallel_loop3A_1487, %parallel_loop3A_1488], %parallel_loop3A_1417 {strides = array<i32>} : memref<15x8x256xf32, #tpu.memory_space<vmem>>, vector<16xf32>,
        %parallel_loop3A_1490 = arith.constant 1 : i32
        %parallel_loop3A_1491 = arith.constant 7 : i32
        %parallel_loop3A_1492 = arith.index_cast %parallel_loop3A_1490 : i32 to index
        %parallel_loop3A_1493 = arith.index_cast %parallel_loop3A_1491 : i32 to index
        %parallel_loop3A_1494 = arith.index_cast %parallel_loop3A_173 : i32 to index
        %parallel_loop3A_1495 = tpu.vector_load %arg17[%parallel_loop3A_1492, %parallel_loop3A_1493, %parallel_loop3A_1494] {strides = array<i32>} : memref<15x8x256xf32, #tpu.memory_space<vmem>>, vector<16xf32>,
        tpu.vector_store %arg17[%parallel_loop3A_1492, %parallel_loop3A_1493, %parallel_loop3A_1494], %parallel_loop3A_1420 {strides = array<i32>} : memref<15x8x256xf32, #tpu.memory_space<vmem>>, vector<16xf32>,
        %parallel_loop3A_1496 = arith.constant 2 : i32
        %parallel_loop3A_1497 = arith.constant 7 : i32
        %parallel_loop3A_1498 = arith.index_cast %parallel_loop3A_1496 : i32 to index
        %parallel_loop3A_1499 = arith.index_cast %parallel_loop3A_1497 : i32 to index
        %parallel_loop3A_1500 = arith.index_cast %parallel_loop3A_173 : i32 to index
        %parallel_loop3A_1501 = tpu.vector_load %arg17[%parallel_loop3A_1498, %parallel_loop3A_1499, %parallel_loop3A_1500] {strides = array<i32>} : memref<15x8x256xf32, #tpu.memory_space<vmem>>, vector<16xf32>,
        tpu.vector_store %arg17[%parallel_loop3A_1498, %parallel_loop3A_1499, %parallel_loop3A_1500], %parallel_loop3A_1423 {strides = array<i32>} : memref<15x8x256xf32, #tpu.memory_space<vmem>>, vector<16xf32>,
        %parallel_loop3A_1502 = arith.constant 3 : i32
        %parallel_loop3A_1503 = arith.constant 7 : i32
        %parallel_loop3A_1504 = arith.index_cast %parallel_loop3A_1502 : i32 to index
        %parallel_loop3A_1505 = arith.index_cast %parallel_loop3A_1503 : i32 to index
        %parallel_loop3A_1506 = arith.index_cast %parallel_loop3A_173 : i32 to index
        %parallel_loop3A_1507 = tpu.vector_load %arg17[%parallel_loop3A_1504, %parallel_loop3A_1505, %parallel_loop3A_1506] {strides = array<i32>} : memref<15x8x256xf32, #tpu.memory_space<vmem>>, vector<16xf32>,
        tpu.vector_store %arg17[%parallel_loop3A_1504, %parallel_loop3A_1505, %parallel_loop3A_1506], %parallel_loop3A_1426 {strides = array<i32>} : memref<15x8x256xf32, #tpu.memory_space<vmem>>, vector<16xf32>,
        %parallel_loop3A_1508 = arith.constant 4 : i32
        %parallel_loop3A_1509 = arith.constant 7 : i32
        %parallel_loop3A_1510 = arith.index_cast %parallel_loop3A_1508 : i32 to index
        %parallel_loop3A_1511 = arith.index_cast %parallel_loop3A_1509 : i32 to index
        %parallel_loop3A_1512 = arith.index_cast %parallel_loop3A_173 : i32 to index
        %parallel_loop3A_1513 = tpu.vector_load %arg17[%parallel_loop3A_1510, %parallel_loop3A_1511, %parallel_loop3A_1512] {strides = array<i32>} : memref<15x8x256xf32, #tpu.memory_space<vmem>>, vector<16xf32>,
        tpu.vector_store %arg17[%parallel_loop3A_1510, %parallel_loop3A_1511, %parallel_loop3A_1512], %parallel_loop3A_1429 {strides = array<i32>} : memref<15x8x256xf32, #tpu.memory_space<vmem>>, vector<16xf32>,
        %parallel_loop3A_1514 = arith.constant 5 : i32
        %parallel_loop3A_1515 = arith.constant 7 : i32
        %parallel_loop3A_1516 = arith.index_cast %parallel_loop3A_1514 : i32 to index
        %parallel_loop3A_1517 = arith.index_cast %parallel_loop3A_1515 : i32 to index
        %parallel_loop3A_1518 = arith.index_cast %parallel_loop3A_173 : i32 to index
        %parallel_loop3A_1519 = tpu.vector_load %arg17[%parallel_loop3A_1516, %parallel_loop3A_1517, %parallel_loop3A_1518] {strides = array<i32>} : memref<15x8x256xf32, #tpu.memory_space<vmem>>, vector<16xf32>,
        tpu.vector_store %arg17[%parallel_loop3A_1516, %parallel_loop3A_1517, %parallel_loop3A_1518], %parallel_loop3A_1432 {strides = array<i32>} : memref<15x8x256xf32, #tpu.memory_space<vmem>>, vector<16xf32>,
        %parallel_loop3A_1520 = arith.constant 6 : i32
        %parallel_loop3A_1521 = arith.constant 7 : i32
        %parallel_loop3A_1522 = arith.index_cast %parallel_loop3A_1520 : i32 to index
        %parallel_loop3A_1523 = arith.index_cast %parallel_loop3A_1521 : i32 to index
        %parallel_loop3A_1524 = arith.index_cast %parallel_loop3A_173 : i32 to index
        %parallel_loop3A_1525 = tpu.vector_load %arg17[%parallel_loop3A_1522, %parallel_loop3A_1523, %parallel_loop3A_1524] {strides = array<i32>} : memref<15x8x256xf32, #tpu.memory_space<vmem>>, vector<16xf32>,
        tpu.vector_store %arg17[%parallel_loop3A_1522, %parallel_loop3A_1523, %parallel_loop3A_1524], %parallel_loop3A_1435 {strides = array<i32>} : memref<15x8x256xf32, #tpu.memory_space<vmem>>, vector<16xf32>,
        %parallel_loop3A_1526 = arith.constant 7 : i32
        %parallel_loop3A_1527 = arith.constant 7 : i32
        %parallel_loop3A_1528 = arith.index_cast %parallel_loop3A_1526 : i32 to index
        %parallel_loop3A_1529 = arith.index_cast %parallel_loop3A_1527 : i32 to index
        %parallel_loop3A_1530 = arith.index_cast %parallel_loop3A_173 : i32 to index
        %parallel_loop3A_1531 = tpu.vector_load %arg17[%parallel_loop3A_1528, %parallel_loop3A_1529, %parallel_loop3A_1530] {strides = array<i32>} : memref<15x8x256xf32, #tpu.memory_space<vmem>>, vector<16xf32>,
        tpu.vector_store %arg17[%parallel_loop3A_1528, %parallel_loop3A_1529, %parallel_loop3A_1530], %parallel_loop3A_1442 {strides = array<i32>} : memref<15x8x256xf32, #tpu.memory_space<vmem>>, vector<16xf32>,
        %parallel_loop3A_1532 = arith.constant 8 : i32
        %parallel_loop3A_1533 = arith.constant 7 : i32
        %parallel_loop3A_1534 = arith.index_cast %parallel_loop3A_1532 : i32 to index
        %parallel_loop3A_1535 = arith.index_cast %parallel_loop3A_1533 : i32 to index
        %parallel_loop3A_1536 = arith.index_cast %parallel_loop3A_173 : i32 to index
        %parallel_loop3A_1537 = tpu.vector_load %arg17[%parallel_loop3A_1534, %parallel_loop3A_1535, %parallel_loop3A_1536] {strides = array<i32>} : memref<15x8x256xf32, #tpu.memory_space<vmem>>, vector<16xf32>,
        tpu.vector_store %arg17[%parallel_loop3A_1534, %parallel_loop3A_1535, %parallel_loop3A_1536], %parallel_loop3A_1449 {strides = array<i32>} : memref<15x8x256xf32, #tpu.memory_space<vmem>>, vector<16xf32>,
        %parallel_loop3A_1538 = arith.constant 9 : i32
        %parallel_loop3A_1539 = arith.constant 7 : i32
        %parallel_loop3A_1540 = arith.index_cast %parallel_loop3A_1538 : i32 to index
        %parallel_loop3A_1541 = arith.index_cast %parallel_loop3A_1539 : i32 to index
        %parallel_loop3A_1542 = arith.index_cast %parallel_loop3A_173 : i32 to index
        %parallel_loop3A_1543 = tpu.vector_load %arg17[%parallel_loop3A_1540, %parallel_loop3A_1541, %parallel_loop3A_1542] {strides = array<i32>} : memref<15x8x256xf32, #tpu.memory_space<vmem>>, vector<16xf32>,
        tpu.vector_store %arg17[%parallel_loop3A_1540, %parallel_loop3A_1541, %parallel_loop3A_1542], %parallel_loop3A_1456 {strides = array<i32>} : memref<15x8x256xf32, #tpu.memory_space<vmem>>, vector<16xf32>,
        %parallel_loop3A_1544 = arith.constant 10 : i32
        %parallel_loop3A_1545 = arith.constant 7 : i32
        %parallel_loop3A_1546 = arith.index_cast %parallel_loop3A_1544 : i32 to index
        %parallel_loop3A_1547 = arith.index_cast %parallel_loop3A_1545 : i32 to index
        %parallel_loop3A_1548 = arith.index_cast %parallel_loop3A_173 : i32 to index
        %parallel_loop3A_1549 = tpu.vector_load %arg17[%parallel_loop3A_1546, %parallel_loop3A_1547, %parallel_loop3A_1548] {strides = array<i32>} : memref<15x8x256xf32, #tpu.memory_space<vmem>>, vector<16xf32>,
        tpu.vector_store %arg17[%parallel_loop3A_1546, %parallel_loop3A_1547, %parallel_loop3A_1548], %parallel_loop3A_1463 {strides = array<i32>} : memref<15x8x256xf32, #tpu.memory_space<vmem>>, vector<16xf32>,
        %parallel_loop3A_1550 = arith.constant 11 : i32
        %parallel_loop3A_1551 = arith.constant 7 : i32
        %parallel_loop3A_1552 = arith.index_cast %parallel_loop3A_1550 : i32 to index
        %parallel_loop3A_1553 = arith.index_cast %parallel_loop3A_1551 : i32 to index
        %parallel_loop3A_1554 = arith.index_cast %parallel_loop3A_173 : i32 to index
        %parallel_loop3A_1555 = tpu.vector_load %arg17[%parallel_loop3A_1552, %parallel_loop3A_1553, %parallel_loop3A_1554] {strides = array<i32>} : memref<15x8x256xf32, #tpu.memory_space<vmem>>, vector<16xf32>,
        tpu.vector_store %arg17[%parallel_loop3A_1552, %parallel_loop3A_1553, %parallel_loop3A_1554], %parallel_loop3A_1470 {strides = array<i32>} : memref<15x8x256xf32, #tpu.memory_space<vmem>>, vector<16xf32>,
        %parallel_loop3A_1556 = arith.constant 12 : i32
        %parallel_loop3A_1557 = arith.constant 7 : i32
        %parallel_loop3A_1558 = arith.index_cast %parallel_loop3A_1556 : i32 to index
        %parallel_loop3A_1559 = arith.index_cast %parallel_loop3A_1557 : i32 to index
        %parallel_loop3A_1560 = arith.index_cast %parallel_loop3A_173 : i32 to index
        %parallel_loop3A_1561 = tpu.vector_load %arg17[%parallel_loop3A_1558, %parallel_loop3A_1559, %parallel_loop3A_1560] {strides = array<i32>} : memref<15x8x256xf32, #tpu.memory_space<vmem>>, vector<16xf32>,
        tpu.vector_store %arg17[%parallel_loop3A_1558, %parallel_loop3A_1559, %parallel_loop3A_1560], %parallel_loop3A_1477 {strides = array<i32>} : memref<15x8x256xf32, #tpu.memory_space<vmem>>, vector<16xf32>,
        %parallel_loop3A_1562 = arith.constant 13 : i32
        %parallel_loop3A_1563 = arith.constant 7 : i32
        %parallel_loop3A_1564 = arith.index_cast %parallel_loop3A_1562 : i32 to index
        %parallel_loop3A_1565 = arith.index_cast %parallel_loop3A_1563 : i32 to index
        %parallel_loop3A_1566 = arith.index_cast %parallel_loop3A_173 : i32 to index
        %parallel_loop3A_1567 = tpu.vector_load %arg17[%parallel_loop3A_1564, %parallel_loop3A_1565, %parallel_loop3A_1566] {strides = array<i32>} : memref<15x8x256xf32, #tpu.memory_space<vmem>>, vector<16xf32>,
        tpu.vector_store %arg17[%parallel_loop3A_1564, %parallel_loop3A_1565, %parallel_loop3A_1566], %parallel_loop3A_1480 {strides = array<i32>} : memref<15x8x256xf32, #tpu.memory_space<vmem>>, vector<16xf32>,
        %parallel_loop3A_1568 = arith.constant 14 : i32
        %parallel_loop3A_1569 = arith.constant 7 : i32
        %parallel_loop3A_1570 = arith.index_cast %parallel_loop3A_1568 : i32 to index
        %parallel_loop3A_1571 = arith.index_cast %parallel_loop3A_1569 : i32 to index
        %parallel_loop3A_1572 = arith.index_cast %parallel_loop3A_173 : i32 to index
        %parallel_loop3A_1573 = tpu.vector_load %arg17[%parallel_loop3A_1570, %parallel_loop3A_1571, %parallel_loop3A_1572] {strides = array<i32>} : memref<15x8x256xf32, #tpu.memory_space<vmem>>, vector<16xf32>,
        tpu.vector_store %arg17[%parallel_loop3A_1570, %parallel_loop3A_1571, %parallel_loop3A_1572], %parallel_loop3A_1483 {strides = array<i32>} : memref<15x8x256xf32, #tpu.memory_space<vmem>>, vector<16xf32>,
      } {sc.loop_unroll_factor = 1 : i64, sc.parallel_access}
      %mul3A_131 = arith.constant 8 : i32
      %mul3A_132 = arith.muli %scan3A_102, %mul3A_131 : i32
      %add3A_133 = arith.constant 0 : i32
      %add3A_134 = arith.addi %mul3A_2, %add3A_133 : i32
      %dma_start3A_135 = arith.constant 0 : i32
      %dma_start3A_136 = tpu.memref_slice %arg7[%dma_start3A_135, %mul3A_132, %add3A_134] : memref<15x200x16384xf32, #tpu.memory_space<hbm>> -> memref<15x8x256xf32, #tpu.memory_space<hbm>>
      %dma_start3A_137 = arith.constant 0 : i32
      %dma_start3A_138 = tpu.memref_slice %arg7[%dma_start3A_137, %mul3A_132, %add3A_134] : memref<15x200x16384xf32, #tpu.memory_space<hbm>> -> memref<15x8x256xf32, #tpu.memory_space<hbm>>
      tpu.enqueue_dma source(%arg17 : memref<15x8x256xf32, #tpu.memory_space<vmem>>) target(%dma_start3A_138 : memref<15x8x256xf32, #tpu.memory_space<hbm>>) target_semaphore(%arg21 : memref<!tpu.dma_semaphore, #tpu.memory_space<semaphore_mem>>)
      %add3A_139 = arith.constant 1 : i32
      %add3A_140 = arith.addi %scan3A_102, %add3A_139 : i32
      %lt3A = arith.constant 25 : i32
      %lt3A_141 = arith.cmpi slt, %add3A_140, %lt3A : i32
      %convert_element_type3A_142 = arith.extui %lt3A_141 : i1 to i32
      %cond3A_143 = arith.constant 0 : i32
      %cond3A_144 = arith.cmpi ne, %convert_element_type3A_142, %cond3A_143 : i32
      scf.if %cond3A_144 {
        %add3A_173 = arith.constant 1 : i32
        %add3A_174 = arith.addi %scan3A_102, %add3A_173 : i32
        %mul3A_175 = arith.constant 8 : i32
        %mul3A_176 = arith.muli %add3A_174, %mul3A_175 : i32
        %add3A_177 = arith.constant 0 : i32
        %add3A_178 = arith.addi %mul3A_2, %add3A_177 : i32
        %dma_start3A_179 = tpu.memref_slice %arg2[%mul3A_176, %add3A_178] : memref<200x16384xi32, #tpu.memory_space<hbm>> -> memref<8x256xi32, #tpu.memory_space<hbm>>
        %dma_start3A_180 = tpu.memref_slice %arg2[%mul3A_176, %add3A_178] : memref<200x16384xi32, #tpu.memory_space<hbm>> -> memref<8x256xi32, #tpu.memory_space<hbm>>
        tpu.enqueue_dma source(%dma_start3A_180 : memref<8x256xi32, #tpu.memory_space<hbm>>) target(%arg9 : memref<8x256xi32, #tpu.memory_space<vmem>>) target_semaphore(%arg19 : memref<!tpu.dma_semaphore, #tpu.memory_space<semaphore_mem>>)
        %dma_start3A_181 = tpu.memref_slice %arg3[%mul3A_176, %add3A_178] : memref<200x16384xi32, #tpu.memory_space<hbm>> -> memref<8x256xi32, #tpu.memory_space<hbm>>
        %dma_start3A_182 = tpu.memref_slice %arg3[%mul3A_176, %add3A_178] : memref<200x16384xi32, #tpu.memory_space<hbm>> -> memref<8x256xi32, #tpu.memory_space<hbm>>
        tpu.enqueue_dma source(%dma_start3A_182 : memref<8x256xi32, #tpu.memory_space<hbm>>) target(%arg10 : memref<8x256xi32, #tpu.memory_space<vmem>>) target_semaphore(%arg19 : memref<!tpu.dma_semaphore, #tpu.memory_space<semaphore_mem>>)
        %dma_start3A_183 = tpu.memref_slice %arg4[%mul3A_176, %add3A_178] : memref<200x16384xi32, #tpu.memory_space<hbm>> -> memref<8x256xi32, #tpu.memory_space<hbm>>
        %dma_start3A_184 = tpu.memref_slice %arg4[%mul3A_176, %add3A_178] : memref<200x16384xi32, #tpu.memory_space<hbm>> -> memref<8x256xi32, #tpu.memory_space<hbm>>
        tpu.enqueue_dma source(%dma_start3A_184 : memref<8x256xi32, #tpu.memory_space<hbm>>) target(%arg11 : memref<8x256xi32, #tpu.memory_space<vmem>>) target_semaphore(%arg19 : memref<!tpu.dma_semaphore, #tpu.memory_space<semaphore_mem>>)
        %dma_start3A_185 = tpu.memref_slice %arg5[%mul3A_176, %add3A_178] : memref<200x16384xi32, #tpu.memory_space<hbm>> -> memref<8x256xi32, #tpu.memory_space<hbm>>
        %dma_start3A_186 = tpu.memref_slice %arg5[%mul3A_176, %add3A_178] : memref<200x16384xi32, #tpu.memory_space<hbm>> -> memref<8x256xi32, #tpu.memory_space<hbm>>
        tpu.enqueue_dma source(%dma_start3A_186 : memref<8x256xi32, #tpu.memory_space<hbm>>) target(%arg12 : memref<8x256xi32, #tpu.memory_space<vmem>>) target_semaphore(%arg19 : memref<!tpu.dma_semaphore, #tpu.memory_space<semaphore_mem>>)
      } else {
      }
      %mul3A_145 = arith.constant 8 : i32
      %mul3A_146 = arith.muli %scan3A_102, %mul3A_145 : i32
      %add3A_147 = arith.constant 256 : i32
      %add3A_148 = arith.addi %mul3A_2, %add3A_147 : i32
      %dma_wait3A_149 = tpu.memref_slice %arg2[%mul3A_146, %add3A_148] : memref<200x16384xi32, #tpu.memory_space<hbm>> -> memref<8x256xi32, #tpu.memory_space<hbm>>
      %dma_wait3A_150 = tpu.memref_slice %arg2[%mul3A_146, %add3A_148] : memref<200x16384xi32, #tpu.memory_space<hbm>> -> memref<8x256xi32, #tpu.memory_space<hbm>>
      tpu.wait_dma2 semaphore(%arg20 : memref<!tpu.dma_semaphore, #tpu.memory_space<semaphore_mem>>) src(%dma_wait3A_150 : memref<8x256xi32, #tpu.memory_space<hbm>>) dst(%arg13 : memref<8x256xi32, #tpu.memory_space<vmem>>)
      %dma_wait3A_151 = tpu.memref_slice %arg3[%mul3A_146, %add3A_148] : memref<200x16384xi32, #tpu.memory_space<hbm>> -> memref<8x256xi32, #tpu.memory_space<hbm>>
      %dma_wait3A_152 = tpu.memref_slice %arg3[%mul3A_146, %add3A_148] : memref<200x16384xi32, #tpu.memory_space<hbm>> -> memref<8x256xi32, #tpu.memory_space<hbm>>
      tpu.wait_dma2 semaphore(%arg20 : memref<!tpu.dma_semaphore, #tpu.memory_space<semaphore_mem>>) src(%dma_wait3A_152 : memref<8x256xi32, #tpu.memory_space<hbm>>) dst(%arg14 : memref<8x256xi32, #tpu.memory_space<vmem>>)
      %dma_wait3A_153 = tpu.memref_slice %arg4[%mul3A_146, %add3A_148] : memref<200x16384xi32, #tpu.memory_space<hbm>> -> memref<8x256xi32, #tpu.memory_space<hbm>>
      %dma_wait3A_154 = tpu.memref_slice %arg4[%mul3A_146, %add3A_148] : memref<200x16384xi32, #tpu.memory_space<hbm>> -> memref<8x256xi32, #tpu.memory_space<hbm>>
      tpu.wait_dma2 semaphore(%arg20 : memref<!tpu.dma_semaphore, #tpu.memory_space<semaphore_mem>>) src(%dma_wait3A_154 : memref<8x256xi32, #tpu.memory_space<hbm>>) dst(%arg15 : memref<8x256xi32, #tpu.memory_space<vmem>>)
      %dma_wait3A_155 = tpu.memref_slice %arg5[%mul3A_146, %add3A_148] : memref<200x16384xi32, #tpu.memory_space<hbm>> -> memref<8x256xi32, #tpu.memory_space<hbm>>
      %dma_wait3A_156 = tpu.memref_slice %arg5[%mul3A_146, %add3A_148] : memref<200x16384xi32, #tpu.memory_space<hbm>> -> memref<8x256xi32, #tpu.memory_space<hbm>>
      tpu.wait_dma2 semaphore(%arg20 : memref<!tpu.dma_semaphore, #tpu.memory_space<semaphore_mem>>) src(%dma_wait3A_156 : memref<8x256xi32, #tpu.memory_space<hbm>>) dst(%arg16 : memref<8x256xi32, #tpu.memory_space<vmem>>)
      %gt3A_157 = arith.constant 0 : i32
      %gt3A_158 = arith.cmpi sgt, %scan3A_102, %gt3A_157 : i32
      %convert_element_type3A_159 = arith.extui %gt3A_158 : i1 to i32
      %cond3A_160 = arith.constant 0 : i32
      %cond3A_161 = arith.cmpi ne, %convert_element_type3A_159, %cond3A_160 : i32
      scf.if %cond3A_161 {
        %mul3A_173 = arith.constant 8 : i32
        %mul3A_174 = arith.muli %scan3A_102, %mul3A_173 : i32
        %add3A_175 = arith.constant 256 : i32
        %add3A_176 = arith.addi %mul3A_2, %add3A_175 : i32
        %dma_wait3A_177 = arith.constant 0 : i32
        %dma_wait3A_178 = tpu.memref_slice %arg7[%dma_wait3A_177, %mul3A_174, %add3A_176] : memref<15x200x16384xf32, #tpu.memory_space<hbm>> -> memref<15x8x256xf32, #tpu.memory_space<hbm>>
        %dma_wait3A_179 = arith.constant 0 : i32
        %dma_wait3A_180 = tpu.memref_slice %arg7[%dma_wait3A_179, %mul3A_174, %add3A_176] : memref<15x200x16384xf32, #tpu.memory_space<hbm>> -> memref<15x8x256xf32, #tpu.memory_space<hbm>>
        tpu.wait_dma2 semaphore(%arg22 : memref<!tpu.dma_semaphore, #tpu.memory_space<semaphore_mem>>) src(%arg18 : memref<15x8x256xf32, #tpu.memory_space<vmem>>) dst(%dma_wait3A_180 : memref<15x8x256xf32, #tpu.memory_space<hbm>>)
      } else {
      }
      %parallel_loop3A_162 = arith.constant 0 : i32
      %parallel_loop3A_163 = arith.constant 256 : i32
      %parallel_loop3A_164 = arith.constant 16 : i32
      scf.for %parallel_loop3A_173 = %parallel_loop3A_162 to %parallel_loop3A_163 step %parallel_loop3A_164  : i32 {
        %parallel_loop3A_174 = arith.constant 0 : i32
        %parallel_loop3A_175 = arith.index_cast %parallel_loop3A_174 : i32 to index
        %parallel_loop3A_176 = arith.index_cast %parallel_loop3A_173 : i32 to index
        %parallel_loop3A_177 = tpu.vector_load %arg13[%parallel_loop3A_175, %parallel_loop3A_176] {strides = array<i32>} : memref<8x256xi32, #tpu.memory_space<vmem>>, vector<16xi32>,
        %parallel_loop3A_178 = arith.constant 0 : i32
        %parallel_loop3A_179 = arith.index_cast %parallel_loop3A_178 : i32 to index
        %parallel_loop3A_180 = arith.index_cast %parallel_loop3A_173 : i32 to index
        %parallel_loop3A_181 = tpu.vector_load %arg14[%parallel_loop3A_179, %parallel_loop3A_180] {strides = array<i32>} : memref<8x256xi32, #tpu.memory_space<vmem>>, vector<16xi32>,
        %parallel_loop3A_182 = arith.constant 0 : i32
        %parallel_loop3A_183 = arith.index_cast %parallel_loop3A_182 : i32 to index
        %parallel_loop3A_184 = arith.index_cast %parallel_loop3A_173 : i32 to index
        %parallel_loop3A_185 = tpu.vector_load %arg15[%parallel_loop3A_183, %parallel_loop3A_184] {strides = array<i32>} : memref<8x256xi32, #tpu.memory_space<vmem>>, vector<16xi32>,
        %parallel_loop3A_186 = arith.constant 0 : i32
        %parallel_loop3A_187 = arith.index_cast %parallel_loop3A_186 : i32 to index
        %parallel_loop3A_188 = arith.index_cast %parallel_loop3A_173 : i32 to index
        %parallel_loop3A_189 = tpu.vector_load %arg16[%parallel_loop3A_187, %parallel_loop3A_188] {strides = array<i32>} : memref<8x256xi32, #tpu.memory_space<vmem>>, vector<16xi32>,
        %parallel_loop3A_190 = vector.shape_cast %parallel_loop3A_177 : vector<16xi32> to vector<16x1xi32>
        %parallel_loop3A_191 = vector.shape_cast %parallel_loop3A_190 : vector<16x1xi32> to vector<16xi32>
        %parallel_loop3A_192 = tpu.dynamic_gather %gather3A[%parallel_loop3A_191] in [0] : vector<16xf32>, vector<16xi32> -> vector<16xf32>
        %parallel_loop3A_193 = vector.shape_cast %parallel_loop3A_177 : vector<16xi32> to vector<16x1xi32>
        %parallel_loop3A_194 = vector.shape_cast %parallel_loop3A_193 : vector<16x1xi32> to vector<16xi32>
        %parallel_loop3A_195 = tpu.dynamic_gather %gather3A_15[%parallel_loop3A_194] in [0] : vector<16xf32>, vector<16xi32> -> vector<16xf32>
        %parallel_loop3A_196 = vector.shape_cast %parallel_loop3A_177 : vector<16xi32> to vector<16x1xi32>
        %parallel_loop3A_197 = vector.shape_cast %parallel_loop3A_196 : vector<16x1xi32> to vector<16xi32>
        %parallel_loop3A_198 = tpu.dynamic_gather %gather3A_22[%parallel_loop3A_197] in [0] : vector<16xf32>, vector<16xi32> -> vector<16xf32>
        %parallel_loop3A_199 = vector.shape_cast %parallel_loop3A_177 : vector<16xi32> to vector<16x1xi32>
        %parallel_loop3A_200 = vector.shape_cast %parallel_loop3A_199 : vector<16x1xi32> to vector<16xi32>
        %parallel_loop3A_201 = tpu.dynamic_gather %gather3A_29[%parallel_loop3A_200] in [0] : vector<16xf32>, vector<16xi32> -> vector<16xf32>
        %parallel_loop3A_202 = vector.shape_cast %parallel_loop3A_181 : vector<16xi32> to vector<16x1xi32>
        %parallel_loop3A_203 = vector.shape_cast %parallel_loop3A_202 : vector<16x1xi32> to vector<16xi32>
        %parallel_loop3A_204 = tpu.dynamic_gather %gather3A_36[%parallel_loop3A_203] in [0] : vector<16xf32>, vector<16xi32> -> vector<16xf32>
        %parallel_loop3A_205 = vector.shape_cast %parallel_loop3A_181 : vector<16xi32> to vector<16x1xi32>
        %parallel_loop3A_206 = vector.shape_cast %parallel_loop3A_205 : vector<16x1xi32> to vector<16xi32>
        %parallel_loop3A_207 = tpu.dynamic_gather %gather3A_43[%parallel_loop3A_206] in [0] : vector<16xf32>, vector<16xi32> -> vector<16xf32>
        %parallel_loop3A_208 = vector.shape_cast %parallel_loop3A_181 : vector<16xi32> to vector<16x1xi32>
        %parallel_loop3A_209 = vector.shape_cast %parallel_loop3A_208 : vector<16x1xi32> to vector<16xi32>
        %parallel_loop3A_210 = tpu.dynamic_gather %gather3A_50[%parallel_loop3A_209] in [0] : vector<16xf32>, vector<16xi32> -> vector<16xf32>
        %parallel_loop3A_211 = arith.constant 6 : i32
        %parallel_loop3A_212 = vector.broadcast %parallel_loop3A_211 : i32 to vector<16xi32>
        %parallel_loop3A_213 = arith.muli %parallel_loop3A_185, %parallel_loop3A_212 : vector<16xi32>
        %parallel_loop3A_214 = arith.constant 69 : i32
        %parallel_loop3A_215 = vector.broadcast %parallel_loop3A_214 : i32 to vector<16xi32>
        %parallel_loop3A_216 = arith.addi %parallel_loop3A_213, %parallel_loop3A_215 : vector<16xi32>
        %parallel_loop3A_217 = tpu.vector_load_idx %arg8[%parallel_loop3A_216] : memref<416xf32, #tpu.memory_space<vmem>>[vector<16xi32>], vector<16xf32>,
        %parallel_loop3A_218 = arith.constant 6 : i32
        %parallel_loop3A_219 = vector.broadcast %parallel_loop3A_218 : i32 to vector<16xi32>
        %parallel_loop3A_220 = arith.muli %parallel_loop3A_185, %parallel_loop3A_219 : vector<16xi32>
        %parallel_loop3A_221 = arith.constant 70 : i32
        %parallel_loop3A_222 = vector.broadcast %parallel_loop3A_221 : i32 to vector<16xi32>
        %parallel_loop3A_223 = arith.addi %parallel_loop3A_220, %parallel_loop3A_222 : vector<16xi32>
        %parallel_loop3A_224 = tpu.vector_load_idx %arg8[%parallel_loop3A_223] : memref<416xf32, #tpu.memory_space<vmem>>[vector<16xi32>], vector<16xf32>,
        %parallel_loop3A_225 = arith.constant 6 : i32
        %parallel_loop3A_226 = vector.broadcast %parallel_loop3A_225 : i32 to vector<16xi32>
        %parallel_loop3A_227 = arith.muli %parallel_loop3A_185, %parallel_loop3A_226 : vector<16xi32>
        %parallel_loop3A_228 = arith.constant 71 : i32
        %parallel_loop3A_229 = vector.broadcast %parallel_loop3A_228 : i32 to vector<16xi32>
        %parallel_loop3A_230 = arith.addi %parallel_loop3A_227, %parallel_loop3A_229 : vector<16xi32>
        %parallel_loop3A_231 = tpu.vector_load_idx %arg8[%parallel_loop3A_230] : memref<416xf32, #tpu.memory_space<vmem>>[vector<16xi32>], vector<16xf32>,
        %parallel_loop3A_232 = arith.constant 6 : i32
        %parallel_loop3A_233 = vector.broadcast %parallel_loop3A_232 : i32 to vector<16xi32>
        %parallel_loop3A_234 = arith.muli %parallel_loop3A_185, %parallel_loop3A_233 : vector<16xi32>
        %parallel_loop3A_235 = arith.constant 72 : i32
        %parallel_loop3A_236 = vector.broadcast %parallel_loop3A_235 : i32 to vector<16xi32>
        %parallel_loop3A_237 = arith.addi %parallel_loop3A_234, %parallel_loop3A_236 : vector<16xi32>
        %parallel_loop3A_238 = tpu.vector_load_idx %arg8[%parallel_loop3A_237] : memref<416xf32, #tpu.memory_space<vmem>>[vector<16xi32>], vector<16xf32>,
        %parallel_loop3A_239 = arith.constant 6 : i32
        %parallel_loop3A_240 = vector.broadcast %parallel_loop3A_239 : i32 to vector<16xi32>
        %parallel_loop3A_241 = arith.muli %parallel_loop3A_185, %parallel_loop3A_240 : vector<16xi32>
        %parallel_loop3A_242 = arith.constant 73 : i32
        %parallel_loop3A_243 = vector.broadcast %parallel_loop3A_242 : i32 to vector<16xi32>
        %parallel_loop3A_244 = arith.addi %parallel_loop3A_241, %parallel_loop3A_243 : vector<16xi32>
        %parallel_loop3A_245 = tpu.vector_load_idx %arg8[%parallel_loop3A_244] : memref<416xf32, #tpu.memory_space<vmem>>[vector<16xi32>], vector<16xf32>,
        %parallel_loop3A_246 = arith.constant 6 : i32
        %parallel_loop3A_247 = vector.broadcast %parallel_loop3A_246 : i32 to vector<16xi32>
        %parallel_loop3A_248 = arith.muli %parallel_loop3A_185, %parallel_loop3A_247 : vector<16xi32>
        %parallel_loop3A_249 = arith.constant 74 : i32
        %parallel_loop3A_250 = vector.broadcast %parallel_loop3A_249 : i32 to vector<16xi32>
        %parallel_loop3A_251 = arith.addi %parallel_loop3A_248, %parallel_loop3A_250 : vector<16xi32>
        %parallel_loop3A_252 = tpu.vector_load_idx %arg8[%parallel_loop3A_251] : memref<416xf32, #tpu.memory_space<vmem>>[vector<16xi32>], vector<16xf32>,
        %parallel_loop3A_253 = vector.shape_cast %parallel_loop3A_189 : vector<16xi32> to vector<16x1xi32>
        %parallel_loop3A_254 = vector.shape_cast %parallel_loop3A_253 : vector<16x1xi32> to vector<16xi32>
        %parallel_loop3A_255 = tpu.dynamic_gather %gather3A_57[%parallel_loop3A_254] in [0] : vector<16xf32>, vector<16xi32> -> vector<16xf32>
        %parallel_loop3A_256 = vector.shape_cast %parallel_loop3A_189 : vector<16xi32> to vector<16x1xi32>
        %parallel_loop3A_257 = vector.shape_cast %parallel_loop3A_256 : vector<16x1xi32> to vector<16xi32>
        %parallel_loop3A_258 = tpu.dynamic_gather %gather3A_64[%parallel_loop3A_257] in [0] : vector<16xf32>, vector<16xi32> -> vector<16xf32>
        %parallel_loop3A_259 = arith.constant 0 : i32
        %parallel_loop3A_260 = arith.constant 0 : i32
        %parallel_loop3A_261 = arith.index_cast %parallel_loop3A_259 : i32 to index
        %parallel_loop3A_262 = arith.index_cast %parallel_loop3A_260 : i32 to index
        %parallel_loop3A_263 = arith.index_cast %parallel_loop3A_173 : i32 to index
        %parallel_loop3A_264 = tpu.vector_load %arg18[%parallel_loop3A_261, %parallel_loop3A_262, %parallel_loop3A_263] {strides = array<i32>} : memref<15x8x256xf32, #tpu.memory_space<vmem>>, vector<16xf32>,
        tpu.vector_store %arg18[%parallel_loop3A_261, %parallel_loop3A_262, %parallel_loop3A_263], %parallel_loop3A_192 {strides = array<i32>} : memref<15x8x256xf32, #tpu.memory_space<vmem>>, vector<16xf32>,
        %parallel_loop3A_265 = arith.constant 1 : i32
        %parallel_loop3A_266 = arith.constant 0 : i32
        %parallel_loop3A_267 = arith.index_cast %parallel_loop3A_265 : i32 to index
        %parallel_loop3A_268 = arith.index_cast %parallel_loop3A_266 : i32 to index
        %parallel_loop3A_269 = arith.index_cast %parallel_loop3A_173 : i32 to index
        %parallel_loop3A_270 = tpu.vector_load %arg18[%parallel_loop3A_267, %parallel_loop3A_268, %parallel_loop3A_269] {strides = array<i32>} : memref<15x8x256xf32, #tpu.memory_space<vmem>>, vector<16xf32>,
        tpu.vector_store %arg18[%parallel_loop3A_267, %parallel_loop3A_268, %parallel_loop3A_269], %parallel_loop3A_195 {strides = array<i32>} : memref<15x8x256xf32, #tpu.memory_space<vmem>>, vector<16xf32>,
        %parallel_loop3A_271 = arith.constant 2 : i32
        %parallel_loop3A_272 = arith.constant 0 : i32
        %parallel_loop3A_273 = arith.index_cast %parallel_loop3A_271 : i32 to index
        %parallel_loop3A_274 = arith.index_cast %parallel_loop3A_272 : i32 to index
        %parallel_loop3A_275 = arith.index_cast %parallel_loop3A_173 : i32 to index
        %parallel_loop3A_276 = tpu.vector_load %arg18[%parallel_loop3A_273, %parallel_loop3A_274, %parallel_loop3A_275] {strides = array<i32>} : memref<15x8x256xf32, #tpu.memory_space<vmem>>, vector<16xf32>,
        tpu.vector_store %arg18[%parallel_loop3A_273, %parallel_loop3A_274, %parallel_loop3A_275], %parallel_loop3A_198 {strides = array<i32>} : memref<15x8x256xf32, #tpu.memory_space<vmem>>, vector<16xf32>,
        %parallel_loop3A_277 = arith.constant 3 : i32
        %parallel_loop3A_278 = arith.constant 0 : i32
        %parallel_loop3A_279 = arith.index_cast %parallel_loop3A_277 : i32 to index
        %parallel_loop3A_280 = arith.index_cast %parallel_loop3A_278 : i32 to index
        %parallel_loop3A_281 = arith.index_cast %parallel_loop3A_173 : i32 to index
        %parallel_loop3A_282 = tpu.vector_load %arg18[%parallel_loop3A_279, %parallel_loop3A_280, %parallel_loop3A_281] {strides = array<i32>} : memref<15x8x256xf32, #tpu.memory_space<vmem>>, vector<16xf32>,
        tpu.vector_store %arg18[%parallel_loop3A_279, %parallel_loop3A_280, %parallel_loop3A_281], %parallel_loop3A_201 {strides = array<i32>} : memref<15x8x256xf32, #tpu.memory_space<vmem>>, vector<16xf32>,
        %parallel_loop3A_283 = arith.constant 4 : i32
        %parallel_loop3A_284 = arith.constant 0 : i32
        %parallel_loop3A_285 = arith.index_cast %parallel_loop3A_283 : i32 to index
        %parallel_loop3A_286 = arith.index_cast %parallel_loop3A_284 : i32 to index
        %parallel_loop3A_287 = arith.index_cast %parallel_loop3A_173 : i32 to index
        %parallel_loop3A_288 = tpu.vector_load %arg18[%parallel_loop3A_285, %parallel_loop3A_286, %parallel_loop3A_287] {strides = array<i32>} : memref<15x8x256xf32, #tpu.memory_space<vmem>>, vector<16xf32>,
        tpu.vector_store %arg18[%parallel_loop3A_285, %parallel_loop3A_286, %parallel_loop3A_287], %parallel_loop3A_204 {strides = array<i32>} : memref<15x8x256xf32, #tpu.memory_space<vmem>>, vector<16xf32>,
        %parallel_loop3A_289 = arith.constant 5 : i32
        %parallel_loop3A_290 = arith.constant 0 : i32
        %parallel_loop3A_291 = arith.index_cast %parallel_loop3A_289 : i32 to index
        %parallel_loop3A_292 = arith.index_cast %parallel_loop3A_290 : i32 to index
        %parallel_loop3A_293 = arith.index_cast %parallel_loop3A_173 : i32 to index
        %parallel_loop3A_294 = tpu.vector_load %arg18[%parallel_loop3A_291, %parallel_loop3A_292, %parallel_loop3A_293] {strides = array<i32>} : memref<15x8x256xf32, #tpu.memory_space<vmem>>, vector<16xf32>,
        tpu.vector_store %arg18[%parallel_loop3A_291, %parallel_loop3A_292, %parallel_loop3A_293], %parallel_loop3A_207 {strides = array<i32>} : memref<15x8x256xf32, #tpu.memory_space<vmem>>, vector<16xf32>,
        %parallel_loop3A_295 = arith.constant 6 : i32
        %parallel_loop3A_296 = arith.constant 0 : i32
        %parallel_loop3A_297 = arith.index_cast %parallel_loop3A_295 : i32 to index
        %parallel_loop3A_298 = arith.index_cast %parallel_loop3A_296 : i32 to index
        %parallel_loop3A_299 = arith.index_cast %parallel_loop3A_173 : i32 to index
        %parallel_loop3A_300 = tpu.vector_load %arg18[%parallel_loop3A_297, %parallel_loop3A_298, %parallel_loop3A_299] {strides = array<i32>} : memref<15x8x256xf32, #tpu.memory_space<vmem>>, vector<16xf32>,
        tpu.vector_store %arg18[%parallel_loop3A_297, %parallel_loop3A_298, %parallel_loop3A_299], %parallel_loop3A_210 {strides = array<i32>} : memref<15x8x256xf32, #tpu.memory_space<vmem>>, vector<16xf32>,
        %parallel_loop3A_301 = arith.constant 7 : i32
        %parallel_loop3A_302 = arith.constant 0 : i32
        %parallel_loop3A_303 = arith.index_cast %parallel_loop3A_301 : i32 to index
        %parallel_loop3A_304 = arith.index_cast %parallel_loop3A_302 : i32 to index
        %parallel_loop3A_305 = arith.index_cast %parallel_loop3A_173 : i32 to index
        %parallel_loop3A_306 = tpu.vector_load %arg18[%parallel_loop3A_303, %parallel_loop3A_304, %parallel_loop3A_305] {strides = array<i32>} : memref<15x8x256xf32, #tpu.memory_space<vmem>>, vector<16xf32>,
        tpu.vector_store %arg18[%parallel_loop3A_303, %parallel_loop3A_304, %parallel_loop3A_305], %parallel_loop3A_217 {strides = array<i32>} : memref<15x8x256xf32, #tpu.memory_space<vmem>>, vector<16xf32>,
        %parallel_loop3A_307 = arith.constant 8 : i32
        %parallel_loop3A_308 = arith.constant 0 : i32
        %parallel_loop3A_309 = arith.index_cast %parallel_loop3A_307 : i32 to index
        %parallel_loop3A_310 = arith.index_cast %parallel_loop3A_308 : i32 to index
        %parallel_loop3A_311 = arith.index_cast %parallel_loop3A_173 : i32 to index
        %parallel_loop3A_312 = tpu.vector_load %arg18[%parallel_loop3A_309, %parallel_loop3A_310, %parallel_loop3A_311] {strides = array<i32>} : memref<15x8x256xf32, #tpu.memory_space<vmem>>, vector<16xf32>,
        tpu.vector_store %arg18[%parallel_loop3A_309, %parallel_loop3A_310, %parallel_loop3A_311], %parallel_loop3A_224 {strides = array<i32>} : memref<15x8x256xf32, #tpu.memory_space<vmem>>, vector<16xf32>,
        %parallel_loop3A_313 = arith.constant 9 : i32
        %parallel_loop3A_314 = arith.constant 0 : i32
        %parallel_loop3A_315 = arith.index_cast %parallel_loop3A_313 : i32 to index
        %parallel_loop3A_316 = arith.index_cast %parallel_loop3A_314 : i32 to index
        %parallel_loop3A_317 = arith.index_cast %parallel_loop3A_173 : i32 to index
        %parallel_loop3A_318 = tpu.vector_load %arg18[%parallel_loop3A_315, %parallel_loop3A_316, %parallel_loop3A_317] {strides = array<i32>} : memref<15x8x256xf32, #tpu.memory_space<vmem>>, vector<16xf32>,
        tpu.vector_store %arg18[%parallel_loop3A_315, %parallel_loop3A_316, %parallel_loop3A_317], %parallel_loop3A_231 {strides = array<i32>} : memref<15x8x256xf32, #tpu.memory_space<vmem>>, vector<16xf32>,
        %parallel_loop3A_319 = arith.constant 10 : i32
        %parallel_loop3A_320 = arith.constant 0 : i32
        %parallel_loop3A_321 = arith.index_cast %parallel_loop3A_319 : i32 to index
        %parallel_loop3A_322 = arith.index_cast %parallel_loop3A_320 : i32 to index
        %parallel_loop3A_323 = arith.index_cast %parallel_loop3A_173 : i32 to index
        %parallel_loop3A_324 = tpu.vector_load %arg18[%parallel_loop3A_321, %parallel_loop3A_322, %parallel_loop3A_323] {strides = array<i32>} : memref<15x8x256xf32, #tpu.memory_space<vmem>>, vector<16xf32>,
        tpu.vector_store %arg18[%parallel_loop3A_321, %parallel_loop3A_322, %parallel_loop3A_323], %parallel_loop3A_238 {strides = array<i32>} : memref<15x8x256xf32, #tpu.memory_space<vmem>>, vector<16xf32>,
        %parallel_loop3A_325 = arith.constant 11 : i32
        %parallel_loop3A_326 = arith.constant 0 : i32
        %parallel_loop3A_327 = arith.index_cast %parallel_loop3A_325 : i32 to index
        %parallel_loop3A_328 = arith.index_cast %parallel_loop3A_326 : i32 to index
        %parallel_loop3A_329 = arith.index_cast %parallel_loop3A_173 : i32 to index
        %parallel_loop3A_330 = tpu.vector_load %arg18[%parallel_loop3A_327, %parallel_loop3A_328, %parallel_loop3A_329] {strides = array<i32>} : memref<15x8x256xf32, #tpu.memory_space<vmem>>, vector<16xf32>,
        tpu.vector_store %arg18[%parallel_loop3A_327, %parallel_loop3A_328, %parallel_loop3A_329], %parallel_loop3A_245 {strides = array<i32>} : memref<15x8x256xf32, #tpu.memory_space<vmem>>, vector<16xf32>,
        %parallel_loop3A_331 = arith.constant 12 : i32
        %parallel_loop3A_332 = arith.constant 0 : i32
        %parallel_loop3A_333 = arith.index_cast %parallel_loop3A_331 : i32 to index
        %parallel_loop3A_334 = arith.index_cast %parallel_loop3A_332 : i32 to index
        %parallel_loop3A_335 = arith.index_cast %parallel_loop3A_173 : i32 to index
        %parallel_loop3A_336 = tpu.vector_load %arg18[%parallel_loop3A_333, %parallel_loop3A_334, %parallel_loop3A_335] {strides = array<i32>} : memref<15x8x256xf32, #tpu.memory_space<vmem>>, vector<16xf32>,
        tpu.vector_store %arg18[%parallel_loop3A_333, %parallel_loop3A_334, %parallel_loop3A_335], %parallel_loop3A_252 {strides = array<i32>} : memref<15x8x256xf32, #tpu.memory_space<vmem>>, vector<16xf32>,
        %parallel_loop3A_337 = arith.constant 13 : i32
        %parallel_loop3A_338 = arith.constant 0 : i32
        %parallel_loop3A_339 = arith.index_cast %parallel_loop3A_337 : i32 to index
        %parallel_loop3A_340 = arith.index_cast %parallel_loop3A_338 : i32 to index
        %parallel_loop3A_341 = arith.index_cast %parallel_loop3A_173 : i32 to index
        %parallel_loop3A_342 = tpu.vector_load %arg18[%parallel_loop3A_339, %parallel_loop3A_340, %parallel_loop3A_341] {strides = array<i32>} : memref<15x8x256xf32, #tpu.memory_space<vmem>>, vector<16xf32>,
        tpu.vector_store %arg18[%parallel_loop3A_339, %parallel_loop3A_340, %parallel_loop3A_341], %parallel_loop3A_255 {strides = array<i32>} : memref<15x8x256xf32, #tpu.memory_space<vmem>>, vector<16xf32>,
        %parallel_loop3A_343 = arith.constant 14 : i32
        %parallel_loop3A_344 = arith.constant 0 : i32
        %parallel_loop3A_345 = arith.index_cast %parallel_loop3A_343 : i32 to index
        %parallel_loop3A_346 = arith.index_cast %parallel_loop3A_344 : i32 to index
        %parallel_loop3A_347 = arith.index_cast %parallel_loop3A_173 : i32 to index
        %parallel_loop3A_348 = tpu.vector_load %arg18[%parallel_loop3A_345, %parallel_loop3A_346, %parallel_loop3A_347] {strides = array<i32>} : memref<15x8x256xf32, #tpu.memory_space<vmem>>, vector<16xf32>,
        tpu.vector_store %arg18[%parallel_loop3A_345, %parallel_loop3A_346, %parallel_loop3A_347], %parallel_loop3A_258 {strides = array<i32>} : memref<15x8x256xf32, #tpu.memory_space<vmem>>, vector<16xf32>,
        %parallel_loop3A_349 = arith.constant 1 : i32
        %parallel_loop3A_350 = arith.index_cast %parallel_loop3A_349 : i32 to index
        %parallel_loop3A_351 = arith.index_cast %parallel_loop3A_173 : i32 to index
        %parallel_loop3A_352 = tpu.vector_load %arg13[%parallel_loop3A_350, %parallel_loop3A_351] {strides = array<i32>} : memref<8x256xi32, #tpu.memory_space<vmem>>, vector<16xi32>,
        %parallel_loop3A_353 = arith.constant 1 : i32
        %parallel_loop3A_354 = arith.index_cast %parallel_loop3A_353 : i32 to index
        %parallel_loop3A_355 = arith.index_cast %parallel_loop3A_173 : i32 to index
        %parallel_loop3A_356 = tpu.vector_load %arg14[%parallel_loop3A_354, %parallel_loop3A_355] {strides = array<i32>} : memref<8x256xi32, #tpu.memory_space<vmem>>, vector<16xi32>,
        %parallel_loop3A_357 = arith.constant 1 : i32
        %parallel_loop3A_358 = arith.index_cast %parallel_loop3A_357 : i32 to index
        %parallel_loop3A_359 = arith.index_cast %parallel_loop3A_173 : i32 to index
        %parallel_loop3A_360 = tpu.vector_load %arg15[%parallel_loop3A_358, %parallel_loop3A_359] {strides = array<i32>} : memref<8x256xi32, #tpu.memory_space<vmem>>, vector<16xi32>,
        %parallel_loop3A_361 = arith.constant 1 : i32
        %parallel_loop3A_362 = arith.index_cast %parallel_loop3A_361 : i32 to index
        %parallel_loop3A_363 = arith.index_cast %parallel_loop3A_173 : i32 to index
        %parallel_loop3A_364 = tpu.vector_load %arg16[%parallel_loop3A_362, %parallel_loop3A_363] {strides = array<i32>} : memref<8x256xi32, #tpu.memory_space<vmem>>, vector<16xi32>,
        %parallel_loop3A_365 = vector.shape_cast %parallel_loop3A_352 : vector<16xi32> to vector<16x1xi32>
        %parallel_loop3A_366 = vector.shape_cast %parallel_loop3A_365 : vector<16x1xi32> to vector<16xi32>
        %parallel_loop3A_367 = tpu.dynamic_gather %gather3A[%parallel_loop3A_366] in [0] : vector<16xf32>, vector<16xi32> -> vector<16xf32>
        %parallel_loop3A_368 = vector.shape_cast %parallel_loop3A_352 : vector<16xi32> to vector<16x1xi32>
        %parallel_loop3A_369 = vector.shape_cast %parallel_loop3A_368 : vector<16x1xi32> to vector<16xi32>
        %parallel_loop3A_370 = tpu.dynamic_gather %gather3A_15[%parallel_loop3A_369] in [0] : vector<16xf32>, vector<16xi32> -> vector<16xf32>
        %parallel_loop3A_371 = vector.shape_cast %parallel_loop3A_352 : vector<16xi32> to vector<16x1xi32>
        %parallel_loop3A_372 = vector.shape_cast %parallel_loop3A_371 : vector<16x1xi32> to vector<16xi32>
        %parallel_loop3A_373 = tpu.dynamic_gather %gather3A_22[%parallel_loop3A_372] in [0] : vector<16xf32>, vector<16xi32> -> vector<16xf32>
        %parallel_loop3A_374 = vector.shape_cast %parallel_loop3A_352 : vector<16xi32> to vector<16x1xi32>
        %parallel_loop3A_375 = vector.shape_cast %parallel_loop3A_374 : vector<16x1xi32> to vector<16xi32>
        %parallel_loop3A_376 = tpu.dynamic_gather %gather3A_29[%parallel_loop3A_375] in [0] : vector<16xf32>, vector<16xi32> -> vector<16xf32>
        %parallel_loop3A_377 = vector.shape_cast %parallel_loop3A_356 : vector<16xi32> to vector<16x1xi32>
        %parallel_loop3A_378 = vector.shape_cast %parallel_loop3A_377 : vector<16x1xi32> to vector<16xi32>
        %parallel_loop3A_379 = tpu.dynamic_gather %gather3A_36[%parallel_loop3A_378] in [0] : vector<16xf32>, vector<16xi32> -> vector<16xf32>
        %parallel_loop3A_380 = vector.shape_cast %parallel_loop3A_356 : vector<16xi32> to vector<16x1xi32>
        %parallel_loop3A_381 = vector.shape_cast %parallel_loop3A_380 : vector<16x1xi32> to vector<16xi32>
        %parallel_loop3A_382 = tpu.dynamic_gather %gather3A_43[%parallel_loop3A_381] in [0] : vector<16xf32>, vector<16xi32> -> vector<16xf32>
        %parallel_loop3A_383 = vector.shape_cast %parallel_loop3A_356 : vector<16xi32> to vector<16x1xi32>
        %parallel_loop3A_384 = vector.shape_cast %parallel_loop3A_383 : vector<16x1xi32> to vector<16xi32>
        %parallel_loop3A_385 = tpu.dynamic_gather %gather3A_50[%parallel_loop3A_384] in [0] : vector<16xf32>, vector<16xi32> -> vector<16xf32>
        %parallel_loop3A_386 = arith.constant 6 : i32
        %parallel_loop3A_387 = vector.broadcast %parallel_loop3A_386 : i32 to vector<16xi32>
        %parallel_loop3A_388 = arith.muli %parallel_loop3A_360, %parallel_loop3A_387 : vector<16xi32>
        %parallel_loop3A_389 = arith.constant 69 : i32
        %parallel_loop3A_390 = vector.broadcast %parallel_loop3A_389 : i32 to vector<16xi32>
        %parallel_loop3A_391 = arith.addi %parallel_loop3A_388, %parallel_loop3A_390 : vector<16xi32>
        %parallel_loop3A_392 = tpu.vector_load_idx %arg8[%parallel_loop3A_391] : memref<416xf32, #tpu.memory_space<vmem>>[vector<16xi32>], vector<16xf32>,
        %parallel_loop3A_393 = arith.constant 6 : i32
        %parallel_loop3A_394 = vector.broadcast %parallel_loop3A_393 : i32 to vector<16xi32>
        %parallel_loop3A_395 = arith.muli %parallel_loop3A_360, %parallel_loop3A_394 : vector<16xi32>
        %parallel_loop3A_396 = arith.constant 70 : i32
        %parallel_loop3A_397 = vector.broadcast %parallel_loop3A_396 : i32 to vector<16xi32>
        %parallel_loop3A_398 = arith.addi %parallel_loop3A_395, %parallel_loop3A_397 : vector<16xi32>
        %parallel_loop3A_399 = tpu.vector_load_idx %arg8[%parallel_loop3A_398] : memref<416xf32, #tpu.memory_space<vmem>>[vector<16xi32>], vector<16xf32>,
        %parallel_loop3A_400 = arith.constant 6 : i32
        %parallel_loop3A_401 = vector.broadcast %parallel_loop3A_400 : i32 to vector<16xi32>
        %parallel_loop3A_402 = arith.muli %parallel_loop3A_360, %parallel_loop3A_401 : vector<16xi32>
        %parallel_loop3A_403 = arith.constant 71 : i32
        %parallel_loop3A_404 = vector.broadcast %parallel_loop3A_403 : i32 to vector<16xi32>
        %parallel_loop3A_405 = arith.addi %parallel_loop3A_402, %parallel_loop3A_404 : vector<16xi32>
        %parallel_loop3A_406 = tpu.vector_load_idx %arg8[%parallel_loop3A_405] : memref<416xf32, #tpu.memory_space<vmem>>[vector<16xi32>], vector<16xf32>,
        %parallel_loop3A_407 = arith.constant 6 : i32
        %parallel_loop3A_408 = vector.broadcast %parallel_loop3A_407 : i32 to vector<16xi32>
        %parallel_loop3A_409 = arith.muli %parallel_loop3A_360, %parallel_loop3A_408 : vector<16xi32>
        %parallel_loop3A_410 = arith.constant 72 : i32
        %parallel_loop3A_411 = vector.broadcast %parallel_loop3A_410 : i32 to vector<16xi32>
        %parallel_loop3A_412 = arith.addi %parallel_loop3A_409, %parallel_loop3A_411 : vector<16xi32>
        %parallel_loop3A_413 = tpu.vector_load_idx %arg8[%parallel_loop3A_412] : memref<416xf32, #tpu.memory_space<vmem>>[vector<16xi32>], vector<16xf32>,
        %parallel_loop3A_414 = arith.constant 6 : i32
        %parallel_loop3A_415 = vector.broadcast %parallel_loop3A_414 : i32 to vector<16xi32>
        %parallel_loop3A_416 = arith.muli %parallel_loop3A_360, %parallel_loop3A_415 : vector<16xi32>
        %parallel_loop3A_417 = arith.constant 73 : i32
        %parallel_loop3A_418 = vector.broadcast %parallel_loop3A_417 : i32 to vector<16xi32>
        %parallel_loop3A_419 = arith.addi %parallel_loop3A_416, %parallel_loop3A_418 : vector<16xi32>
        %parallel_loop3A_420 = tpu.vector_load_idx %arg8[%parallel_loop3A_419] : memref<416xf32, #tpu.memory_space<vmem>>[vector<16xi32>], vector<16xf32>,
        %parallel_loop3A_421 = arith.constant 6 : i32
        %parallel_loop3A_422 = vector.broadcast %parallel_loop3A_421 : i32 to vector<16xi32>
        %parallel_loop3A_423 = arith.muli %parallel_loop3A_360, %parallel_loop3A_422 : vector<16xi32>
        %parallel_loop3A_424 = arith.constant 74 : i32
        %parallel_loop3A_425 = vector.broadcast %parallel_loop3A_424 : i32 to vector<16xi32>
        %parallel_loop3A_426 = arith.addi %parallel_loop3A_423, %parallel_loop3A_425 : vector<16xi32>
        %parallel_loop3A_427 = tpu.vector_load_idx %arg8[%parallel_loop3A_426] : memref<416xf32, #tpu.memory_space<vmem>>[vector<16xi32>], vector<16xf32>,
        %parallel_loop3A_428 = vector.shape_cast %parallel_loop3A_364 : vector<16xi32> to vector<16x1xi32>
        %parallel_loop3A_429 = vector.shape_cast %parallel_loop3A_428 : vector<16x1xi32> to vector<16xi32>
        %parallel_loop3A_430 = tpu.dynamic_gather %gather3A_57[%parallel_loop3A_429] in [0] : vector<16xf32>, vector<16xi32> -> vector<16xf32>
        %parallel_loop3A_431 = vector.shape_cast %parallel_loop3A_364 : vector<16xi32> to vector<16x1xi32>
        %parallel_loop3A_432 = vector.shape_cast %parallel_loop3A_431 : vector<16x1xi32> to vector<16xi32>
        %parallel_loop3A_433 = tpu.dynamic_gather %gather3A_64[%parallel_loop3A_432] in [0] : vector<16xf32>, vector<16xi32> -> vector<16xf32>
        %parallel_loop3A_434 = arith.constant 0 : i32
        %parallel_loop3A_435 = arith.constant 1 : i32
        %parallel_loop3A_436 = arith.index_cast %parallel_loop3A_434 : i32 to index
        %parallel_loop3A_437 = arith.index_cast %parallel_loop3A_435 : i32 to index
        %parallel_loop3A_438 = arith.index_cast %parallel_loop3A_173 : i32 to index
        %parallel_loop3A_439 = tpu.vector_load %arg18[%parallel_loop3A_436, %parallel_loop3A_437, %parallel_loop3A_438] {strides = array<i32>} : memref<15x8x256xf32, #tpu.memory_space<vmem>>, vector<16xf32>,
        tpu.vector_store %arg18[%parallel_loop3A_436, %parallel_loop3A_437, %parallel_loop3A_438], %parallel_loop3A_367 {strides = array<i32>} : memref<15x8x256xf32, #tpu.memory_space<vmem>>, vector<16xf32>,
        %parallel_loop3A_440 = arith.constant 1 : i32
        %parallel_loop3A_441 = arith.constant 1 : i32
        %parallel_loop3A_442 = arith.index_cast %parallel_loop3A_440 : i32 to index
        %parallel_loop3A_443 = arith.index_cast %parallel_loop3A_441 : i32 to index
        %parallel_loop3A_444 = arith.index_cast %parallel_loop3A_173 : i32 to index
        %parallel_loop3A_445 = tpu.vector_load %arg18[%parallel_loop3A_442, %parallel_loop3A_443, %parallel_loop3A_444] {strides = array<i32>} : memref<15x8x256xf32, #tpu.memory_space<vmem>>, vector<16xf32>,
        tpu.vector_store %arg18[%parallel_loop3A_442, %parallel_loop3A_443, %parallel_loop3A_444], %parallel_loop3A_370 {strides = array<i32>} : memref<15x8x256xf32, #tpu.memory_space<vmem>>, vector<16xf32>,
        %parallel_loop3A_446 = arith.constant 2 : i32
        %parallel_loop3A_447 = arith.constant 1 : i32
        %parallel_loop3A_448 = arith.index_cast %parallel_loop3A_446 : i32 to index
        %parallel_loop3A_449 = arith.index_cast %parallel_loop3A_447 : i32 to index
        %parallel_loop3A_450 = arith.index_cast %parallel_loop3A_173 : i32 to index
        %parallel_loop3A_451 = tpu.vector_load %arg18[%parallel_loop3A_448, %parallel_loop3A_449, %parallel_loop3A_450] {strides = array<i32>} : memref<15x8x256xf32, #tpu.memory_space<vmem>>, vector<16xf32>,
        tpu.vector_store %arg18[%parallel_loop3A_448, %parallel_loop3A_449, %parallel_loop3A_450], %parallel_loop3A_373 {strides = array<i32>} : memref<15x8x256xf32, #tpu.memory_space<vmem>>, vector<16xf32>,
        %parallel_loop3A_452 = arith.constant 3 : i32
        %parallel_loop3A_453 = arith.constant 1 : i32
        %parallel_loop3A_454 = arith.index_cast %parallel_loop3A_452 : i32 to index
        %parallel_loop3A_455 = arith.index_cast %parallel_loop3A_453 : i32 to index
        %parallel_loop3A_456 = arith.index_cast %parallel_loop3A_173 : i32 to index
        %parallel_loop3A_457 = tpu.vector_load %arg18[%parallel_loop3A_454, %parallel_loop3A_455, %parallel_loop3A_456] {strides = array<i32>} : memref<15x8x256xf32, #tpu.memory_space<vmem>>, vector<16xf32>,
        tpu.vector_store %arg18[%parallel_loop3A_454, %parallel_loop3A_455, %parallel_loop3A_456], %parallel_loop3A_376 {strides = array<i32>} : memref<15x8x256xf32, #tpu.memory_space<vmem>>, vector<16xf32>,
        %parallel_loop3A_458 = arith.constant 4 : i32
        %parallel_loop3A_459 = arith.constant 1 : i32
        %parallel_loop3A_460 = arith.index_cast %parallel_loop3A_458 : i32 to index
        %parallel_loop3A_461 = arith.index_cast %parallel_loop3A_459 : i32 to index
        %parallel_loop3A_462 = arith.index_cast %parallel_loop3A_173 : i32 to index
        %parallel_loop3A_463 = tpu.vector_load %arg18[%parallel_loop3A_460, %parallel_loop3A_461, %parallel_loop3A_462] {strides = array<i32>} : memref<15x8x256xf32, #tpu.memory_space<vmem>>, vector<16xf32>,
        tpu.vector_store %arg18[%parallel_loop3A_460, %parallel_loop3A_461, %parallel_loop3A_462], %parallel_loop3A_379 {strides = array<i32>} : memref<15x8x256xf32, #tpu.memory_space<vmem>>, vector<16xf32>,
        %parallel_loop3A_464 = arith.constant 5 : i32
        %parallel_loop3A_465 = arith.constant 1 : i32
        %parallel_loop3A_466 = arith.index_cast %parallel_loop3A_464 : i32 to index
        %parallel_loop3A_467 = arith.index_cast %parallel_loop3A_465 : i32 to index
        %parallel_loop3A_468 = arith.index_cast %parallel_loop3A_173 : i32 to index
        %parallel_loop3A_469 = tpu.vector_load %arg18[%parallel_loop3A_466, %parallel_loop3A_467, %parallel_loop3A_468] {strides = array<i32>} : memref<15x8x256xf32, #tpu.memory_space<vmem>>, vector<16xf32>,
        tpu.vector_store %arg18[%parallel_loop3A_466, %parallel_loop3A_467, %parallel_loop3A_468], %parallel_loop3A_382 {strides = array<i32>} : memref<15x8x256xf32, #tpu.memory_space<vmem>>, vector<16xf32>,
        %parallel_loop3A_470 = arith.constant 6 : i32
        %parallel_loop3A_471 = arith.constant 1 : i32
        %parallel_loop3A_472 = arith.index_cast %parallel_loop3A_470 : i32 to index
        %parallel_loop3A_473 = arith.index_cast %parallel_loop3A_471 : i32 to index
        %parallel_loop3A_474 = arith.index_cast %parallel_loop3A_173 : i32 to index
        %parallel_loop3A_475 = tpu.vector_load %arg18[%parallel_loop3A_472, %parallel_loop3A_473, %parallel_loop3A_474] {strides = array<i32>} : memref<15x8x256xf32, #tpu.memory_space<vmem>>, vector<16xf32>,
        tpu.vector_store %arg18[%parallel_loop3A_472, %parallel_loop3A_473, %parallel_loop3A_474], %parallel_loop3A_385 {strides = array<i32>} : memref<15x8x256xf32, #tpu.memory_space<vmem>>, vector<16xf32>,
        %parallel_loop3A_476 = arith.constant 7 : i32
        %parallel_loop3A_477 = arith.constant 1 : i32
        %parallel_loop3A_478 = arith.index_cast %parallel_loop3A_476 : i32 to index
        %parallel_loop3A_479 = arith.index_cast %parallel_loop3A_477 : i32 to index
        %parallel_loop3A_480 = arith.index_cast %parallel_loop3A_173 : i32 to index
        %parallel_loop3A_481 = tpu.vector_load %arg18[%parallel_loop3A_478, %parallel_loop3A_479, %parallel_loop3A_480] {strides = array<i32>} : memref<15x8x256xf32, #tpu.memory_space<vmem>>, vector<16xf32>,
        tpu.vector_store %arg18[%parallel_loop3A_478, %parallel_loop3A_479, %parallel_loop3A_480], %parallel_loop3A_392 {strides = array<i32>} : memref<15x8x256xf32, #tpu.memory_space<vmem>>, vector<16xf32>,
        %parallel_loop3A_482 = arith.constant 8 : i32
        %parallel_loop3A_483 = arith.constant 1 : i32
        %parallel_loop3A_484 = arith.index_cast %parallel_loop3A_482 : i32 to index
        %parallel_loop3A_485 = arith.index_cast %parallel_loop3A_483 : i32 to index
        %parallel_loop3A_486 = arith.index_cast %parallel_loop3A_173 : i32 to index
        %parallel_loop3A_487 = tpu.vector_load %arg18[%parallel_loop3A_484, %parallel_loop3A_485, %parallel_loop3A_486] {strides = array<i32>} : memref<15x8x256xf32, #tpu.memory_space<vmem>>, vector<16xf32>,
        tpu.vector_store %arg18[%parallel_loop3A_484, %parallel_loop3A_485, %parallel_loop3A_486], %parallel_loop3A_399 {strides = array<i32>} : memref<15x8x256xf32, #tpu.memory_space<vmem>>, vector<16xf32>,
        %parallel_loop3A_488 = arith.constant 9 : i32
        %parallel_loop3A_489 = arith.constant 1 : i32
        %parallel_loop3A_490 = arith.index_cast %parallel_loop3A_488 : i32 to index
        %parallel_loop3A_491 = arith.index_cast %parallel_loop3A_489 : i32 to index
        %parallel_loop3A_492 = arith.index_cast %parallel_loop3A_173 : i32 to index
        %parallel_loop3A_493 = tpu.vector_load %arg18[%parallel_loop3A_490, %parallel_loop3A_491, %parallel_loop3A_492] {strides = array<i32>} : memref<15x8x256xf32, #tpu.memory_space<vmem>>, vector<16xf32>,
        tpu.vector_store %arg18[%parallel_loop3A_490, %parallel_loop3A_491, %parallel_loop3A_492], %parallel_loop3A_406 {strides = array<i32>} : memref<15x8x256xf32, #tpu.memory_space<vmem>>, vector<16xf32>,
        %parallel_loop3A_494 = arith.constant 10 : i32
        %parallel_loop3A_495 = arith.constant 1 : i32
        %parallel_loop3A_496 = arith.index_cast %parallel_loop3A_494 : i32 to index
        %parallel_loop3A_497 = arith.index_cast %parallel_loop3A_495 : i32 to index
        %parallel_loop3A_498 = arith.index_cast %parallel_loop3A_173 : i32 to index
        %parallel_loop3A_499 = tpu.vector_load %arg18[%parallel_loop3A_496, %parallel_loop3A_497, %parallel_loop3A_498] {strides = array<i32>} : memref<15x8x256xf32, #tpu.memory_space<vmem>>, vector<16xf32>,
        tpu.vector_store %arg18[%parallel_loop3A_496, %parallel_loop3A_497, %parallel_loop3A_498], %parallel_loop3A_413 {strides = array<i32>} : memref<15x8x256xf32, #tpu.memory_space<vmem>>, vector<16xf32>,
        %parallel_loop3A_500 = arith.constant 11 : i32
        %parallel_loop3A_501 = arith.constant 1 : i32
        %parallel_loop3A_502 = arith.index_cast %parallel_loop3A_500 : i32 to index
        %parallel_loop3A_503 = arith.index_cast %parallel_loop3A_501 : i32 to index
        %parallel_loop3A_504 = arith.index_cast %parallel_loop3A_173 : i32 to index
        %parallel_loop3A_505 = tpu.vector_load %arg18[%parallel_loop3A_502, %parallel_loop3A_503, %parallel_loop3A_504] {strides = array<i32>} : memref<15x8x256xf32, #tpu.memory_space<vmem>>, vector<16xf32>,
        tpu.vector_store %arg18[%parallel_loop3A_502, %parallel_loop3A_503, %parallel_loop3A_504], %parallel_loop3A_420 {strides = array<i32>} : memref<15x8x256xf32, #tpu.memory_space<vmem>>, vector<16xf32>,
        %parallel_loop3A_506 = arith.constant 12 : i32
        %parallel_loop3A_507 = arith.constant 1 : i32
        %parallel_loop3A_508 = arith.index_cast %parallel_loop3A_506 : i32 to index
        %parallel_loop3A_509 = arith.index_cast %parallel_loop3A_507 : i32 to index
        %parallel_loop3A_510 = arith.index_cast %parallel_loop3A_173 : i32 to index
        %parallel_loop3A_511 = tpu.vector_load %arg18[%parallel_loop3A_508, %parallel_loop3A_509, %parallel_loop3A_510] {strides = array<i32>} : memref<15x8x256xf32, #tpu.memory_space<vmem>>, vector<16xf32>,
        tpu.vector_store %arg18[%parallel_loop3A_508, %parallel_loop3A_509, %parallel_loop3A_510], %parallel_loop3A_427 {strides = array<i32>} : memref<15x8x256xf32, #tpu.memory_space<vmem>>, vector<16xf32>,
        %parallel_loop3A_512 = arith.constant 13 : i32
        %parallel_loop3A_513 = arith.constant 1 : i32
        %parallel_loop3A_514 = arith.index_cast %parallel_loop3A_512 : i32 to index
        %parallel_loop3A_515 = arith.index_cast %parallel_loop3A_513 : i32 to index
        %parallel_loop3A_516 = arith.index_cast %parallel_loop3A_173 : i32 to index
        %parallel_loop3A_517 = tpu.vector_load %arg18[%parallel_loop3A_514, %parallel_loop3A_515, %parallel_loop3A_516] {strides = array<i32>} : memref<15x8x256xf32, #tpu.memory_space<vmem>>, vector<16xf32>,
        tpu.vector_store %arg18[%parallel_loop3A_514, %parallel_loop3A_515, %parallel_loop3A_516], %parallel_loop3A_430 {strides = array<i32>} : memref<15x8x256xf32, #tpu.memory_space<vmem>>, vector<16xf32>,
        %parallel_loop3A_518 = arith.constant 14 : i32
        %parallel_loop3A_519 = arith.constant 1 : i32
        %parallel_loop3A_520 = arith.index_cast %parallel_loop3A_518 : i32 to index
        %parallel_loop3A_521 = arith.index_cast %parallel_loop3A_519 : i32 to index
        %parallel_loop3A_522 = arith.index_cast %parallel_loop3A_173 : i32 to index
        %parallel_loop3A_523 = tpu.vector_load %arg18[%parallel_loop3A_520, %parallel_loop3A_521, %parallel_loop3A_522] {strides = array<i32>} : memref<15x8x256xf32, #tpu.memory_space<vmem>>, vector<16xf32>,
        tpu.vector_store %arg18[%parallel_loop3A_520, %parallel_loop3A_521, %parallel_loop3A_522], %parallel_loop3A_433 {strides = array<i32>} : memref<15x8x256xf32, #tpu.memory_space<vmem>>, vector<16xf32>,
        %parallel_loop3A_524 = arith.constant 2 : i32
        %parallel_loop3A_525 = arith.index_cast %parallel_loop3A_524 : i32 to index
        %parallel_loop3A_526 = arith.index_cast %parallel_loop3A_173 : i32 to index
        %parallel_loop3A_527 = tpu.vector_load %arg13[%parallel_loop3A_525, %parallel_loop3A_526] {strides = array<i32>} : memref<8x256xi32, #tpu.memory_space<vmem>>, vector<16xi32>,
        %parallel_loop3A_528 = arith.constant 2 : i32
        %parallel_loop3A_529 = arith.index_cast %parallel_loop3A_528 : i32 to index
        %parallel_loop3A_530 = arith.index_cast %parallel_loop3A_173 : i32 to index
        %parallel_loop3A_531 = tpu.vector_load %arg14[%parallel_loop3A_529, %parallel_loop3A_530] {strides = array<i32>} : memref<8x256xi32, #tpu.memory_space<vmem>>, vector<16xi32>,
        %parallel_loop3A_532 = arith.constant 2 : i32
        %parallel_loop3A_533 = arith.index_cast %parallel_loop3A_532 : i32 to index
        %parallel_loop3A_534 = arith.index_cast %parallel_loop3A_173 : i32 to index
        %parallel_loop3A_535 = tpu.vector_load %arg15[%parallel_loop3A_533, %parallel_loop3A_534] {strides = array<i32>} : memref<8x256xi32, #tpu.memory_space<vmem>>, vector<16xi32>,
        %parallel_loop3A_536 = arith.constant 2 : i32
        %parallel_loop3A_537 = arith.index_cast %parallel_loop3A_536 : i32 to index
        %parallel_loop3A_538 = arith.index_cast %parallel_loop3A_173 : i32 to index
        %parallel_loop3A_539 = tpu.vector_load %arg16[%parallel_loop3A_537, %parallel_loop3A_538] {strides = array<i32>} : memref<8x256xi32, #tpu.memory_space<vmem>>, vector<16xi32>,
        %parallel_loop3A_540 = vector.shape_cast %parallel_loop3A_527 : vector<16xi32> to vector<16x1xi32>
        %parallel_loop3A_541 = vector.shape_cast %parallel_loop3A_540 : vector<16x1xi32> to vector<16xi32>
        %parallel_loop3A_542 = tpu.dynamic_gather %gather3A[%parallel_loop3A_541] in [0] : vector<16xf32>, vector<16xi32> -> vector<16xf32>
        %parallel_loop3A_543 = vector.shape_cast %parallel_loop3A_527 : vector<16xi32> to vector<16x1xi32>
        %parallel_loop3A_544 = vector.shape_cast %parallel_loop3A_543 : vector<16x1xi32> to vector<16xi32>
        %parallel_loop3A_545 = tpu.dynamic_gather %gather3A_15[%parallel_loop3A_544] in [0] : vector<16xf32>, vector<16xi32> -> vector<16xf32>
        %parallel_loop3A_546 = vector.shape_cast %parallel_loop3A_527 : vector<16xi32> to vector<16x1xi32>
        %parallel_loop3A_547 = vector.shape_cast %parallel_loop3A_546 : vector<16x1xi32> to vector<16xi32>
        %parallel_loop3A_548 = tpu.dynamic_gather %gather3A_22[%parallel_loop3A_547] in [0] : vector<16xf32>, vector<16xi32> -> vector<16xf32>
        %parallel_loop3A_549 = vector.shape_cast %parallel_loop3A_527 : vector<16xi32> to vector<16x1xi32>
        %parallel_loop3A_550 = vector.shape_cast %parallel_loop3A_549 : vector<16x1xi32> to vector<16xi32>
        %parallel_loop3A_551 = tpu.dynamic_gather %gather3A_29[%parallel_loop3A_550] in [0] : vector<16xf32>, vector<16xi32> -> vector<16xf32>
        %parallel_loop3A_552 = vector.shape_cast %parallel_loop3A_531 : vector<16xi32> to vector<16x1xi32>
        %parallel_loop3A_553 = vector.shape_cast %parallel_loop3A_552 : vector<16x1xi32> to vector<16xi32>
        %parallel_loop3A_554 = tpu.dynamic_gather %gather3A_36[%parallel_loop3A_553] in [0] : vector<16xf32>, vector<16xi32> -> vector<16xf32>
        %parallel_loop3A_555 = vector.shape_cast %parallel_loop3A_531 : vector<16xi32> to vector<16x1xi32>
        %parallel_loop3A_556 = vector.shape_cast %parallel_loop3A_555 : vector<16x1xi32> to vector<16xi32>
        %parallel_loop3A_557 = tpu.dynamic_gather %gather3A_43[%parallel_loop3A_556] in [0] : vector<16xf32>, vector<16xi32> -> vector<16xf32>
        %parallel_loop3A_558 = vector.shape_cast %parallel_loop3A_531 : vector<16xi32> to vector<16x1xi32>
        %parallel_loop3A_559 = vector.shape_cast %parallel_loop3A_558 : vector<16x1xi32> to vector<16xi32>
        %parallel_loop3A_560 = tpu.dynamic_gather %gather3A_50[%parallel_loop3A_559] in [0] : vector<16xf32>, vector<16xi32> -> vector<16xf32>
        %parallel_loop3A_561 = arith.constant 6 : i32
        %parallel_loop3A_562 = vector.broadcast %parallel_loop3A_561 : i32 to vector<16xi32>
        %parallel_loop3A_563 = arith.muli %parallel_loop3A_535, %parallel_loop3A_562 : vector<16xi32>
        %parallel_loop3A_564 = arith.constant 69 : i32
        %parallel_loop3A_565 = vector.broadcast %parallel_loop3A_564 : i32 to vector<16xi32>
        %parallel_loop3A_566 = arith.addi %parallel_loop3A_563, %parallel_loop3A_565 : vector<16xi32>
        %parallel_loop3A_567 = tpu.vector_load_idx %arg8[%parallel_loop3A_566] : memref<416xf32, #tpu.memory_space<vmem>>[vector<16xi32>], vector<16xf32>,
        %parallel_loop3A_568 = arith.constant 6 : i32
        %parallel_loop3A_569 = vector.broadcast %parallel_loop3A_568 : i32 to vector<16xi32>
        %parallel_loop3A_570 = arith.muli %parallel_loop3A_535, %parallel_loop3A_569 : vector<16xi32>
        %parallel_loop3A_571 = arith.constant 70 : i32
        %parallel_loop3A_572 = vector.broadcast %parallel_loop3A_571 : i32 to vector<16xi32>
        %parallel_loop3A_573 = arith.addi %parallel_loop3A_570, %parallel_loop3A_572 : vector<16xi32>
        %parallel_loop3A_574 = tpu.vector_load_idx %arg8[%parallel_loop3A_573] : memref<416xf32, #tpu.memory_space<vmem>>[vector<16xi32>], vector<16xf32>,
        %parallel_loop3A_575 = arith.constant 6 : i32
        %parallel_loop3A_576 = vector.broadcast %parallel_loop3A_575 : i32 to vector<16xi32>
        %parallel_loop3A_577 = arith.muli %parallel_loop3A_535, %parallel_loop3A_576 : vector<16xi32>
        %parallel_loop3A_578 = arith.constant 71 : i32
        %parallel_loop3A_579 = vector.broadcast %parallel_loop3A_578 : i32 to vector<16xi32>
        %parallel_loop3A_580 = arith.addi %parallel_loop3A_577, %parallel_loop3A_579 : vector<16xi32>
        %parallel_loop3A_581 = tpu.vector_load_idx %arg8[%parallel_loop3A_580] : memref<416xf32, #tpu.memory_space<vmem>>[vector<16xi32>], vector<16xf32>,
        %parallel_loop3A_582 = arith.constant 6 : i32
        %parallel_loop3A_583 = vector.broadcast %parallel_loop3A_582 : i32 to vector<16xi32>
        %parallel_loop3A_584 = arith.muli %parallel_loop3A_535, %parallel_loop3A_583 : vector<16xi32>
        %parallel_loop3A_585 = arith.constant 72 : i32
        %parallel_loop3A_586 = vector.broadcast %parallel_loop3A_585 : i32 to vector<16xi32>
        %parallel_loop3A_587 = arith.addi %parallel_loop3A_584, %parallel_loop3A_586 : vector<16xi32>
        %parallel_loop3A_588 = tpu.vector_load_idx %arg8[%parallel_loop3A_587] : memref<416xf32, #tpu.memory_space<vmem>>[vector<16xi32>], vector<16xf32>,
        %parallel_loop3A_589 = arith.constant 6 : i32
        %parallel_loop3A_590 = vector.broadcast %parallel_loop3A_589 : i32 to vector<16xi32>
        %parallel_loop3A_591 = arith.muli %parallel_loop3A_535, %parallel_loop3A_590 : vector<16xi32>
        %parallel_loop3A_592 = arith.constant 73 : i32
        %parallel_loop3A_593 = vector.broadcast %parallel_loop3A_592 : i32 to vector<16xi32>
        %parallel_loop3A_594 = arith.addi %parallel_loop3A_591, %parallel_loop3A_593 : vector<16xi32>
        %parallel_loop3A_595 = tpu.vector_load_idx %arg8[%parallel_loop3A_594] : memref<416xf32, #tpu.memory_space<vmem>>[vector<16xi32>], vector<16xf32>,
        %parallel_loop3A_596 = arith.constant 6 : i32
        %parallel_loop3A_597 = vector.broadcast %parallel_loop3A_596 : i32 to vector<16xi32>
        %parallel_loop3A_598 = arith.muli %parallel_loop3A_535, %parallel_loop3A_597 : vector<16xi32>
        %parallel_loop3A_599 = arith.constant 74 : i32
        %parallel_loop3A_600 = vector.broadcast %parallel_loop3A_599 : i32 to vector<16xi32>
        %parallel_loop3A_601 = arith.addi %parallel_loop3A_598, %parallel_loop3A_600 : vector<16xi32>
        %parallel_loop3A_602 = tpu.vector_load_idx %arg8[%parallel_loop3A_601] : memref<416xf32, #tpu.memory_space<vmem>>[vector<16xi32>], vector<16xf32>,
        %parallel_loop3A_603 = vector.shape_cast %parallel_loop3A_539 : vector<16xi32> to vector<16x1xi32>
        %parallel_loop3A_604 = vector.shape_cast %parallel_loop3A_603 : vector<16x1xi32> to vector<16xi32>
        %parallel_loop3A_605 = tpu.dynamic_gather %gather3A_57[%parallel_loop3A_604] in [0] : vector<16xf32>, vector<16xi32> -> vector<16xf32>
        %parallel_loop3A_606 = vector.shape_cast %parallel_loop3A_539 : vector<16xi32> to vector<16x1xi32>
        %parallel_loop3A_607 = vector.shape_cast %parallel_loop3A_606 : vector<16x1xi32> to vector<16xi32>
        %parallel_loop3A_608 = tpu.dynamic_gather %gather3A_64[%parallel_loop3A_607] in [0] : vector<16xf32>, vector<16xi32> -> vector<16xf32>
        %parallel_loop3A_609 = arith.constant 0 : i32
        %parallel_loop3A_610 = arith.constant 2 : i32
        %parallel_loop3A_611 = arith.index_cast %parallel_loop3A_609 : i32 to index
        %parallel_loop3A_612 = arith.index_cast %parallel_loop3A_610 : i32 to index
        %parallel_loop3A_613 = arith.index_cast %parallel_loop3A_173 : i32 to index
        %parallel_loop3A_614 = tpu.vector_load %arg18[%parallel_loop3A_611, %parallel_loop3A_612, %parallel_loop3A_613] {strides = array<i32>} : memref<15x8x256xf32, #tpu.memory_space<vmem>>, vector<16xf32>,
        tpu.vector_store %arg18[%parallel_loop3A_611, %parallel_loop3A_612, %parallel_loop3A_613], %parallel_loop3A_542 {strides = array<i32>} : memref<15x8x256xf32, #tpu.memory_space<vmem>>, vector<16xf32>,
        %parallel_loop3A_615 = arith.constant 1 : i32
        %parallel_loop3A_616 = arith.constant 2 : i32
        %parallel_loop3A_617 = arith.index_cast %parallel_loop3A_615 : i32 to index
        %parallel_loop3A_618 = arith.index_cast %parallel_loop3A_616 : i32 to index
        %parallel_loop3A_619 = arith.index_cast %parallel_loop3A_173 : i32 to index
        %parallel_loop3A_620 = tpu.vector_load %arg18[%parallel_loop3A_617, %parallel_loop3A_618, %parallel_loop3A_619] {strides = array<i32>} : memref<15x8x256xf32, #tpu.memory_space<vmem>>, vector<16xf32>,
        tpu.vector_store %arg18[%parallel_loop3A_617, %parallel_loop3A_618, %parallel_loop3A_619], %parallel_loop3A_545 {strides = array<i32>} : memref<15x8x256xf32, #tpu.memory_space<vmem>>, vector<16xf32>,
        %parallel_loop3A_621 = arith.constant 2 : i32
        %parallel_loop3A_622 = arith.constant 2 : i32
        %parallel_loop3A_623 = arith.index_cast %parallel_loop3A_621 : i32 to index
        %parallel_loop3A_624 = arith.index_cast %parallel_loop3A_622 : i32 to index
        %parallel_loop3A_625 = arith.index_cast %parallel_loop3A_173 : i32 to index
        %parallel_loop3A_626 = tpu.vector_load %arg18[%parallel_loop3A_623, %parallel_loop3A_624, %parallel_loop3A_625] {strides = array<i32>} : memref<15x8x256xf32, #tpu.memory_space<vmem>>, vector<16xf32>,
        tpu.vector_store %arg18[%parallel_loop3A_623, %parallel_loop3A_624, %parallel_loop3A_625], %parallel_loop3A_548 {strides = array<i32>} : memref<15x8x256xf32, #tpu.memory_space<vmem>>, vector<16xf32>,
        %parallel_loop3A_627 = arith.constant 3 : i32
        %parallel_loop3A_628 = arith.constant 2 : i32
        %parallel_loop3A_629 = arith.index_cast %parallel_loop3A_627 : i32 to index
        %parallel_loop3A_630 = arith.index_cast %parallel_loop3A_628 : i32 to index
        %parallel_loop3A_631 = arith.index_cast %parallel_loop3A_173 : i32 to index
        %parallel_loop3A_632 = tpu.vector_load %arg18[%parallel_loop3A_629, %parallel_loop3A_630, %parallel_loop3A_631] {strides = array<i32>} : memref<15x8x256xf32, #tpu.memory_space<vmem>>, vector<16xf32>,
        tpu.vector_store %arg18[%parallel_loop3A_629, %parallel_loop3A_630, %parallel_loop3A_631], %parallel_loop3A_551 {strides = array<i32>} : memref<15x8x256xf32, #tpu.memory_space<vmem>>, vector<16xf32>,
        %parallel_loop3A_633 = arith.constant 4 : i32
        %parallel_loop3A_634 = arith.constant 2 : i32
        %parallel_loop3A_635 = arith.index_cast %parallel_loop3A_633 : i32 to index
        %parallel_loop3A_636 = arith.index_cast %parallel_loop3A_634 : i32 to index
        %parallel_loop3A_637 = arith.index_cast %parallel_loop3A_173 : i32 to index
        %parallel_loop3A_638 = tpu.vector_load %arg18[%parallel_loop3A_635, %parallel_loop3A_636, %parallel_loop3A_637] {strides = array<i32>} : memref<15x8x256xf32, #tpu.memory_space<vmem>>, vector<16xf32>,
        tpu.vector_store %arg18[%parallel_loop3A_635, %parallel_loop3A_636, %parallel_loop3A_637], %parallel_loop3A_554 {strides = array<i32>} : memref<15x8x256xf32, #tpu.memory_space<vmem>>, vector<16xf32>,
        %parallel_loop3A_639 = arith.constant 5 : i32
        %parallel_loop3A_640 = arith.constant 2 : i32
        %parallel_loop3A_641 = arith.index_cast %parallel_loop3A_639 : i32 to index
        %parallel_loop3A_642 = arith.index_cast %parallel_loop3A_640 : i32 to index
        %parallel_loop3A_643 = arith.index_cast %parallel_loop3A_173 : i32 to index
        %parallel_loop3A_644 = tpu.vector_load %arg18[%parallel_loop3A_641, %parallel_loop3A_642, %parallel_loop3A_643] {strides = array<i32>} : memref<15x8x256xf32, #tpu.memory_space<vmem>>, vector<16xf32>,
        tpu.vector_store %arg18[%parallel_loop3A_641, %parallel_loop3A_642, %parallel_loop3A_643], %parallel_loop3A_557 {strides = array<i32>} : memref<15x8x256xf32, #tpu.memory_space<vmem>>, vector<16xf32>,
        %parallel_loop3A_645 = arith.constant 6 : i32
        %parallel_loop3A_646 = arith.constant 2 : i32
        %parallel_loop3A_647 = arith.index_cast %parallel_loop3A_645 : i32 to index
        %parallel_loop3A_648 = arith.index_cast %parallel_loop3A_646 : i32 to index
        %parallel_loop3A_649 = arith.index_cast %parallel_loop3A_173 : i32 to index
        %parallel_loop3A_650 = tpu.vector_load %arg18[%parallel_loop3A_647, %parallel_loop3A_648, %parallel_loop3A_649] {strides = array<i32>} : memref<15x8x256xf32, #tpu.memory_space<vmem>>, vector<16xf32>,
        tpu.vector_store %arg18[%parallel_loop3A_647, %parallel_loop3A_648, %parallel_loop3A_649], %parallel_loop3A_560 {strides = array<i32>} : memref<15x8x256xf32, #tpu.memory_space<vmem>>, vector<16xf32>,
        %parallel_loop3A_651 = arith.constant 7 : i32
        %parallel_loop3A_652 = arith.constant 2 : i32
        %parallel_loop3A_653 = arith.index_cast %parallel_loop3A_651 : i32 to index
        %parallel_loop3A_654 = arith.index_cast %parallel_loop3A_652 : i32 to index
        %parallel_loop3A_655 = arith.index_cast %parallel_loop3A_173 : i32 to index
        %parallel_loop3A_656 = tpu.vector_load %arg18[%parallel_loop3A_653, %parallel_loop3A_654, %parallel_loop3A_655] {strides = array<i32>} : memref<15x8x256xf32, #tpu.memory_space<vmem>>, vector<16xf32>,
        tpu.vector_store %arg18[%parallel_loop3A_653, %parallel_loop3A_654, %parallel_loop3A_655], %parallel_loop3A_567 {strides = array<i32>} : memref<15x8x256xf32, #tpu.memory_space<vmem>>, vector<16xf32>,
        %parallel_loop3A_657 = arith.constant 8 : i32
        %parallel_loop3A_658 = arith.constant 2 : i32
        %parallel_loop3A_659 = arith.index_cast %parallel_loop3A_657 : i32 to index
        %parallel_loop3A_660 = arith.index_cast %parallel_loop3A_658 : i32 to index
        %parallel_loop3A_661 = arith.index_cast %parallel_loop3A_173 : i32 to index
        %parallel_loop3A_662 = tpu.vector_load %arg18[%parallel_loop3A_659, %parallel_loop3A_660, %parallel_loop3A_661] {strides = array<i32>} : memref<15x8x256xf32, #tpu.memory_space<vmem>>, vector<16xf32>,
        tpu.vector_store %arg18[%parallel_loop3A_659, %parallel_loop3A_660, %parallel_loop3A_661], %parallel_loop3A_574 {strides = array<i32>} : memref<15x8x256xf32, #tpu.memory_space<vmem>>, vector<16xf32>,
        %parallel_loop3A_663 = arith.constant 9 : i32
        %parallel_loop3A_664 = arith.constant 2 : i32
        %parallel_loop3A_665 = arith.index_cast %parallel_loop3A_663 : i32 to index
        %parallel_loop3A_666 = arith.index_cast %parallel_loop3A_664 : i32 to index
        %parallel_loop3A_667 = arith.index_cast %parallel_loop3A_173 : i32 to index
        %parallel_loop3A_668 = tpu.vector_load %arg18[%parallel_loop3A_665, %parallel_loop3A_666, %parallel_loop3A_667] {strides = array<i32>} : memref<15x8x256xf32, #tpu.memory_space<vmem>>, vector<16xf32>,
        tpu.vector_store %arg18[%parallel_loop3A_665, %parallel_loop3A_666, %parallel_loop3A_667], %parallel_loop3A_581 {strides = array<i32>} : memref<15x8x256xf32, #tpu.memory_space<vmem>>, vector<16xf32>,
        %parallel_loop3A_669 = arith.constant 10 : i32
        %parallel_loop3A_670 = arith.constant 2 : i32
        %parallel_loop3A_671 = arith.index_cast %parallel_loop3A_669 : i32 to index
        %parallel_loop3A_672 = arith.index_cast %parallel_loop3A_670 : i32 to index
        %parallel_loop3A_673 = arith.index_cast %parallel_loop3A_173 : i32 to index
        %parallel_loop3A_674 = tpu.vector_load %arg18[%parallel_loop3A_671, %parallel_loop3A_672, %parallel_loop3A_673] {strides = array<i32>} : memref<15x8x256xf32, #tpu.memory_space<vmem>>, vector<16xf32>,
        tpu.vector_store %arg18[%parallel_loop3A_671, %parallel_loop3A_672, %parallel_loop3A_673], %parallel_loop3A_588 {strides = array<i32>} : memref<15x8x256xf32, #tpu.memory_space<vmem>>, vector<16xf32>,
        %parallel_loop3A_675 = arith.constant 11 : i32
        %parallel_loop3A_676 = arith.constant 2 : i32
        %parallel_loop3A_677 = arith.index_cast %parallel_loop3A_675 : i32 to index
        %parallel_loop3A_678 = arith.index_cast %parallel_loop3A_676 : i32 to index
        %parallel_loop3A_679 = arith.index_cast %parallel_loop3A_173 : i32 to index
        %parallel_loop3A_680 = tpu.vector_load %arg18[%parallel_loop3A_677, %parallel_loop3A_678, %parallel_loop3A_679] {strides = array<i32>} : memref<15x8x256xf32, #tpu.memory_space<vmem>>, vector<16xf32>,
        tpu.vector_store %arg18[%parallel_loop3A_677, %parallel_loop3A_678, %parallel_loop3A_679], %parallel_loop3A_595 {strides = array<i32>} : memref<15x8x256xf32, #tpu.memory_space<vmem>>, vector<16xf32>,
        %parallel_loop3A_681 = arith.constant 12 : i32
        %parallel_loop3A_682 = arith.constant 2 : i32
        %parallel_loop3A_683 = arith.index_cast %parallel_loop3A_681 : i32 to index
        %parallel_loop3A_684 = arith.index_cast %parallel_loop3A_682 : i32 to index
        %parallel_loop3A_685 = arith.index_cast %parallel_loop3A_173 : i32 to index
        %parallel_loop3A_686 = tpu.vector_load %arg18[%parallel_loop3A_683, %parallel_loop3A_684, %parallel_loop3A_685] {strides = array<i32>} : memref<15x8x256xf32, #tpu.memory_space<vmem>>, vector<16xf32>,
        tpu.vector_store %arg18[%parallel_loop3A_683, %parallel_loop3A_684, %parallel_loop3A_685], %parallel_loop3A_602 {strides = array<i32>} : memref<15x8x256xf32, #tpu.memory_space<vmem>>, vector<16xf32>,
        %parallel_loop3A_687 = arith.constant 13 : i32
        %parallel_loop3A_688 = arith.constant 2 : i32
        %parallel_loop3A_689 = arith.index_cast %parallel_loop3A_687 : i32 to index
        %parallel_loop3A_690 = arith.index_cast %parallel_loop3A_688 : i32 to index
        %parallel_loop3A_691 = arith.index_cast %parallel_loop3A_173 : i32 to index
        %parallel_loop3A_692 = tpu.vector_load %arg18[%parallel_loop3A_689, %parallel_loop3A_690, %parallel_loop3A_691] {strides = array<i32>} : memref<15x8x256xf32, #tpu.memory_space<vmem>>, vector<16xf32>,
        tpu.vector_store %arg18[%parallel_loop3A_689, %parallel_loop3A_690, %parallel_loop3A_691], %parallel_loop3A_605 {strides = array<i32>} : memref<15x8x256xf32, #tpu.memory_space<vmem>>, vector<16xf32>,
        %parallel_loop3A_693 = arith.constant 14 : i32
        %parallel_loop3A_694 = arith.constant 2 : i32
        %parallel_loop3A_695 = arith.index_cast %parallel_loop3A_693 : i32 to index
        %parallel_loop3A_696 = arith.index_cast %parallel_loop3A_694 : i32 to index
        %parallel_loop3A_697 = arith.index_cast %parallel_loop3A_173 : i32 to index
        %parallel_loop3A_698 = tpu.vector_load %arg18[%parallel_loop3A_695, %parallel_loop3A_696, %parallel_loop3A_697] {strides = array<i32>} : memref<15x8x256xf32, #tpu.memory_space<vmem>>, vector<16xf32>,
        tpu.vector_store %arg18[%parallel_loop3A_695, %parallel_loop3A_696, %parallel_loop3A_697], %parallel_loop3A_608 {strides = array<i32>} : memref<15x8x256xf32, #tpu.memory_space<vmem>>, vector<16xf32>,
        %parallel_loop3A_699 = arith.constant 3 : i32
        %parallel_loop3A_700 = arith.index_cast %parallel_loop3A_699 : i32 to index
        %parallel_loop3A_701 = arith.index_cast %parallel_loop3A_173 : i32 to index
        %parallel_loop3A_702 = tpu.vector_load %arg13[%parallel_loop3A_700, %parallel_loop3A_701] {strides = array<i32>} : memref<8x256xi32, #tpu.memory_space<vmem>>, vector<16xi32>,
        %parallel_loop3A_703 = arith.constant 3 : i32
        %parallel_loop3A_704 = arith.index_cast %parallel_loop3A_703 : i32 to index
        %parallel_loop3A_705 = arith.index_cast %parallel_loop3A_173 : i32 to index
        %parallel_loop3A_706 = tpu.vector_load %arg14[%parallel_loop3A_704, %parallel_loop3A_705] {strides = array<i32>} : memref<8x256xi32, #tpu.memory_space<vmem>>, vector<16xi32>,
        %parallel_loop3A_707 = arith.constant 3 : i32
        %parallel_loop3A_708 = arith.index_cast %parallel_loop3A_707 : i32 to index
        %parallel_loop3A_709 = arith.index_cast %parallel_loop3A_173 : i32 to index
        %parallel_loop3A_710 = tpu.vector_load %arg15[%parallel_loop3A_708, %parallel_loop3A_709] {strides = array<i32>} : memref<8x256xi32, #tpu.memory_space<vmem>>, vector<16xi32>,
        %parallel_loop3A_711 = arith.constant 3 : i32
        %parallel_loop3A_712 = arith.index_cast %parallel_loop3A_711 : i32 to index
        %parallel_loop3A_713 = arith.index_cast %parallel_loop3A_173 : i32 to index
        %parallel_loop3A_714 = tpu.vector_load %arg16[%parallel_loop3A_712, %parallel_loop3A_713] {strides = array<i32>} : memref<8x256xi32, #tpu.memory_space<vmem>>, vector<16xi32>,
        %parallel_loop3A_715 = vector.shape_cast %parallel_loop3A_702 : vector<16xi32> to vector<16x1xi32>
        %parallel_loop3A_716 = vector.shape_cast %parallel_loop3A_715 : vector<16x1xi32> to vector<16xi32>
        %parallel_loop3A_717 = tpu.dynamic_gather %gather3A[%parallel_loop3A_716] in [0] : vector<16xf32>, vector<16xi32> -> vector<16xf32>
        %parallel_loop3A_718 = vector.shape_cast %parallel_loop3A_702 : vector<16xi32> to vector<16x1xi32>
        %parallel_loop3A_719 = vector.shape_cast %parallel_loop3A_718 : vector<16x1xi32> to vector<16xi32>
        %parallel_loop3A_720 = tpu.dynamic_gather %gather3A_15[%parallel_loop3A_719] in [0] : vector<16xf32>, vector<16xi32> -> vector<16xf32>
        %parallel_loop3A_721 = vector.shape_cast %parallel_loop3A_702 : vector<16xi32> to vector<16x1xi32>
        %parallel_loop3A_722 = vector.shape_cast %parallel_loop3A_721 : vector<16x1xi32> to vector<16xi32>
        %parallel_loop3A_723 = tpu.dynamic_gather %gather3A_22[%parallel_loop3A_722] in [0] : vector<16xf32>, vector<16xi32> -> vector<16xf32>
        %parallel_loop3A_724 = vector.shape_cast %parallel_loop3A_702 : vector<16xi32> to vector<16x1xi32>
        %parallel_loop3A_725 = vector.shape_cast %parallel_loop3A_724 : vector<16x1xi32> to vector<16xi32>
        %parallel_loop3A_726 = tpu.dynamic_gather %gather3A_29[%parallel_loop3A_725] in [0] : vector<16xf32>, vector<16xi32> -> vector<16xf32>
        %parallel_loop3A_727 = vector.shape_cast %parallel_loop3A_706 : vector<16xi32> to vector<16x1xi32>
        %parallel_loop3A_728 = vector.shape_cast %parallel_loop3A_727 : vector<16x1xi32> to vector<16xi32>
        %parallel_loop3A_729 = tpu.dynamic_gather %gather3A_36[%parallel_loop3A_728] in [0] : vector<16xf32>, vector<16xi32> -> vector<16xf32>
        %parallel_loop3A_730 = vector.shape_cast %parallel_loop3A_706 : vector<16xi32> to vector<16x1xi32>
        %parallel_loop3A_731 = vector.shape_cast %parallel_loop3A_730 : vector<16x1xi32> to vector<16xi32>
        %parallel_loop3A_732 = tpu.dynamic_gather %gather3A_43[%parallel_loop3A_731] in [0] : vector<16xf32>, vector<16xi32> -> vector<16xf32>
        %parallel_loop3A_733 = vector.shape_cast %parallel_loop3A_706 : vector<16xi32> to vector<16x1xi32>
        %parallel_loop3A_734 = vector.shape_cast %parallel_loop3A_733 : vector<16x1xi32> to vector<16xi32>
        %parallel_loop3A_735 = tpu.dynamic_gather %gather3A_50[%parallel_loop3A_734] in [0] : vector<16xf32>, vector<16xi32> -> vector<16xf32>
        %parallel_loop3A_736 = arith.constant 6 : i32
        %parallel_loop3A_737 = vector.broadcast %parallel_loop3A_736 : i32 to vector<16xi32>
        %parallel_loop3A_738 = arith.muli %parallel_loop3A_710, %parallel_loop3A_737 : vector<16xi32>
        %parallel_loop3A_739 = arith.constant 69 : i32
        %parallel_loop3A_740 = vector.broadcast %parallel_loop3A_739 : i32 to vector<16xi32>
        %parallel_loop3A_741 = arith.addi %parallel_loop3A_738, %parallel_loop3A_740 : vector<16xi32>
        %parallel_loop3A_742 = tpu.vector_load_idx %arg8[%parallel_loop3A_741] : memref<416xf32, #tpu.memory_space<vmem>>[vector<16xi32>], vector<16xf32>,
        %parallel_loop3A_743 = arith.constant 6 : i32
        %parallel_loop3A_744 = vector.broadcast %parallel_loop3A_743 : i32 to vector<16xi32>
        %parallel_loop3A_745 = arith.muli %parallel_loop3A_710, %parallel_loop3A_744 : vector<16xi32>
        %parallel_loop3A_746 = arith.constant 70 : i32
        %parallel_loop3A_747 = vector.broadcast %parallel_loop3A_746 : i32 to vector<16xi32>
        %parallel_loop3A_748 = arith.addi %parallel_loop3A_745, %parallel_loop3A_747 : vector<16xi32>
        %parallel_loop3A_749 = tpu.vector_load_idx %arg8[%parallel_loop3A_748] : memref<416xf32, #tpu.memory_space<vmem>>[vector<16xi32>], vector<16xf32>,
        %parallel_loop3A_750 = arith.constant 6 : i32
        %parallel_loop3A_751 = vector.broadcast %parallel_loop3A_750 : i32 to vector<16xi32>
        %parallel_loop3A_752 = arith.muli %parallel_loop3A_710, %parallel_loop3A_751 : vector<16xi32>
        %parallel_loop3A_753 = arith.constant 71 : i32
        %parallel_loop3A_754 = vector.broadcast %parallel_loop3A_753 : i32 to vector<16xi32>
        %parallel_loop3A_755 = arith.addi %parallel_loop3A_752, %parallel_loop3A_754 : vector<16xi32>
        %parallel_loop3A_756 = tpu.vector_load_idx %arg8[%parallel_loop3A_755] : memref<416xf32, #tpu.memory_space<vmem>>[vector<16xi32>], vector<16xf32>,
        %parallel_loop3A_757 = arith.constant 6 : i32
        %parallel_loop3A_758 = vector.broadcast %parallel_loop3A_757 : i32 to vector<16xi32>
        %parallel_loop3A_759 = arith.muli %parallel_loop3A_710, %parallel_loop3A_758 : vector<16xi32>
        %parallel_loop3A_760 = arith.constant 72 : i32
        %parallel_loop3A_761 = vector.broadcast %parallel_loop3A_760 : i32 to vector<16xi32>
        %parallel_loop3A_762 = arith.addi %parallel_loop3A_759, %parallel_loop3A_761 : vector<16xi32>
        %parallel_loop3A_763 = tpu.vector_load_idx %arg8[%parallel_loop3A_762] : memref<416xf32, #tpu.memory_space<vmem>>[vector<16xi32>], vector<16xf32>,
        %parallel_loop3A_764 = arith.constant 6 : i32
        %parallel_loop3A_765 = vector.broadcast %parallel_loop3A_764 : i32 to vector<16xi32>
        %parallel_loop3A_766 = arith.muli %parallel_loop3A_710, %parallel_loop3A_765 : vector<16xi32>
        %parallel_loop3A_767 = arith.constant 73 : i32
        %parallel_loop3A_768 = vector.broadcast %parallel_loop3A_767 : i32 to vector<16xi32>
        %parallel_loop3A_769 = arith.addi %parallel_loop3A_766, %parallel_loop3A_768 : vector<16xi32>
        %parallel_loop3A_770 = tpu.vector_load_idx %arg8[%parallel_loop3A_769] : memref<416xf32, #tpu.memory_space<vmem>>[vector<16xi32>], vector<16xf32>,
        %parallel_loop3A_771 = arith.constant 6 : i32
        %parallel_loop3A_772 = vector.broadcast %parallel_loop3A_771 : i32 to vector<16xi32>
        %parallel_loop3A_773 = arith.muli %parallel_loop3A_710, %parallel_loop3A_772 : vector<16xi32>
        %parallel_loop3A_774 = arith.constant 74 : i32
        %parallel_loop3A_775 = vector.broadcast %parallel_loop3A_774 : i32 to vector<16xi32>
        %parallel_loop3A_776 = arith.addi %parallel_loop3A_773, %parallel_loop3A_775 : vector<16xi32>
        %parallel_loop3A_777 = tpu.vector_load_idx %arg8[%parallel_loop3A_776] : memref<416xf32, #tpu.memory_space<vmem>>[vector<16xi32>], vector<16xf32>,
        %parallel_loop3A_778 = vector.shape_cast %parallel_loop3A_714 : vector<16xi32> to vector<16x1xi32>
        %parallel_loop3A_779 = vector.shape_cast %parallel_loop3A_778 : vector<16x1xi32> to vector<16xi32>
        %parallel_loop3A_780 = tpu.dynamic_gather %gather3A_57[%parallel_loop3A_779] in [0] : vector<16xf32>, vector<16xi32> -> vector<16xf32>
        %parallel_loop3A_781 = vector.shape_cast %parallel_loop3A_714 : vector<16xi32> to vector<16x1xi32>
        %parallel_loop3A_782 = vector.shape_cast %parallel_loop3A_781 : vector<16x1xi32> to vector<16xi32>
        %parallel_loop3A_783 = tpu.dynamic_gather %gather3A_64[%parallel_loop3A_782] in [0] : vector<16xf32>, vector<16xi32> -> vector<16xf32>
        %parallel_loop3A_784 = arith.constant 0 : i32
        %parallel_loop3A_785 = arith.constant 3 : i32
        %parallel_loop3A_786 = arith.index_cast %parallel_loop3A_784 : i32 to index
        %parallel_loop3A_787 = arith.index_cast %parallel_loop3A_785 : i32 to index
        %parallel_loop3A_788 = arith.index_cast %parallel_loop3A_173 : i32 to index
        %parallel_loop3A_789 = tpu.vector_load %arg18[%parallel_loop3A_786, %parallel_loop3A_787, %parallel_loop3A_788] {strides = array<i32>} : memref<15x8x256xf32, #tpu.memory_space<vmem>>, vector<16xf32>,
        tpu.vector_store %arg18[%parallel_loop3A_786, %parallel_loop3A_787, %parallel_loop3A_788], %parallel_loop3A_717 {strides = array<i32>} : memref<15x8x256xf32, #tpu.memory_space<vmem>>, vector<16xf32>,
        %parallel_loop3A_790 = arith.constant 1 : i32
        %parallel_loop3A_791 = arith.constant 3 : i32
        %parallel_loop3A_792 = arith.index_cast %parallel_loop3A_790 : i32 to index
        %parallel_loop3A_793 = arith.index_cast %parallel_loop3A_791 : i32 to index
        %parallel_loop3A_794 = arith.index_cast %parallel_loop3A_173 : i32 to index
        %parallel_loop3A_795 = tpu.vector_load %arg18[%parallel_loop3A_792, %parallel_loop3A_793, %parallel_loop3A_794] {strides = array<i32>} : memref<15x8x256xf32, #tpu.memory_space<vmem>>, vector<16xf32>,
        tpu.vector_store %arg18[%parallel_loop3A_792, %parallel_loop3A_793, %parallel_loop3A_794], %parallel_loop3A_720 {strides = array<i32>} : memref<15x8x256xf32, #tpu.memory_space<vmem>>, vector<16xf32>,
        %parallel_loop3A_796 = arith.constant 2 : i32
        %parallel_loop3A_797 = arith.constant 3 : i32
        %parallel_loop3A_798 = arith.index_cast %parallel_loop3A_796 : i32 to index
        %parallel_loop3A_799 = arith.index_cast %parallel_loop3A_797 : i32 to index
        %parallel_loop3A_800 = arith.index_cast %parallel_loop3A_173 : i32 to index
        %parallel_loop3A_801 = tpu.vector_load %arg18[%parallel_loop3A_798, %parallel_loop3A_799, %parallel_loop3A_800] {strides = array<i32>} : memref<15x8x256xf32, #tpu.memory_space<vmem>>, vector<16xf32>,
        tpu.vector_store %arg18[%parallel_loop3A_798, %parallel_loop3A_799, %parallel_loop3A_800], %parallel_loop3A_723 {strides = array<i32>} : memref<15x8x256xf32, #tpu.memory_space<vmem>>, vector<16xf32>,
        %parallel_loop3A_802 = arith.constant 3 : i32
        %parallel_loop3A_803 = arith.constant 3 : i32
        %parallel_loop3A_804 = arith.index_cast %parallel_loop3A_802 : i32 to index
        %parallel_loop3A_805 = arith.index_cast %parallel_loop3A_803 : i32 to index
        %parallel_loop3A_806 = arith.index_cast %parallel_loop3A_173 : i32 to index
        %parallel_loop3A_807 = tpu.vector_load %arg18[%parallel_loop3A_804, %parallel_loop3A_805, %parallel_loop3A_806] {strides = array<i32>} : memref<15x8x256xf32, #tpu.memory_space<vmem>>, vector<16xf32>,
        tpu.vector_store %arg18[%parallel_loop3A_804, %parallel_loop3A_805, %parallel_loop3A_806], %parallel_loop3A_726 {strides = array<i32>} : memref<15x8x256xf32, #tpu.memory_space<vmem>>, vector<16xf32>,
        %parallel_loop3A_808 = arith.constant 4 : i32
        %parallel_loop3A_809 = arith.constant 3 : i32
        %parallel_loop3A_810 = arith.index_cast %parallel_loop3A_808 : i32 to index
        %parallel_loop3A_811 = arith.index_cast %parallel_loop3A_809 : i32 to index
        %parallel_loop3A_812 = arith.index_cast %parallel_loop3A_173 : i32 to index
        %parallel_loop3A_813 = tpu.vector_load %arg18[%parallel_loop3A_810, %parallel_loop3A_811, %parallel_loop3A_812] {strides = array<i32>} : memref<15x8x256xf32, #tpu.memory_space<vmem>>, vector<16xf32>,
        tpu.vector_store %arg18[%parallel_loop3A_810, %parallel_loop3A_811, %parallel_loop3A_812], %parallel_loop3A_729 {strides = array<i32>} : memref<15x8x256xf32, #tpu.memory_space<vmem>>, vector<16xf32>,
        %parallel_loop3A_814 = arith.constant 5 : i32
        %parallel_loop3A_815 = arith.constant 3 : i32
        %parallel_loop3A_816 = arith.index_cast %parallel_loop3A_814 : i32 to index
        %parallel_loop3A_817 = arith.index_cast %parallel_loop3A_815 : i32 to index
        %parallel_loop3A_818 = arith.index_cast %parallel_loop3A_173 : i32 to index
        %parallel_loop3A_819 = tpu.vector_load %arg18[%parallel_loop3A_816, %parallel_loop3A_817, %parallel_loop3A_818] {strides = array<i32>} : memref<15x8x256xf32, #tpu.memory_space<vmem>>, vector<16xf32>,
        tpu.vector_store %arg18[%parallel_loop3A_816, %parallel_loop3A_817, %parallel_loop3A_818], %parallel_loop3A_732 {strides = array<i32>} : memref<15x8x256xf32, #tpu.memory_space<vmem>>, vector<16xf32>,
        %parallel_loop3A_820 = arith.constant 6 : i32
        %parallel_loop3A_821 = arith.constant 3 : i32
        %parallel_loop3A_822 = arith.index_cast %parallel_loop3A_820 : i32 to index
        %parallel_loop3A_823 = arith.index_cast %parallel_loop3A_821 : i32 to index
        %parallel_loop3A_824 = arith.index_cast %parallel_loop3A_173 : i32 to index
        %parallel_loop3A_825 = tpu.vector_load %arg18[%parallel_loop3A_822, %parallel_loop3A_823, %parallel_loop3A_824] {strides = array<i32>} : memref<15x8x256xf32, #tpu.memory_space<vmem>>, vector<16xf32>,
        tpu.vector_store %arg18[%parallel_loop3A_822, %parallel_loop3A_823, %parallel_loop3A_824], %parallel_loop3A_735 {strides = array<i32>} : memref<15x8x256xf32, #tpu.memory_space<vmem>>, vector<16xf32>,
        %parallel_loop3A_826 = arith.constant 7 : i32
        %parallel_loop3A_827 = arith.constant 3 : i32
        %parallel_loop3A_828 = arith.index_cast %parallel_loop3A_826 : i32 to index
        %parallel_loop3A_829 = arith.index_cast %parallel_loop3A_827 : i32 to index
        %parallel_loop3A_830 = arith.index_cast %parallel_loop3A_173 : i32 to index
        %parallel_loop3A_831 = tpu.vector_load %arg18[%parallel_loop3A_828, %parallel_loop3A_829, %parallel_loop3A_830] {strides = array<i32>} : memref<15x8x256xf32, #tpu.memory_space<vmem>>, vector<16xf32>,
        tpu.vector_store %arg18[%parallel_loop3A_828, %parallel_loop3A_829, %parallel_loop3A_830], %parallel_loop3A_742 {strides = array<i32>} : memref<15x8x256xf32, #tpu.memory_space<vmem>>, vector<16xf32>,
        %parallel_loop3A_832 = arith.constant 8 : i32
        %parallel_loop3A_833 = arith.constant 3 : i32
        %parallel_loop3A_834 = arith.index_cast %parallel_loop3A_832 : i32 to index
        %parallel_loop3A_835 = arith.index_cast %parallel_loop3A_833 : i32 to index
        %parallel_loop3A_836 = arith.index_cast %parallel_loop3A_173 : i32 to index
        %parallel_loop3A_837 = tpu.vector_load %arg18[%parallel_loop3A_834, %parallel_loop3A_835, %parallel_loop3A_836] {strides = array<i32>} : memref<15x8x256xf32, #tpu.memory_space<vmem>>, vector<16xf32>,
        tpu.vector_store %arg18[%parallel_loop3A_834, %parallel_loop3A_835, %parallel_loop3A_836], %parallel_loop3A_749 {strides = array<i32>} : memref<15x8x256xf32, #tpu.memory_space<vmem>>, vector<16xf32>,
        %parallel_loop3A_838 = arith.constant 9 : i32
        %parallel_loop3A_839 = arith.constant 3 : i32
        %parallel_loop3A_840 = arith.index_cast %parallel_loop3A_838 : i32 to index
        %parallel_loop3A_841 = arith.index_cast %parallel_loop3A_839 : i32 to index
        %parallel_loop3A_842 = arith.index_cast %parallel_loop3A_173 : i32 to index
        %parallel_loop3A_843 = tpu.vector_load %arg18[%parallel_loop3A_840, %parallel_loop3A_841, %parallel_loop3A_842] {strides = array<i32>} : memref<15x8x256xf32, #tpu.memory_space<vmem>>, vector<16xf32>,
        tpu.vector_store %arg18[%parallel_loop3A_840, %parallel_loop3A_841, %parallel_loop3A_842], %parallel_loop3A_756 {strides = array<i32>} : memref<15x8x256xf32, #tpu.memory_space<vmem>>, vector<16xf32>,
        %parallel_loop3A_844 = arith.constant 10 : i32
        %parallel_loop3A_845 = arith.constant 3 : i32
        %parallel_loop3A_846 = arith.index_cast %parallel_loop3A_844 : i32 to index
        %parallel_loop3A_847 = arith.index_cast %parallel_loop3A_845 : i32 to index
        %parallel_loop3A_848 = arith.index_cast %parallel_loop3A_173 : i32 to index
        %parallel_loop3A_849 = tpu.vector_load %arg18[%parallel_loop3A_846, %parallel_loop3A_847, %parallel_loop3A_848] {strides = array<i32>} : memref<15x8x256xf32, #tpu.memory_space<vmem>>, vector<16xf32>,
        tpu.vector_store %arg18[%parallel_loop3A_846, %parallel_loop3A_847, %parallel_loop3A_848], %parallel_loop3A_763 {strides = array<i32>} : memref<15x8x256xf32, #tpu.memory_space<vmem>>, vector<16xf32>,
        %parallel_loop3A_850 = arith.constant 11 : i32
        %parallel_loop3A_851 = arith.constant 3 : i32
        %parallel_loop3A_852 = arith.index_cast %parallel_loop3A_850 : i32 to index
        %parallel_loop3A_853 = arith.index_cast %parallel_loop3A_851 : i32 to index
        %parallel_loop3A_854 = arith.index_cast %parallel_loop3A_173 : i32 to index
        %parallel_loop3A_855 = tpu.vector_load %arg18[%parallel_loop3A_852, %parallel_loop3A_853, %parallel_loop3A_854] {strides = array<i32>} : memref<15x8x256xf32, #tpu.memory_space<vmem>>, vector<16xf32>,
        tpu.vector_store %arg18[%parallel_loop3A_852, %parallel_loop3A_853, %parallel_loop3A_854], %parallel_loop3A_770 {strides = array<i32>} : memref<15x8x256xf32, #tpu.memory_space<vmem>>, vector<16xf32>,
        %parallel_loop3A_856 = arith.constant 12 : i32
        %parallel_loop3A_857 = arith.constant 3 : i32
        %parallel_loop3A_858 = arith.index_cast %parallel_loop3A_856 : i32 to index
        %parallel_loop3A_859 = arith.index_cast %parallel_loop3A_857 : i32 to index
        %parallel_loop3A_860 = arith.index_cast %parallel_loop3A_173 : i32 to index
        %parallel_loop3A_861 = tpu.vector_load %arg18[%parallel_loop3A_858, %parallel_loop3A_859, %parallel_loop3A_860] {strides = array<i32>} : memref<15x8x256xf32, #tpu.memory_space<vmem>>, vector<16xf32>,
        tpu.vector_store %arg18[%parallel_loop3A_858, %parallel_loop3A_859, %parallel_loop3A_860], %parallel_loop3A_777 {strides = array<i32>} : memref<15x8x256xf32, #tpu.memory_space<vmem>>, vector<16xf32>,
        %parallel_loop3A_862 = arith.constant 13 : i32
        %parallel_loop3A_863 = arith.constant 3 : i32
        %parallel_loop3A_864 = arith.index_cast %parallel_loop3A_862 : i32 to index
        %parallel_loop3A_865 = arith.index_cast %parallel_loop3A_863 : i32 to index
        %parallel_loop3A_866 = arith.index_cast %parallel_loop3A_173 : i32 to index
        %parallel_loop3A_867 = tpu.vector_load %arg18[%parallel_loop3A_864, %parallel_loop3A_865, %parallel_loop3A_866] {strides = array<i32>} : memref<15x8x256xf32, #tpu.memory_space<vmem>>, vector<16xf32>,
        tpu.vector_store %arg18[%parallel_loop3A_864, %parallel_loop3A_865, %parallel_loop3A_866], %parallel_loop3A_780 {strides = array<i32>} : memref<15x8x256xf32, #tpu.memory_space<vmem>>, vector<16xf32>,
        %parallel_loop3A_868 = arith.constant 14 : i32
        %parallel_loop3A_869 = arith.constant 3 : i32
        %parallel_loop3A_870 = arith.index_cast %parallel_loop3A_868 : i32 to index
        %parallel_loop3A_871 = arith.index_cast %parallel_loop3A_869 : i32 to index
        %parallel_loop3A_872 = arith.index_cast %parallel_loop3A_173 : i32 to index
        %parallel_loop3A_873 = tpu.vector_load %arg18[%parallel_loop3A_870, %parallel_loop3A_871, %parallel_loop3A_872] {strides = array<i32>} : memref<15x8x256xf32, #tpu.memory_space<vmem>>, vector<16xf32>,
        tpu.vector_store %arg18[%parallel_loop3A_870, %parallel_loop3A_871, %parallel_loop3A_872], %parallel_loop3A_783 {strides = array<i32>} : memref<15x8x256xf32, #tpu.memory_space<vmem>>, vector<16xf32>,
        %parallel_loop3A_874 = arith.constant 4 : i32
        %parallel_loop3A_875 = arith.index_cast %parallel_loop3A_874 : i32 to index
        %parallel_loop3A_876 = arith.index_cast %parallel_loop3A_173 : i32 to index
        %parallel_loop3A_877 = tpu.vector_load %arg13[%parallel_loop3A_875, %parallel_loop3A_876] {strides = array<i32>} : memref<8x256xi32, #tpu.memory_space<vmem>>, vector<16xi32>,
        %parallel_loop3A_878 = arith.constant 4 : i32
        %parallel_loop3A_879 = arith.index_cast %parallel_loop3A_878 : i32 to index
        %parallel_loop3A_880 = arith.index_cast %parallel_loop3A_173 : i32 to index
        %parallel_loop3A_881 = tpu.vector_load %arg14[%parallel_loop3A_879, %parallel_loop3A_880] {strides = array<i32>} : memref<8x256xi32, #tpu.memory_space<vmem>>, vector<16xi32>,
        %parallel_loop3A_882 = arith.constant 4 : i32
        %parallel_loop3A_883 = arith.index_cast %parallel_loop3A_882 : i32 to index
        %parallel_loop3A_884 = arith.index_cast %parallel_loop3A_173 : i32 to index
        %parallel_loop3A_885 = tpu.vector_load %arg15[%parallel_loop3A_883, %parallel_loop3A_884] {strides = array<i32>} : memref<8x256xi32, #tpu.memory_space<vmem>>, vector<16xi32>,
        %parallel_loop3A_886 = arith.constant 4 : i32
        %parallel_loop3A_887 = arith.index_cast %parallel_loop3A_886 : i32 to index
        %parallel_loop3A_888 = arith.index_cast %parallel_loop3A_173 : i32 to index
        %parallel_loop3A_889 = tpu.vector_load %arg16[%parallel_loop3A_887, %parallel_loop3A_888] {strides = array<i32>} : memref<8x256xi32, #tpu.memory_space<vmem>>, vector<16xi32>,
        %parallel_loop3A_890 = vector.shape_cast %parallel_loop3A_877 : vector<16xi32> to vector<16x1xi32>
        %parallel_loop3A_891 = vector.shape_cast %parallel_loop3A_890 : vector<16x1xi32> to vector<16xi32>
        %parallel_loop3A_892 = tpu.dynamic_gather %gather3A[%parallel_loop3A_891] in [0] : vector<16xf32>, vector<16xi32> -> vector<16xf32>
        %parallel_loop3A_893 = vector.shape_cast %parallel_loop3A_877 : vector<16xi32> to vector<16x1xi32>
        %parallel_loop3A_894 = vector.shape_cast %parallel_loop3A_893 : vector<16x1xi32> to vector<16xi32>
        %parallel_loop3A_895 = tpu.dynamic_gather %gather3A_15[%parallel_loop3A_894] in [0] : vector<16xf32>, vector<16xi32> -> vector<16xf32>
        %parallel_loop3A_896 = vector.shape_cast %parallel_loop3A_877 : vector<16xi32> to vector<16x1xi32>
        %parallel_loop3A_897 = vector.shape_cast %parallel_loop3A_896 : vector<16x1xi32> to vector<16xi32>
        %parallel_loop3A_898 = tpu.dynamic_gather %gather3A_22[%parallel_loop3A_897] in [0] : vector<16xf32>, vector<16xi32> -> vector<16xf32>
        %parallel_loop3A_899 = vector.shape_cast %parallel_loop3A_877 : vector<16xi32> to vector<16x1xi32>
        %parallel_loop3A_900 = vector.shape_cast %parallel_loop3A_899 : vector<16x1xi32> to vector<16xi32>
        %parallel_loop3A_901 = tpu.dynamic_gather %gather3A_29[%parallel_loop3A_900] in [0] : vector<16xf32>, vector<16xi32> -> vector<16xf32>
        %parallel_loop3A_902 = vector.shape_cast %parallel_loop3A_881 : vector<16xi32> to vector<16x1xi32>
        %parallel_loop3A_903 = vector.shape_cast %parallel_loop3A_902 : vector<16x1xi32> to vector<16xi32>
        %parallel_loop3A_904 = tpu.dynamic_gather %gather3A_36[%parallel_loop3A_903] in [0] : vector<16xf32>, vector<16xi32> -> vector<16xf32>
        %parallel_loop3A_905 = vector.shape_cast %parallel_loop3A_881 : vector<16xi32> to vector<16x1xi32>
        %parallel_loop3A_906 = vector.shape_cast %parallel_loop3A_905 : vector<16x1xi32> to vector<16xi32>
        %parallel_loop3A_907 = tpu.dynamic_gather %gather3A_43[%parallel_loop3A_906] in [0] : vector<16xf32>, vector<16xi32> -> vector<16xf32>
        %parallel_loop3A_908 = vector.shape_cast %parallel_loop3A_881 : vector<16xi32> to vector<16x1xi32>
        %parallel_loop3A_909 = vector.shape_cast %parallel_loop3A_908 : vector<16x1xi32> to vector<16xi32>
        %parallel_loop3A_910 = tpu.dynamic_gather %gather3A_50[%parallel_loop3A_909] in [0] : vector<16xf32>, vector<16xi32> -> vector<16xf32>
        %parallel_loop3A_911 = arith.constant 6 : i32
        %parallel_loop3A_912 = vector.broadcast %parallel_loop3A_911 : i32 to vector<16xi32>
        %parallel_loop3A_913 = arith.muli %parallel_loop3A_885, %parallel_loop3A_912 : vector<16xi32>
        %parallel_loop3A_914 = arith.constant 69 : i32
        %parallel_loop3A_915 = vector.broadcast %parallel_loop3A_914 : i32 to vector<16xi32>
        %parallel_loop3A_916 = arith.addi %parallel_loop3A_913, %parallel_loop3A_915 : vector<16xi32>
        %parallel_loop3A_917 = tpu.vector_load_idx %arg8[%parallel_loop3A_916] : memref<416xf32, #tpu.memory_space<vmem>>[vector<16xi32>], vector<16xf32>,
        %parallel_loop3A_918 = arith.constant 6 : i32
        %parallel_loop3A_919 = vector.broadcast %parallel_loop3A_918 : i32 to vector<16xi32>
        %parallel_loop3A_920 = arith.muli %parallel_loop3A_885, %parallel_loop3A_919 : vector<16xi32>
        %parallel_loop3A_921 = arith.constant 70 : i32
        %parallel_loop3A_922 = vector.broadcast %parallel_loop3A_921 : i32 to vector<16xi32>
        %parallel_loop3A_923 = arith.addi %parallel_loop3A_920, %parallel_loop3A_922 : vector<16xi32>
        %parallel_loop3A_924 = tpu.vector_load_idx %arg8[%parallel_loop3A_923] : memref<416xf32, #tpu.memory_space<vmem>>[vector<16xi32>], vector<16xf32>,
        %parallel_loop3A_925 = arith.constant 6 : i32
        %parallel_loop3A_926 = vector.broadcast %parallel_loop3A_925 : i32 to vector<16xi32>
        %parallel_loop3A_927 = arith.muli %parallel_loop3A_885, %parallel_loop3A_926 : vector<16xi32>
        %parallel_loop3A_928 = arith.constant 71 : i32
        %parallel_loop3A_929 = vector.broadcast %parallel_loop3A_928 : i32 to vector<16xi32>
        %parallel_loop3A_930 = arith.addi %parallel_loop3A_927, %parallel_loop3A_929 : vector<16xi32>
        %parallel_loop3A_931 = tpu.vector_load_idx %arg8[%parallel_loop3A_930] : memref<416xf32, #tpu.memory_space<vmem>>[vector<16xi32>], vector<16xf32>,
        %parallel_loop3A_932 = arith.constant 6 : i32
        %parallel_loop3A_933 = vector.broadcast %parallel_loop3A_932 : i32 to vector<16xi32>
        %parallel_loop3A_934 = arith.muli %parallel_loop3A_885, %parallel_loop3A_933 : vector<16xi32>
        %parallel_loop3A_935 = arith.constant 72 : i32
        %parallel_loop3A_936 = vector.broadcast %parallel_loop3A_935 : i32 to vector<16xi32>
        %parallel_loop3A_937 = arith.addi %parallel_loop3A_934, %parallel_loop3A_936 : vector<16xi32>
        %parallel_loop3A_938 = tpu.vector_load_idx %arg8[%parallel_loop3A_937] : memref<416xf32, #tpu.memory_space<vmem>>[vector<16xi32>], vector<16xf32>,
        %parallel_loop3A_939 = arith.constant 6 : i32
        %parallel_loop3A_940 = vector.broadcast %parallel_loop3A_939 : i32 to vector<16xi32>
        %parallel_loop3A_941 = arith.muli %parallel_loop3A_885, %parallel_loop3A_940 : vector<16xi32>
        %parallel_loop3A_942 = arith.constant 73 : i32
        %parallel_loop3A_943 = vector.broadcast %parallel_loop3A_942 : i32 to vector<16xi32>
        %parallel_loop3A_944 = arith.addi %parallel_loop3A_941, %parallel_loop3A_943 : vector<16xi32>
        %parallel_loop3A_945 = tpu.vector_load_idx %arg8[%parallel_loop3A_944] : memref<416xf32, #tpu.memory_space<vmem>>[vector<16xi32>], vector<16xf32>,
        %parallel_loop3A_946 = arith.constant 6 : i32
        %parallel_loop3A_947 = vector.broadcast %parallel_loop3A_946 : i32 to vector<16xi32>
        %parallel_loop3A_948 = arith.muli %parallel_loop3A_885, %parallel_loop3A_947 : vector<16xi32>
        %parallel_loop3A_949 = arith.constant 74 : i32
        %parallel_loop3A_950 = vector.broadcast %parallel_loop3A_949 : i32 to vector<16xi32>
        %parallel_loop3A_951 = arith.addi %parallel_loop3A_948, %parallel_loop3A_950 : vector<16xi32>
        %parallel_loop3A_952 = tpu.vector_load_idx %arg8[%parallel_loop3A_951] : memref<416xf32, #tpu.memory_space<vmem>>[vector<16xi32>], vector<16xf32>,
        %parallel_loop3A_953 = vector.shape_cast %parallel_loop3A_889 : vector<16xi32> to vector<16x1xi32>
        %parallel_loop3A_954 = vector.shape_cast %parallel_loop3A_953 : vector<16x1xi32> to vector<16xi32>
        %parallel_loop3A_955 = tpu.dynamic_gather %gather3A_57[%parallel_loop3A_954] in [0] : vector<16xf32>, vector<16xi32> -> vector<16xf32>
        %parallel_loop3A_956 = vector.shape_cast %parallel_loop3A_889 : vector<16xi32> to vector<16x1xi32>
        %parallel_loop3A_957 = vector.shape_cast %parallel_loop3A_956 : vector<16x1xi32> to vector<16xi32>
        %parallel_loop3A_958 = tpu.dynamic_gather %gather3A_64[%parallel_loop3A_957] in [0] : vector<16xf32>, vector<16xi32> -> vector<16xf32>
        %parallel_loop3A_959 = arith.constant 0 : i32
        %parallel_loop3A_960 = arith.constant 4 : i32
        %parallel_loop3A_961 = arith.index_cast %parallel_loop3A_959 : i32 to index
        %parallel_loop3A_962 = arith.index_cast %parallel_loop3A_960 : i32 to index
        %parallel_loop3A_963 = arith.index_cast %parallel_loop3A_173 : i32 to index
        %parallel_loop3A_964 = tpu.vector_load %arg18[%parallel_loop3A_961, %parallel_loop3A_962, %parallel_loop3A_963] {strides = array<i32>} : memref<15x8x256xf32, #tpu.memory_space<vmem>>, vector<16xf32>,
        tpu.vector_store %arg18[%parallel_loop3A_961, %parallel_loop3A_962, %parallel_loop3A_963], %parallel_loop3A_892 {strides = array<i32>} : memref<15x8x256xf32, #tpu.memory_space<vmem>>, vector<16xf32>,
        %parallel_loop3A_965 = arith.constant 1 : i32
        %parallel_loop3A_966 = arith.constant 4 : i32
        %parallel_loop3A_967 = arith.index_cast %parallel_loop3A_965 : i32 to index
        %parallel_loop3A_968 = arith.index_cast %parallel_loop3A_966 : i32 to index
        %parallel_loop3A_969 = arith.index_cast %parallel_loop3A_173 : i32 to index
        %parallel_loop3A_970 = tpu.vector_load %arg18[%parallel_loop3A_967, %parallel_loop3A_968, %parallel_loop3A_969] {strides = array<i32>} : memref<15x8x256xf32, #tpu.memory_space<vmem>>, vector<16xf32>,
        tpu.vector_store %arg18[%parallel_loop3A_967, %parallel_loop3A_968, %parallel_loop3A_969], %parallel_loop3A_895 {strides = array<i32>} : memref<15x8x256xf32, #tpu.memory_space<vmem>>, vector<16xf32>,
        %parallel_loop3A_971 = arith.constant 2 : i32
        %parallel_loop3A_972 = arith.constant 4 : i32
        %parallel_loop3A_973 = arith.index_cast %parallel_loop3A_971 : i32 to index
        %parallel_loop3A_974 = arith.index_cast %parallel_loop3A_972 : i32 to index
        %parallel_loop3A_975 = arith.index_cast %parallel_loop3A_173 : i32 to index
        %parallel_loop3A_976 = tpu.vector_load %arg18[%parallel_loop3A_973, %parallel_loop3A_974, %parallel_loop3A_975] {strides = array<i32>} : memref<15x8x256xf32, #tpu.memory_space<vmem>>, vector<16xf32>,
        tpu.vector_store %arg18[%parallel_loop3A_973, %parallel_loop3A_974, %parallel_loop3A_975], %parallel_loop3A_898 {strides = array<i32>} : memref<15x8x256xf32, #tpu.memory_space<vmem>>, vector<16xf32>,
        %parallel_loop3A_977 = arith.constant 3 : i32
        %parallel_loop3A_978 = arith.constant 4 : i32
        %parallel_loop3A_979 = arith.index_cast %parallel_loop3A_977 : i32 to index
        %parallel_loop3A_980 = arith.index_cast %parallel_loop3A_978 : i32 to index
        %parallel_loop3A_981 = arith.index_cast %parallel_loop3A_173 : i32 to index
        %parallel_loop3A_982 = tpu.vector_load %arg18[%parallel_loop3A_979, %parallel_loop3A_980, %parallel_loop3A_981] {strides = array<i32>} : memref<15x8x256xf32, #tpu.memory_space<vmem>>, vector<16xf32>,
        tpu.vector_store %arg18[%parallel_loop3A_979, %parallel_loop3A_980, %parallel_loop3A_981], %parallel_loop3A_901 {strides = array<i32>} : memref<15x8x256xf32, #tpu.memory_space<vmem>>, vector<16xf32>,
        %parallel_loop3A_983 = arith.constant 4 : i32
        %parallel_loop3A_984 = arith.constant 4 : i32
        %parallel_loop3A_985 = arith.index_cast %parallel_loop3A_983 : i32 to index
        %parallel_loop3A_986 = arith.index_cast %parallel_loop3A_984 : i32 to index
        %parallel_loop3A_987 = arith.index_cast %parallel_loop3A_173 : i32 to index
        %parallel_loop3A_988 = tpu.vector_load %arg18[%parallel_loop3A_985, %parallel_loop3A_986, %parallel_loop3A_987] {strides = array<i32>} : memref<15x8x256xf32, #tpu.memory_space<vmem>>, vector<16xf32>,
        tpu.vector_store %arg18[%parallel_loop3A_985, %parallel_loop3A_986, %parallel_loop3A_987], %parallel_loop3A_904 {strides = array<i32>} : memref<15x8x256xf32, #tpu.memory_space<vmem>>, vector<16xf32>,
        %parallel_loop3A_989 = arith.constant 5 : i32
        %parallel_loop3A_990 = arith.constant 4 : i32
        %parallel_loop3A_991 = arith.index_cast %parallel_loop3A_989 : i32 to index
        %parallel_loop3A_992 = arith.index_cast %parallel_loop3A_990 : i32 to index
        %parallel_loop3A_993 = arith.index_cast %parallel_loop3A_173 : i32 to index
        %parallel_loop3A_994 = tpu.vector_load %arg18[%parallel_loop3A_991, %parallel_loop3A_992, %parallel_loop3A_993] {strides = array<i32>} : memref<15x8x256xf32, #tpu.memory_space<vmem>>, vector<16xf32>,
        tpu.vector_store %arg18[%parallel_loop3A_991, %parallel_loop3A_992, %parallel_loop3A_993], %parallel_loop3A_907 {strides = array<i32>} : memref<15x8x256xf32, #tpu.memory_space<vmem>>, vector<16xf32>,
        %parallel_loop3A_995 = arith.constant 6 : i32
        %parallel_loop3A_996 = arith.constant 4 : i32
        %parallel_loop3A_997 = arith.index_cast %parallel_loop3A_995 : i32 to index
        %parallel_loop3A_998 = arith.index_cast %parallel_loop3A_996 : i32 to index
        %parallel_loop3A_999 = arith.index_cast %parallel_loop3A_173 : i32 to index
        %parallel_loop3A_1000 = tpu.vector_load %arg18[%parallel_loop3A_997, %parallel_loop3A_998, %parallel_loop3A_999] {strides = array<i32>} : memref<15x8x256xf32, #tpu.memory_space<vmem>>, vector<16xf32>,
        tpu.vector_store %arg18[%parallel_loop3A_997, %parallel_loop3A_998, %parallel_loop3A_999], %parallel_loop3A_910 {strides = array<i32>} : memref<15x8x256xf32, #tpu.memory_space<vmem>>, vector<16xf32>,
        %parallel_loop3A_1001 = arith.constant 7 : i32
        %parallel_loop3A_1002 = arith.constant 4 : i32
        %parallel_loop3A_1003 = arith.index_cast %parallel_loop3A_1001 : i32 to index
        %parallel_loop3A_1004 = arith.index_cast %parallel_loop3A_1002 : i32 to index
        %parallel_loop3A_1005 = arith.index_cast %parallel_loop3A_173 : i32 to index
        %parallel_loop3A_1006 = tpu.vector_load %arg18[%parallel_loop3A_1003, %parallel_loop3A_1004, %parallel_loop3A_1005] {strides = array<i32>} : memref<15x8x256xf32, #tpu.memory_space<vmem>>, vector<16xf32>,
        tpu.vector_store %arg18[%parallel_loop3A_1003, %parallel_loop3A_1004, %parallel_loop3A_1005], %parallel_loop3A_917 {strides = array<i32>} : memref<15x8x256xf32, #tpu.memory_space<vmem>>, vector<16xf32>,
        %parallel_loop3A_1007 = arith.constant 8 : i32
        %parallel_loop3A_1008 = arith.constant 4 : i32
        %parallel_loop3A_1009 = arith.index_cast %parallel_loop3A_1007 : i32 to index
        %parallel_loop3A_1010 = arith.index_cast %parallel_loop3A_1008 : i32 to index
        %parallel_loop3A_1011 = arith.index_cast %parallel_loop3A_173 : i32 to index
        %parallel_loop3A_1012 = tpu.vector_load %arg18[%parallel_loop3A_1009, %parallel_loop3A_1010, %parallel_loop3A_1011] {strides = array<i32>} : memref<15x8x256xf32, #tpu.memory_space<vmem>>, vector<16xf32>,
        tpu.vector_store %arg18[%parallel_loop3A_1009, %parallel_loop3A_1010, %parallel_loop3A_1011], %parallel_loop3A_924 {strides = array<i32>} : memref<15x8x256xf32, #tpu.memory_space<vmem>>, vector<16xf32>,
        %parallel_loop3A_1013 = arith.constant 9 : i32
        %parallel_loop3A_1014 = arith.constant 4 : i32
        %parallel_loop3A_1015 = arith.index_cast %parallel_loop3A_1013 : i32 to index
        %parallel_loop3A_1016 = arith.index_cast %parallel_loop3A_1014 : i32 to index
        %parallel_loop3A_1017 = arith.index_cast %parallel_loop3A_173 : i32 to index
        %parallel_loop3A_1018 = tpu.vector_load %arg18[%parallel_loop3A_1015, %parallel_loop3A_1016, %parallel_loop3A_1017] {strides = array<i32>} : memref<15x8x256xf32, #tpu.memory_space<vmem>>, vector<16xf32>,
        tpu.vector_store %arg18[%parallel_loop3A_1015, %parallel_loop3A_1016, %parallel_loop3A_1017], %parallel_loop3A_931 {strides = array<i32>} : memref<15x8x256xf32, #tpu.memory_space<vmem>>, vector<16xf32>,
        %parallel_loop3A_1019 = arith.constant 10 : i32
        %parallel_loop3A_1020 = arith.constant 4 : i32
        %parallel_loop3A_1021 = arith.index_cast %parallel_loop3A_1019 : i32 to index
        %parallel_loop3A_1022 = arith.index_cast %parallel_loop3A_1020 : i32 to index
        %parallel_loop3A_1023 = arith.index_cast %parallel_loop3A_173 : i32 to index
        %parallel_loop3A_1024 = tpu.vector_load %arg18[%parallel_loop3A_1021, %parallel_loop3A_1022, %parallel_loop3A_1023] {strides = array<i32>} : memref<15x8x256xf32, #tpu.memory_space<vmem>>, vector<16xf32>,
        tpu.vector_store %arg18[%parallel_loop3A_1021, %parallel_loop3A_1022, %parallel_loop3A_1023], %parallel_loop3A_938 {strides = array<i32>} : memref<15x8x256xf32, #tpu.memory_space<vmem>>, vector<16xf32>,
        %parallel_loop3A_1025 = arith.constant 11 : i32
        %parallel_loop3A_1026 = arith.constant 4 : i32
        %parallel_loop3A_1027 = arith.index_cast %parallel_loop3A_1025 : i32 to index
        %parallel_loop3A_1028 = arith.index_cast %parallel_loop3A_1026 : i32 to index
        %parallel_loop3A_1029 = arith.index_cast %parallel_loop3A_173 : i32 to index
        %parallel_loop3A_1030 = tpu.vector_load %arg18[%parallel_loop3A_1027, %parallel_loop3A_1028, %parallel_loop3A_1029] {strides = array<i32>} : memref<15x8x256xf32, #tpu.memory_space<vmem>>, vector<16xf32>,
        tpu.vector_store %arg18[%parallel_loop3A_1027, %parallel_loop3A_1028, %parallel_loop3A_1029], %parallel_loop3A_945 {strides = array<i32>} : memref<15x8x256xf32, #tpu.memory_space<vmem>>, vector<16xf32>,
        %parallel_loop3A_1031 = arith.constant 12 : i32
        %parallel_loop3A_1032 = arith.constant 4 : i32
        %parallel_loop3A_1033 = arith.index_cast %parallel_loop3A_1031 : i32 to index
        %parallel_loop3A_1034 = arith.index_cast %parallel_loop3A_1032 : i32 to index
        %parallel_loop3A_1035 = arith.index_cast %parallel_loop3A_173 : i32 to index
        %parallel_loop3A_1036 = tpu.vector_load %arg18[%parallel_loop3A_1033, %parallel_loop3A_1034, %parallel_loop3A_1035] {strides = array<i32>} : memref<15x8x256xf32, #tpu.memory_space<vmem>>, vector<16xf32>,
        tpu.vector_store %arg18[%parallel_loop3A_1033, %parallel_loop3A_1034, %parallel_loop3A_1035], %parallel_loop3A_952 {strides = array<i32>} : memref<15x8x256xf32, #tpu.memory_space<vmem>>, vector<16xf32>,
        %parallel_loop3A_1037 = arith.constant 13 : i32
        %parallel_loop3A_1038 = arith.constant 4 : i32
        %parallel_loop3A_1039 = arith.index_cast %parallel_loop3A_1037 : i32 to index
        %parallel_loop3A_1040 = arith.index_cast %parallel_loop3A_1038 : i32 to index
        %parallel_loop3A_1041 = arith.index_cast %parallel_loop3A_173 : i32 to index
        %parallel_loop3A_1042 = tpu.vector_load %arg18[%parallel_loop3A_1039, %parallel_loop3A_1040, %parallel_loop3A_1041] {strides = array<i32>} : memref<15x8x256xf32, #tpu.memory_space<vmem>>, vector<16xf32>,
        tpu.vector_store %arg18[%parallel_loop3A_1039, %parallel_loop3A_1040, %parallel_loop3A_1041], %parallel_loop3A_955 {strides = array<i32>} : memref<15x8x256xf32, #tpu.memory_space<vmem>>, vector<16xf32>,
        %parallel_loop3A_1043 = arith.constant 14 : i32
        %parallel_loop3A_1044 = arith.constant 4 : i32
        %parallel_loop3A_1045 = arith.index_cast %parallel_loop3A_1043 : i32 to index
        %parallel_loop3A_1046 = arith.index_cast %parallel_loop3A_1044 : i32 to index
        %parallel_loop3A_1047 = arith.index_cast %parallel_loop3A_173 : i32 to index
        %parallel_loop3A_1048 = tpu.vector_load %arg18[%parallel_loop3A_1045, %parallel_loop3A_1046, %parallel_loop3A_1047] {strides = array<i32>} : memref<15x8x256xf32, #tpu.memory_space<vmem>>, vector<16xf32>,
        tpu.vector_store %arg18[%parallel_loop3A_1045, %parallel_loop3A_1046, %parallel_loop3A_1047], %parallel_loop3A_958 {strides = array<i32>} : memref<15x8x256xf32, #tpu.memory_space<vmem>>, vector<16xf32>,
        %parallel_loop3A_1049 = arith.constant 5 : i32
        %parallel_loop3A_1050 = arith.index_cast %parallel_loop3A_1049 : i32 to index
        %parallel_loop3A_1051 = arith.index_cast %parallel_loop3A_173 : i32 to index
        %parallel_loop3A_1052 = tpu.vector_load %arg13[%parallel_loop3A_1050, %parallel_loop3A_1051] {strides = array<i32>} : memref<8x256xi32, #tpu.memory_space<vmem>>, vector<16xi32>,
        %parallel_loop3A_1053 = arith.constant 5 : i32
        %parallel_loop3A_1054 = arith.index_cast %parallel_loop3A_1053 : i32 to index
        %parallel_loop3A_1055 = arith.index_cast %parallel_loop3A_173 : i32 to index
        %parallel_loop3A_1056 = tpu.vector_load %arg14[%parallel_loop3A_1054, %parallel_loop3A_1055] {strides = array<i32>} : memref<8x256xi32, #tpu.memory_space<vmem>>, vector<16xi32>,
        %parallel_loop3A_1057 = arith.constant 5 : i32
        %parallel_loop3A_1058 = arith.index_cast %parallel_loop3A_1057 : i32 to index
        %parallel_loop3A_1059 = arith.index_cast %parallel_loop3A_173 : i32 to index
        %parallel_loop3A_1060 = tpu.vector_load %arg15[%parallel_loop3A_1058, %parallel_loop3A_1059] {strides = array<i32>} : memref<8x256xi32, #tpu.memory_space<vmem>>, vector<16xi32>,
        %parallel_loop3A_1061 = arith.constant 5 : i32
        %parallel_loop3A_1062 = arith.index_cast %parallel_loop3A_1061 : i32 to index
        %parallel_loop3A_1063 = arith.index_cast %parallel_loop3A_173 : i32 to index
        %parallel_loop3A_1064 = tpu.vector_load %arg16[%parallel_loop3A_1062, %parallel_loop3A_1063] {strides = array<i32>} : memref<8x256xi32, #tpu.memory_space<vmem>>, vector<16xi32>,
        %parallel_loop3A_1065 = vector.shape_cast %parallel_loop3A_1052 : vector<16xi32> to vector<16x1xi32>
        %parallel_loop3A_1066 = vector.shape_cast %parallel_loop3A_1065 : vector<16x1xi32> to vector<16xi32>
        %parallel_loop3A_1067 = tpu.dynamic_gather %gather3A[%parallel_loop3A_1066] in [0] : vector<16xf32>, vector<16xi32> -> vector<16xf32>
        %parallel_loop3A_1068 = vector.shape_cast %parallel_loop3A_1052 : vector<16xi32> to vector<16x1xi32>
        %parallel_loop3A_1069 = vector.shape_cast %parallel_loop3A_1068 : vector<16x1xi32> to vector<16xi32>
        %parallel_loop3A_1070 = tpu.dynamic_gather %gather3A_15[%parallel_loop3A_1069] in [0] : vector<16xf32>, vector<16xi32> -> vector<16xf32>
        %parallel_loop3A_1071 = vector.shape_cast %parallel_loop3A_1052 : vector<16xi32> to vector<16x1xi32>
        %parallel_loop3A_1072 = vector.shape_cast %parallel_loop3A_1071 : vector<16x1xi32> to vector<16xi32>
        %parallel_loop3A_1073 = tpu.dynamic_gather %gather3A_22[%parallel_loop3A_1072] in [0] : vector<16xf32>, vector<16xi32> -> vector<16xf32>
        %parallel_loop3A_1074 = vector.shape_cast %parallel_loop3A_1052 : vector<16xi32> to vector<16x1xi32>
        %parallel_loop3A_1075 = vector.shape_cast %parallel_loop3A_1074 : vector<16x1xi32> to vector<16xi32>
        %parallel_loop3A_1076 = tpu.dynamic_gather %gather3A_29[%parallel_loop3A_1075] in [0] : vector<16xf32>, vector<16xi32> -> vector<16xf32>
        %parallel_loop3A_1077 = vector.shape_cast %parallel_loop3A_1056 : vector<16xi32> to vector<16x1xi32>
        %parallel_loop3A_1078 = vector.shape_cast %parallel_loop3A_1077 : vector<16x1xi32> to vector<16xi32>
        %parallel_loop3A_1079 = tpu.dynamic_gather %gather3A_36[%parallel_loop3A_1078] in [0] : vector<16xf32>, vector<16xi32> -> vector<16xf32>
        %parallel_loop3A_1080 = vector.shape_cast %parallel_loop3A_1056 : vector<16xi32> to vector<16x1xi32>
        %parallel_loop3A_1081 = vector.shape_cast %parallel_loop3A_1080 : vector<16x1xi32> to vector<16xi32>
        %parallel_loop3A_1082 = tpu.dynamic_gather %gather3A_43[%parallel_loop3A_1081] in [0] : vector<16xf32>, vector<16xi32> -> vector<16xf32>
        %parallel_loop3A_1083 = vector.shape_cast %parallel_loop3A_1056 : vector<16xi32> to vector<16x1xi32>
        %parallel_loop3A_1084 = vector.shape_cast %parallel_loop3A_1083 : vector<16x1xi32> to vector<16xi32>
        %parallel_loop3A_1085 = tpu.dynamic_gather %gather3A_50[%parallel_loop3A_1084] in [0] : vector<16xf32>, vector<16xi32> -> vector<16xf32>
        %parallel_loop3A_1086 = arith.constant 6 : i32
        %parallel_loop3A_1087 = vector.broadcast %parallel_loop3A_1086 : i32 to vector<16xi32>
        %parallel_loop3A_1088 = arith.muli %parallel_loop3A_1060, %parallel_loop3A_1087 : vector<16xi32>
        %parallel_loop3A_1089 = arith.constant 69 : i32
        %parallel_loop3A_1090 = vector.broadcast %parallel_loop3A_1089 : i32 to vector<16xi32>
        %parallel_loop3A_1091 = arith.addi %parallel_loop3A_1088, %parallel_loop3A_1090 : vector<16xi32>
        %parallel_loop3A_1092 = tpu.vector_load_idx %arg8[%parallel_loop3A_1091] : memref<416xf32, #tpu.memory_space<vmem>>[vector<16xi32>], vector<16xf32>,
        %parallel_loop3A_1093 = arith.constant 6 : i32
        %parallel_loop3A_1094 = vector.broadcast %parallel_loop3A_1093 : i32 to vector<16xi32>
        %parallel_loop3A_1095 = arith.muli %parallel_loop3A_1060, %parallel_loop3A_1094 : vector<16xi32>
        %parallel_loop3A_1096 = arith.constant 70 : i32
        %parallel_loop3A_1097 = vector.broadcast %parallel_loop3A_1096 : i32 to vector<16xi32>
        %parallel_loop3A_1098 = arith.addi %parallel_loop3A_1095, %parallel_loop3A_1097 : vector<16xi32>
        %parallel_loop3A_1099 = tpu.vector_load_idx %arg8[%parallel_loop3A_1098] : memref<416xf32, #tpu.memory_space<vmem>>[vector<16xi32>], vector<16xf32>,
        %parallel_loop3A_1100 = arith.constant 6 : i32
        %parallel_loop3A_1101 = vector.broadcast %parallel_loop3A_1100 : i32 to vector<16xi32>
        %parallel_loop3A_1102 = arith.muli %parallel_loop3A_1060, %parallel_loop3A_1101 : vector<16xi32>
        %parallel_loop3A_1103 = arith.constant 71 : i32
        %parallel_loop3A_1104 = vector.broadcast %parallel_loop3A_1103 : i32 to vector<16xi32>
        %parallel_loop3A_1105 = arith.addi %parallel_loop3A_1102, %parallel_loop3A_1104 : vector<16xi32>
        %parallel_loop3A_1106 = tpu.vector_load_idx %arg8[%parallel_loop3A_1105] : memref<416xf32, #tpu.memory_space<vmem>>[vector<16xi32>], vector<16xf32>,
        %parallel_loop3A_1107 = arith.constant 6 : i32
        %parallel_loop3A_1108 = vector.broadcast %parallel_loop3A_1107 : i32 to vector<16xi32>
        %parallel_loop3A_1109 = arith.muli %parallel_loop3A_1060, %parallel_loop3A_1108 : vector<16xi32>
        %parallel_loop3A_1110 = arith.constant 72 : i32
        %parallel_loop3A_1111 = vector.broadcast %parallel_loop3A_1110 : i32 to vector<16xi32>
        %parallel_loop3A_1112 = arith.addi %parallel_loop3A_1109, %parallel_loop3A_1111 : vector<16xi32>
        %parallel_loop3A_1113 = tpu.vector_load_idx %arg8[%parallel_loop3A_1112] : memref<416xf32, #tpu.memory_space<vmem>>[vector<16xi32>], vector<16xf32>,
        %parallel_loop3A_1114 = arith.constant 6 : i32
        %parallel_loop3A_1115 = vector.broadcast %parallel_loop3A_1114 : i32 to vector<16xi32>
        %parallel_loop3A_1116 = arith.muli %parallel_loop3A_1060, %parallel_loop3A_1115 : vector<16xi32>
        %parallel_loop3A_1117 = arith.constant 73 : i32
        %parallel_loop3A_1118 = vector.broadcast %parallel_loop3A_1117 : i32 to vector<16xi32>
        %parallel_loop3A_1119 = arith.addi %parallel_loop3A_1116, %parallel_loop3A_1118 : vector<16xi32>
        %parallel_loop3A_1120 = tpu.vector_load_idx %arg8[%parallel_loop3A_1119] : memref<416xf32, #tpu.memory_space<vmem>>[vector<16xi32>], vector<16xf32>,
        %parallel_loop3A_1121 = arith.constant 6 : i32
        %parallel_loop3A_1122 = vector.broadcast %parallel_loop3A_1121 : i32 to vector<16xi32>
        %parallel_loop3A_1123 = arith.muli %parallel_loop3A_1060, %parallel_loop3A_1122 : vector<16xi32>
        %parallel_loop3A_1124 = arith.constant 74 : i32
        %parallel_loop3A_1125 = vector.broadcast %parallel_loop3A_1124 : i32 to vector<16xi32>
        %parallel_loop3A_1126 = arith.addi %parallel_loop3A_1123, %parallel_loop3A_1125 : vector<16xi32>
        %parallel_loop3A_1127 = tpu.vector_load_idx %arg8[%parallel_loop3A_1126] : memref<416xf32, #tpu.memory_space<vmem>>[vector<16xi32>], vector<16xf32>,
        %parallel_loop3A_1128 = vector.shape_cast %parallel_loop3A_1064 : vector<16xi32> to vector<16x1xi32>
        %parallel_loop3A_1129 = vector.shape_cast %parallel_loop3A_1128 : vector<16x1xi32> to vector<16xi32>
        %parallel_loop3A_1130 = tpu.dynamic_gather %gather3A_57[%parallel_loop3A_1129] in [0] : vector<16xf32>, vector<16xi32> -> vector<16xf32>
        %parallel_loop3A_1131 = vector.shape_cast %parallel_loop3A_1064 : vector<16xi32> to vector<16x1xi32>
        %parallel_loop3A_1132 = vector.shape_cast %parallel_loop3A_1131 : vector<16x1xi32> to vector<16xi32>
        %parallel_loop3A_1133 = tpu.dynamic_gather %gather3A_64[%parallel_loop3A_1132] in [0] : vector<16xf32>, vector<16xi32> -> vector<16xf32>
        %parallel_loop3A_1134 = arith.constant 0 : i32
        %parallel_loop3A_1135 = arith.constant 5 : i32
        %parallel_loop3A_1136 = arith.index_cast %parallel_loop3A_1134 : i32 to index
        %parallel_loop3A_1137 = arith.index_cast %parallel_loop3A_1135 : i32 to index
        %parallel_loop3A_1138 = arith.index_cast %parallel_loop3A_173 : i32 to index
        %parallel_loop3A_1139 = tpu.vector_load %arg18[%parallel_loop3A_1136, %parallel_loop3A_1137, %parallel_loop3A_1138] {strides = array<i32>} : memref<15x8x256xf32, #tpu.memory_space<vmem>>, vector<16xf32>,
        tpu.vector_store %arg18[%parallel_loop3A_1136, %parallel_loop3A_1137, %parallel_loop3A_1138], %parallel_loop3A_1067 {strides = array<i32>} : memref<15x8x256xf32, #tpu.memory_space<vmem>>, vector<16xf32>,
        %parallel_loop3A_1140 = arith.constant 1 : i32
        %parallel_loop3A_1141 = arith.constant 5 : i32
        %parallel_loop3A_1142 = arith.index_cast %parallel_loop3A_1140 : i32 to index
        %parallel_loop3A_1143 = arith.index_cast %parallel_loop3A_1141 : i32 to index
        %parallel_loop3A_1144 = arith.index_cast %parallel_loop3A_173 : i32 to index
        %parallel_loop3A_1145 = tpu.vector_load %arg18[%parallel_loop3A_1142, %parallel_loop3A_1143, %parallel_loop3A_1144] {strides = array<i32>} : memref<15x8x256xf32, #tpu.memory_space<vmem>>, vector<16xf32>,
        tpu.vector_store %arg18[%parallel_loop3A_1142, %parallel_loop3A_1143, %parallel_loop3A_1144], %parallel_loop3A_1070 {strides = array<i32>} : memref<15x8x256xf32, #tpu.memory_space<vmem>>, vector<16xf32>,
        %parallel_loop3A_1146 = arith.constant 2 : i32
        %parallel_loop3A_1147 = arith.constant 5 : i32
        %parallel_loop3A_1148 = arith.index_cast %parallel_loop3A_1146 : i32 to index
        %parallel_loop3A_1149 = arith.index_cast %parallel_loop3A_1147 : i32 to index
        %parallel_loop3A_1150 = arith.index_cast %parallel_loop3A_173 : i32 to index
        %parallel_loop3A_1151 = tpu.vector_load %arg18[%parallel_loop3A_1148, %parallel_loop3A_1149, %parallel_loop3A_1150] {strides = array<i32>} : memref<15x8x256xf32, #tpu.memory_space<vmem>>, vector<16xf32>,
        tpu.vector_store %arg18[%parallel_loop3A_1148, %parallel_loop3A_1149, %parallel_loop3A_1150], %parallel_loop3A_1073 {strides = array<i32>} : memref<15x8x256xf32, #tpu.memory_space<vmem>>, vector<16xf32>,
        %parallel_loop3A_1152 = arith.constant 3 : i32
        %parallel_loop3A_1153 = arith.constant 5 : i32
        %parallel_loop3A_1154 = arith.index_cast %parallel_loop3A_1152 : i32 to index
        %parallel_loop3A_1155 = arith.index_cast %parallel_loop3A_1153 : i32 to index
        %parallel_loop3A_1156 = arith.index_cast %parallel_loop3A_173 : i32 to index
        %parallel_loop3A_1157 = tpu.vector_load %arg18[%parallel_loop3A_1154, %parallel_loop3A_1155, %parallel_loop3A_1156] {strides = array<i32>} : memref<15x8x256xf32, #tpu.memory_space<vmem>>, vector<16xf32>,
        tpu.vector_store %arg18[%parallel_loop3A_1154, %parallel_loop3A_1155, %parallel_loop3A_1156], %parallel_loop3A_1076 {strides = array<i32>} : memref<15x8x256xf32, #tpu.memory_space<vmem>>, vector<16xf32>,
        %parallel_loop3A_1158 = arith.constant 4 : i32
        %parallel_loop3A_1159 = arith.constant 5 : i32
        %parallel_loop3A_1160 = arith.index_cast %parallel_loop3A_1158 : i32 to index
        %parallel_loop3A_1161 = arith.index_cast %parallel_loop3A_1159 : i32 to index
        %parallel_loop3A_1162 = arith.index_cast %parallel_loop3A_173 : i32 to index
        %parallel_loop3A_1163 = tpu.vector_load %arg18[%parallel_loop3A_1160, %parallel_loop3A_1161, %parallel_loop3A_1162] {strides = array<i32>} : memref<15x8x256xf32, #tpu.memory_space<vmem>>, vector<16xf32>,
        tpu.vector_store %arg18[%parallel_loop3A_1160, %parallel_loop3A_1161, %parallel_loop3A_1162], %parallel_loop3A_1079 {strides = array<i32>} : memref<15x8x256xf32, #tpu.memory_space<vmem>>, vector<16xf32>,
        %parallel_loop3A_1164 = arith.constant 5 : i32
        %parallel_loop3A_1165 = arith.constant 5 : i32
        %parallel_loop3A_1166 = arith.index_cast %parallel_loop3A_1164 : i32 to index
        %parallel_loop3A_1167 = arith.index_cast %parallel_loop3A_1165 : i32 to index
        %parallel_loop3A_1168 = arith.index_cast %parallel_loop3A_173 : i32 to index
        %parallel_loop3A_1169 = tpu.vector_load %arg18[%parallel_loop3A_1166, %parallel_loop3A_1167, %parallel_loop3A_1168] {strides = array<i32>} : memref<15x8x256xf32, #tpu.memory_space<vmem>>, vector<16xf32>,
        tpu.vector_store %arg18[%parallel_loop3A_1166, %parallel_loop3A_1167, %parallel_loop3A_1168], %parallel_loop3A_1082 {strides = array<i32>} : memref<15x8x256xf32, #tpu.memory_space<vmem>>, vector<16xf32>,
        %parallel_loop3A_1170 = arith.constant 6 : i32
        %parallel_loop3A_1171 = arith.constant 5 : i32
        %parallel_loop3A_1172 = arith.index_cast %parallel_loop3A_1170 : i32 to index
        %parallel_loop3A_1173 = arith.index_cast %parallel_loop3A_1171 : i32 to index
        %parallel_loop3A_1174 = arith.index_cast %parallel_loop3A_173 : i32 to index
        %parallel_loop3A_1175 = tpu.vector_load %arg18[%parallel_loop3A_1172, %parallel_loop3A_1173, %parallel_loop3A_1174] {strides = array<i32>} : memref<15x8x256xf32, #tpu.memory_space<vmem>>, vector<16xf32>,
        tpu.vector_store %arg18[%parallel_loop3A_1172, %parallel_loop3A_1173, %parallel_loop3A_1174], %parallel_loop3A_1085 {strides = array<i32>} : memref<15x8x256xf32, #tpu.memory_space<vmem>>, vector<16xf32>,
        %parallel_loop3A_1176 = arith.constant 7 : i32
        %parallel_loop3A_1177 = arith.constant 5 : i32
        %parallel_loop3A_1178 = arith.index_cast %parallel_loop3A_1176 : i32 to index
        %parallel_loop3A_1179 = arith.index_cast %parallel_loop3A_1177 : i32 to index
        %parallel_loop3A_1180 = arith.index_cast %parallel_loop3A_173 : i32 to index
        %parallel_loop3A_1181 = tpu.vector_load %arg18[%parallel_loop3A_1178, %parallel_loop3A_1179, %parallel_loop3A_1180] {strides = array<i32>} : memref<15x8x256xf32, #tpu.memory_space<vmem>>, vector<16xf32>,
        tpu.vector_store %arg18[%parallel_loop3A_1178, %parallel_loop3A_1179, %parallel_loop3A_1180], %parallel_loop3A_1092 {strides = array<i32>} : memref<15x8x256xf32, #tpu.memory_space<vmem>>, vector<16xf32>,
        %parallel_loop3A_1182 = arith.constant 8 : i32
        %parallel_loop3A_1183 = arith.constant 5 : i32
        %parallel_loop3A_1184 = arith.index_cast %parallel_loop3A_1182 : i32 to index
        %parallel_loop3A_1185 = arith.index_cast %parallel_loop3A_1183 : i32 to index
        %parallel_loop3A_1186 = arith.index_cast %parallel_loop3A_173 : i32 to index
        %parallel_loop3A_1187 = tpu.vector_load %arg18[%parallel_loop3A_1184, %parallel_loop3A_1185, %parallel_loop3A_1186] {strides = array<i32>} : memref<15x8x256xf32, #tpu.memory_space<vmem>>, vector<16xf32>,
        tpu.vector_store %arg18[%parallel_loop3A_1184, %parallel_loop3A_1185, %parallel_loop3A_1186], %parallel_loop3A_1099 {strides = array<i32>} : memref<15x8x256xf32, #tpu.memory_space<vmem>>, vector<16xf32>,
        %parallel_loop3A_1188 = arith.constant 9 : i32
        %parallel_loop3A_1189 = arith.constant 5 : i32
        %parallel_loop3A_1190 = arith.index_cast %parallel_loop3A_1188 : i32 to index
        %parallel_loop3A_1191 = arith.index_cast %parallel_loop3A_1189 : i32 to index
        %parallel_loop3A_1192 = arith.index_cast %parallel_loop3A_173 : i32 to index
        %parallel_loop3A_1193 = tpu.vector_load %arg18[%parallel_loop3A_1190, %parallel_loop3A_1191, %parallel_loop3A_1192] {strides = array<i32>} : memref<15x8x256xf32, #tpu.memory_space<vmem>>, vector<16xf32>,
        tpu.vector_store %arg18[%parallel_loop3A_1190, %parallel_loop3A_1191, %parallel_loop3A_1192], %parallel_loop3A_1106 {strides = array<i32>} : memref<15x8x256xf32, #tpu.memory_space<vmem>>, vector<16xf32>,
        %parallel_loop3A_1194 = arith.constant 10 : i32
        %parallel_loop3A_1195 = arith.constant 5 : i32
        %parallel_loop3A_1196 = arith.index_cast %parallel_loop3A_1194 : i32 to index
        %parallel_loop3A_1197 = arith.index_cast %parallel_loop3A_1195 : i32 to index
        %parallel_loop3A_1198 = arith.index_cast %parallel_loop3A_173 : i32 to index
        %parallel_loop3A_1199 = tpu.vector_load %arg18[%parallel_loop3A_1196, %parallel_loop3A_1197, %parallel_loop3A_1198] {strides = array<i32>} : memref<15x8x256xf32, #tpu.memory_space<vmem>>, vector<16xf32>,
        tpu.vector_store %arg18[%parallel_loop3A_1196, %parallel_loop3A_1197, %parallel_loop3A_1198], %parallel_loop3A_1113 {strides = array<i32>} : memref<15x8x256xf32, #tpu.memory_space<vmem>>, vector<16xf32>,
        %parallel_loop3A_1200 = arith.constant 11 : i32
        %parallel_loop3A_1201 = arith.constant 5 : i32
        %parallel_loop3A_1202 = arith.index_cast %parallel_loop3A_1200 : i32 to index
        %parallel_loop3A_1203 = arith.index_cast %parallel_loop3A_1201 : i32 to index
        %parallel_loop3A_1204 = arith.index_cast %parallel_loop3A_173 : i32 to index
        %parallel_loop3A_1205 = tpu.vector_load %arg18[%parallel_loop3A_1202, %parallel_loop3A_1203, %parallel_loop3A_1204] {strides = array<i32>} : memref<15x8x256xf32, #tpu.memory_space<vmem>>, vector<16xf32>,
        tpu.vector_store %arg18[%parallel_loop3A_1202, %parallel_loop3A_1203, %parallel_loop3A_1204], %parallel_loop3A_1120 {strides = array<i32>} : memref<15x8x256xf32, #tpu.memory_space<vmem>>, vector<16xf32>,
        %parallel_loop3A_1206 = arith.constant 12 : i32
        %parallel_loop3A_1207 = arith.constant 5 : i32
        %parallel_loop3A_1208 = arith.index_cast %parallel_loop3A_1206 : i32 to index
        %parallel_loop3A_1209 = arith.index_cast %parallel_loop3A_1207 : i32 to index
        %parallel_loop3A_1210 = arith.index_cast %parallel_loop3A_173 : i32 to index
        %parallel_loop3A_1211 = tpu.vector_load %arg18[%parallel_loop3A_1208, %parallel_loop3A_1209, %parallel_loop3A_1210] {strides = array<i32>} : memref<15x8x256xf32, #tpu.memory_space<vmem>>, vector<16xf32>,
        tpu.vector_store %arg18[%parallel_loop3A_1208, %parallel_loop3A_1209, %parallel_loop3A_1210], %parallel_loop3A_1127 {strides = array<i32>} : memref<15x8x256xf32, #tpu.memory_space<vmem>>, vector<16xf32>,
        %parallel_loop3A_1212 = arith.constant 13 : i32
        %parallel_loop3A_1213 = arith.constant 5 : i32
        %parallel_loop3A_1214 = arith.index_cast %parallel_loop3A_1212 : i32 to index
        %parallel_loop3A_1215 = arith.index_cast %parallel_loop3A_1213 : i32 to index
        %parallel_loop3A_1216 = arith.index_cast %parallel_loop3A_173 : i32 to index
        %parallel_loop3A_1217 = tpu.vector_load %arg18[%parallel_loop3A_1214, %parallel_loop3A_1215, %parallel_loop3A_1216] {strides = array<i32>} : memref<15x8x256xf32, #tpu.memory_space<vmem>>, vector<16xf32>,
        tpu.vector_store %arg18[%parallel_loop3A_1214, %parallel_loop3A_1215, %parallel_loop3A_1216], %parallel_loop3A_1130 {strides = array<i32>} : memref<15x8x256xf32, #tpu.memory_space<vmem>>, vector<16xf32>,
        %parallel_loop3A_1218 = arith.constant 14 : i32
        %parallel_loop3A_1219 = arith.constant 5 : i32
        %parallel_loop3A_1220 = arith.index_cast %parallel_loop3A_1218 : i32 to index
        %parallel_loop3A_1221 = arith.index_cast %parallel_loop3A_1219 : i32 to index
        %parallel_loop3A_1222 = arith.index_cast %parallel_loop3A_173 : i32 to index
        %parallel_loop3A_1223 = tpu.vector_load %arg18[%parallel_loop3A_1220, %parallel_loop3A_1221, %parallel_loop3A_1222] {strides = array<i32>} : memref<15x8x256xf32, #tpu.memory_space<vmem>>, vector<16xf32>,
        tpu.vector_store %arg18[%parallel_loop3A_1220, %parallel_loop3A_1221, %parallel_loop3A_1222], %parallel_loop3A_1133 {strides = array<i32>} : memref<15x8x256xf32, #tpu.memory_space<vmem>>, vector<16xf32>,
        %parallel_loop3A_1224 = arith.constant 6 : i32
        %parallel_loop3A_1225 = arith.index_cast %parallel_loop3A_1224 : i32 to index
        %parallel_loop3A_1226 = arith.index_cast %parallel_loop3A_173 : i32 to index
        %parallel_loop3A_1227 = tpu.vector_load %arg13[%parallel_loop3A_1225, %parallel_loop3A_1226] {strides = array<i32>} : memref<8x256xi32, #tpu.memory_space<vmem>>, vector<16xi32>,
        %parallel_loop3A_1228 = arith.constant 6 : i32
        %parallel_loop3A_1229 = arith.index_cast %parallel_loop3A_1228 : i32 to index
        %parallel_loop3A_1230 = arith.index_cast %parallel_loop3A_173 : i32 to index
        %parallel_loop3A_1231 = tpu.vector_load %arg14[%parallel_loop3A_1229, %parallel_loop3A_1230] {strides = array<i32>} : memref<8x256xi32, #tpu.memory_space<vmem>>, vector<16xi32>,
        %parallel_loop3A_1232 = arith.constant 6 : i32
        %parallel_loop3A_1233 = arith.index_cast %parallel_loop3A_1232 : i32 to index
        %parallel_loop3A_1234 = arith.index_cast %parallel_loop3A_173 : i32 to index
        %parallel_loop3A_1235 = tpu.vector_load %arg15[%parallel_loop3A_1233, %parallel_loop3A_1234] {strides = array<i32>} : memref<8x256xi32, #tpu.memory_space<vmem>>, vector<16xi32>,
        %parallel_loop3A_1236 = arith.constant 6 : i32
        %parallel_loop3A_1237 = arith.index_cast %parallel_loop3A_1236 : i32 to index
        %parallel_loop3A_1238 = arith.index_cast %parallel_loop3A_173 : i32 to index
        %parallel_loop3A_1239 = tpu.vector_load %arg16[%parallel_loop3A_1237, %parallel_loop3A_1238] {strides = array<i32>} : memref<8x256xi32, #tpu.memory_space<vmem>>, vector<16xi32>,
        %parallel_loop3A_1240 = vector.shape_cast %parallel_loop3A_1227 : vector<16xi32> to vector<16x1xi32>
        %parallel_loop3A_1241 = vector.shape_cast %parallel_loop3A_1240 : vector<16x1xi32> to vector<16xi32>
        %parallel_loop3A_1242 = tpu.dynamic_gather %gather3A[%parallel_loop3A_1241] in [0] : vector<16xf32>, vector<16xi32> -> vector<16xf32>
        %parallel_loop3A_1243 = vector.shape_cast %parallel_loop3A_1227 : vector<16xi32> to vector<16x1xi32>
        %parallel_loop3A_1244 = vector.shape_cast %parallel_loop3A_1243 : vector<16x1xi32> to vector<16xi32>
        %parallel_loop3A_1245 = tpu.dynamic_gather %gather3A_15[%parallel_loop3A_1244] in [0] : vector<16xf32>, vector<16xi32> -> vector<16xf32>
        %parallel_loop3A_1246 = vector.shape_cast %parallel_loop3A_1227 : vector<16xi32> to vector<16x1xi32>
        %parallel_loop3A_1247 = vector.shape_cast %parallel_loop3A_1246 : vector<16x1xi32> to vector<16xi32>
        %parallel_loop3A_1248 = tpu.dynamic_gather %gather3A_22[%parallel_loop3A_1247] in [0] : vector<16xf32>, vector<16xi32> -> vector<16xf32>
        %parallel_loop3A_1249 = vector.shape_cast %parallel_loop3A_1227 : vector<16xi32> to vector<16x1xi32>
        %parallel_loop3A_1250 = vector.shape_cast %parallel_loop3A_1249 : vector<16x1xi32> to vector<16xi32>
        %parallel_loop3A_1251 = tpu.dynamic_gather %gather3A_29[%parallel_loop3A_1250] in [0] : vector<16xf32>, vector<16xi32> -> vector<16xf32>
        %parallel_loop3A_1252 = vector.shape_cast %parallel_loop3A_1231 : vector<16xi32> to vector<16x1xi32>
        %parallel_loop3A_1253 = vector.shape_cast %parallel_loop3A_1252 : vector<16x1xi32> to vector<16xi32>
        %parallel_loop3A_1254 = tpu.dynamic_gather %gather3A_36[%parallel_loop3A_1253] in [0] : vector<16xf32>, vector<16xi32> -> vector<16xf32>
        %parallel_loop3A_1255 = vector.shape_cast %parallel_loop3A_1231 : vector<16xi32> to vector<16x1xi32>
        %parallel_loop3A_1256 = vector.shape_cast %parallel_loop3A_1255 : vector<16x1xi32> to vector<16xi32>
        %parallel_loop3A_1257 = tpu.dynamic_gather %gather3A_43[%parallel_loop3A_1256] in [0] : vector<16xf32>, vector<16xi32> -> vector<16xf32>
        %parallel_loop3A_1258 = vector.shape_cast %parallel_loop3A_1231 : vector<16xi32> to vector<16x1xi32>
        %parallel_loop3A_1259 = vector.shape_cast %parallel_loop3A_1258 : vector<16x1xi32> to vector<16xi32>
        %parallel_loop3A_1260 = tpu.dynamic_gather %gather3A_50[%parallel_loop3A_1259] in [0] : vector<16xf32>, vector<16xi32> -> vector<16xf32>
        %parallel_loop3A_1261 = arith.constant 6 : i32
        %parallel_loop3A_1262 = vector.broadcast %parallel_loop3A_1261 : i32 to vector<16xi32>
        %parallel_loop3A_1263 = arith.muli %parallel_loop3A_1235, %parallel_loop3A_1262 : vector<16xi32>
        %parallel_loop3A_1264 = arith.constant 69 : i32
        %parallel_loop3A_1265 = vector.broadcast %parallel_loop3A_1264 : i32 to vector<16xi32>
        %parallel_loop3A_1266 = arith.addi %parallel_loop3A_1263, %parallel_loop3A_1265 : vector<16xi32>
        %parallel_loop3A_1267 = tpu.vector_load_idx %arg8[%parallel_loop3A_1266] : memref<416xf32, #tpu.memory_space<vmem>>[vector<16xi32>], vector<16xf32>,
        %parallel_loop3A_1268 = arith.constant 6 : i32
        %parallel_loop3A_1269 = vector.broadcast %parallel_loop3A_1268 : i32 to vector<16xi32>
        %parallel_loop3A_1270 = arith.muli %parallel_loop3A_1235, %parallel_loop3A_1269 : vector<16xi32>
        %parallel_loop3A_1271 = arith.constant 70 : i32
        %parallel_loop3A_1272 = vector.broadcast %parallel_loop3A_1271 : i32 to vector<16xi32>
        %parallel_loop3A_1273 = arith.addi %parallel_loop3A_1270, %parallel_loop3A_1272 : vector<16xi32>
        %parallel_loop3A_1274 = tpu.vector_load_idx %arg8[%parallel_loop3A_1273] : memref<416xf32, #tpu.memory_space<vmem>>[vector<16xi32>], vector<16xf32>,
        %parallel_loop3A_1275 = arith.constant 6 : i32
        %parallel_loop3A_1276 = vector.broadcast %parallel_loop3A_1275 : i32 to vector<16xi32>
        %parallel_loop3A_1277 = arith.muli %parallel_loop3A_1235, %parallel_loop3A_1276 : vector<16xi32>
        %parallel_loop3A_1278 = arith.constant 71 : i32
        %parallel_loop3A_1279 = vector.broadcast %parallel_loop3A_1278 : i32 to vector<16xi32>
        %parallel_loop3A_1280 = arith.addi %parallel_loop3A_1277, %parallel_loop3A_1279 : vector<16xi32>
        %parallel_loop3A_1281 = tpu.vector_load_idx %arg8[%parallel_loop3A_1280] : memref<416xf32, #tpu.memory_space<vmem>>[vector<16xi32>], vector<16xf32>,
        %parallel_loop3A_1282 = arith.constant 6 : i32
        %parallel_loop3A_1283 = vector.broadcast %parallel_loop3A_1282 : i32 to vector<16xi32>
        %parallel_loop3A_1284 = arith.muli %parallel_loop3A_1235, %parallel_loop3A_1283 : vector<16xi32>
        %parallel_loop3A_1285 = arith.constant 72 : i32
        %parallel_loop3A_1286 = vector.broadcast %parallel_loop3A_1285 : i32 to vector<16xi32>
        %parallel_loop3A_1287 = arith.addi %parallel_loop3A_1284, %parallel_loop3A_1286 : vector<16xi32>
        %parallel_loop3A_1288 = tpu.vector_load_idx %arg8[%parallel_loop3A_1287] : memref<416xf32, #tpu.memory_space<vmem>>[vector<16xi32>], vector<16xf32>,
        %parallel_loop3A_1289 = arith.constant 6 : i32
        %parallel_loop3A_1290 = vector.broadcast %parallel_loop3A_1289 : i32 to vector<16xi32>
        %parallel_loop3A_1291 = arith.muli %parallel_loop3A_1235, %parallel_loop3A_1290 : vector<16xi32>
        %parallel_loop3A_1292 = arith.constant 73 : i32
        %parallel_loop3A_1293 = vector.broadcast %parallel_loop3A_1292 : i32 to vector<16xi32>
        %parallel_loop3A_1294 = arith.addi %parallel_loop3A_1291, %parallel_loop3A_1293 : vector<16xi32>
        %parallel_loop3A_1295 = tpu.vector_load_idx %arg8[%parallel_loop3A_1294] : memref<416xf32, #tpu.memory_space<vmem>>[vector<16xi32>], vector<16xf32>,
        %parallel_loop3A_1296 = arith.constant 6 : i32
        %parallel_loop3A_1297 = vector.broadcast %parallel_loop3A_1296 : i32 to vector<16xi32>
        %parallel_loop3A_1298 = arith.muli %parallel_loop3A_1235, %parallel_loop3A_1297 : vector<16xi32>
        %parallel_loop3A_1299 = arith.constant 74 : i32
        %parallel_loop3A_1300 = vector.broadcast %parallel_loop3A_1299 : i32 to vector<16xi32>
        %parallel_loop3A_1301 = arith.addi %parallel_loop3A_1298, %parallel_loop3A_1300 : vector<16xi32>
        %parallel_loop3A_1302 = tpu.vector_load_idx %arg8[%parallel_loop3A_1301] : memref<416xf32, #tpu.memory_space<vmem>>[vector<16xi32>], vector<16xf32>,
        %parallel_loop3A_1303 = vector.shape_cast %parallel_loop3A_1239 : vector<16xi32> to vector<16x1xi32>
        %parallel_loop3A_1304 = vector.shape_cast %parallel_loop3A_1303 : vector<16x1xi32> to vector<16xi32>
        %parallel_loop3A_1305 = tpu.dynamic_gather %gather3A_57[%parallel_loop3A_1304] in [0] : vector<16xf32>, vector<16xi32> -> vector<16xf32>
        %parallel_loop3A_1306 = vector.shape_cast %parallel_loop3A_1239 : vector<16xi32> to vector<16x1xi32>
        %parallel_loop3A_1307 = vector.shape_cast %parallel_loop3A_1306 : vector<16x1xi32> to vector<16xi32>
        %parallel_loop3A_1308 = tpu.dynamic_gather %gather3A_64[%parallel_loop3A_1307] in [0] : vector<16xf32>, vector<16xi32> -> vector<16xf32>
        %parallel_loop3A_1309 = arith.constant 0 : i32
        %parallel_loop3A_1310 = arith.constant 6 : i32
        %parallel_loop3A_1311 = arith.index_cast %parallel_loop3A_1309 : i32 to index
        %parallel_loop3A_1312 = arith.index_cast %parallel_loop3A_1310 : i32 to index
        %parallel_loop3A_1313 = arith.index_cast %parallel_loop3A_173 : i32 to index
        %parallel_loop3A_1314 = tpu.vector_load %arg18[%parallel_loop3A_1311, %parallel_loop3A_1312, %parallel_loop3A_1313] {strides = array<i32>} : memref<15x8x256xf32, #tpu.memory_space<vmem>>, vector<16xf32>,
        tpu.vector_store %arg18[%parallel_loop3A_1311, %parallel_loop3A_1312, %parallel_loop3A_1313], %parallel_loop3A_1242 {strides = array<i32>} : memref<15x8x256xf32, #tpu.memory_space<vmem>>, vector<16xf32>,
        %parallel_loop3A_1315 = arith.constant 1 : i32
        %parallel_loop3A_1316 = arith.constant 6 : i32
        %parallel_loop3A_1317 = arith.index_cast %parallel_loop3A_1315 : i32 to index
        %parallel_loop3A_1318 = arith.index_cast %parallel_loop3A_1316 : i32 to index
        %parallel_loop3A_1319 = arith.index_cast %parallel_loop3A_173 : i32 to index
        %parallel_loop3A_1320 = tpu.vector_load %arg18[%parallel_loop3A_1317, %parallel_loop3A_1318, %parallel_loop3A_1319] {strides = array<i32>} : memref<15x8x256xf32, #tpu.memory_space<vmem>>, vector<16xf32>,
        tpu.vector_store %arg18[%parallel_loop3A_1317, %parallel_loop3A_1318, %parallel_loop3A_1319], %parallel_loop3A_1245 {strides = array<i32>} : memref<15x8x256xf32, #tpu.memory_space<vmem>>, vector<16xf32>,
        %parallel_loop3A_1321 = arith.constant 2 : i32
        %parallel_loop3A_1322 = arith.constant 6 : i32
        %parallel_loop3A_1323 = arith.index_cast %parallel_loop3A_1321 : i32 to index
        %parallel_loop3A_1324 = arith.index_cast %parallel_loop3A_1322 : i32 to index
        %parallel_loop3A_1325 = arith.index_cast %parallel_loop3A_173 : i32 to index
        %parallel_loop3A_1326 = tpu.vector_load %arg18[%parallel_loop3A_1323, %parallel_loop3A_1324, %parallel_loop3A_1325] {strides = array<i32>} : memref<15x8x256xf32, #tpu.memory_space<vmem>>, vector<16xf32>,
        tpu.vector_store %arg18[%parallel_loop3A_1323, %parallel_loop3A_1324, %parallel_loop3A_1325], %parallel_loop3A_1248 {strides = array<i32>} : memref<15x8x256xf32, #tpu.memory_space<vmem>>, vector<16xf32>,
        %parallel_loop3A_1327 = arith.constant 3 : i32
        %parallel_loop3A_1328 = arith.constant 6 : i32
        %parallel_loop3A_1329 = arith.index_cast %parallel_loop3A_1327 : i32 to index
        %parallel_loop3A_1330 = arith.index_cast %parallel_loop3A_1328 : i32 to index
        %parallel_loop3A_1331 = arith.index_cast %parallel_loop3A_173 : i32 to index
        %parallel_loop3A_1332 = tpu.vector_load %arg18[%parallel_loop3A_1329, %parallel_loop3A_1330, %parallel_loop3A_1331] {strides = array<i32>} : memref<15x8x256xf32, #tpu.memory_space<vmem>>, vector<16xf32>,
        tpu.vector_store %arg18[%parallel_loop3A_1329, %parallel_loop3A_1330, %parallel_loop3A_1331], %parallel_loop3A_1251 {strides = array<i32>} : memref<15x8x256xf32, #tpu.memory_space<vmem>>, vector<16xf32>,
        %parallel_loop3A_1333 = arith.constant 4 : i32
        %parallel_loop3A_1334 = arith.constant 6 : i32
        %parallel_loop3A_1335 = arith.index_cast %parallel_loop3A_1333 : i32 to index
        %parallel_loop3A_1336 = arith.index_cast %parallel_loop3A_1334 : i32 to index
        %parallel_loop3A_1337 = arith.index_cast %parallel_loop3A_173 : i32 to index
        %parallel_loop3A_1338 = tpu.vector_load %arg18[%parallel_loop3A_1335, %parallel_loop3A_1336, %parallel_loop3A_1337] {strides = array<i32>} : memref<15x8x256xf32, #tpu.memory_space<vmem>>, vector<16xf32>,
        tpu.vector_store %arg18[%parallel_loop3A_1335, %parallel_loop3A_1336, %parallel_loop3A_1337], %parallel_loop3A_1254 {strides = array<i32>} : memref<15x8x256xf32, #tpu.memory_space<vmem>>, vector<16xf32>,
        %parallel_loop3A_1339 = arith.constant 5 : i32
        %parallel_loop3A_1340 = arith.constant 6 : i32
        %parallel_loop3A_1341 = arith.index_cast %parallel_loop3A_1339 : i32 to index
        %parallel_loop3A_1342 = arith.index_cast %parallel_loop3A_1340 : i32 to index
        %parallel_loop3A_1343 = arith.index_cast %parallel_loop3A_173 : i32 to index
        %parallel_loop3A_1344 = tpu.vector_load %arg18[%parallel_loop3A_1341, %parallel_loop3A_1342, %parallel_loop3A_1343] {strides = array<i32>} : memref<15x8x256xf32, #tpu.memory_space<vmem>>, vector<16xf32>,
        tpu.vector_store %arg18[%parallel_loop3A_1341, %parallel_loop3A_1342, %parallel_loop3A_1343], %parallel_loop3A_1257 {strides = array<i32>} : memref<15x8x256xf32, #tpu.memory_space<vmem>>, vector<16xf32>,
        %parallel_loop3A_1345 = arith.constant 6 : i32
        %parallel_loop3A_1346 = arith.constant 6 : i32
        %parallel_loop3A_1347 = arith.index_cast %parallel_loop3A_1345 : i32 to index
        %parallel_loop3A_1348 = arith.index_cast %parallel_loop3A_1346 : i32 to index
        %parallel_loop3A_1349 = arith.index_cast %parallel_loop3A_173 : i32 to index
        %parallel_loop3A_1350 = tpu.vector_load %arg18[%parallel_loop3A_1347, %parallel_loop3A_1348, %parallel_loop3A_1349] {strides = array<i32>} : memref<15x8x256xf32, #tpu.memory_space<vmem>>, vector<16xf32>,
        tpu.vector_store %arg18[%parallel_loop3A_1347, %parallel_loop3A_1348, %parallel_loop3A_1349], %parallel_loop3A_1260 {strides = array<i32>} : memref<15x8x256xf32, #tpu.memory_space<vmem>>, vector<16xf32>,
        %parallel_loop3A_1351 = arith.constant 7 : i32
        %parallel_loop3A_1352 = arith.constant 6 : i32
        %parallel_loop3A_1353 = arith.index_cast %parallel_loop3A_1351 : i32 to index
        %parallel_loop3A_1354 = arith.index_cast %parallel_loop3A_1352 : i32 to index
        %parallel_loop3A_1355 = arith.index_cast %parallel_loop3A_173 : i32 to index
        %parallel_loop3A_1356 = tpu.vector_load %arg18[%parallel_loop3A_1353, %parallel_loop3A_1354, %parallel_loop3A_1355] {strides = array<i32>} : memref<15x8x256xf32, #tpu.memory_space<vmem>>, vector<16xf32>,
        tpu.vector_store %arg18[%parallel_loop3A_1353, %parallel_loop3A_1354, %parallel_loop3A_1355], %parallel_loop3A_1267 {strides = array<i32>} : memref<15x8x256xf32, #tpu.memory_space<vmem>>, vector<16xf32>,
        %parallel_loop3A_1357 = arith.constant 8 : i32
        %parallel_loop3A_1358 = arith.constant 6 : i32
        %parallel_loop3A_1359 = arith.index_cast %parallel_loop3A_1357 : i32 to index
        %parallel_loop3A_1360 = arith.index_cast %parallel_loop3A_1358 : i32 to index
        %parallel_loop3A_1361 = arith.index_cast %parallel_loop3A_173 : i32 to index
        %parallel_loop3A_1362 = tpu.vector_load %arg18[%parallel_loop3A_1359, %parallel_loop3A_1360, %parallel_loop3A_1361] {strides = array<i32>} : memref<15x8x256xf32, #tpu.memory_space<vmem>>, vector<16xf32>,
        tpu.vector_store %arg18[%parallel_loop3A_1359, %parallel_loop3A_1360, %parallel_loop3A_1361], %parallel_loop3A_1274 {strides = array<i32>} : memref<15x8x256xf32, #tpu.memory_space<vmem>>, vector<16xf32>,
        %parallel_loop3A_1363 = arith.constant 9 : i32
        %parallel_loop3A_1364 = arith.constant 6 : i32
        %parallel_loop3A_1365 = arith.index_cast %parallel_loop3A_1363 : i32 to index
        %parallel_loop3A_1366 = arith.index_cast %parallel_loop3A_1364 : i32 to index
        %parallel_loop3A_1367 = arith.index_cast %parallel_loop3A_173 : i32 to index
        %parallel_loop3A_1368 = tpu.vector_load %arg18[%parallel_loop3A_1365, %parallel_loop3A_1366, %parallel_loop3A_1367] {strides = array<i32>} : memref<15x8x256xf32, #tpu.memory_space<vmem>>, vector<16xf32>,
        tpu.vector_store %arg18[%parallel_loop3A_1365, %parallel_loop3A_1366, %parallel_loop3A_1367], %parallel_loop3A_1281 {strides = array<i32>} : memref<15x8x256xf32, #tpu.memory_space<vmem>>, vector<16xf32>,
        %parallel_loop3A_1369 = arith.constant 10 : i32
        %parallel_loop3A_1370 = arith.constant 6 : i32
        %parallel_loop3A_1371 = arith.index_cast %parallel_loop3A_1369 : i32 to index
        %parallel_loop3A_1372 = arith.index_cast %parallel_loop3A_1370 : i32 to index
        %parallel_loop3A_1373 = arith.index_cast %parallel_loop3A_173 : i32 to index
        %parallel_loop3A_1374 = tpu.vector_load %arg18[%parallel_loop3A_1371, %parallel_loop3A_1372, %parallel_loop3A_1373] {strides = array<i32>} : memref<15x8x256xf32, #tpu.memory_space<vmem>>, vector<16xf32>,
        tpu.vector_store %arg18[%parallel_loop3A_1371, %parallel_loop3A_1372, %parallel_loop3A_1373], %parallel_loop3A_1288 {strides = array<i32>} : memref<15x8x256xf32, #tpu.memory_space<vmem>>, vector<16xf32>,
        %parallel_loop3A_1375 = arith.constant 11 : i32
        %parallel_loop3A_1376 = arith.constant 6 : i32
        %parallel_loop3A_1377 = arith.index_cast %parallel_loop3A_1375 : i32 to index
        %parallel_loop3A_1378 = arith.index_cast %parallel_loop3A_1376 : i32 to index
        %parallel_loop3A_1379 = arith.index_cast %parallel_loop3A_173 : i32 to index
        %parallel_loop3A_1380 = tpu.vector_load %arg18[%parallel_loop3A_1377, %parallel_loop3A_1378, %parallel_loop3A_1379] {strides = array<i32>} : memref<15x8x256xf32, #tpu.memory_space<vmem>>, vector<16xf32>,
        tpu.vector_store %arg18[%parallel_loop3A_1377, %parallel_loop3A_1378, %parallel_loop3A_1379], %parallel_loop3A_1295 {strides = array<i32>} : memref<15x8x256xf32, #tpu.memory_space<vmem>>, vector<16xf32>,
        %parallel_loop3A_1381 = arith.constant 12 : i32
        %parallel_loop3A_1382 = arith.constant 6 : i32
        %parallel_loop3A_1383 = arith.index_cast %parallel_loop3A_1381 : i32 to index
        %parallel_loop3A_1384 = arith.index_cast %parallel_loop3A_1382 : i32 to index
        %parallel_loop3A_1385 = arith.index_cast %parallel_loop3A_173 : i32 to index
        %parallel_loop3A_1386 = tpu.vector_load %arg18[%parallel_loop3A_1383, %parallel_loop3A_1384, %parallel_loop3A_1385] {strides = array<i32>} : memref<15x8x256xf32, #tpu.memory_space<vmem>>, vector<16xf32>,
        tpu.vector_store %arg18[%parallel_loop3A_1383, %parallel_loop3A_1384, %parallel_loop3A_1385], %parallel_loop3A_1302 {strides = array<i32>} : memref<15x8x256xf32, #tpu.memory_space<vmem>>, vector<16xf32>,
        %parallel_loop3A_1387 = arith.constant 13 : i32
        %parallel_loop3A_1388 = arith.constant 6 : i32
        %parallel_loop3A_1389 = arith.index_cast %parallel_loop3A_1387 : i32 to index
        %parallel_loop3A_1390 = arith.index_cast %parallel_loop3A_1388 : i32 to index
        %parallel_loop3A_1391 = arith.index_cast %parallel_loop3A_173 : i32 to index
        %parallel_loop3A_1392 = tpu.vector_load %arg18[%parallel_loop3A_1389, %parallel_loop3A_1390, %parallel_loop3A_1391] {strides = array<i32>} : memref<15x8x256xf32, #tpu.memory_space<vmem>>, vector<16xf32>,
        tpu.vector_store %arg18[%parallel_loop3A_1389, %parallel_loop3A_1390, %parallel_loop3A_1391], %parallel_loop3A_1305 {strides = array<i32>} : memref<15x8x256xf32, #tpu.memory_space<vmem>>, vector<16xf32>,
        %parallel_loop3A_1393 = arith.constant 14 : i32
        %parallel_loop3A_1394 = arith.constant 6 : i32
        %parallel_loop3A_1395 = arith.index_cast %parallel_loop3A_1393 : i32 to index
        %parallel_loop3A_1396 = arith.index_cast %parallel_loop3A_1394 : i32 to index
        %parallel_loop3A_1397 = arith.index_cast %parallel_loop3A_173 : i32 to index
        %parallel_loop3A_1398 = tpu.vector_load %arg18[%parallel_loop3A_1395, %parallel_loop3A_1396, %parallel_loop3A_1397] {strides = array<i32>} : memref<15x8x256xf32, #tpu.memory_space<vmem>>, vector<16xf32>,
        tpu.vector_store %arg18[%parallel_loop3A_1395, %parallel_loop3A_1396, %parallel_loop3A_1397], %parallel_loop3A_1308 {strides = array<i32>} : memref<15x8x256xf32, #tpu.memory_space<vmem>>, vector<16xf32>,
        %parallel_loop3A_1399 = arith.constant 7 : i32
        %parallel_loop3A_1400 = arith.index_cast %parallel_loop3A_1399 : i32 to index
        %parallel_loop3A_1401 = arith.index_cast %parallel_loop3A_173 : i32 to index
        %parallel_loop3A_1402 = tpu.vector_load %arg13[%parallel_loop3A_1400, %parallel_loop3A_1401] {strides = array<i32>} : memref<8x256xi32, #tpu.memory_space<vmem>>, vector<16xi32>,
        %parallel_loop3A_1403 = arith.constant 7 : i32
        %parallel_loop3A_1404 = arith.index_cast %parallel_loop3A_1403 : i32 to index
        %parallel_loop3A_1405 = arith.index_cast %parallel_loop3A_173 : i32 to index
        %parallel_loop3A_1406 = tpu.vector_load %arg14[%parallel_loop3A_1404, %parallel_loop3A_1405] {strides = array<i32>} : memref<8x256xi32, #tpu.memory_space<vmem>>, vector<16xi32>,
        %parallel_loop3A_1407 = arith.constant 7 : i32
        %parallel_loop3A_1408 = arith.index_cast %parallel_loop3A_1407 : i32 to index
        %parallel_loop3A_1409 = arith.index_cast %parallel_loop3A_173 : i32 to index
        %parallel_loop3A_1410 = tpu.vector_load %arg15[%parallel_loop3A_1408, %parallel_loop3A_1409] {strides = array<i32>} : memref<8x256xi32, #tpu.memory_space<vmem>>, vector<16xi32>,
        %parallel_loop3A_1411 = arith.constant 7 : i32
        %parallel_loop3A_1412 = arith.index_cast %parallel_loop3A_1411 : i32 to index
        %parallel_loop3A_1413 = arith.index_cast %parallel_loop3A_173 : i32 to index
        %parallel_loop3A_1414 = tpu.vector_load %arg16[%parallel_loop3A_1412, %parallel_loop3A_1413] {strides = array<i32>} : memref<8x256xi32, #tpu.memory_space<vmem>>, vector<16xi32>,
        %parallel_loop3A_1415 = vector.shape_cast %parallel_loop3A_1402 : vector<16xi32> to vector<16x1xi32>
        %parallel_loop3A_1416 = vector.shape_cast %parallel_loop3A_1415 : vector<16x1xi32> to vector<16xi32>
        %parallel_loop3A_1417 = tpu.dynamic_gather %gather3A[%parallel_loop3A_1416] in [0] : vector<16xf32>, vector<16xi32> -> vector<16xf32>
        %parallel_loop3A_1418 = vector.shape_cast %parallel_loop3A_1402 : vector<16xi32> to vector<16x1xi32>
        %parallel_loop3A_1419 = vector.shape_cast %parallel_loop3A_1418 : vector<16x1xi32> to vector<16xi32>
        %parallel_loop3A_1420 = tpu.dynamic_gather %gather3A_15[%parallel_loop3A_1419] in [0] : vector<16xf32>, vector<16xi32> -> vector<16xf32>
        %parallel_loop3A_1421 = vector.shape_cast %parallel_loop3A_1402 : vector<16xi32> to vector<16x1xi32>
        %parallel_loop3A_1422 = vector.shape_cast %parallel_loop3A_1421 : vector<16x1xi32> to vector<16xi32>
        %parallel_loop3A_1423 = tpu.dynamic_gather %gather3A_22[%parallel_loop3A_1422] in [0] : vector<16xf32>, vector<16xi32> -> vector<16xf32>
        %parallel_loop3A_1424 = vector.shape_cast %parallel_loop3A_1402 : vector<16xi32> to vector<16x1xi32>
        %parallel_loop3A_1425 = vector.shape_cast %parallel_loop3A_1424 : vector<16x1xi32> to vector<16xi32>
        %parallel_loop3A_1426 = tpu.dynamic_gather %gather3A_29[%parallel_loop3A_1425] in [0] : vector<16xf32>, vector<16xi32> -> vector<16xf32>
        %parallel_loop3A_1427 = vector.shape_cast %parallel_loop3A_1406 : vector<16xi32> to vector<16x1xi32>
        %parallel_loop3A_1428 = vector.shape_cast %parallel_loop3A_1427 : vector<16x1xi32> to vector<16xi32>
        %parallel_loop3A_1429 = tpu.dynamic_gather %gather3A_36[%parallel_loop3A_1428] in [0] : vector<16xf32>, vector<16xi32> -> vector<16xf32>
        %parallel_loop3A_1430 = vector.shape_cast %parallel_loop3A_1406 : vector<16xi32> to vector<16x1xi32>
        %parallel_loop3A_1431 = vector.shape_cast %parallel_loop3A_1430 : vector<16x1xi32> to vector<16xi32>
        %parallel_loop3A_1432 = tpu.dynamic_gather %gather3A_43[%parallel_loop3A_1431] in [0] : vector<16xf32>, vector<16xi32> -> vector<16xf32>
        %parallel_loop3A_1433 = vector.shape_cast %parallel_loop3A_1406 : vector<16xi32> to vector<16x1xi32>
        %parallel_loop3A_1434 = vector.shape_cast %parallel_loop3A_1433 : vector<16x1xi32> to vector<16xi32>
        %parallel_loop3A_1435 = tpu.dynamic_gather %gather3A_50[%parallel_loop3A_1434] in [0] : vector<16xf32>, vector<16xi32> -> vector<16xf32>
        %parallel_loop3A_1436 = arith.constant 6 : i32
        %parallel_loop3A_1437 = vector.broadcast %parallel_loop3A_1436 : i32 to vector<16xi32>
        %parallel_loop3A_1438 = arith.muli %parallel_loop3A_1410, %parallel_loop3A_1437 : vector<16xi32>
        %parallel_loop3A_1439 = arith.constant 69 : i32
        %parallel_loop3A_1440 = vector.broadcast %parallel_loop3A_1439 : i32 to vector<16xi32>
        %parallel_loop3A_1441 = arith.addi %parallel_loop3A_1438, %parallel_loop3A_1440 : vector<16xi32>
        %parallel_loop3A_1442 = tpu.vector_load_idx %arg8[%parallel_loop3A_1441] : memref<416xf32, #tpu.memory_space<vmem>>[vector<16xi32>], vector<16xf32>,
        %parallel_loop3A_1443 = arith.constant 6 : i32
        %parallel_loop3A_1444 = vector.broadcast %parallel_loop3A_1443 : i32 to vector<16xi32>
        %parallel_loop3A_1445 = arith.muli %parallel_loop3A_1410, %parallel_loop3A_1444 : vector<16xi32>
        %parallel_loop3A_1446 = arith.constant 70 : i32
        %parallel_loop3A_1447 = vector.broadcast %parallel_loop3A_1446 : i32 to vector<16xi32>
        %parallel_loop3A_1448 = arith.addi %parallel_loop3A_1445, %parallel_loop3A_1447 : vector<16xi32>
        %parallel_loop3A_1449 = tpu.vector_load_idx %arg8[%parallel_loop3A_1448] : memref<416xf32, #tpu.memory_space<vmem>>[vector<16xi32>], vector<16xf32>,
        %parallel_loop3A_1450 = arith.constant 6 : i32
        %parallel_loop3A_1451 = vector.broadcast %parallel_loop3A_1450 : i32 to vector<16xi32>
        %parallel_loop3A_1452 = arith.muli %parallel_loop3A_1410, %parallel_loop3A_1451 : vector<16xi32>
        %parallel_loop3A_1453 = arith.constant 71 : i32
        %parallel_loop3A_1454 = vector.broadcast %parallel_loop3A_1453 : i32 to vector<16xi32>
        %parallel_loop3A_1455 = arith.addi %parallel_loop3A_1452, %parallel_loop3A_1454 : vector<16xi32>
        %parallel_loop3A_1456 = tpu.vector_load_idx %arg8[%parallel_loop3A_1455] : memref<416xf32, #tpu.memory_space<vmem>>[vector<16xi32>], vector<16xf32>,
        %parallel_loop3A_1457 = arith.constant 6 : i32
        %parallel_loop3A_1458 = vector.broadcast %parallel_loop3A_1457 : i32 to vector<16xi32>
        %parallel_loop3A_1459 = arith.muli %parallel_loop3A_1410, %parallel_loop3A_1458 : vector<16xi32>
        %parallel_loop3A_1460 = arith.constant 72 : i32
        %parallel_loop3A_1461 = vector.broadcast %parallel_loop3A_1460 : i32 to vector<16xi32>
        %parallel_loop3A_1462 = arith.addi %parallel_loop3A_1459, %parallel_loop3A_1461 : vector<16xi32>
        %parallel_loop3A_1463 = tpu.vector_load_idx %arg8[%parallel_loop3A_1462] : memref<416xf32, #tpu.memory_space<vmem>>[vector<16xi32>], vector<16xf32>,
        %parallel_loop3A_1464 = arith.constant 6 : i32
        %parallel_loop3A_1465 = vector.broadcast %parallel_loop3A_1464 : i32 to vector<16xi32>
        %parallel_loop3A_1466 = arith.muli %parallel_loop3A_1410, %parallel_loop3A_1465 : vector<16xi32>
        %parallel_loop3A_1467 = arith.constant 73 : i32
        %parallel_loop3A_1468 = vector.broadcast %parallel_loop3A_1467 : i32 to vector<16xi32>
        %parallel_loop3A_1469 = arith.addi %parallel_loop3A_1466, %parallel_loop3A_1468 : vector<16xi32>
        %parallel_loop3A_1470 = tpu.vector_load_idx %arg8[%parallel_loop3A_1469] : memref<416xf32, #tpu.memory_space<vmem>>[vector<16xi32>], vector<16xf32>,
        %parallel_loop3A_1471 = arith.constant 6 : i32
        %parallel_loop3A_1472 = vector.broadcast %parallel_loop3A_1471 : i32 to vector<16xi32>
        %parallel_loop3A_1473 = arith.muli %parallel_loop3A_1410, %parallel_loop3A_1472 : vector<16xi32>
        %parallel_loop3A_1474 = arith.constant 74 : i32
        %parallel_loop3A_1475 = vector.broadcast %parallel_loop3A_1474 : i32 to vector<16xi32>
        %parallel_loop3A_1476 = arith.addi %parallel_loop3A_1473, %parallel_loop3A_1475 : vector<16xi32>
        %parallel_loop3A_1477 = tpu.vector_load_idx %arg8[%parallel_loop3A_1476] : memref<416xf32, #tpu.memory_space<vmem>>[vector<16xi32>], vector<16xf32>,
        %parallel_loop3A_1478 = vector.shape_cast %parallel_loop3A_1414 : vector<16xi32> to vector<16x1xi32>
        %parallel_loop3A_1479 = vector.shape_cast %parallel_loop3A_1478 : vector<16x1xi32> to vector<16xi32>
        %parallel_loop3A_1480 = tpu.dynamic_gather %gather3A_57[%parallel_loop3A_1479] in [0] : vector<16xf32>, vector<16xi32> -> vector<16xf32>
        %parallel_loop3A_1481 = vector.shape_cast %parallel_loop3A_1414 : vector<16xi32> to vector<16x1xi32>
        %parallel_loop3A_1482 = vector.shape_cast %parallel_loop3A_1481 : vector<16x1xi32> to vector<16xi32>
        %parallel_loop3A_1483 = tpu.dynamic_gather %gather3A_64[%parallel_loop3A_1482] in [0] : vector<16xf32>, vector<16xi32> -> vector<16xf32>
        %parallel_loop3A_1484 = arith.constant 0 : i32
        %parallel_loop3A_1485 = arith.constant 7 : i32
        %parallel_loop3A_1486 = arith.index_cast %parallel_loop3A_1484 : i32 to index
        %parallel_loop3A_1487 = arith.index_cast %parallel_loop3A_1485 : i32 to index
        %parallel_loop3A_1488 = arith.index_cast %parallel_loop3A_173 : i32 to index
        %parallel_loop3A_1489 = tpu.vector_load %arg18[%parallel_loop3A_1486, %parallel_loop3A_1487, %parallel_loop3A_1488] {strides = array<i32>} : memref<15x8x256xf32, #tpu.memory_space<vmem>>, vector<16xf32>,
        tpu.vector_store %arg18[%parallel_loop3A_1486, %parallel_loop3A_1487, %parallel_loop3A_1488], %parallel_loop3A_1417 {strides = array<i32>} : memref<15x8x256xf32, #tpu.memory_space<vmem>>, vector<16xf32>,
        %parallel_loop3A_1490 = arith.constant 1 : i32
        %parallel_loop3A_1491 = arith.constant 7 : i32
        %parallel_loop3A_1492 = arith.index_cast %parallel_loop3A_1490 : i32 to index
        %parallel_loop3A_1493 = arith.index_cast %parallel_loop3A_1491 : i32 to index
        %parallel_loop3A_1494 = arith.index_cast %parallel_loop3A_173 : i32 to index
        %parallel_loop3A_1495 = tpu.vector_load %arg18[%parallel_loop3A_1492, %parallel_loop3A_1493, %parallel_loop3A_1494] {strides = array<i32>} : memref<15x8x256xf32, #tpu.memory_space<vmem>>, vector<16xf32>,
        tpu.vector_store %arg18[%parallel_loop3A_1492, %parallel_loop3A_1493, %parallel_loop3A_1494], %parallel_loop3A_1420 {strides = array<i32>} : memref<15x8x256xf32, #tpu.memory_space<vmem>>, vector<16xf32>,
        %parallel_loop3A_1496 = arith.constant 2 : i32
        %parallel_loop3A_1497 = arith.constant 7 : i32
        %parallel_loop3A_1498 = arith.index_cast %parallel_loop3A_1496 : i32 to index
        %parallel_loop3A_1499 = arith.index_cast %parallel_loop3A_1497 : i32 to index
        %parallel_loop3A_1500 = arith.index_cast %parallel_loop3A_173 : i32 to index
        %parallel_loop3A_1501 = tpu.vector_load %arg18[%parallel_loop3A_1498, %parallel_loop3A_1499, %parallel_loop3A_1500] {strides = array<i32>} : memref<15x8x256xf32, #tpu.memory_space<vmem>>, vector<16xf32>,
        tpu.vector_store %arg18[%parallel_loop3A_1498, %parallel_loop3A_1499, %parallel_loop3A_1500], %parallel_loop3A_1423 {strides = array<i32>} : memref<15x8x256xf32, #tpu.memory_space<vmem>>, vector<16xf32>,
        %parallel_loop3A_1502 = arith.constant 3 : i32
        %parallel_loop3A_1503 = arith.constant 7 : i32
        %parallel_loop3A_1504 = arith.index_cast %parallel_loop3A_1502 : i32 to index
        %parallel_loop3A_1505 = arith.index_cast %parallel_loop3A_1503 : i32 to index
        %parallel_loop3A_1506 = arith.index_cast %parallel_loop3A_173 : i32 to index
        %parallel_loop3A_1507 = tpu.vector_load %arg18[%parallel_loop3A_1504, %parallel_loop3A_1505, %parallel_loop3A_1506] {strides = array<i32>} : memref<15x8x256xf32, #tpu.memory_space<vmem>>, vector<16xf32>,
        tpu.vector_store %arg18[%parallel_loop3A_1504, %parallel_loop3A_1505, %parallel_loop3A_1506], %parallel_loop3A_1426 {strides = array<i32>} : memref<15x8x256xf32, #tpu.memory_space<vmem>>, vector<16xf32>,
        %parallel_loop3A_1508 = arith.constant 4 : i32
        %parallel_loop3A_1509 = arith.constant 7 : i32
        %parallel_loop3A_1510 = arith.index_cast %parallel_loop3A_1508 : i32 to index
        %parallel_loop3A_1511 = arith.index_cast %parallel_loop3A_1509 : i32 to index
        %parallel_loop3A_1512 = arith.index_cast %parallel_loop3A_173 : i32 to index
        %parallel_loop3A_1513 = tpu.vector_load %arg18[%parallel_loop3A_1510, %parallel_loop3A_1511, %parallel_loop3A_1512] {strides = array<i32>} : memref<15x8x256xf32, #tpu.memory_space<vmem>>, vector<16xf32>,
        tpu.vector_store %arg18[%parallel_loop3A_1510, %parallel_loop3A_1511, %parallel_loop3A_1512], %parallel_loop3A_1429 {strides = array<i32>} : memref<15x8x256xf32, #tpu.memory_space<vmem>>, vector<16xf32>,
        %parallel_loop3A_1514 = arith.constant 5 : i32
        %parallel_loop3A_1515 = arith.constant 7 : i32
        %parallel_loop3A_1516 = arith.index_cast %parallel_loop3A_1514 : i32 to index
        %parallel_loop3A_1517 = arith.index_cast %parallel_loop3A_1515 : i32 to index
        %parallel_loop3A_1518 = arith.index_cast %parallel_loop3A_173 : i32 to index
        %parallel_loop3A_1519 = tpu.vector_load %arg18[%parallel_loop3A_1516, %parallel_loop3A_1517, %parallel_loop3A_1518] {strides = array<i32>} : memref<15x8x256xf32, #tpu.memory_space<vmem>>, vector<16xf32>,
        tpu.vector_store %arg18[%parallel_loop3A_1516, %parallel_loop3A_1517, %parallel_loop3A_1518], %parallel_loop3A_1432 {strides = array<i32>} : memref<15x8x256xf32, #tpu.memory_space<vmem>>, vector<16xf32>,
        %parallel_loop3A_1520 = arith.constant 6 : i32
        %parallel_loop3A_1521 = arith.constant 7 : i32
        %parallel_loop3A_1522 = arith.index_cast %parallel_loop3A_1520 : i32 to index
        %parallel_loop3A_1523 = arith.index_cast %parallel_loop3A_1521 : i32 to index
        %parallel_loop3A_1524 = arith.index_cast %parallel_loop3A_173 : i32 to index
        %parallel_loop3A_1525 = tpu.vector_load %arg18[%parallel_loop3A_1522, %parallel_loop3A_1523, %parallel_loop3A_1524] {strides = array<i32>} : memref<15x8x256xf32, #tpu.memory_space<vmem>>, vector<16xf32>,
        tpu.vector_store %arg18[%parallel_loop3A_1522, %parallel_loop3A_1523, %parallel_loop3A_1524], %parallel_loop3A_1435 {strides = array<i32>} : memref<15x8x256xf32, #tpu.memory_space<vmem>>, vector<16xf32>,
        %parallel_loop3A_1526 = arith.constant 7 : i32
        %parallel_loop3A_1527 = arith.constant 7 : i32
        %parallel_loop3A_1528 = arith.index_cast %parallel_loop3A_1526 : i32 to index
        %parallel_loop3A_1529 = arith.index_cast %parallel_loop3A_1527 : i32 to index
        %parallel_loop3A_1530 = arith.index_cast %parallel_loop3A_173 : i32 to index
        %parallel_loop3A_1531 = tpu.vector_load %arg18[%parallel_loop3A_1528, %parallel_loop3A_1529, %parallel_loop3A_1530] {strides = array<i32>} : memref<15x8x256xf32, #tpu.memory_space<vmem>>, vector<16xf32>,
        tpu.vector_store %arg18[%parallel_loop3A_1528, %parallel_loop3A_1529, %parallel_loop3A_1530], %parallel_loop3A_1442 {strides = array<i32>} : memref<15x8x256xf32, #tpu.memory_space<vmem>>, vector<16xf32>,
        %parallel_loop3A_1532 = arith.constant 8 : i32
        %parallel_loop3A_1533 = arith.constant 7 : i32
        %parallel_loop3A_1534 = arith.index_cast %parallel_loop3A_1532 : i32 to index
        %parallel_loop3A_1535 = arith.index_cast %parallel_loop3A_1533 : i32 to index
        %parallel_loop3A_1536 = arith.index_cast %parallel_loop3A_173 : i32 to index
        %parallel_loop3A_1537 = tpu.vector_load %arg18[%parallel_loop3A_1534, %parallel_loop3A_1535, %parallel_loop3A_1536] {strides = array<i32>} : memref<15x8x256xf32, #tpu.memory_space<vmem>>, vector<16xf32>,
        tpu.vector_store %arg18[%parallel_loop3A_1534, %parallel_loop3A_1535, %parallel_loop3A_1536], %parallel_loop3A_1449 {strides = array<i32>} : memref<15x8x256xf32, #tpu.memory_space<vmem>>, vector<16xf32>,
        %parallel_loop3A_1538 = arith.constant 9 : i32
        %parallel_loop3A_1539 = arith.constant 7 : i32
        %parallel_loop3A_1540 = arith.index_cast %parallel_loop3A_1538 : i32 to index
        %parallel_loop3A_1541 = arith.index_cast %parallel_loop3A_1539 : i32 to index
        %parallel_loop3A_1542 = arith.index_cast %parallel_loop3A_173 : i32 to index
        %parallel_loop3A_1543 = tpu.vector_load %arg18[%parallel_loop3A_1540, %parallel_loop3A_1541, %parallel_loop3A_1542] {strides = array<i32>} : memref<15x8x256xf32, #tpu.memory_space<vmem>>, vector<16xf32>,
        tpu.vector_store %arg18[%parallel_loop3A_1540, %parallel_loop3A_1541, %parallel_loop3A_1542], %parallel_loop3A_1456 {strides = array<i32>} : memref<15x8x256xf32, #tpu.memory_space<vmem>>, vector<16xf32>,
        %parallel_loop3A_1544 = arith.constant 10 : i32
        %parallel_loop3A_1545 = arith.constant 7 : i32
        %parallel_loop3A_1546 = arith.index_cast %parallel_loop3A_1544 : i32 to index
        %parallel_loop3A_1547 = arith.index_cast %parallel_loop3A_1545 : i32 to index
        %parallel_loop3A_1548 = arith.index_cast %parallel_loop3A_173 : i32 to index
        %parallel_loop3A_1549 = tpu.vector_load %arg18[%parallel_loop3A_1546, %parallel_loop3A_1547, %parallel_loop3A_1548] {strides = array<i32>} : memref<15x8x256xf32, #tpu.memory_space<vmem>>, vector<16xf32>,
        tpu.vector_store %arg18[%parallel_loop3A_1546, %parallel_loop3A_1547, %parallel_loop3A_1548], %parallel_loop3A_1463 {strides = array<i32>} : memref<15x8x256xf32, #tpu.memory_space<vmem>>, vector<16xf32>,
        %parallel_loop3A_1550 = arith.constant 11 : i32
        %parallel_loop3A_1551 = arith.constant 7 : i32
        %parallel_loop3A_1552 = arith.index_cast %parallel_loop3A_1550 : i32 to index
        %parallel_loop3A_1553 = arith.index_cast %parallel_loop3A_1551 : i32 to index
        %parallel_loop3A_1554 = arith.index_cast %parallel_loop3A_173 : i32 to index
        %parallel_loop3A_1555 = tpu.vector_load %arg18[%parallel_loop3A_1552, %parallel_loop3A_1553, %parallel_loop3A_1554] {strides = array<i32>} : memref<15x8x256xf32, #tpu.memory_space<vmem>>, vector<16xf32>,
        tpu.vector_store %arg18[%parallel_loop3A_1552, %parallel_loop3A_1553, %parallel_loop3A_1554], %parallel_loop3A_1470 {strides = array<i32>} : memref<15x8x256xf32, #tpu.memory_space<vmem>>, vector<16xf32>,
        %parallel_loop3A_1556 = arith.constant 12 : i32
        %parallel_loop3A_1557 = arith.constant 7 : i32
        %parallel_loop3A_1558 = arith.index_cast %parallel_loop3A_1556 : i32 to index
        %parallel_loop3A_1559 = arith.index_cast %parallel_loop3A_1557 : i32 to index
        %parallel_loop3A_1560 = arith.index_cast %parallel_loop3A_173 : i32 to index
        %parallel_loop3A_1561 = tpu.vector_load %arg18[%parallel_loop3A_1558, %parallel_loop3A_1559, %parallel_loop3A_1560] {strides = array<i32>} : memref<15x8x256xf32, #tpu.memory_space<vmem>>, vector<16xf32>,
        tpu.vector_store %arg18[%parallel_loop3A_1558, %parallel_loop3A_1559, %parallel_loop3A_1560], %parallel_loop3A_1477 {strides = array<i32>} : memref<15x8x256xf32, #tpu.memory_space<vmem>>, vector<16xf32>,
        %parallel_loop3A_1562 = arith.constant 13 : i32
        %parallel_loop3A_1563 = arith.constant 7 : i32
        %parallel_loop3A_1564 = arith.index_cast %parallel_loop3A_1562 : i32 to index
        %parallel_loop3A_1565 = arith.index_cast %parallel_loop3A_1563 : i32 to index
        %parallel_loop3A_1566 = arith.index_cast %parallel_loop3A_173 : i32 to index
        %parallel_loop3A_1567 = tpu.vector_load %arg18[%parallel_loop3A_1564, %parallel_loop3A_1565, %parallel_loop3A_1566] {strides = array<i32>} : memref<15x8x256xf32, #tpu.memory_space<vmem>>, vector<16xf32>,
        tpu.vector_store %arg18[%parallel_loop3A_1564, %parallel_loop3A_1565, %parallel_loop3A_1566], %parallel_loop3A_1480 {strides = array<i32>} : memref<15x8x256xf32, #tpu.memory_space<vmem>>, vector<16xf32>,
        %parallel_loop3A_1568 = arith.constant 14 : i32
        %parallel_loop3A_1569 = arith.constant 7 : i32
        %parallel_loop3A_1570 = arith.index_cast %parallel_loop3A_1568 : i32 to index
        %parallel_loop3A_1571 = arith.index_cast %parallel_loop3A_1569 : i32 to index
        %parallel_loop3A_1572 = arith.index_cast %parallel_loop3A_173 : i32 to index
        %parallel_loop3A_1573 = tpu.vector_load %arg18[%parallel_loop3A_1570, %parallel_loop3A_1571, %parallel_loop3A_1572] {strides = array<i32>} : memref<15x8x256xf32, #tpu.memory_space<vmem>>, vector<16xf32>,
        tpu.vector_store %arg18[%parallel_loop3A_1570, %parallel_loop3A_1571, %parallel_loop3A_1572], %parallel_loop3A_1483 {strides = array<i32>} : memref<15x8x256xf32, #tpu.memory_space<vmem>>, vector<16xf32>,
      } {sc.loop_unroll_factor = 1 : i64, sc.parallel_access}
      %mul3A_165 = arith.constant 8 : i32
      %mul3A_166 = arith.muli %scan3A_102, %mul3A_165 : i32
      %add3A_167 = arith.constant 256 : i32
      %add3A_168 = arith.addi %mul3A_2, %add3A_167 : i32
      %dma_start3A_169 = arith.constant 0 : i32
      %dma_start3A_170 = tpu.memref_slice %arg7[%dma_start3A_169, %mul3A_166, %add3A_168] : memref<15x200x16384xf32, #tpu.memory_space<hbm>> -> memref<15x8x256xf32, #tpu.memory_space<hbm>>
      %dma_start3A_171 = arith.constant 0 : i32
      %dma_start3A_172 = tpu.memref_slice %arg7[%dma_start3A_171, %mul3A_166, %add3A_168] : memref<15x200x16384xf32, #tpu.memory_space<hbm>> -> memref<15x8x256xf32, #tpu.memory_space<hbm>>
      tpu.enqueue_dma source(%arg18 : memref<15x8x256xf32, #tpu.memory_space<vmem>>) target(%dma_start3A_172 : memref<15x8x256xf32, #tpu.memory_space<hbm>>) target_semaphore(%arg22 : memref<!tpu.dma_semaphore, #tpu.memory_space<semaphore_mem>>)
    }
    %scan3A_86 = arith.constant 25 : i32
    %add3A_87 = arith.constant 0 : i32
    %add3A_88 = arith.addi %mul3A_2, %add3A_87 : i32
    %dma_wait3A = arith.constant 0 : i32
    %dma_wait3A_89 = arith.constant 192 : i32
    %dma_wait3A_90 = tpu.memref_slice %arg7[%dma_wait3A, %dma_wait3A_89, %add3A_88] : memref<15x200x16384xf32, #tpu.memory_space<hbm>> -> memref<15x8x256xf32, #tpu.memory_space<hbm>>
    %dma_wait3A_91 = arith.constant 0 : i32
    %dma_wait3A_92 = arith.constant 192 : i32
    %dma_wait3A_93 = tpu.memref_slice %arg7[%dma_wait3A_91, %dma_wait3A_92, %add3A_88] : memref<15x200x16384xf32, #tpu.memory_space<hbm>> -> memref<15x8x256xf32, #tpu.memory_space<hbm>>
    tpu.wait_dma2 semaphore(%arg21 : memref<!tpu.dma_semaphore, #tpu.memory_space<semaphore_mem>>) src(%arg17 : memref<15x8x256xf32, #tpu.memory_space<vmem>>) dst(%dma_wait3A_93 : memref<15x8x256xf32, #tpu.memory_space<hbm>>)
    %add3A_94 = arith.constant 256 : i32
    %add3A_95 = arith.addi %mul3A_2, %add3A_94 : i32
    %dma_wait3A_96 = arith.constant 0 : i32
    %dma_wait3A_97 = arith.constant 192 : i32
    %dma_wait3A_98 = tpu.memref_slice %arg7[%dma_wait3A_96, %dma_wait3A_97, %add3A_95] : memref<15x200x16384xf32, #tpu.memory_space<hbm>> -> memref<15x8x256xf32, #tpu.memory_space<hbm>>
    %dma_wait3A_99 = arith.constant 0 : i32
    %dma_wait3A_100 = arith.constant 192 : i32
    %dma_wait3A_101 = tpu.memref_slice %arg7[%dma_wait3A_99, %dma_wait3A_100, %add3A_95] : memref<15x200x16384xf32, #tpu.memory_space<hbm>> -> memref<15x8x256xf32, #tpu.memory_space<hbm>>
    tpu.wait_dma2 semaphore(%arg22 : memref<!tpu.dma_semaphore, #tpu.memory_space<semaphore_mem>>) src(%arg18 : memref<15x8x256xf32, #tpu.memory_space<vmem>>) dst(%dma_wait3A_101 : memref<15x8x256xf32, #tpu.memory_space<hbm>>)
    return
  }
}

</mosaic_0001>

<sc_bundles>
// kernel: kernel.3.cloned.1.call-start
scs
__scs_entry_jumppad:
0x0: {  	(pc) =	sbr.rel $0x88, $3  }
0x1: {  	(tag) =	ssettag $0x0;
	lr =	simm.s32 $0x1  }
0x2: {  	[smem:$0x3F99] =	sst lr;
	_ =	strace $0xD0000000  }
0x3: {  	_ = 	snop  }
0x4: {  	_ = 	snop  }
0x5: {  	_ = 	snop  }
0x6: {  	_ = 	snop  }
0x7: {  	_ = 	snop  }
__scs_overlays_trampoline_lowered:
0x8: {  	[smem:$0x3FA8] =	sst s0  }
0x9: {  	[smem:$0x3FA9] =	sst s1  }
0xa: {  	[smem:$0x3FAA] =	sst s2  }
0xb: {  	[smem:$0x3FAB] =	sst s3  }
0xc: {  	[smem:$0x3FAC] =	sst s4  }
0xd: {  	[smem:$0x3FAD] =	sst s5  }
0xe: {  	[smem:$0x3FAE] =	sst s6  }
0xf: {  	[smem:$0x3FAF] =	sst s7  }
0x10: {  	[smem:$0x3FB0] =	sst s8  }
0x11: {  	[smem:$0x3FB1] =	sst s9;
	s0 =	simm.s32 @!p0 $0x0  }
0x12: {  	s1 =	sld [smem:$0x3F97];
	s0 =	simm.s32 @p0 $0x1  }
0x13: {  	[smem:$0x3FB2] =	sst s0;
	s0 =	simm.s32 @!p1 $0x0  }
0x14: {  	s2 =	sld [smem:$0x3F96];
	s0 =	simm.s32 @p1 $0x1  }
0x15: {  	[smem:$0x3FB3] =	sst s0;
	s0 =	simm.s32 @!p2 $0x0  }
0x16: {  	s3 =	sld [smem:$0x3FDB];
	s0 =	simm.s32 @p2 $0x1  }
0x17: {  	s4 =	simm.s32 $0x1BF5;
	[smem:$0x3FB5] =	sst s0  }
0x18: {  	s0 =	sld [smem:$0x3F98];
	_ =	swait.ge [sflag:s4], $0x0  }
0x19: {  	s7 =	sld [smem:$0x3F99]  }
0x1a: {  	s8 =	sadd.s32 $0xFFFFE003, lr  }
0x1b: {  	s9 =	sadd.s32 $0xFFFFFEF7, lr;
	s5 =	simm.s32 $0xFFFFFFFF;
	p2 =	slt.u32 s8, $0xFFFFF086  }
0x1c: {  	p1 =	slt.u32 s9, $0xF7A;
	s5 =	simm.s32 @!p2 $0x0  }
0x1d: {  	s5 =	simm.s32 @p1 $0x1;
	p0 =	seq.s32 s7, s2  }
0x1e: {  	s7 =	smul.u32 @!p0 $0xF7A, s2;
	p2 =	seq.s32 @!p0 s5, $0x0  }
0x1f: {  	s9 =	smul.u32 $0xF7A, s1;
	s8 =	simm.s32 @!p0 $0x1BF5;
	p2 =	por !p2, p0  }
0x20: {  	[sflag:s8] =	ssyncset.s32 @!p0 $0xFFFFF086;
	s6 =	sadd.s32 @!p0 s3, s7;
	s7 =	simm.s32 @!p0 $0x108  }
0x21: {  	s3 =	sadd.s32 s3, s9;
	s6 =	sadd.s32 @!p0 $0x88, s6;
	s7 =	simm.s32 @p2 $0x1082  }
0x22: {  	[simem:s7], [sflag:s8] =	dma.local @!p0 [hbm:s6], $0xF7A  }
0x23: {  	s9 =	sor.u32 $0xD0000000, s2;
	s6 =	simm.s32 $0x108;
	_ =	swait.ge @!p0 [sflag:s8], $0x0  }
0x24: {  	s3 =	sadd.s32 $0x88, s3;
	s6 =	simm.s32 @!p1 $0x1082;
	[sflag:s4] =	ssyncset.s32 $0xFFFFF086  }
0x25: {  	[simem:s6], [sflag:s4] =	dma.local [hbm:s3], $0xF7A  }
0x26: {  	[smem:$0x3F99] =	sst s1;
	(tag) =	ssettag s2;
	_ =	strace s9  }
0x27: {  	s1 =	sld [smem:$0x3FA9]  }
0x28: {  	s2 =	sld [smem:$0x3FAA]  }
0x29: {  	s4 =	sld [smem:$0x3FAC]  }
0x2a: {  	p0 =	seq.s32 s5, $0x0;
	s5 =	sld [smem:$0x3FAD]  }
0x2b: {  	s6 =	sld [smem:$0x3FAE]  }
0x2c: {  	s7 =	sld [smem:$0x3FAF]  }
0x2d: {  	s3 =	simm.s32 $0x108;
	s8 =	sld [smem:$0x3FB0]  }
0x2e: {  	s3 =	simm.s32 @!p0 $0x1082;
	s9 =	sld [smem:$0x3FB1]  }
0x2f: {  	lr =	sadd.s32 s0, s3;
	s0 =	sld [smem:$0x3FA8]  }
0x30: {  	s3 =	sld [smem:$0x3FAB]  }
0x31: {  	[smem:$0x3FB4] =	sst s10  }
0x32: {  	s10 =	sld [smem:$0x3FB2];
	_ =	sdelay $0x3  }
0x33: {  	p0 =	seq.s32 s10, $0x1;
	s10 =	sld [smem:$0x3FB4];
	_ =	sdelay $0x3  }
0x34: {  	[smem:$0x3FB4] =	sst s10  }
0x35: {  	s10 =	sld [smem:$0x3FB3];
	_ =	sdelay $0x3  }
0x36: {  	p1 =	seq.s32 s10, $0x1;
	s10 =	sld [smem:$0x3FB4];
	_ =	sdelay $0x3  }
0x37: {  	[smem:$0x3FB4] =	sst s10  }
0x38: {  	s10 =	sld [smem:$0x3FB5]  }
0x39: {  	_ = 	snop;
	(pc) =	sbr.ind lr, $3  }
0x3a: {  	_ = 	snop  }
0x3b: {  	_ = 	snop  }
0x3c: {  	p2 =	seq.s32 s10, $0x1;
	s10 =	sld [smem:$0x3FB4]  }
0x3d: {  	_ =	shalt  }
0x3e: {  	_ =	shalt  }
0x3f: {  	_ =	shalt  }
0x40: {  	_ =	shalt  }
0x41: {  	_ =	shalt  }
0x42: {  	_ =	shalt  }
0x43: {  	_ =	shalt  }
0x44: {  	_ =	shalt  }
0x45: {  	_ =	shalt  }
0x46: {  	_ =	shalt  }
0x47: {  	_ =	shalt  }
0x48: {  	_ =	shalt  }
0x49: {  	_ =	shalt  }
0x4a: {  	_ =	shalt  }
0x4b: {  	_ =	shalt  }
0x4c: {  	_ =	shalt  }
0x4d: {  	_ =	shalt  }
0x4e: {  	_ =	shalt  }
0x4f: {  	_ =	shalt  }
0x50: {  	_ =	shalt  }
0x51: {  	_ =	shalt  }
0x52: {  	_ =	shalt  }
0x53: {  	_ =	shalt  }
0x54: {  	_ =	shalt  }
0x55: {  	_ =	shalt  }
0x56: {  	_ =	shalt  }
0x57: {  	_ =	shalt  }
0x58: {  	_ =	shalt  }
0x59: {  	_ =	shalt  }
0x5a: {  	_ =	shalt  }
0x5b: {  	_ =	shalt  }
0x5c: {  	_ =	shalt  }
0x5d: {  	_ =	shalt  }
0x5e: {  	_ =	shalt  }
0x5f: {  	_ =	shalt  }
0x60: {  	_ =	shalt  }
0x61: {  	_ =	shalt  }
0x62: {  	_ =	shalt  }
0x63: {  	_ =	shalt  }
0x64: {  	_ =	shalt  }
0x65: {  	_ =	shalt  }
0x66: {  	_ =	shalt  }
0x67: {  	_ =	shalt  }
0x68: {  	_ =	shalt  }
0x69: {  	_ =	shalt  }
0x6a: {  	_ =	shalt  }
0x6b: {  	_ =	shalt  }
0x6c: {  	_ =	shalt  }
0x6d: {  	_ =	shalt  }
0x6e: {  	_ =	shalt  }
0x6f: {  	_ =	shalt  }
0x70: {  	_ =	shalt  }
0x71: {  	_ =	shalt  }
0x72: {  	_ =	shalt  }
0x73: {  	_ =	shalt  }
0x74: {  	_ =	shalt  }
0x75: {  	_ =	shalt  }
0x76: {  	_ =	shalt  }
0x77: {  	_ =	shalt  }
0x78: {  	_ =	shalt  }
0x79: {  	_ =	shalt  }
0x7a: {  	_ =	shalt  }
0x7b: {  	_ =	shalt  }
0x7c: {  	_ =	shalt  }
0x7d: {  	_ =	shalt  }
0x7e: {  	_ =	shalt  }
0x7f: {  	_ =	shalt  }
0x80: {  	_ =	shalt  }
0x81: {  	_ =	shalt  }
0x82: {  	_ =	shalt  }
0x83: {  	_ =	shalt  }
0x84: {  	_ =	shalt  }
0x85: {  	_ =	shalt  }
0x86: {  	_ =	shalt  }
0x87: {  	_ =	shalt  }
.Lfunc_end0:
.L_simem_size_0:
called_computation_lowered:
.L_overlay_start_0:
0x88: {  	s2 =	sld [smem:$0x3FD9]  }
0x89: {  	s3 =	sld [smem:$0x3FFE];
	_ =	sdelay $0x1  }
0x8a: {  	s1 =	srdreg.scid  }
0x8b: {  	s0 =	sand.u32 $0x1, s1  }
0x8c: {  	s17 =	sshll.u32 s0, $0xA;
	s2 =	sadd.s32 s3, s2  }
0x8d: {  	s2 =	sadd.s32 s2, s17  }
0x8e: {  	[smem:$0x3FC0] =	sst s2  }
0x8f: {  	_ = 	snop  }
0x90: {  	s2 =	sld [smem:$0x3FC9]  }
0x91: {  	s18 =	sld [smem:$0x3FC8]  }
0x92: {  	s4 =	sld [smem:$0x3FC7]  }
0x93: {  	s5 =	sld [smem:$0x3FC6]  }
0x94: {  	s6 =	sld [smem:$0x3FD0];
	(tm) =	ssettm $0x1  }
0x95: {  	s7 =	sld [smem:$0x3FFB];
	_ =	sdelay $0x3  }
0x96: {  	_ =	strace s7  }
0x97: {  	s7 =	sld [smem:$0x3FFC];
	_ =	sdelay $0x3  }
0x98: {  	_ =	strace s7  }
0x99: {  	s7 =	sld [smem:$0x3FFD];
	_ =	sdelay $0x3  }
0x9a: {  	_ =	strace s7  }
0x9b: {  	_ =	strace $0x8FFFFFFF  }
0x9c: {  	s19 =	sld [smem:$0x3FDB];
	_ =	sdelay $0x1  }
0x9d: {  	s8 =	simm.s32 $_scs_section_size  }
0x9e: {  	s9 =	simm.s32 $_size__tile_overlayer_lowered;
	s10 =	simm.s32 $_tile_overlayer_lowered  }
0x9f: {  	s22 =	simm.s32 $0x1BFF;
	s21 =	sshll.u32 s10, $0x1;
	s7 =	sadd.s32 s8, s19  }
0xa0: {  	s11 =	simm.s32 $0x0;
	s20 =	sshll.u32 s9, $0x1;
	s9 =	sadd.s32 s21, s7  }
0xa1: {  	[timem:s11], [sflag:s22] =	dma.local [hbm:s9], s20  }
0xa2: {  	_ =	swait.ge [sflag:s22], s20  }
0xa3: {  	s8 =	ssub.s32 $0x0, s20;
	[sflag:s22] =	ssyncset.done $0x0  }
0xa4: {  	[sflag:s22] =	ssyncadd.s32 s8;
	_ =	sdelay $0x1  }
0xa5: {  	s23 =	simm.s32 $0x1B8B  }
0xa6: {  	_ =	swait.ge [sflag:s23], $0x1  }
0xa7: {  	[sflag:s23] =	ssyncset.done $0x0  }
0xa8: {  	s25 =	simm.s32 $0x1B8E;
	s24 =	sld [smem:$0x3FFE];
	[sflag:s23] =	ssyncadd.s32 $0xFFFFFFFF  }
0xa9: {  	s26 =	simm.s32 $execute0_lowered;
	[smem:$0x3FD2] =	sst s25  }
0xaa: {  	s9 =	sshll.u32 s26, $0x1;
	_ =	strace $0x80000046;
	[dreg:$0x1] =	wrdreg $0xFFFFFFFF  }
0xab: {  	s28 =	simm.s32 $_size_execute0_lowered;
	s7 =	sadd.s32 s7, s9;
	[dreg:$0x0] =	wrdreg $0x0  }
0xac: {  	s9 =	sshll.u32 s28, $0x1;
	[dreg:$0x2] =	wrdreg s7  }
0xad: {  	[dreg:$0x3] =	wrdreg s9  }
0xae: {  	[dreg:$0x4] =	wrdreg $0xC0  }
0xaf: {  	_ =	task [dreg:s11], $0x5FFFF  }
0xb0: {  	[dreg:$0x1] =	wrdreg $0xFFFFFFFF  }
0xb1: {  	[dreg:$0x0] =	wrdreg $0x60  }
0xb2: {  	[dreg:$0x2] =	wrdreg s2  }
0xb3: {  	[dreg:$0x3] =	wrdreg s18  }
0xb4: {  	[dreg:$0x4] =	wrdreg s4  }
0xb5: {  	[dreg:$0x5] =	wrdreg s5  }
0xb6: {  	[dreg:$0x6] =	wrdreg s24  }
0xb7: {  	[dreg:$0x7] =	wrdreg s6  }
0xb8: {  	[dreg:$0x8] =	wrdreg $0x9  }
0xb9: {  	_ =	task.clear_ibuf [dreg:s11], $0x9FFFF;
	_ =	strace $0x90000046  }
0xba: {  	s29 =	simm.s32 $0x9;
	_ =	strace $0x80000048  }
0xbb: {  	_ =	swait.ge [sflag:s29], $0x1  }
0xbc: {  	[sflag:s29] =	ssyncadd.s32 $0xFFFFFFFF  }
0xbd: {  	_ =	strace $0x90000048  }
0xbe: {  	_ =	sfence  }
0xbf: {  	s30 =	sld [smem:$0x0];
	_ =	sdelay $0x2  }
0xc0: {  	s31 =	sshll.u32 s1, $0xD;
	s1 =	sshrl.u32 s1, $0x2  }
0xc1: {  	s3 =	sand.u32 $0x4000, s31;
	s1 =	sadd.s32 s1, s30  }
0xc2: {  	s0 =	sor.u32 s3, s0;
	s1 =	sshll.u32 s1, $0x11  }
0xc3: {  	s0 =	sor.u32 s1, s0  }
0xc4: {  	s0 =	sadd.s32 $0x8F2B, s0  }
0xc5: {  	[sflag:s0] =	ssyncadd.remote.s32 $0x1  }
0xc6: {  	_ =	sfence.sel $0xFFFF  }
0xc7: {  	[dreg:$0x0] =	wrdreg $0xFFFFFFFF;
	(pc) =	sbr.abs _section_cstart, $3  }
0xc8: {  	[dreg:$0x1] =	wrdreg $0xFFFFFFFF  }
0xc9: {  	_ =	task.clear_ibuf [dreg:s11], $0x2FFFF;
	_ =	strace $0x9FFFFFFF  }
0xca: {  	(tm) =	ssettm $0x7FFFFFFF  }
0xcb: {  	_ =	shalt  }
tec
execute0_lowered:
.L_overlay_start_1:
0x0: {  	(tag) =	ssettag $0x1  }
0x1: {  	s1 =	rddreg [dreg:$0x0]  }
0x2: {  	s2 =	rddreg [dreg:$0x1]  }
0x3: {  	s3 =	rddreg [dreg:$0x2]  }
0x4: {  	s4 =	rddreg [dreg:$0x3]  }
0x5: {  	s0 =	rddreg [dreg:$0x4]  }
0x6: {  	s5 =	rddreg [dreg:$0x5];
	s7 =	simm.s32 $0x0  }
0x7: {  	s6 =	srdreg.scid;
	s8 =	stileid.u32;
	s17 =	simm.s32 $0x5  }
0x8: {  	s22 =	simm.s32 $0x2200;
	s28 =	simm.s32 $0x800;
	s29 =	simm.s32 $0x320000  }
0x9: {  	s30 =	simm.s32 $0x4200;
	s31 =	simm.s32 $0x2;
	s18 =	simm.s32 $0x4  }
0xa: {  	s19 =	simm.s32 $0x0;
	[smem:$0x7FF] =	sst s7;
	s6 =	sand.u32 $0x1, s6  }
0xb: {  	s8 =	sshll.u32 s8, $0xA;
	s9 =	ssub.s32 $0x2, s6;
	s6 =	sshll.u32 s6, $0x9  }
0xc: {  	s0 =	sadd.s32 $0x400, s0;
	_ =	strace $0x80000047;
	s8 =	sor.u32 s6, s8  }
0xd: {  	[dreg:$0x7] =	wrdreg s0;
	s10 =	sshrl.u32 s9, $0x1;
	s6 =	sadd.s32 s1, s8  }
0xe: {  	v3 =	vlaneseq.u32;
	s23 =	ssub.s32 s9, s10;
	s24 =	sadd.s32 s2, s8;
	[dreg:$0x8] =	wrdreg s6  }
0xf: {  	v0 =	vmul.u32 $0x4, v3;
	s25 =	sadd.s32 s3, s8;
	s26 =	sadd.s32 s4, s8;
	[dreg:$0x9] =	wrdreg s24  }
0x10: {  	v6 =	vmul.u32 $0x3, v3;
	s14 =	sor.u32 $0x100, s8;
	s15 =	sadd.s32 s5, s8;
	[dreg:$0xa] =	wrdreg s25  }
0x11: {  	v8 =	vmul.u32 $0x2, v3;
	v1 =	vor.u32 $0x1, v0;
	v2 =	vor.u32 $0x2, v0;
	[dreg:$0xb] =	wrdreg s26;
	s0 =	smax.u32 s23, $0x1;
	s23 =	simm.s32 $0x2A00  }
0x12: {  	v3 =	vor.u32 $0x3, v0;
	v4 =	vadd.s32 $0x30, v6;
	v5 =	vadd.s32 $0x31, v6;
	s24 =	simm.s32 $0x3200;
	s25 =	simm.s32 $0x3A00;
	s26 =	simm.s32 $0x1  }
0x13: {  	v6 =	vadd.s32 $0x32, v6;
	v7 =	vadd.s32 $0x171, v8;
	v8 =	vadd.s32 $0x172, v8;
	s6 =	simm.s32 $0x3;
	[dreg:$0xc] =	wrdreg s0;
	s0 =	simm.s32 $0xBA00  }
.LBB2_1:
0x14: {  	s9 =	rddreg [dreg:$0x7]  }
0x15: {  	[tilespmem:s7], [sflag:$0x5] =	stream.linear.gather [hbm4b:s9+s7], $0x200, $0x38;
	[tilespmem:$0x13200] =	vst v63  }
0x16: {  	_ =	swait.ge [sflag:s17], $0x200  }
0x17: {  	[sflag:s17] =	ssyncset.done $0x0  }
0x18: {  	[sflag:s17] =	ssyncadd.s32 $0xFFFFFE00  }
0x19: {  	v9 =	vld.idx.msk [tilespmem:v0+s7+$0x0], $0xffff  }
0x1a: {  	v10 =	vld.idx.msk [tilespmem:v1+s7+$0x0], $0xffff  }
0x1b: {  	v11 =	vld.idx.msk [tilespmem:v2+s7+$0x0], $0xffff  }
0x1c: {  	v12 =	vld.idx.msk [tilespmem:v3+s7+$0x0], $0xffff  }
0x1d: {  	v13 =	vld.idx.msk [tilespmem:v4+s7+$0x0], $0xffff  }
0x1e: {  	v14 =	vld.idx.msk [tilespmem:v5+s7+$0x0], $0xffff  }
0x1f: {  	v15 =	vld.idx.msk [tilespmem:v6+s7+$0x0], $0xffff  }
0x20: {  	s10 =	simm.s32 $0x200;
	s21 =	rddreg [dreg:$0x8];
	v16 =	vld.idx.msk [tilespmem:v7+s7+$0x0], $0xffff  }
0x21: {  	v17 =	vld.idx.msk [tilespmem:v8+s7+$0x0], $0xffff;
	[tilespmem:s10], [sflag:$0x1] =	stream.linear.gather [hbm4b:s21+s7], $0x800, $0x38  }
0x22: {  	s12 =	simm.s32 $0xA00;
	s11 =	rddreg [dreg:$0x9]  }
0x23: {  	[tilespmem:s12], [sflag:$0x1] =	stream.linear.gather [hbm4b:s11+s7], $0x800, $0x38;
	[tilespmem:$0x13200] =	vst v63  }
0x24: {  	s16 =	simm.s32 $0x1200;
	s13 =	rddreg [dreg:$0xa]  }
0x25: {  	[tilespmem:s16], [sflag:$0x1] =	stream.linear.gather [hbm4b:s13+s7], $0x800, $0x38;
	[tilespmem:$0x13200] =	vst v63  }
0x26: {  	s20 =	rddreg [dreg:$0xb];
	s21 =	simm.s32 $0x1A00  }
0x27: {  	[tilespmem:s21], [sflag:$0x1] =	stream.linear.gather [hbm4b:s20+s7], $0x800, $0x38;
	[tilespmem:$0x13200] =	vst v63  }
0x28: {  	s21 =	simm.s32 $0x0  }
.LBB2_2:
0x29: {  	s9 =	sshll.u32 s21, $0xE  }
0x2a: {  	s20 =	sor.u32 s14, s9  }
0x2b: {  	s10 =	sadd.s32 s1, s20  }
0x2c: {  	[tilespmem:s22], [sflag:$0x2] =	stream.linear.gather [hbm4b:s10+s7], $0x800, $0x38;
	[tilespmem:$0x13200] =	vst v63  }
0x2d: {  	s12 =	sadd.s32 s2, s20  }
0x2e: {  	[tilespmem:s23], [sflag:$0x2] =	stream.linear.gather [hbm4b:s12+s7], $0x800, $0x38;
	[tilespmem:$0x13200] =	vst v63  }
0x2f: {  	s13 =	sadd.s32 s3, s20  }
0x30: {  	[tilespmem:s24], [sflag:$0x2] =	stream.linear.gather [hbm4b:s13+s7], $0x800, $0x38;
	[tilespmem:$0x13200] =	vst v63  }
0x31: {  	s16 =	sadd.s32 s4, s20  }
0x32: {  	[tilespmem:s25], [sflag:$0x2] =	stream.linear.gather [hbm4b:s16+s7], $0x800, $0x38;
	[tilespmem:$0x13200] =	vst v63  }
0x33: {  	_ =	swait.ge [sflag:s26], $0x800  }
0x34: {  	[sflag:s26] =	ssyncset.done $0x0  }
0x35: {  	[sflag:s26] =	ssyncadd.s32 $0xFFFFF800  }
0x36: {  	_ =	swait.ge [sflag:s26], $0x800  }
0x37: {  	[sflag:s26] =	ssyncset.done $0x0  }
0x38: {  	[sflag:s26] =	ssyncadd.s32 $0xFFFFF800  }
0x39: {  	_ =	swait.ge [sflag:s26], $0x800  }
0x3a: {  	[sflag:s26] =	ssyncset.done $0x0  }
0x3b: {  	[sflag:s26] =	ssyncadd.s32 $0xFFFFF800  }
0x3c: {  	_ =	swait.ge [sflag:s26], $0x800  }
0x3d: {  	p0 =	seq.s32 s21, $0x0;
	[sflag:s26] =	ssyncset.done $0x0  }
0x3e: {  	s10 =	simm.s32 @!p0 $0x3;
	[sflag:s26] =	ssyncadd.s32 $0xFFFFF800  }
0x3f: {  	_ =	swait.ge @!p0 [sflag:s10], $0x7800  }
0x40: {  	[sflag:s10] =	ssyncset.done @!p0 $0x0  }
0x41: {  	s11 =	simm.s32 $0x0;
	[sflag:s10] =	ssyncadd.s32 @!p0 $0xFFFF8800;
	s10 =	simm.s32 $0x0  }
.LBB2_3:
0x42: {  	s12 =	sand.u32 $0x70, s11;
	s13 =	sand.u32 $0x400, s10  }
0x43: {  	s12 =	sor.u32 s12, s13  }
0x44: {  	v18 =	vld [tilespmem:s12+$0x1200];
	_ =	sdelay $0x4  }
0x45: {  	v18 =	vmul.u32 $0x6, v18;
	_ =	sdelay $0x1  }
0x46: {  	v19 =	vadd.s32 $0x45, v18  }
0x47: {  	v20 =	vadd.s32 $0x46, v18  }
0x48: {  	v22 =	vld [tilespmem:s12+$0x200];
	v21 =	vadd.s32 $0x47, v18  }
0x49: {  	v24 =	vld [tilespmem:s12+$0xA00];
	v23 =	vadd.s32 $0x48, v18  }
0x4a: {  	v46 =	vld [tilespmem:s12+$0x1A00];
	v25 =	vadd.s32 $0x49, v18  }
0x4b: {  	v18 =	vadd.s32 $0x4A, v18;
	v19 =	vld.idx.msk [tilespmem:v19+s7+$0x0], $0xffff  }
0x4c: {  	v20 =	vld.idx.msk [tilespmem:v20+s7+$0x0], $0xffff  }
0x4d: {  	v21 =	vld.idx.msk [tilespmem:v21+s7+$0x0], $0xffff  }
0x4e: {  	v26 =	vperm.xlane v9, v22;
	v23 =	vld.idx.msk [tilespmem:v23+s7+$0x0], $0xffff  }
0x4f: {  	v27 =	vperm.xlane v10, v22;
	v25 =	vld.idx.msk [tilespmem:v25+s7+$0x0], $0xffff  }
0x50: {  	v28 =	vperm.xlane v11, v22;
	v18 =	vld.idx.msk [tilespmem:v18+s7+$0x0], $0xffff;
	[tilespmem:s12+$0x4200] =	vst v26  }
0x51: {  	v22 =	vperm.xlane v12, v22;
	[tilespmem:s12+$0x4A00] =	vst v27  }
0x52: {  	v43 =	vperm.xlane v13, v24;
	[tilespmem:s12+$0x5200] =	vst v28  }
0x53: {  	v44 =	vperm.xlane v14, v24;
	[tilespmem:s12+$0x5A00] =	vst v22  }
0x54: {  	v45 =	vperm.xlane v15, v24;
	[tilespmem:s12+$0x6200] =	vst v43  }
0x55: {  	v47 =	vperm.xlane v17, v46;
	[tilespmem:s12+$0x6A00] =	vst v44  }
0x56: {  	[tilespmem:s12+$0x7200] =	vst v45  }
0x57: {  	[tilespmem:s12+$0xB200] =	vst v47  }
0x58: {  	[tilespmem:s12+$0x7A00] =	vst v19  }
0x59: {  	[tilespmem:s12+$0x8200] =	vst v20  }
0x5a: {  	[tilespmem:s12+$0x8A00] =	vst v21  }
0x5b: {  	[tilespmem:s12+$0x9200] =	vst v23  }
0x5c: {  	s16 =	sand.u32 $0xFFFFFC00, s10;
	v19 =	vperm.xlane v16, v46;
	[tilespmem:s12+$0x9A00] =	vst v25  }
0x5d: {  	s13 =	sadd.s32 s16, s11;
	[tilespmem:s12+$0xA200] =	vst v18  }
0x5e: {  	s16 =	sor.u32 $0x80, s13;
	[tilespmem:s12+$0xAA00] =	vst v19  }
0x5f: {  	v18 =	vld [tilespmem:s16+$0x1200];
	_ =	sdelay $0x4  }
0x60: {  	v18 =	vmul.u32 $0x6, v18;
	_ =	sdelay $0x1  }
0x61: {  	v19 =	vadd.s32 $0x45, v18  }
0x62: {  	v48 =	vadd.s32 $0x46, v18  }
0x63: {  	v22 =	vld [tilespmem:s16+$0x200];
	v49 =	vadd.s32 $0x47, v18  }
0x64: {  	v51 =	vld [tilespmem:s16+$0xA00];
	v50 =	vadd.s32 $0x48, v18  }
0x65: {  	v28 =	vld [tilespmem:s16+$0x1A00];
	v52 =	vadd.s32 $0x49, v18  }
0x66: {  	v18 =	vadd.s32 $0x4A, v18;
	v19 =	vld.idx.msk [tilespmem:v19+s7+$0x0], $0xffff  }
0x67: {  	v20 =	vld.idx.msk [tilespmem:v48+s7+$0x0], $0xffff  }
0x68: {  	v21 =	vld.idx.msk [tilespmem:v49+s7+$0x0], $0xffff  }
0x69: {  	v53 =	vperm.xlane v9, v22;
	v23 =	vld.idx.msk [tilespmem:v50+s7+$0x0], $0xffff  }
0x6a: {  	v54 =	vperm.xlane v10, v22;
	v25 =	vld.idx.msk [tilespmem:v52+s7+$0x0], $0xffff  }
0x6b: {  	v29 =	vperm.xlane v11, v22;
	v18 =	vld.idx.msk [tilespmem:v18+s7+$0x0], $0xffff;
	[tilespmem:s16+$0x4200] =	vst v53  }
0x6c: {  	v22 =	vperm.xlane v12, v22;
	[tilespmem:s12+$0x4A80] =	vst v54  }
0x6d: {  	v55 =	vperm.xlane v13, v51;
	[tilespmem:s12+$0x5280] =	vst v29  }
0x6e: {  	v56 =	vperm.xlane v14, v51;
	[tilespmem:s12+$0x5A80] =	vst v22;
	v57 =	vld [tilespmem:s12+$0x1300]  }
0x6f: {  	v24 =	vperm.xlane v15, v51;
	[tilespmem:s12+$0x6280] =	vst v55  }
0x70: {  	v59 =	vperm.xlane v16, v28;
	[tilespmem:s12+$0x6A80] =	vst v56  }
0x71: {  	[tilespmem:s12+$0x7280] =	vst v24  }
0x72: {  	v60 =	vperm.xlane v17, v28;
	[tilespmem:s12+$0xAA80] =	vst v59  }
0x73: {  	[tilespmem:s12+$0x7A80] =	vst v19;
	v19 =	vmul.u32 $0x6, v57  }
0x74: {  	[tilespmem:s12+$0xB280] =	vst v60  }
0x75: {  	[tilespmem:s12+$0x8280] =	vst v20;
	v58 =	vadd.s32 $0x45, v19  }
0x76: {  	[tilespmem:s12+$0x8A80] =	vst v21;
	v22 =	vadd.s32 $0x46, v19  }
0x77: {  	v61 =	vld [tilespmem:s12+$0x300];
	[tilespmem:s12+$0xA280] =	vst v18;
	v18 =	vadd.s32 $0x47, v19  }
0x78: {  	v63 =	vld [tilespmem:s12+$0xB00];
	[tilespmem:s12+$0x9280] =	vst v23;
	v62 =	vadd.s32 $0x48, v19  }
0x79: {  	v39 =	vld [tilespmem:s12+$0x1B00];
	[tilespmem:s12+$0x9A80] =	vst v25;
	v32 =	vadd.s32 $0x49, v19  }
0x7a: {  	v19 =	vadd.s32 $0x4A, v19;
	v20 =	vld.idx.msk [tilespmem:v58+s7+$0x0], $0xffff  }
0x7b: {  	v22 =	vld.idx.msk [tilespmem:v22+s7+$0x0], $0xffff  }
0x7c: {  	v18 =	vld.idx.msk [tilespmem:v18+s7+$0x0], $0xffff  }
0x7d: {  	v33 =	vperm.xlane v9, v61;
	v24 =	vld.idx.msk [tilespmem:v62+s7+$0x0], $0xffff  }
0x7e: {  	v34 =	vperm.xlane v10, v61;
	v25 =	vld.idx.msk [tilespmem:v32+s7+$0x0], $0xffff  }
0x7f: {  	v35 =	vperm.xlane v11, v61;
	v19 =	vld.idx.msk [tilespmem:v19+s7+$0x0], $0xffff;
	[tilespmem:s12+$0x4300] =	vst v33  }
0x80: {  	v21 =	vperm.xlane v12, v61;
	[tilespmem:s12+$0x4B00] =	vst v34  }
0x81: {  	v36 =	vperm.xlane v13, v63;
	[tilespmem:s12+$0x5300] =	vst v35  }
0x82: {  	v37 =	vperm.xlane v14, v63;
	[tilespmem:s12+$0x5B00] =	vst v21  }
0x83: {  	v38 =	vperm.xlane v15, v63;
	[tilespmem:s12+$0x6300] =	vst v36  }
0x84: {  	v40 =	vperm.xlane v17, v39;
	[tilespmem:s12+$0x6B00] =	vst v37  }
0x85: {  	[tilespmem:s12+$0x7300] =	vst v38  }
0x86: {  	[tilespmem:s12+$0xB300] =	vst v40  }
0x87: {  	[tilespmem:s12+$0x7B00] =	vst v20  }
0x88: {  	[tilespmem:s12+$0x8300] =	vst v22  }
0x89: {  	[tilespmem:s12+$0x8B00] =	vst v18  }
0x8a: {  	[tilespmem:s12+$0x9300] =	vst v24  }
0x8b: {  	v18 =	vperm.xlane v16, v39;
	[tilespmem:s12+$0x9B00] =	vst v25  }
0x8c: {  	[tilespmem:s12+$0xA300] =	vst v19  }
0x8d: {  	s16 =	sor.u32 $0x180, s13;
	[tilespmem:s12+$0xAB00] =	vst v18  }
0x8e: {  	v18 =	vld [tilespmem:s16+$0x1200];
	_ =	sdelay $0x4  }
0x8f: {  	v18 =	vmul.u32 $0x6, v18;
	_ =	sdelay $0x1  }
0x90: {  	v19 =	vadd.s32 $0x45, v18  }
0x91: {  	v41 =	vadd.s32 $0x46, v18  }
0x92: {  	v22 =	vld [tilespmem:s16+$0x200];
	v42 =	vadd.s32 $0x47, v18  }
0x93: {  	v24 =	vld [tilespmem:s16+$0xA00];
	v43 =	vadd.s32 $0x48, v18  }
0x94: {  	v28 =	vld [tilespmem:s16+$0x1A00];
	v44 =	vadd.s32 $0x49, v18  }
0x95: {  	v18 =	vadd.s32 $0x4A, v18;
	v19 =	vld.idx.msk [tilespmem:v19+s7+$0x0], $0xffff  }
0x96: {  	v20 =	vld.idx.msk [tilespmem:v41+s7+$0x0], $0xffff  }
0x97: {  	v21 =	vld.idx.msk [tilespmem:v42+s7+$0x0], $0xffff  }
0x98: {  	v45 =	vperm.xlane v9, v22;
	v23 =	vld.idx.msk [tilespmem:v43+s7+$0x0], $0xffff  }
0x99: {  	v46 =	vperm.xlane v10, v22;
	v25 =	vld.idx.msk [tilespmem:v44+s7+$0x0], $0xffff  }
0x9a: {  	v47 =	vperm.xlane v11, v22;
	v18 =	vld.idx.msk [tilespmem:v18+s7+$0x0], $0xffff;
	[tilespmem:s16+$0x4200] =	vst v45  }
0x9b: {  	v22 =	vperm.xlane v12, v22;
	[tilespmem:s12+$0x4B80] =	vst v46  }
0x9c: {  	v48 =	vperm.xlane v13, v24;
	[tilespmem:s12+$0x5380] =	vst v47  }
0x9d: {  	v49 =	vperm.xlane v14, v24;
	[tilespmem:s12+$0x5B80] =	vst v22;
	v50 =	vld [tilespmem:s12+$0x1400]  }
0x9e: {  	v24 =	vperm.xlane v15, v24;
	[tilespmem:s12+$0x6380] =	vst v48  }
0x9f: {  	v52 =	vperm.xlane v16, v28;
	[tilespmem:s12+$0x6B80] =	vst v49  }
0xa0: {  	[tilespmem:s12+$0x7380] =	vst v24  }
0xa1: {  	v53 =	vperm.xlane v17, v28;
	[tilespmem:s12+$0xAB80] =	vst v52  }
0xa2: {  	[tilespmem:s12+$0x7B80] =	vst v19;
	v19 =	vmul.u32 $0x6, v50  }
0xa3: {  	[tilespmem:s12+$0xB380] =	vst v53  }
0xa4: {  	[tilespmem:s12+$0x8380] =	vst v20;
	v51 =	vadd.s32 $0x45, v19  }
0xa5: {  	[tilespmem:s12+$0x8B80] =	vst v21;
	v22 =	vadd.s32 $0x46, v19  }
0xa6: {  	v54 =	vld [tilespmem:s12+$0x400];
	[tilespmem:s12+$0xA380] =	vst v18;
	v18 =	vadd.s32 $0x47, v19  }
0xa7: {  	v56 =	vld [tilespmem:s12+$0xC00];
	[tilespmem:s12+$0x9380] =	vst v23;
	v55 =	vadd.s32 $0x48, v19  }
0xa8: {  	v26 =	vld [tilespmem:s12+$0x1C00];
	[tilespmem:s12+$0x9B80] =	vst v25;
	v57 =	vadd.s32 $0x49, v19  }
0xa9: {  	v19 =	vadd.s32 $0x4A, v19;
	v20 =	vld.idx.msk [tilespmem:v51+s7+$0x0], $0xffff  }
0xaa: {  	v22 =	vld.idx.msk [tilespmem:v22+s7+$0x0], $0xffff  }
0xab: {  	v18 =	vld.idx.msk [tilespmem:v18+s7+$0x0], $0xffff  }
0xac: {  	v58 =	vperm.xlane v9, v54;
	v24 =	vld.idx.msk [tilespmem:v55+s7+$0x0], $0xffff  }
0xad: {  	v59 =	vperm.xlane v10, v54;
	v25 =	vld.idx.msk [tilespmem:v57+s7+$0x0], $0xffff  }
0xae: {  	v60 =	vperm.xlane v11, v54;
	v19 =	vld.idx.msk [tilespmem:v19+s7+$0x0], $0xffff;
	[tilespmem:s12+$0x4400] =	vst v58  }
0xaf: {  	v21 =	vperm.xlane v12, v54;
	[tilespmem:s12+$0x4C00] =	vst v59  }
0xb0: {  	v61 =	vperm.xlane v13, v56;
	[tilespmem:s12+$0x5400] =	vst v60  }
0xb1: {  	v62 =	vperm.xlane v14, v56;
	[tilespmem:s12+$0x5C00] =	vst v21  }
0xb2: {  	v63 =	vperm.xlane v15, v56;
	[tilespmem:s12+$0x6400] =	vst v61  }
0xb3: {  	v27 =	vperm.xlane v17, v26;
	[tilespmem:s12+$0x6C00] =	vst v62  }
0xb4: {  	[tilespmem:s12+$0x7400] =	vst v63  }
0xb5: {  	[tilespmem:s12+$0xB400] =	vst v27  }
0xb6: {  	[tilespmem:s12+$0x7C00] =	vst v20  }
0xb7: {  	[tilespmem:s12+$0x8400] =	vst v22  }
0xb8: {  	[tilespmem:s12+$0x8C00] =	vst v18  }
0xb9: {  	[tilespmem:s12+$0x9400] =	vst v24  }
0xba: {  	v18 =	vperm.xlane v16, v26;
	[tilespmem:s12+$0x9C00] =	vst v25  }
0xbb: {  	[tilespmem:s12+$0xA400] =	vst v19  }
0xbc: {  	s13 =	sor.u32 $0x280, s13;
	[tilespmem:s12+$0xAC00] =	vst v18  }
0xbd: {  	v18 =	vld [tilespmem:s13+$0x1200];
	_ =	sdelay $0x4  }
0xbe: {  	v18 =	vmul.u32 $0x6, v18;
	_ =	sdelay $0x1  }
0xbf: {  	v19 =	vadd.s32 $0x45, v18  }
0xc0: {  	v28 =	vadd.s32 $0x46, v18  }
0xc1: {  	v29 =	vadd.s32 $0x47, v18  }
0xc2: {  	v22 =	vld [tilespmem:s13+$0x200];
	v30 =	vadd.s32 $0x48, v18  }
0xc3: {  	v24 =	vld [tilespmem:s13+$0xA00];
	v31 =	vadd.s32 $0x49, v18  }
0xc4: {  	v18 =	vadd.s32 $0x4A, v18;
	v19 =	vld.idx.msk [tilespmem:v19+s7+$0x0], $0xffff  }
0xc5: {  	v20 =	vld.idx.msk [tilespmem:v28+s7+$0x0], $0xffff  }
0xc6: {  	v21 =	vld.idx.msk [tilespmem:v29+s7+$0x0], $0xffff  }
0xc7: {  	v32 =	vperm.xlane v9, v22;
	v23 =	vld.idx.msk [tilespmem:v30+s7+$0x0], $0xffff  }
0xc8: {  	v33 =	vperm.xlane v10, v22;
	v25 =	vld.idx.msk [tilespmem:v31+s7+$0x0], $0xffff  }
0xc9: {  	v34 =	vperm.xlane v11, v22;
	v18 =	vld.idx.msk [tilespmem:v18+s7+$0x0], $0xffff;
	[tilespmem:s13+$0x4200] =	vst v32  }
0xca: {  	v22 =	vperm.xlane v12, v22;
	v28 =	vld [tilespmem:s13+$0x1A00];
	[tilespmem:s12+$0x4C80] =	vst v33  }
0xcb: {  	v35 =	vperm.xlane v13, v24;
	[tilespmem:s12+$0x5480] =	vst v34  }
0xcc: {  	v36 =	vperm.xlane v14, v24;
	[tilespmem:s12+$0x5C80] =	vst v22;
	v37 =	vld [tilespmem:s12+$0x1500]  }
0xcd: {  	v24 =	vperm.xlane v15, v24;
	[tilespmem:s12+$0x6480] =	vst v35  }
0xce: {  	[tilespmem:s12+$0x6C80] =	vst v36  }
0xcf: {  	[tilespmem:s12+$0x7480] =	vst v24  }
0xd0: {  	[tilespmem:s12+$0x7C80] =	vst v19  }
0xd1: {  	[tilespmem:s12+$0x8480] =	vst v20;
	v19 =	vmul.u32 $0x6, v37  }
0xd2: {  	[tilespmem:s12+$0x8C80] =	vst v21  }
0xd3: {  	[tilespmem:s12+$0x9480] =	vst v23;
	v38 =	vadd.s32 $0x45, v19  }
0xd4: {  	v39 =	vperm.xlane v16, v28;
	[tilespmem:s12+$0x9C80] =	vst v25;
	v22 =	vadd.s32 $0x46, v19  }
0xd5: {  	v41 =	vld [tilespmem:s12+$0x500];
	v40 =	vperm.xlane v17, v28;
	[tilespmem:s12+$0xA480] =	vst v18;
	v18 =	vadd.s32 $0x47, v19  }
0xd6: {  	v43 =	vld [tilespmem:s12+$0xD00];
	[tilespmem:s12+$0xAC80] =	vst v39;
	v42 =	vadd.s32 $0x48, v19  }
0xd7: {  	v51 =	vld [tilespmem:s12+$0x1D00];
	[tilespmem:s12+$0xB480] =	vst v40;
	v44 =	vadd.s32 $0x49, v19  }
0xd8: {  	v19 =	vadd.s32 $0x4A, v19;
	v20 =	vld.idx.msk [tilespmem:v38+s7+$0x0], $0xffff  }
0xd9: {  	v22 =	vld.idx.msk [tilespmem:v22+s7+$0x0], $0xffff  }
0xda: {  	v18 =	vld.idx.msk [tilespmem:v18+s7+$0x0], $0xffff  }
0xdb: {  	v45 =	vperm.xlane v9, v41;
	v24 =	vld.idx.msk [tilespmem:v42+s7+$0x0], $0xffff  }
0xdc: {  	v46 =	vperm.xlane v10, v41;
	v25 =	vld.idx.msk [tilespmem:v44+s7+$0x0], $0xffff  }
0xdd: {  	v47 =	vperm.xlane v11, v41;
	v19 =	vld.idx.msk [tilespmem:v19+s7+$0x0], $0xffff;
	[tilespmem:s12+$0x4500] =	vst v45  }
0xde: {  	v21 =	vperm.xlane v12, v41;
	[tilespmem:s12+$0x4D00] =	vst v46  }
0xdf: {  	v48 =	vperm.xlane v13, v43;
	[tilespmem:s12+$0x5500] =	vst v47  }
0xe0: {  	v49 =	vperm.xlane v14, v43;
	[tilespmem:s12+$0x5D00] =	vst v21  }
0xe1: {  	v50 =	vperm.xlane v15, v43;
	[tilespmem:s12+$0x6500] =	vst v48  }
0xe2: {  	v52 =	vperm.xlane v17, v51;
	[tilespmem:s12+$0x6D00] =	vst v49  }
0xe3: {  	[tilespmem:s12+$0x7500] =	vst v50  }
0xe4: {  	[tilespmem:s12+$0xB500] =	vst v52  }
0xe5: {  	[tilespmem:s12+$0x7D00] =	vst v20  }
0xe6: {  	[tilespmem:s12+$0x8500] =	vst v22  }
0xe7: {  	[tilespmem:s12+$0x8D00] =	vst v18  }
0xe8: {  	[tilespmem:s12+$0x9500] =	vst v24  }
0xe9: {  	v18 =	vperm.xlane v16, v51;
	[tilespmem:s12+$0x9D00] =	vst v25  }
0xea: {  	s16 =	sor.u32 s10, s11;
	[tilespmem:s12+$0xA500] =	vst v19  }
0xeb: {  	s13 =	sor.u32 $0x380, s16;
	[tilespmem:s12+$0xAD00] =	vst v18  }
0xec: {  	v18 =	vld [tilespmem:s13+$0x1200];
	_ =	sdelay $0x4  }
0xed: {  	v18 =	vmul.u32 $0x6, v18;
	_ =	sdelay $0x1  }
0xee: {  	v19 =	vadd.s32 $0x45, v18  }
0xef: {  	v53 =	vadd.s32 $0x46, v18  }
0xf0: {  	v22 =	vld [tilespmem:s13+$0x200];
	v54 =	vadd.s32 $0x47, v18  }
0xf1: {  	v24 =	vld [tilespmem:s13+$0xA00];
	v55 =	vadd.s32 $0x48, v18  }
0xf2: {  	v28 =	vld [tilespmem:s13+$0x1A00];
	v56 =	vadd.s32 $0x49, v18  }
0xf3: {  	v18 =	vadd.s32 $0x4A, v18;
	v19 =	vld.idx.msk [tilespmem:v19+s7+$0x0], $0xffff  }
0xf4: {  	v20 =	vld.idx.msk [tilespmem:v53+s7+$0x0], $0xffff  }
0xf5: {  	v21 =	vld.idx.msk [tilespmem:v54+s7+$0x0], $0xffff  }
0xf6: {  	v57 =	vperm.xlane v9, v22;
	v23 =	vld.idx.msk [tilespmem:v55+s7+$0x0], $0xffff  }
0xf7: {  	v58 =	vperm.xlane v10, v22;
	v25 =	vld.idx.msk [tilespmem:v56+s7+$0x0], $0xffff  }
0xf8: {  	v59 =	vperm.xlane v11, v22;
	v18 =	vld.idx.msk [tilespmem:v18+s7+$0x0], $0xffff;
	[tilespmem:s13+$0x4200] =	vst v57  }
0xf9: {  	v22 =	vperm.xlane v12, v22;
	[tilespmem:s12+$0x4D80] =	vst v58  }
0xfa: {  	v60 =	vperm.xlane v13, v24;
	[tilespmem:s12+$0x5580] =	vst v59  }
0xfb: {  	v61 =	vperm.xlane v14, v24;
	[tilespmem:s12+$0x5D80] =	vst v22  }
0xfc: {  	v62 =	vperm.xlane v15, v24;
	[tilespmem:s12+$0x6580] =	vst v60  }
0xfd: {  	v63 =	vperm.xlane v17, v28;
	[tilespmem:s12+$0x6D80] =	vst v61  }
0xfe: {  	[tilespmem:s12+$0x7580] =	vst v62  }
0xff: {  	[tilespmem:s12+$0xB580] =	vst v63  }
0x100: {  	[tilespmem:s12+$0x7D80] =	vst v19  }
0x101: {  	p1 =	slt.u32 s11, $0xF0;
	[tilespmem:s12+$0x8580] =	vst v20  }
.Ltmp0:
0x102: {  	[tilespmem:s12+$0x8D80] =	vst v21;
	(pc) =	sbr.rel @p1 .LBB2_3-.Ltmp0, $4  }
0x103: {  	[tilespmem:s12+$0x9580] =	vst v23  }
0x104: {  	v19 =	vperm.xlane v16, v28;
	[tilespmem:s12+$0x9D80] =	vst v25  }
0x105: {  	s16 =	sadd.s32 $0x10, s11;
	[tilespmem:s12+$0xA580] =	vst v18  }
0x106: {  	s10 =	sadd.s32 $0x80, s10;
	s11 =	smov.u32 s16;
	[tilespmem:s12+$0xAD80] =	vst v19  }
0x107: {  	s9 =	sadd.s32 s9, s15  }
0x108: {  	[hbm4b:s9+s28] =	stream.strided.scatter [tilespmem:s30], [sflag:$0x3], $0x7800, s29, s28, $0x38;
	[tilespmem:$0x13200] =	vst v63  }
0x109: {  	p1 =	seq.s32 s21, $0x18;
	s9 =	sadd.s32 $0x1, s21  }
0x10a: {  	s10 =	sshll.u32 @!p1 s9, $0xE  }
0x10b: {  	s10 =	sor.u32 @!p1 s8, s10  }
0x10c: {  	s12 =	simm.s32 @!p1 $0x0;
	s13 =	simm.s32 @!p1 $0x200;
	s11 =	sadd.s32 @!p1 s1, s10  }
0x10d: {  	[tilespmem:s13], [sflag:$0x1] =	stream.linear.gather @!p1 [hbm4b:s11+s12], $0x800, $0x38;
	[tilespmem:$0x13200] =	vst v63  }
0x10e: {  	s11 =	sadd.s32 @!p1 s2, s10;
	s13 =	simm.s32 @!p1 $0xA00  }
0x10f: {  	[tilespmem:s13], [sflag:$0x1] =	stream.linear.gather @!p1 [hbm4b:s11+s12], $0x800, $0x38;
	[tilespmem:$0x13200] =	vst v63  }
0x110: {  	s11 =	sadd.s32 @!p1 s3, s10;
	s13 =	simm.s32 @!p1 $0x1200  }
0x111: {  	[tilespmem:s13], [sflag:$0x1] =	stream.linear.gather @!p1 [hbm4b:s11+s12], $0x800, $0x38;
	[tilespmem:$0x13200] =	vst v63  }
0x112: {  	s10 =	sadd.s32 @!p1 s4, s10;
	s11 =	simm.s32 @!p1 $0x1A00  }
0x113: {  	[tilespmem:s11], [sflag:$0x1] =	stream.linear.gather @!p1 [hbm4b:s10+s12], $0x800, $0x38;
	[tilespmem:$0x13200] =	vst v63  }
0x114: {  	_ =	swait.ge [sflag:s31], $0x800  }
0x115: {  	[sflag:s31] =	ssyncset.done $0x0  }
0x116: {  	[sflag:s31] =	ssyncadd.s32 $0xFFFFF800  }
0x117: {  	_ =	swait.ge [sflag:s31], $0x800  }
0x118: {  	[sflag:s31] =	ssyncset.done $0x0  }
0x119: {  	[sflag:s31] =	ssyncadd.s32 $0xFFFFF800  }
0x11a: {  	_ =	swait.ge [sflag:s31], $0x800  }
0x11b: {  	[sflag:s31] =	ssyncset.done $0x0  }
0x11c: {  	[sflag:s31] =	ssyncadd.s32 $0xFFFFF800  }
0x11d: {  	_ =	swait.ge [sflag:s31], $0x800  }
0x11e: {  	[sflag:s31] =	ssyncset.done $0x0  }
0x11f: {  	s10 =	simm.s32 @!p0 $0x4;
	[sflag:s31] =	ssyncadd.s32 $0xFFFFF800  }
0x120: {  	_ =	swait.ge @!p0 [sflag:s10], $0x7800  }
0x121: {  	[sflag:s10] =	ssyncset.done @!p0 $0x0  }
0x122: {  	s11 =	simm.s32 $0x0;
	[sflag:s10] =	ssyncadd.s32 @!p0 $0xFFFF8800;
	s10 =	simm.s32 $0x0  }
.LBB2_5:
0x123: {  	s12 =	sand.u32 $0x70, s11;
	s13 =	sand.u32 $0x400, s10  }
0x124: {  	s12 =	sor.u32 s12, s13  }
0x125: {  	v18 =	vld [tilespmem:s12+$0x3200];
	_ =	sdelay $0x4  }
0x126: {  	v18 =	vmul.u32 $0x6, v18;
	_ =	sdelay $0x1  }
0x127: {  	v19 =	vadd.s32 $0x45, v18  }
0x128: {  	v20 =	vadd.s32 $0x46, v18  }
0x129: {  	v22 =	vld [tilespmem:s12+$0x2200];
	v21 =	vadd.s32 $0x47, v18  }
0x12a: {  	v24 =	vld [tilespmem:s12+$0x2A00];
	v23 =	vadd.s32 $0x48, v18  }
0x12b: {  	v46 =	vld [tilespmem:s12+$0x3A00];
	v25 =	vadd.s32 $0x49, v18  }
0x12c: {  	v18 =	vadd.s32 $0x4A, v18;
	v19 =	vld.idx.msk [tilespmem:v19+s7+$0x0], $0xffff  }
0x12d: {  	v20 =	vld.idx.msk [tilespmem:v20+s7+$0x0], $0xffff  }
0x12e: {  	v21 =	vld.idx.msk [tilespmem:v21+s7+$0x0], $0xffff  }
0x12f: {  	v26 =	vperm.xlane v9, v22;
	v23 =	vld.idx.msk [tilespmem:v23+s7+$0x0], $0xffff  }
0x130: {  	v27 =	vperm.xlane v10, v22;
	v25 =	vld.idx.msk [tilespmem:v25+s7+$0x0], $0xffff  }
0x131: {  	v28 =	vperm.xlane v11, v22;
	v18 =	vld.idx.msk [tilespmem:v18+s7+$0x0], $0xffff;
	[tilespmem:s12+$0xBA00] =	vst v26  }
0x132: {  	v22 =	vperm.xlane v12, v22;
	[tilespmem:s12+$0xC200] =	vst v27  }
0x133: {  	v43 =	vperm.xlane v13, v24;
	[tilespmem:s12+$0xCA00] =	vst v28  }
0x134: {  	v44 =	vperm.xlane v14, v24;
	[tilespmem:s12+$0xD200] =	vst v22  }
0x135: {  	v45 =	vperm.xlane v15, v24;
	[tilespmem:s12+$0xDA00] =	vst v43  }
0x136: {  	v47 =	vperm.xlane v17, v46;
	[tilespmem:s12+$0xE200] =	vst v44  }
0x137: {  	[tilespmem:s12+$0xEA00] =	vst v45  }
0x138: {  	[tilespmem:s12+$0x12A00] =	vst v47  }
0x139: {  	[tilespmem:s12+$0xF200] =	vst v19  }
0x13a: {  	[tilespmem:s12+$0xFA00] =	vst v20  }
0x13b: {  	[tilespmem:s12+$0x10200] =	vst v21  }
0x13c: {  	[tilespmem:s12+$0x10A00] =	vst v23  }
0x13d: {  	s16 =	sand.u32 $0xFFFFFC00, s10;
	v19 =	vperm.xlane v16, v46;
	[tilespmem:s12+$0x11200] =	vst v25  }
0x13e: {  	s13 =	sadd.s32 s16, s11;
	[tilespmem:s12+$0x11A00] =	vst v18  }
0x13f: {  	s16 =	sor.u32 $0x80, s13;
	[tilespmem:s12+$0x12200] =	vst v19  }
0x140: {  	v18 =	vld [tilespmem:s16+$0x3200];
	_ =	sdelay $0x4  }
0x141: {  	v18 =	vmul.u32 $0x6, v18;
	_ =	sdelay $0x1  }
0x142: {  	v19 =	vadd.s32 $0x45, v18  }
0x143: {  	v48 =	vadd.s32 $0x46, v18  }
0x144: {  	v22 =	vld [tilespmem:s16+$0x2200];
	v49 =	vadd.s32 $0x47, v18  }
0x145: {  	v51 =	vld [tilespmem:s16+$0x2A00];
	v50 =	vadd.s32 $0x48, v18  }
0x146: {  	v28 =	vld [tilespmem:s16+$0x3A00];
	v52 =	vadd.s32 $0x49, v18  }
0x147: {  	v18 =	vadd.s32 $0x4A, v18;
	v19 =	vld.idx.msk [tilespmem:v19+s7+$0x0], $0xffff  }
0x148: {  	v20 =	vld.idx.msk [tilespmem:v48+s7+$0x0], $0xffff  }
0x149: {  	v21 =	vld.idx.msk [tilespmem:v49+s7+$0x0], $0xffff  }
0x14a: {  	v53 =	vperm.xlane v9, v22;
	v23 =	vld.idx.msk [tilespmem:v50+s7+$0x0], $0xffff  }
0x14b: {  	v54 =	vperm.xlane v10, v22;
	v25 =	vld.idx.msk [tilespmem:v52+s7+$0x0], $0xffff  }
0x14c: {  	v29 =	vperm.xlane v11, v22;
	v18 =	vld.idx.msk [tilespmem:v18+s7+$0x0], $0xffff;
	[tilespmem:s16+$0xBA00] =	vst v53  }
0x14d: {  	v22 =	vperm.xlane v12, v22;
	[tilespmem:s12+$0xC280] =	vst v54  }
0x14e: {  	v55 =	vperm.xlane v13, v51;
	[tilespmem:s12+$0xCA80] =	vst v29  }
0x14f: {  	v56 =	vperm.xlane v14, v51;
	[tilespmem:s12+$0xD280] =	vst v22;
	v57 =	vld [tilespmem:s12+$0x3300]  }
0x150: {  	v24 =	vperm.xlane v15, v51;
	[tilespmem:s12+$0xDA80] =	vst v55  }
0x151: {  	v59 =	vperm.xlane v16, v28;
	[tilespmem:s12+$0xE280] =	vst v56  }
0x152: {  	[tilespmem:s12+$0xEA80] =	vst v24  }
0x153: {  	v60 =	vperm.xlane v17, v28;
	[tilespmem:s12+$0x12280] =	vst v59  }
0x154: {  	[tilespmem:s12+$0xF280] =	vst v19;
	v19 =	vmul.u32 $0x6, v57  }
0x155: {  	[tilespmem:s12+$0x12A80] =	vst v60  }
0x156: {  	[tilespmem:s12+$0xFA80] =	vst v20;
	v58 =	vadd.s32 $0x45, v19  }
0x157: {  	[tilespmem:s12+$0x10280] =	vst v21;
	v22 =	vadd.s32 $0x46, v19  }
0x158: {  	v61 =	vld [tilespmem:s12+$0x2300];
	[tilespmem:s12+$0x11A80] =	vst v18;
	v18 =	vadd.s32 $0x47, v19  }
0x159: {  	v63 =	vld [tilespmem:s12+$0x2B00];
	[tilespmem:s12+$0x10A80] =	vst v23;
	v62 =	vadd.s32 $0x48, v19  }
0x15a: {  	v39 =	vld [tilespmem:s12+$0x3B00];
	[tilespmem:s12+$0x11280] =	vst v25;
	v32 =	vadd.s32 $0x49, v19  }
0x15b: {  	v19 =	vadd.s32 $0x4A, v19;
	v20 =	vld.idx.msk [tilespmem:v58+s7+$0x0], $0xffff  }
0x15c: {  	v22 =	vld.idx.msk [tilespmem:v22+s7+$0x0], $0xffff  }
0x15d: {  	v18 =	vld.idx.msk [tilespmem:v18+s7+$0x0], $0xffff  }
0x15e: {  	v33 =	vperm.xlane v9, v61;
	v24 =	vld.idx.msk [tilespmem:v62+s7+$0x0], $0xffff  }
0x15f: {  	v34 =	vperm.xlane v10, v61;
	v25 =	vld.idx.msk [tilespmem:v32+s7+$0x0], $0xffff  }
0x160: {  	v35 =	vperm.xlane v11, v61;
	v19 =	vld.idx.msk [tilespmem:v19+s7+$0x0], $0xffff;
	[tilespmem:s12+$0xBB00] =	vst v33  }
0x161: {  	v21 =	vperm.xlane v12, v61;
	[tilespmem:s12+$0xC300] =	vst v34  }
0x162: {  	v36 =	vperm.xlane v13, v63;
	[tilespmem:s12+$0xCB00] =	vst v35  }
0x163: {  	v37 =	vperm.xlane v14, v63;
	[tilespmem:s12+$0xD300] =	vst v21  }
0x164: {  	v38 =	vperm.xlane v15, v63;
	[tilespmem:s12+$0xDB00] =	vst v36  }
0x165: {  	v40 =	vperm.xlane v17, v39;
	[tilespmem:s12+$0xE300] =	vst v37  }
0x166: {  	[tilespmem:s12+$0xEB00] =	vst v38  }
0x167: {  	[tilespmem:s12+$0x12B00] =	vst v40  }
0x168: {  	[tilespmem:s12+$0xF300] =	vst v20  }
0x169: {  	[tilespmem:s12+$0xFB00] =	vst v22  }
0x16a: {  	[tilespmem:s12+$0x10300] =	vst v18  }
0x16b: {  	[tilespmem:s12+$0x10B00] =	vst v24  }
0x16c: {  	v18 =	vperm.xlane v16, v39;
	[tilespmem:s12+$0x11300] =	vst v25  }
0x16d: {  	[tilespmem:s12+$0x11B00] =	vst v19  }
0x16e: {  	s21 =	sor.u32 $0x180, s13;
	[tilespmem:s12+$0x12300] =	vst v18  }
0x16f: {  	v18 =	vld [tilespmem:s21+$0x3200];
	_ =	sdelay $0x4  }
0x170: {  	v18 =	vmul.u32 $0x6, v18;
	_ =	sdelay $0x1  }
0x171: {  	v19 =	vadd.s32 $0x45, v18  }
0x172: {  	v41 =	vadd.s32 $0x46, v18  }
0x173: {  	v22 =	vld [tilespmem:s21+$0x2200];
	v42 =	vadd.s32 $0x47, v18  }
0x174: {  	v24 =	vld [tilespmem:s21+$0x2A00];
	v43 =	vadd.s32 $0x48, v18  }
0x175: {  	v28 =	vld [tilespmem:s21+$0x3A00];
	v44 =	vadd.s32 $0x49, v18  }
0x176: {  	v18 =	vadd.s32 $0x4A, v18;
	v19 =	vld.idx.msk [tilespmem:v19+s7+$0x0], $0xffff  }
0x177: {  	v20 =	vld.idx.msk [tilespmem:v41+s7+$0x0], $0xffff  }
0x178: {  	v21 =	vld.idx.msk [tilespmem:v42+s7+$0x0], $0xffff  }
0x179: {  	v45 =	vperm.xlane v9, v22;
	v23 =	vld.idx.msk [tilespmem:v43+s7+$0x0], $0xffff  }
0x17a: {  	v46 =	vperm.xlane v10, v22;
	v25 =	vld.idx.msk [tilespmem:v44+s7+$0x0], $0xffff  }
0x17b: {  	v47 =	vperm.xlane v11, v22;
	v18 =	vld.idx.msk [tilespmem:v18+s7+$0x0], $0xffff;
	[tilespmem:s21+$0xBA00] =	vst v45  }
0x17c: {  	v22 =	vperm.xlane v12, v22;
	[tilespmem:s12+$0xC380] =	vst v46  }
0x17d: {  	v48 =	vperm.xlane v13, v24;
	[tilespmem:s12+$0xCB80] =	vst v47  }
0x17e: {  	v49 =	vperm.xlane v14, v24;
	[tilespmem:s12+$0xD380] =	vst v22;
	v50 =	vld [tilespmem:s12+$0x3400]  }
0x17f: {  	v24 =	vperm.xlane v15, v24;
	[tilespmem:s12+$0xDB80] =	vst v48  }
0x180: {  	v52 =	vperm.xlane v16, v28;
	[tilespmem:s12+$0xE380] =	vst v49  }
0x181: {  	[tilespmem:s12+$0xEB80] =	vst v24  }
0x182: {  	v53 =	vperm.xlane v17, v28;
	[tilespmem:s12+$0x12380] =	vst v52  }
0x183: {  	[tilespmem:s12+$0xF380] =	vst v19;
	v19 =	vmul.u32 $0x6, v50  }
0x184: {  	[tilespmem:s12+$0x12B80] =	vst v53  }
0x185: {  	[tilespmem:s12+$0xFB80] =	vst v20;
	v51 =	vadd.s32 $0x45, v19  }
0x186: {  	[tilespmem:s12+$0x10380] =	vst v21;
	v22 =	vadd.s32 $0x46, v19  }
0x187: {  	v54 =	vld [tilespmem:s12+$0x2400];
	[tilespmem:s12+$0x11B80] =	vst v18;
	v18 =	vadd.s32 $0x47, v19  }
0x188: {  	v56 =	vld [tilespmem:s12+$0x2C00];
	[tilespmem:s12+$0x10B80] =	vst v23;
	v55 =	vadd.s32 $0x48, v19  }
0x189: {  	v26 =	vld [tilespmem:s12+$0x3C00];
	[tilespmem:s12+$0x11380] =	vst v25;
	v57 =	vadd.s32 $0x49, v19  }
0x18a: {  	v19 =	vadd.s32 $0x4A, v19;
	v20 =	vld.idx.msk [tilespmem:v51+s7+$0x0], $0xffff  }
0x18b: {  	v22 =	vld.idx.msk [tilespmem:v22+s7+$0x0], $0xffff  }
0x18c: {  	v18 =	vld.idx.msk [tilespmem:v18+s7+$0x0], $0xffff  }
0x18d: {  	v58 =	vperm.xlane v9, v54;
	v24 =	vld.idx.msk [tilespmem:v55+s7+$0x0], $0xffff  }
0x18e: {  	v59 =	vperm.xlane v10, v54;
	v25 =	vld.idx.msk [tilespmem:v57+s7+$0x0], $0xffff  }
0x18f: {  	v60 =	vperm.xlane v11, v54;
	v19 =	vld.idx.msk [tilespmem:v19+s7+$0x0], $0xffff;
	[tilespmem:s12+$0xBC00] =	vst v58  }
0x190: {  	v21 =	vperm.xlane v12, v54;
	[tilespmem:s12+$0xC400] =	vst v59  }
0x191: {  	v61 =	vperm.xlane v13, v56;
	[tilespmem:s12+$0xCC00] =	vst v60  }
0x192: {  	v62 =	vperm.xlane v14, v56;
	[tilespmem:s12+$0xD400] =	vst v21  }
0x193: {  	v63 =	vperm.xlane v15, v56;
	[tilespmem:s12+$0xDC00] =	vst v61  }
0x194: {  	v27 =	vperm.xlane v17, v26;
	[tilespmem:s12+$0xE400] =	vst v62  }
0x195: {  	[tilespmem:s12+$0xEC00] =	vst v63  }
0x196: {  	[tilespmem:s12+$0x12C00] =	vst v27  }
0x197: {  	[tilespmem:s12+$0xF400] =	vst v20  }
0x198: {  	[tilespmem:s12+$0xFC00] =	vst v22  }
0x199: {  	[tilespmem:s12+$0x10400] =	vst v18  }
0x19a: {  	[tilespmem:s12+$0x10C00] =	vst v24  }
0x19b: {  	v18 =	vperm.xlane v16, v26;
	[tilespmem:s12+$0x11400] =	vst v25  }
0x19c: {  	[tilespmem:s12+$0x11C00] =	vst v19  }
0x19d: {  	s13 =	sor.u32 $0x280, s13;
	[tilespmem:s12+$0x12400] =	vst v18  }
0x19e: {  	v18 =	vld [tilespmem:s13+$0x3200];
	_ =	sdelay $0x4  }
0x19f: {  	v18 =	vmul.u32 $0x6, v18;
	_ =	sdelay $0x1  }
0x1a0: {  	v19 =	vadd.s32 $0x45, v18  }
0x1a1: {  	v28 =	vadd.s32 $0x46, v18  }
0x1a2: {  	v29 =	vadd.s32 $0x47, v18  }
0x1a3: {  	v22 =	vld [tilespmem:s13+$0x2200];
	v30 =	vadd.s32 $0x48, v18  }
0x1a4: {  	v24 =	vld [tilespmem:s13+$0x2A00];
	v31 =	vadd.s32 $0x49, v18  }
0x1a5: {  	v18 =	vadd.s32 $0x4A, v18;
	v19 =	vld.idx.msk [tilespmem:v19+s7+$0x0], $0xffff  }
0x1a6: {  	v20 =	vld.idx.msk [tilespmem:v28+s7+$0x0], $0xffff  }
0x1a7: {  	v21 =	vld.idx.msk [tilespmem:v29+s7+$0x0], $0xffff  }
0x1a8: {  	v32 =	vperm.xlane v9, v22;
	v23 =	vld.idx.msk [tilespmem:v30+s7+$0x0], $0xffff  }
0x1a9: {  	v33 =	vperm.xlane v10, v22;
	v25 =	vld.idx.msk [tilespmem:v31+s7+$0x0], $0xffff  }
0x1aa: {  	v34 =	vperm.xlane v11, v22;
	v18 =	vld.idx.msk [tilespmem:v18+s7+$0x0], $0xffff;
	[tilespmem:s13+$0xBA00] =	vst v32  }
0x1ab: {  	v22 =	vperm.xlane v12, v22;
	v28 =	vld [tilespmem:s13+$0x3A00];
	[tilespmem:s12+$0xC480] =	vst v33  }
0x1ac: {  	v35 =	vperm.xlane v13, v24;
	[tilespmem:s12+$0xCC80] =	vst v34  }
0x1ad: {  	v36 =	vperm.xlane v14, v24;
	[tilespmem:s12+$0xD480] =	vst v22;
	v37 =	vld [tilespmem:s12+$0x3500]  }
0x1ae: {  	v24 =	vperm.xlane v15, v24;
	[tilespmem:s12+$0xDC80] =	vst v35  }
0x1af: {  	[tilespmem:s12+$0xE480] =	vst v36  }
0x1b0: {  	[tilespmem:s12+$0xEC80] =	vst v24  }
0x1b1: {  	[tilespmem:s12+$0xF480] =	vst v19  }
0x1b2: {  	[tilespmem:s12+$0xFC80] =	vst v20;
	v19 =	vmul.u32 $0x6, v37  }
0x1b3: {  	[tilespmem:s12+$0x10480] =	vst v21  }
0x1b4: {  	[tilespmem:s12+$0x10C80] =	vst v23;
	v38 =	vadd.s32 $0x45, v19  }
0x1b5: {  	v39 =	vperm.xlane v16, v28;
	[tilespmem:s12+$0x11480] =	vst v25;
	v22 =	vadd.s32 $0x46, v19  }
0x1b6: {  	v41 =	vld [tilespmem:s12+$0x2500];
	v40 =	vperm.xlane v17, v28;
	[tilespmem:s12+$0x11C80] =	vst v18;
	v18 =	vadd.s32 $0x47, v19  }
0x1b7: {  	v43 =	vld [tilespmem:s12+$0x2D00];
	[tilespmem:s12+$0x12480] =	vst v39;
	v42 =	vadd.s32 $0x48, v19  }
0x1b8: {  	v51 =	vld [tilespmem:s12+$0x3D00];
	[tilespmem:s12+$0x12C80] =	vst v40;
	v44 =	vadd.s32 $0x49, v19  }
0x1b9: {  	v19 =	vadd.s32 $0x4A, v19;
	v20 =	vld.idx.msk [tilespmem:v38+s7+$0x0], $0xffff  }
0x1ba: {  	v22 =	vld.idx.msk [tilespmem:v22+s7+$0x0], $0xffff  }
0x1bb: {  	v18 =	vld.idx.msk [tilespmem:v18+s7+$0x0], $0xffff  }
0x1bc: {  	v45 =	vperm.xlane v9, v41;
	v24 =	vld.idx.msk [tilespmem:v42+s7+$0x0], $0xffff  }
0x1bd: {  	v46 =	vperm.xlane v10, v41;
	v25 =	vld.idx.msk [tilespmem:v44+s7+$0x0], $0xffff  }
0x1be: {  	v47 =	vperm.xlane v11, v41;
	v19 =	vld.idx.msk [tilespmem:v19+s7+$0x0], $0xffff;
	[tilespmem:s12+$0xBD00] =	vst v45  }
0x1bf: {  	v21 =	vperm.xlane v12, v41;
	[tilespmem:s12+$0xC500] =	vst v46  }
0x1c0: {  	v48 =	vperm.xlane v13, v43;
	[tilespmem:s12+$0xCD00] =	vst v47  }
0x1c1: {  	v49 =	vperm.xlane v14, v43;
	[tilespmem:s12+$0xD500] =	vst v21  }
0x1c2: {  	v50 =	vperm.xlane v15, v43;
	[tilespmem:s12+$0xDD00] =	vst v48  }
0x1c3: {  	v52 =	vperm.xlane v17, v51;
	[tilespmem:s12+$0xE500] =	vst v49  }
0x1c4: {  	[tilespmem:s12+$0xED00] =	vst v50  }
0x1c5: {  	[tilespmem:s12+$0x12D00] =	vst v52  }
0x1c6: {  	[tilespmem:s12+$0xF500] =	vst v20  }
0x1c7: {  	[tilespmem:s12+$0xFD00] =	vst v22  }
0x1c8: {  	[tilespmem:s12+$0x10500] =	vst v18  }
0x1c9: {  	[tilespmem:s12+$0x10D00] =	vst v24  }
0x1ca: {  	v18 =	vperm.xlane v16, v51;
	[tilespmem:s12+$0x11500] =	vst v25  }
0x1cb: {  	s16 =	sor.u32 s10, s11;
	[tilespmem:s12+$0x11D00] =	vst v19  }
0x1cc: {  	s13 =	sor.u32 $0x380, s16;
	[tilespmem:s12+$0x12500] =	vst v18  }
0x1cd: {  	v18 =	vld [tilespmem:s13+$0x3200];
	_ =	sdelay $0x4  }
0x1ce: {  	v18 =	vmul.u32 $0x6, v18;
	_ =	sdelay $0x1  }
0x1cf: {  	v19 =	vadd.s32 $0x45, v18  }
0x1d0: {  	v53 =	vadd.s32 $0x46, v18  }
0x1d1: {  	v22 =	vld [tilespmem:s13+$0x2200];
	v54 =	vadd.s32 $0x47, v18  }
0x1d2: {  	v24 =	vld [tilespmem:s13+$0x2A00];
	v55 =	vadd.s32 $0x48, v18  }
0x1d3: {  	v28 =	vld [tilespmem:s13+$0x3A00];
	v56 =	vadd.s32 $0x49, v18  }
0x1d4: {  	v18 =	vadd.s32 $0x4A, v18;
	v19 =	vld.idx.msk [tilespmem:v19+s7+$0x0], $0xffff  }
0x1d5: {  	v20 =	vld.idx.msk [tilespmem:v53+s7+$0x0], $0xffff  }
0x1d6: {  	v21 =	vld.idx.msk [tilespmem:v54+s7+$0x0], $0xffff  }
0x1d7: {  	v57 =	vperm.xlane v9, v22;
	v23 =	vld.idx.msk [tilespmem:v55+s7+$0x0], $0xffff  }
0x1d8: {  	v58 =	vperm.xlane v10, v22;
	v25 =	vld.idx.msk [tilespmem:v56+s7+$0x0], $0xffff  }
0x1d9: {  	v59 =	vperm.xlane v11, v22;
	v18 =	vld.idx.msk [tilespmem:v18+s7+$0x0], $0xffff;
	[tilespmem:s13+$0xBA00] =	vst v57  }
0x1da: {  	v22 =	vperm.xlane v12, v22;
	[tilespmem:s12+$0xC580] =	vst v58  }
0x1db: {  	v60 =	vperm.xlane v13, v24;
	[tilespmem:s12+$0xCD80] =	vst v59  }
0x1dc: {  	v61 =	vperm.xlane v14, v24;
	[tilespmem:s12+$0xD580] =	vst v22  }
0x1dd: {  	v62 =	vperm.xlane v15, v24;
	[tilespmem:s12+$0xDD80] =	vst v60  }
0x1de: {  	v63 =	vperm.xlane v17, v28;
	[tilespmem:s12+$0xE580] =	vst v61  }
0x1df: {  	[tilespmem:s12+$0xED80] =	vst v62  }
0x1e0: {  	[tilespmem:s12+$0x12D80] =	vst v63  }
0x1e1: {  	[tilespmem:s12+$0xF580] =	vst v19  }
0x1e2: {  	p0 =	slt.u32 s11, $0xF0;
	[tilespmem:s12+$0xFD80] =	vst v20  }
.Ltmp1:
0x1e3: {  	[tilespmem:s12+$0x10580] =	vst v21;
	(pc) =	sbr.rel @p0 .LBB2_5-.Ltmp1, $4  }
0x1e4: {  	[tilespmem:s12+$0x10D80] =	vst v23  }
0x1e5: {  	v19 =	vperm.xlane v16, v28;
	[tilespmem:s12+$0x11580] =	vst v25  }
0x1e6: {  	s21 =	sadd.s32 $0x10, s11;
	[tilespmem:s12+$0x11D80] =	vst v18  }
0x1e7: {  	s10 =	sadd.s32 $0x80, s10;
	s11 =	smov.u32 s21;
	[tilespmem:s12+$0x12580] =	vst v19  }
0x1e8: {  	p0 =	sne.s32 s9, $0x19  }
.Ltmp2:
0x1e9: {  	_ = 	snop;
	(pc) =	sbr.rel @p0 .LBB2_2-.Ltmp2, $3  }
0x1ea: {  	_ =	sdelay $0x1  }
0x1eb: {  	s10 =	sadd.s32 s5, s20;
	s21 =	smov.u32 s9  }
0x1ec: {  	[hbm4b:s10+s28] =	stream.strided.scatter [tilespmem:s0], [sflag:$0x4], $0x7800, s29, s28, $0x38;
	[tilespmem:$0x13200] =	vst v63  }
0x1ed: {  	_ =	swait.ge [sflag:s6], $0x7800  }
0x1ee: {  	[sflag:s6] =	ssyncset.done $0x0  }
0x1ef: {  	[sflag:s6] =	ssyncadd.s32 $0xFFFF8800  }
0x1f0: {  	_ =	swait.ge [sflag:s18], $0x7800  }
0x1f1: {  	s19 =	sadd.s32 $0x1, s19;
	s9 =	rddreg [dreg:$0xc]  }
0x1f2: {  	p0 =	sne.s32 s19, s9  }
.Ltmp3:
0x1f3: {  	_ = 	snop;
	(pc) =	sbr.rel @p0 .LBB2_1-.Ltmp3, $3  }
0x1f4: {  	_ =	sdelay $0x1  }
0x1f5: {  	[sflag:s18] =	ssyncset.done $0x0  }
0x1f6: {  	[sflag:s18] =	ssyncadd.s32 $0xFFFF8800  }
0x1f7: {  	_ =	sfence.sel $0x180000  }
0x1f8: {  	[bflag:$0x0] =	sbarrier.arrive $0xFFFF  }
0x1f9: {  	_ =	strace $0x90000047  }
0x1fa: {  	s0 =	stileid.u32;
	[bflag:$0x2] =	sbarrier.arrive $0xFFFF  }
0x1fb: {  	p0 =	sne.s32 s0, $0x0;
	s0 =	rddreg [dreg:$0x6]  }
0x1fc: {  	s0 =	sadd.s32 @!p0 $0x100000, s0  }
0x1fd: {  	[sflag:s0] =	ssyncadd.tile.s32 @!p0 $0x1;
	_ =	shalt  }
.Lfunc_end2:
_tile_overlayer_lowered:
.L_overlay_start_2:
0x1fe: {  	(tag) =	ssettag $0x2  }
0x1ff: {  	s0 =	rddreg [dreg:$0x0];
	s2 =	stileid.u32  }
0x200: {  	s1 =	rddreg [dreg:$0x1];
	p0 =	sne.s32 s2, $0x0  }
0x201: {  	s3 =	rddreg [dreg:$0x2];
	[bflag:$0x3] =	sbarrier.arrive $0xFFFF;
	s2 =	simm.s32 @!p0 $0x1C05  }
0x202: {  	[timem:s3], [sflag:s2] =	dma.local @!p0 [hbm:s0], s1  }
0x203: {  	s0 =	simm.s32 @!p0 $0x5  }
0x204: {  	_ =	swait.ge @!p0 [sflag:s0], s1  }
0x205: {  	s1 =	ssub.s32 @!p0 $0x0, s1;
	[sflag:s0] =	ssyncset.done @!p0 $0x0  }
0x206: {  	[sflag:s0] =	ssyncadd.s32 @!p0 s1  }
0x207: {  	[bflag:$0x3] =	sbarrier.arrive $0xFFFF  }
0x208: {  	_ =	shalt  }

</sc_bundles>
